<compile_context>
chip_gen: v7x
topology: tpu7x:2x2x1
jax: 0.10.2.dev20260603
libtpu: 0.0.44.dev20260713+nightly
codegen_flags: <defaults>
</compile_context>

<pallas_src>
import functools

import jax
import jax.numpy as jnp
from jax import lax
from jax.experimental import pallas as pl
from jax.experimental.pallas import tpu as pltpu
from jax.experimental.pallas import tpu_sc as plsc

N = 10000
E = 320000
D = 128
B = 16
OUT = 3

NC = 2
NS = 16
NW = NC * NS
CH = 128
GRP = 8
CPW = -(-E // (NW * CH * GRP)) * GRP
EPAD = NW * CH * CPW
NACC = -(-(N + 1) // (8 * NS)) * 8 * NS
RPS = NACC // NS


def _mesh():
    return plsc.VectorSubcoreMesh(core_axis_name="c", subcore_axis_name="s",
                                  num_cores=NC, num_subcores=NS)


def _zero_shared(buf_v, shared, base, width):
    def zrow(r, _):
        z = jnp.zeros((16,), jnp.float32)
        for l in range(width // 16):
            buf_v[r, pl.ds(l * 16, 16)] = z
        return 0
    lax.fori_loop(0, CH, zrow, 0)
    nfull = RPS // CH
    def zcopy(r, _):
        pltpu.sync_copy(buf_v, shared.at[pl.ds(base + r * CH, CH)])
        return 0
    lax.fori_loop(0, nfull, zcopy, 0)
    rem = RPS - nfull * CH
    if rem:
        pltpu.sync_copy(buf_v.at[pl.ds(0, rem)],
                        shared.at[pl.ds(base + nfull * CH, rem)])


def _sc_aggregate(x, srcg, dstg):
    scratch = [
        pltpu.VMEM_SHARED((NACC, D), jnp.float32),
        pltpu.VMEM((GRP, CH), jnp.int32),
        pltpu.VMEM((GRP, CH), jnp.int32),
        pltpu.VMEM((2, CH, D), jnp.float32),
        pltpu.SemaphoreType.DMA,
        pltpu.SemaphoreType.DMA,
        pltpu.SemaphoreType.DMA,
        pltpu.SemaphoreType.DMA,
    ]

    def body(x_hbm, srcg_hbm, dstg_hbm, out_hbm, acc, src_v, dst_v, rows_v,
             gs0, gs1, ss0, ss1):
        c = lax.axis_index("c")
        s = lax.axis_index("s")
        wid = s * NC + c
        base = s * RPS
        _zero_shared(rows_v.at[0], acc, base, D)
        plsc.subcore_barrier()
        gsem = [gs0, gs1]
        ssem = [ss0, ss1]

        def group(g, _):
            pltpu.sync_copy(srcg_hbm.at[wid].at[pl.ds(g * GRP, GRP)], src_v)
            pltpu.sync_copy(dstg_hbm.at[wid].at[pl.ds(g * GRP, GRP)], dst_v)
            dg = [None] * GRP
            dsc = [None] * GRP
            for j in range(GRP):
                b = j % 2
                if j >= 2:
                    dsc[j - 2].wait()
                dg[j] = pltpu.async_copy(x_hbm.at[src_v.at[j]],
                                         rows_v.at[b], gsem[b])
                if j >= 1:
                    dg[j - 1].wait()
                    dsc[j - 1] = pltpu.async_copy(
                        rows_v.at[1 - b], acc.at[dst_v.at[j - 1]],
                        ssem[1 - b], add=True)
            bl_ = (GRP - 1) % 2
            dg[GRP - 1].wait()
            dsc[GRP - 1] = pltpu.async_copy(
                rows_v.at[bl_], acc.at[dst_v.at[GRP - 1]], ssem[bl_],
                add=True)
            dsc[GRP - 2].wait()
            dsc[GRP - 1].wait()
            return 0
        lax.fori_loop(0, CPW // GRP, group, 0)

        plsc.subcore_barrier()
        pltpu.sync_copy(acc.at[pl.ds(base, RPS)],
                        out_hbm.at[c].at[pl.ds(base, RPS)])

    k = pl.kernel(body, out_type=jax.ShapeDtypeStruct((NC, NACC, D),
                                                      jnp.float32),
                  mesh=_mesh(), scratch_types=scratch)
    return k(x, srcg, dstg)


def _sc_counts(dstg):
    scratch = [
        pltpu.VMEM_SHARED((NACC, D), jnp.float32),
        pltpu.VMEM((GRP, CH), jnp.int32),
        pltpu.VMEM((CH, D), jnp.float32),
    ]

    def body(dstg_hbm, cnt_hbm, cacc, dst_v, ones_v):
        c = lax.axis_index("c")
        s = lax.axis_index("s")
        wid = s * NC + c
        base = s * RPS
        _zero_shared(ones_v, cacc, base, D)
        def orow(r, _):
            one = jnp.ones((16,), jnp.float32)
            ones_v[r, pl.ds(0, 16)] = one
            return 0
        lax.fori_loop(0, CH, orow, 0)
        plsc.subcore_barrier()

        def group(g, _):
            pltpu.sync_copy(dstg_hbm.at[wid].at[pl.ds(g * GRP, GRP)], dst_v)
            for j in range(GRP):
                pltpu.sync_copy(ones_v, cacc.at[dst_v.at[j]], add=True)
            return 0
        lax.fori_loop(0, CPW // GRP, group, 0)

        plsc.subcore_barrier()
        pltpu.sync_copy(cacc.at[pl.ds(base, RPS)],
                        cnt_hbm.at[c].at[pl.ds(base, RPS)])

    k = pl.kernel(body, out_type=jax.ShapeDtypeStruct((NC, NACC, D),
                                                      jnp.float32),
                  mesh=_mesh(), scratch_types=scratch)
    return k(dstg)[:, :, :16]


ROWS = 400
GRID = N // ROWS


def _mean_plus_root(sums, cnts, h, wlt, bl, wrt):
    ssum = sums[0] + sums[1]
    cnt = cnts[0] + cnts[1]
    inv = 1.0 / jnp.maximum(cnt[:, 0:1], 1.0)
    mean = ssum * inv
    acc = jnp.dot(mean, wlt[...], preferred_element_type=jnp.float32,
                  precision=lax.Precision.HIGHEST)
    acc += jnp.dot(h[...], wrt[...], preferred_element_type=jnp.float32,
                   precision=lax.Precision.HIGHEST)
    return acc + bl[...]


def _dense_body(sums, cnts, h, wlt, bl, wrt, o):
    o[...] = jnp.tanh(_mean_plus_root(sums[...], cnts[...], h, wlt, bl, wrt))


def _sum_spec():
    return pl.BlockSpec((NC, ROWS, D), lambda i: (0, i, 0))


def _cnt_spec():
    return pl.BlockSpec((NC, ROWS, 16), lambda i: (0, i, 0))


def _tc_dense(sums, cnts, h, wlt, bl, wrt):
    blk = lambda shape: pl.BlockSpec(shape, lambda i: (i, 0))
    full = lambda shape: pl.BlockSpec(shape, lambda i: (0, 0))
    return pl.pallas_call(
        _dense_body,
        grid=(GRID,),
        in_specs=[_sum_spec(), _cnt_spec(), blk((ROWS, D)), full((D, D)),
                  full((1, D)), full((D, D))],
        out_specs=blk((ROWS, D)),
        out_shape=jax.ShapeDtypeStruct((N, D), jnp.float32),
    )(sums, cnts, h, wlt, bl, wrt)


def _final_body(sums, cnts, h, wlt, bl, wrt, batch, w1t, b1, w2t, b2,
                o, gmax):
    i = pl.program_id(0)

    @pl.when(i == 0)
    def _():
        gmax[...] = jnp.full((B, D), -jnp.inf, jnp.float32)

    h4 = jnp.tanh(_mean_plus_root(sums[...], cnts[...], h, wlt, bl, wrt))
    bb = batch[0]
    cur = gmax[...]
    parts = []
    for b in range(B):
        m = jnp.where(bb == b, h4, -jnp.inf)
        parts.append(jnp.max(m, axis=0, keepdims=True))
    gmax[...] = jnp.maximum(cur, jnp.concatenate(parts, axis=0))

    @pl.when(i == GRID - 1)
    def _():
        g = gmax[...]
        g = jnp.where(g > -3.0e38, g, 0.0)
        for _ in range(3):
            g = jnp.tanh(jnp.dot(g, w1t[...], preferred_element_type=jnp.float32,
                                 precision=lax.Precision.HIGHEST) + b1[...])
        o[...] = jnp.dot(g, w2t[...], preferred_element_type=jnp.float32,
                         precision=lax.Precision.HIGHEST) + b2[...]


def _tc_final(sums, cnts, h, wlt, bl, wrt, batchg, w1t, b1, w2t, b2):
    blk = lambda shape: pl.BlockSpec(shape, lambda i: (i, 0))
    full = lambda shape: pl.BlockSpec(shape, lambda i: (0, 0))
    return pl.pallas_call(
        _final_body,
        grid=(GRID,),
        in_specs=[_sum_spec(), _cnt_spec(), blk((ROWS, D)), full((D, D)),
                  full((1, D)), full((D, D)),
                  pl.BlockSpec((1, ROWS, 1), lambda i: (i, 0, 0)),
                  full((D, D)), full((1, D)), full((D, OUT)),
                  full((1, OUT))],
        out_specs=full((B, OUT)),
        out_shape=jax.ShapeDtypeStruct((B, OUT), jnp.float32),
        scratch_shapes=[pltpu.VMEM((B, D), jnp.float32)],
    )(sums, cnts, h, wlt, bl, wrt, batchg, w1t, b1, w2t, b2)


def kernel(x, edge_index, batch, Wl1, bl1, Wr1, Wl2, bl2, Wr2, W1, b1, W2, b2):
    src = edge_index[0]
    dst = edge_index[1]
    pad = EPAD - E
    srcp = jnp.concatenate([src, jnp.zeros((pad,), jnp.int32)])
    trash = N + jnp.arange(pad, dtype=jnp.int32) % (NACC - N)
    dstp = jnp.concatenate([dst, trash])
    srcg = srcp.reshape(NW, CPW, CH)
    dstg = dstp.reshape(NW, CPW, CH)
    batchg = batch.reshape(GRID, ROWS, 1)

    wl1t, wr1t = Wl1.T, Wr1.T
    wl2t, wr2t = Wl2.T, Wr2.T
    w1t, w2t = W1.T, W2.T
    bl1r, bl2r = bl1.reshape(1, D), bl2.reshape(1, D)
    b1r, b2r = b1.reshape(1, D), b2.reshape(1, OUT)

    cnts = _sc_counts(dstg)
    sums = _sc_aggregate(x, srcg, dstg)
    h = _tc_dense(sums, cnts, x, wl1t, bl1r, wr1t)
    for _ in range(2):
        s2 = _sc_aggregate(h, srcg, dstg)
        h = _tc_dense(s2, cnts, h, wl2t, bl2r, wr2t)
    s4 = _sc_aggregate(h, srcg, dstg)
    return _tc_final(s4, cnts, h, wl2t, bl2r, wr2t,
                     batchg, w1t, b1r, w2t, b2r)

# --- scband reference (transcript-rebuilt; emitter-appended) ---
"""Pipeline reference for scband-graph-cnn-40501541601768 (READ-ONLY COPY).

The authoritative reference and input builder live on the scoring server;
editing this copy changes nothing except your own understanding.
"""

import jax, jax.numpy as jnp
import numpy as np

N = 10000
E = 320000
D = 128
H = 128
B = 16
OUT = 3

def _lin_init(k, fan_in, fan_out):
    s = 1.0 / np.sqrt(fan_in)
    kw, kb = jax.random.split(k)
    W = jax.random.uniform(kw, (fan_out, fan_in), minval=-s, maxval=s, dtype=jnp.float32)
    b = jax.random.uniform(kb, (fan_out,), minval=-s, maxval=s, dtype=jnp.float32)
    return W, b

def setup_inputs(seed: int = 0):
    key = jax.random.key(seed)
    ks = jax.random.split(key, 10)
    x = jax.random.normal(ks[0], (N, D), dtype=jnp.float32)
    edge_index = jax.random.randint(ks[1], (2, E), 0, N, dtype=jnp.int32)
    batch = jnp.sort(jax.random.randint(ks[2], (N,), 0, B, dtype=jnp.int32))
    # SAGEConv 1: in D -> H.  lin_l (on aggregated msgs, with bias), lin_r (on root, no bias)
    Wl1, bl1 = _lin_init(ks[3], D, H)
    Wr1, _ = _lin_init(ks[4], D, H)
    # SAGEConv 2 (shared across 3 applications): H -> H
    Wl2, bl2 = _lin_init(ks[5], H, H)
    Wr2, _ = _lin_init(ks[6], H, H)
    # lin1 (shared across 3 applications): H -> H
    W1, b1 = _lin_init(ks[7], H, H)
    # lin2: H -> 3
    W2, b2 = _lin_init(ks[8], H, OUT)
    return {"x": x, "edge_index": edge_index, "batch": batch,
            "Wl1": Wl1, "bl1": bl1, "Wr1": Wr1,
            "Wl2": Wl2, "bl2": bl2, "Wr2": Wr2,
            "W1": W1, "b1": b1, "W2": W2, "b2": b2}

def _sage_conv(x, edge_index, Wl, bl, Wr):
    src = edge_index[0]
    dst = edge_index[1]
    msg = jnp.take(x, src, axis=0)                      # gather  [E, d]
    s = jax.ops.segment_sum(msg, dst, num_segments=N)   # scatter-add
    cnt = jax.ops.segment_sum(jnp.ones((msg.shape[0],), dtype=x.dtype), dst, num_segments=N)
    mean = s / jnp.clip(cnt, 1.0)[:, None]              # mean aggregation
    return mean @ Wl.T + bl + x @ Wr.T

def reference(x, edge_index, batch, Wl1, bl1, Wr1, Wl2, bl2, Wr2, W1, b1, W2, b2):
    h = _sage_conv(x, edge_index, Wl1, bl1, Wr1)
    h = jnp.tanh(h)
    h = jnp.tanh(_sage_conv(h, edge_index, Wl2, bl2, Wr2))
    h = jnp.tanh(_sage_conv(h, edge_index, Wl2, bl2, Wr2))
    h = jnp.tanh(_sage_conv(h, edge_index, Wl2, bl2, Wr2))
    # global_max_pool over batch index
    g = jax.ops.segment_max(h, batch, num_segments=B)
    g = jnp.where(jnp.isfinite(g), g, 0.0)
    g = jnp.tanh(g @ W1.T + b1)
    g = jnp.tanh(g @ W1.T + b1)
    g = jnp.tanh(g @ W1.T + b1)
    out = g @ W2.T + b2
    return out

if __name__ == "__main__":
    import jax
    _d = setup_inputs()
    print(jax.jit(kernel)(*tuple(_d.values())))

</pallas_src>

<mosaic_0001>
#map = affine_map<(d0, d1) -> (0, 0)>
#map1 = affine_map<(d0, d1) -> (0, 0, 0)>
module attributes {stable_mosaic.version = 14 : i64} {
  func.func @body(%arg0: i32, %arg1: i32, %arg2: memref<10000x128xf32, #tpu.memory_space<hbm>>, %arg3: memref<32x80x128xi32, #tpu.memory_space<hbm>>, %arg4: memref<32x80x128xi32, #tpu.memory_space<hbm>>, %arg5: memref<2x10112x128xf32, #tpu.memory_space<hbm>>, %arg6: memref<10112x128xf32, #tpu.memory_space<vmem_shared>>, %arg7: memref<8x128xi32, #tpu.memory_space<vmem>>, %arg8: memref<8x128xi32, #tpu.memory_space<vmem>>, %arg9: memref<2x128x128xf32, #tpu.memory_space<vmem>>, %arg10: memref<!tpu.dma_semaphore, #tpu.memory_space<semaphore_mem>>, %arg11: memref<!tpu.dma_semaphore, #tpu.memory_space<semaphore_mem>>, %arg12: memref<!tpu.dma_semaphore, #tpu.memory_space<semaphore_mem>>, %arg13: memref<!tpu.dma_semaphore, #tpu.memory_space<semaphore_mem>>) attributes {dimension_semantics = [#tpu.dimension_semantics<core_parallel>, #tpu.dimension_semantics<subcore_parallel>], iteration_bounds = array<i64: 2, 16>, scalar_prefetch = 0 : i64, scratch_operands = 8 : i64, tpu.core_type = #tpu.core_type<sc_vector_subcore>, window_params = [{transform_indices = #map}, {transform_indices = #map1}, {transform_indices = #map1}, {transform_indices = #map1}]} {
    %mul3A = arith.constant 2 : i32
    %mul3A_0 = arith.muli %arg1, %mul3A : i32
    %add3A = arith.addi %mul3A_0, %arg0 : i32
    %mul3A_1 = arith.constant 632 : i32
    %mul3A_2 = arith.muli %arg1, %mul3A_1 : i32
    %scan3A = arith.constant 0 : i32
    %scan3A_3 = arith.constant 0 : i32
    %scan3A_4 = arith.constant 0 : i32
    %scan3A_5 = arith.constant 128 : i32
    %scan3A_6 = arith.addi %scan3A_4, %scan3A_5 : i32
    %scan3A_7 = arith.constant 1 : i32
    %scan3A_8 = scf.for %scan3A_28 = %scan3A_4 to %scan3A_6 step %scan3A_7 iter_args(%scan3A_29 = %scan3A_3) -> (i32)  : i32 {
      %broadcast_in_dim3A = arith.constant 0.000000e+00 : f32
      %broadcast_in_dim3A_30 = vector.broadcast %broadcast_in_dim3A : f32 to vector<16xf32>
      %swap3A = arith.constant 0 : i32
      %swap3A_31 = arith.constant 0 : i32
      %swap3A_32 = tpu.memref_slice %arg9[%scan3A, %swap3A, %swap3A_31] : memref<2x128x128xf32, #tpu.memory_space<vmem>> -> memref<1x128x128xf32, #tpu.memory_space<vmem>>
      %swap3A_33 = tpu.memref_squeeze %swap3A_32 : memref<1x128x128xf32, #tpu.memory_space<vmem>> -> memref<128x128xf32, #tpu.memory_space<vmem>>
      %swap3A_34 = arith.index_cast %scan3A_28 : i32 to index
      %swap3A_35 = arith.constant 0 : index
      %swap3A_36 = tpu.vector_load %swap3A_33[%swap3A_34, %swap3A_35] {strides = array<i32>} : memref<128x128xf32, #tpu.memory_space<vmem>>, vector<1x16xf32>,
      %swap3A_37 = vector.shape_cast %swap3A_36 : vector<1x16xf32> to vector<16xf32>
      %swap3A_38 = vector.shape_cast %broadcast_in_dim3A_30 : vector<16xf32> to vector<1x16xf32>
      tpu.vector_store %swap3A_33[%swap3A_34, %swap3A_35], %swap3A_38 {strides = array<i32>} : memref<128x128xf32, #tpu.memory_space<vmem>>, vector<1x16xf32>,
      %swap3A_39 = arith.constant 0 : i32
      %swap3A_40 = arith.constant 0 : i32
      %swap3A_41 = tpu.memref_slice %arg9[%scan3A, %swap3A_39, %swap3A_40] : memref<2x128x128xf32, #tpu.memory_space<vmem>> -> memref<1x128x128xf32, #tpu.memory_space<vmem>>
      %swap3A_42 = tpu.memref_squeeze %swap3A_41 : memref<1x128x128xf32, #tpu.memory_space<vmem>> -> memref<128x128xf32, #tpu.memory_space<vmem>>
      %swap3A_43 = arith.index_cast %scan3A_28 : i32 to index
      %swap3A_44 = arith.constant 16 : index
      %swap3A_45 = tpu.vector_load %swap3A_42[%swap3A_43, %swap3A_44] {strides = array<i32>} : memref<128x128xf32, #tpu.memory_space<vmem>>, vector<1x16xf32>,
      %swap3A_46 = vector.shape_cast %swap3A_45 : vector<1x16xf32> to vector<16xf32>
      %swap3A_47 = vector.shape_cast %broadcast_in_dim3A_30 : vector<16xf32> to vector<1x16xf32>
      tpu.vector_store %swap3A_42[%swap3A_43, %swap3A_44], %swap3A_47 {strides = array<i32>} : memref<128x128xf32, #tpu.memory_space<vmem>>, vector<1x16xf32>,
      %swap3A_48 = arith.constant 0 : i32
      %swap3A_49 = arith.constant 0 : i32
      %swap3A_50 = tpu.memref_slice %arg9[%scan3A, %swap3A_48, %swap3A_49] : memref<2x128x128xf32, #tpu.memory_space<vmem>> -> memref<1x128x128xf32, #tpu.memory_space<vmem>>
      %swap3A_51 = tpu.memref_squeeze %swap3A_50 : memref<1x128x128xf32, #tpu.memory_space<vmem>> -> memref<128x128xf32, #tpu.memory_space<vmem>>
      %swap3A_52 = arith.index_cast %scan3A_28 : i32 to index
      %swap3A_53 = arith.constant 32 : index
      %swap3A_54 = tpu.vector_load %swap3A_51[%swap3A_52, %swap3A_53] {strides = array<i32>} : memref<128x128xf32, #tpu.memory_space<vmem>>, vector<1x16xf32>,
      %swap3A_55 = vector.shape_cast %swap3A_54 : vector<1x16xf32> to vector<16xf32>
      %swap3A_56 = vector.shape_cast %broadcast_in_dim3A_30 : vector<16xf32> to vector<1x16xf32>
      tpu.vector_store %swap3A_51[%swap3A_52, %swap3A_53], %swap3A_56 {strides = array<i32>} : memref<128x128xf32, #tpu.memory_space<vmem>>, vector<1x16xf32>,
      %swap3A_57 = arith.constant 0 : i32
      %swap3A_58 = arith.constant 0 : i32
      %swap3A_59 = tpu.memref_slice %arg9[%scan3A, %swap3A_57, %swap3A_58] : memref<2x128x128xf32, #tpu.memory_space<vmem>> -> memref<1x128x128xf32, #tpu.memory_space<vmem>>
      %swap3A_60 = tpu.memref_squeeze %swap3A_59 : memref<1x128x128xf32, #tpu.memory_space<vmem>> -> memref<128x128xf32, #tpu.memory_space<vmem>>
      %swap3A_61 = arith.index_cast %scan3A_28 : i32 to index
      %swap3A_62 = arith.constant 48 : index
      %swap3A_63 = tpu.vector_load %swap3A_60[%swap3A_61, %swap3A_62] {strides = array<i32>} : memref<128x128xf32, #tpu.memory_space<vmem>>, vector<1x16xf32>,
      %swap3A_64 = vector.shape_cast %swap3A_63 : vector<1x16xf32> to vector<16xf32>
      %swap3A_65 = vector.shape_cast %broadcast_in_dim3A_30 : vector<16xf32> to vector<1x16xf32>
      tpu.vector_store %swap3A_60[%swap3A_61, %swap3A_62], %swap3A_65 {strides = array<i32>} : memref<128x128xf32, #tpu.memory_space<vmem>>, vector<1x16xf32>,
      %swap3A_66 = arith.constant 0 : i32
      %swap3A_67 = arith.constant 0 : i32
      %swap3A_68 = tpu.memref_slice %arg9[%scan3A, %swap3A_66, %swap3A_67] : memref<2x128x128xf32, #tpu.memory_space<vmem>> -> memref<1x128x128xf32, #tpu.memory_space<vmem>>
      %swap3A_69 = tpu.memref_squeeze %swap3A_68 : memref<1x128x128xf32, #tpu.memory_space<vmem>> -> memref<128x128xf32, #tpu.memory_space<vmem>>
      %swap3A_70 = arith.index_cast %scan3A_28 : i32 to index
      %swap3A_71 = arith.constant 64 : index
      %swap3A_72 = tpu.vector_load %swap3A_69[%swap3A_70, %swap3A_71] {strides = array<i32>} : memref<128x128xf32, #tpu.memory_space<vmem>>, vector<1x16xf32>,
      %swap3A_73 = vector.shape_cast %swap3A_72 : vector<1x16xf32> to vector<16xf32>
      %swap3A_74 = vector.shape_cast %broadcast_in_dim3A_30 : vector<16xf32> to vector<1x16xf32>
      tpu.vector_store %swap3A_69[%swap3A_70, %swap3A_71], %swap3A_74 {strides = array<i32>} : memref<128x128xf32, #tpu.memory_space<vmem>>, vector<1x16xf32>,
      %swap3A_75 = arith.constant 0 : i32
      %swap3A_76 = arith.constant 0 : i32
      %swap3A_77 = tpu.memref_slice %arg9[%scan3A, %swap3A_75, %swap3A_76] : memref<2x128x128xf32, #tpu.memory_space<vmem>> -> memref<1x128x128xf32, #tpu.memory_space<vmem>>
      %swap3A_78 = tpu.memref_squeeze %swap3A_77 : memref<1x128x128xf32, #tpu.memory_space<vmem>> -> memref<128x128xf32, #tpu.memory_space<vmem>>
      %swap3A_79 = arith.index_cast %scan3A_28 : i32 to index
      %swap3A_80 = arith.constant 80 : index
      %swap3A_81 = tpu.vector_load %swap3A_78[%swap3A_79, %swap3A_80] {strides = array<i32>} : memref<128x128xf32, #tpu.memory_space<vmem>>, vector<1x16xf32>,
      %swap3A_82 = vector.shape_cast %swap3A_81 : vector<1x16xf32> to vector<16xf32>
      %swap3A_83 = vector.shape_cast %broadcast_in_dim3A_30 : vector<16xf32> to vector<1x16xf32>
      tpu.vector_store %swap3A_78[%swap3A_79, %swap3A_80], %swap3A_83 {strides = array<i32>} : memref<128x128xf32, #tpu.memory_space<vmem>>, vector<1x16xf32>,
      %swap3A_84 = arith.constant 0 : i32
      %swap3A_85 = arith.constant 0 : i32
      %swap3A_86 = tpu.memref_slice %arg9[%scan3A, %swap3A_84, %swap3A_85] : memref<2x128x128xf32, #tpu.memory_space<vmem>> -> memref<1x128x128xf32, #tpu.memory_space<vmem>>
      %swap3A_87 = tpu.memref_squeeze %swap3A_86 : memref<1x128x128xf32, #tpu.memory_space<vmem>> -> memref<128x128xf32, #tpu.memory_space<vmem>>
      %swap3A_88 = arith.index_cast %scan3A_28 : i32 to index
      %swap3A_89 = arith.constant 96 : index
      %swap3A_90 = tpu.vector_load %swap3A_87[%swap3A_88, %swap3A_89] {strides = array<i32>} : memref<128x128xf32, #tpu.memory_space<vmem>>, vector<1x16xf32>,
      %swap3A_91 = vector.shape_cast %swap3A_90 : vector<1x16xf32> to vector<16xf32>
      %swap3A_92 = vector.shape_cast %broadcast_in_dim3A_30 : vector<16xf32> to vector<1x16xf32>
      tpu.vector_store %swap3A_87[%swap3A_88, %swap3A_89], %swap3A_92 {strides = array<i32>} : memref<128x128xf32, #tpu.memory_space<vmem>>, vector<1x16xf32>,
      %swap3A_93 = arith.constant 0 : i32
      %swap3A_94 = arith.constant 0 : i32
      %swap3A_95 = tpu.memref_slice %arg9[%scan3A, %swap3A_93, %swap3A_94] : memref<2x128x128xf32, #tpu.memory_space<vmem>> -> memref<1x128x128xf32, #tpu.memory_space<vmem>>
      %swap3A_96 = tpu.memref_squeeze %swap3A_95 : memref<1x128x128xf32, #tpu.memory_space<vmem>> -> memref<128x128xf32, #tpu.memory_space<vmem>>
      %swap3A_97 = arith.index_cast %scan3A_28 : i32 to index
      %swap3A_98 = arith.constant 112 : index
      %swap3A_99 = tpu.vector_load %swap3A_96[%swap3A_97, %swap3A_98] {strides = array<i32>} : memref<128x128xf32, #tpu.memory_space<vmem>>, vector<1x16xf32>,
      %swap3A_100 = vector.shape_cast %swap3A_99 : vector<1x16xf32> to vector<16xf32>
      %swap3A_101 = vector.shape_cast %broadcast_in_dim3A_30 : vector<16xf32> to vector<1x16xf32>
      tpu.vector_store %swap3A_96[%swap3A_97, %swap3A_98], %swap3A_101 {strides = array<i32>} : memref<128x128xf32, #tpu.memory_space<vmem>>, vector<1x16xf32>,
      %scan3A_102 = arith.constant 0 : i32
      scf.yield %scan3A_102 : i32
    }
    %scan3A_9 = arith.constant 128 : i32
    %scan3A_10 = arith.constant 0 : i32
    %scan3A_11 = arith.constant 0 : i32
    %scan3A_12 = arith.constant 0 : i32
    %scan3A_13 = arith.constant 4 : i32
    %scan3A_14 = arith.addi %scan3A_12, %scan3A_13 : i32
    %scan3A_15 = arith.constant 1 : i32
    %scan3A_16 = scf.for %scan3A_28 = %scan3A_12 to %scan3A_14 step %scan3A_15 iter_args(%scan3A_29 = %scan3A_11) -> (i32)  : i32 {
      %mul3A_30 = arith.constant 128 : i32
      %mul3A_31 = arith.muli %scan3A_28, %mul3A_30 : i32
      %add3A_32 = arith.addi %mul3A_2, %mul3A_31 : i32
      "tpu.region"() ({
        %run_scoped3A_34 = tpu.sem_alloc : memref<!tpu.dma_semaphore, #tpu.memory_space<semaphore_mem>>
        %dma_start3A = arith.constant 0 : i32
        %dma_start3A_35 = arith.constant 0 : i32
        %dma_start3A_36 = tpu.memref_slice %arg9[%scan3A_10, %dma_start3A, %dma_start3A_35] : memref<2x128x128xf32, #tpu.memory_space<vmem>> -> memref<1x128x128xf32, #tpu.memory_space<vmem>>
        %dma_start3A_37 = tpu.memref_squeeze %dma_start3A_36 : memref<1x128x128xf32, #tpu.memory_space<vmem>> -> memref<128x128xf32, #tpu.memory_space<vmem>>
        %dma_start3A_38 = arith.constant 0 : i32
        %dma_start3A_39 = tpu.memref_slice %arg6[%add3A_32, %dma_start3A_38] : memref<10112x128xf32, #tpu.memory_space<vmem_shared>> -> memref<128x128xf32, #tpu.memory_space<vmem_shared>>
        %dma_start3A_40 = arith.constant 0 : i32
        %dma_start3A_41 = tpu.memref_slice %arg6[%add3A_32, %dma_start3A_40] : memref<10112x128xf32, #tpu.memory_space<vmem_shared>> -> memref<128x128xf32, #tpu.memory_space<vmem_shared>>
        %dma_start3A_42 = arith.constant 0 : i32
        %dma_start3A_43 = arith.constant 0 : i32
        %dma_start3A_44 = tpu.memref_slice %arg9[%scan3A_10, %dma_start3A_42, %dma_start3A_43] : memref<2x128x128xf32, #tpu.memory_space<vmem>> -> memref<1x128x128xf32, #tpu.memory_space<vmem>>
        %dma_start3A_45 = tpu.memref_squeeze %dma_start3A_44 : memref<1x128x128xf32, #tpu.memory_space<vmem>> -> memref<128x128xf32, #tpu.memory_space<vmem>>
        tpu.enqueue_dma source(%dma_start3A_45 : memref<128x128xf32, #tpu.memory_space<vmem>>) target(%dma_start3A_41 : memref<128x128xf32, #tpu.memory_space<vmem_shared>>) target_semaphore(%run_scoped3A_34 : memref<!tpu.dma_semaphore, #tpu.memory_space<semaphore_mem>>)
        %dma_wait3A = arith.constant 0 : i32
        %dma_wait3A_46 = arith.constant 0 : i32
        %dma_wait3A_47 = tpu.memref_slice %arg9[%scan3A_10, %dma_wait3A, %dma_wait3A_46] : memref<2x128x128xf32, #tpu.memory_space<vmem>> -> memref<1x128x128xf32, #tpu.memory_space<vmem>>
        %dma_wait3A_48 = tpu.memref_squeeze %dma_wait3A_47 : memref<1x128x128xf32, #tpu.memory_space<vmem>> -> memref<128x128xf32, #tpu.memory_space<vmem>>
        %dma_wait3A_49 = arith.constant 0 : i32
        %dma_wait3A_50 = tpu.memref_slice %arg6[%add3A_32, %dma_wait3A_49] : memref<10112x128xf32, #tpu.memory_space<vmem_shared>> -> memref<128x128xf32, #tpu.memory_space<vmem_shared>>
        %dma_wait3A_51 = arith.constant 0 : i32
        %dma_wait3A_52 = tpu.memref_slice %arg6[%add3A_32, %dma_wait3A_51] : memref<10112x128xf32, #tpu.memory_space<vmem_shared>> -> memref<128x128xf32, #tpu.memory_space<vmem_shared>>
        %dma_wait3A_53 = arith.constant 0 : i32
        %dma_wait3A_54 = arith.constant 0 : i32
        %dma_wait3A_55 = tpu.memref_slice %arg9[%scan3A_10, %dma_wait3A_53, %dma_wait3A_54] : memref<2x128x128xf32, #tpu.memory_space<vmem>> -> memref<1x128x128xf32, #tpu.memory_space<vmem>>
        %dma_wait3A_56 = tpu.memref_squeeze %dma_wait3A_55 : memref<1x128x128xf32, #tpu.memory_space<vmem>> -> memref<128x128xf32, #tpu.memory_space<vmem>>
        tpu.wait_dma2 semaphore(%run_scoped3A_34 : memref<!tpu.dma_semaphore, #tpu.memory_space<semaphore_mem>>) src(%dma_wait3A_56 : memref<128x128xf32, #tpu.memory_space<vmem>>) dst(%dma_wait3A_52 : memref<128x128xf32, #tpu.memory_space<vmem_shared>>)
        tpu.yield
      }) : () -> ()
      %scan3A_33 = arith.constant 0 : i32
      scf.yield %scan3A_33 : i32
    }
    %scan3A_17 = arith.constant 4 : i32
    %add3A_18 = arith.constant 512 : i32
    %add3A_19 = arith.addi %mul3A_2, %add3A_18 : i32
    %run_scoped3A = arith.constant 0 : i32
    "tpu.region"() ({
      %run_scoped3A_28 = tpu.sem_alloc : memref<!tpu.dma_semaphore, #tpu.memory_space<semaphore_mem>>
      %dma_start3A = arith.constant 0 : i32
      %dma_start3A_29 = arith.constant 0 : i32
      %dma_start3A_30 = tpu.memref_slice %arg9[%run_scoped3A, %dma_start3A, %dma_start3A_29] : memref<2x128x128xf32, #tpu.memory_space<vmem>> -> memref<1x128x128xf32, #tpu.memory_space<vmem>>
      %dma_start3A_31 = tpu.memref_squeeze %dma_start3A_30 : memref<1x128x128xf32, #tpu.memory_space<vmem>> -> memref<128x128xf32, #tpu.memory_space<vmem>>
      %dma_start3A_32 = arith.constant 0 : i32
      %dma_start3A_33 = arith.constant 0 : i32
      %dma_start3A_34 = tpu.memref_slice %dma_start3A_31[%dma_start3A_32, %dma_start3A_33] : memref<128x128xf32, #tpu.memory_space<vmem>> -> memref<120x128xf32, #tpu.memory_space<vmem>>
      %dma_start3A_35 = arith.constant 0 : i32
      %dma_start3A_36 = tpu.memref_slice %arg6[%add3A_19, %dma_start3A_35] : memref<10112x128xf32, #tpu.memory_space<vmem_shared>> -> memref<120x128xf32, #tpu.memory_space<vmem_shared>>
      %dma_start3A_37 = arith.constant 0 : i32
      %dma_start3A_38 = tpu.memref_slice %arg6[%add3A_19, %dma_start3A_37] : memref<10112x128xf32, #tpu.memory_space<vmem_shared>> -> memref<120x128xf32, #tpu.memory_space<vmem_shared>>
      %dma_start3A_39 = arith.constant 0 : i32
      %dma_start3A_40 = arith.constant 0 : i32
      %dma_start3A_41 = tpu.memref_slice %arg9[%run_scoped3A, %dma_start3A_39, %dma_start3A_40] : memref<2x128x128xf32, #tpu.memory_space<vmem>> -> memref<1x128x128xf32, #tpu.memory_space<vmem>>
      %dma_start3A_42 = tpu.memref_squeeze %dma_start3A_41 : memref<1x128x128xf32, #tpu.memory_space<vmem>> -> memref<128x128xf32, #tpu.memory_space<vmem>>
      %dma_start3A_43 = arith.constant 0 : i32
      %dma_start3A_44 = arith.constant 0 : i32
      %dma_start3A_45 = tpu.memref_slice %dma_start3A_42[%dma_start3A_43, %dma_start3A_44] : memref<128x128xf32, #tpu.memory_space<vmem>> -> memref<120x128xf32, #tpu.memory_space<vmem>>
      tpu.enqueue_dma source(%dma_start3A_45 : memref<120x128xf32, #tpu.memory_space<vmem>>) target(%dma_start3A_38 : memref<120x128xf32, #tpu.memory_space<vmem_shared>>) target_semaphore(%run_scoped3A_28 : memref<!tpu.dma_semaphore, #tpu.memory_space<semaphore_mem>>)
      %dma_wait3A = arith.constant 0 : i32
      %dma_wait3A_46 = arith.constant 0 : i32
      %dma_wait3A_47 = tpu.memref_slice %arg9[%run_scoped3A, %dma_wait3A, %dma_wait3A_46] : memref<2x128x128xf32, #tpu.memory_space<vmem>> -> memref<1x128x128xf32, #tpu.memory_space<vmem>>
      %dma_wait3A_48 = tpu.memref_squeeze %dma_wait3A_47 : memref<1x128x128xf32, #tpu.memory_space<vmem>> -> memref<128x128xf32, #tpu.memory_space<vmem>>
      %dma_wait3A_49 = arith.constant 0 : i32
      %dma_wait3A_50 = arith.constant 0 : i32
      %dma_wait3A_51 = tpu.memref_slice %dma_wait3A_48[%dma_wait3A_49, %dma_wait3A_50] : memref<128x128xf32, #tpu.memory_space<vmem>> -> memref<120x128xf32, #tpu.memory_space<vmem>>
      %dma_wait3A_52 = arith.constant 0 : i32
      %dma_wait3A_53 = tpu.memref_slice %arg6[%add3A_19, %dma_wait3A_52] : memref<10112x128xf32, #tpu.memory_space<vmem_shared>> -> memref<120x128xf32, #tpu.memory_space<vmem_shared>>
      %dma_wait3A_54 = arith.constant 0 : i32
      %dma_wait3A_55 = tpu.memref_slice %arg6[%add3A_19, %dma_wait3A_54] : memref<10112x128xf32, #tpu.memory_space<vmem_shared>> -> memref<120x128xf32, #tpu.memory_space<vmem_shared>>
      %dma_wait3A_56 = arith.constant 0 : i32
      %dma_wait3A_57 = arith.constant 0 : i32
      %dma_wait3A_58 = tpu.memref_slice %arg9[%run_scoped3A, %dma_wait3A_56, %dma_wait3A_57] : memref<2x128x128xf32, #tpu.memory_space<vmem>> -> memref<1x128x128xf32, #tpu.memory_space<vmem>>
      %dma_wait3A_59 = tpu.memref_squeeze %dma_wait3A_58 : memref<1x128x128xf32, #tpu.memory_space<vmem>> -> memref<128x128xf32, #tpu.memory_space<vmem>>
      %dma_wait3A_60 = arith.constant 0 : i32
      %dma_wait3A_61 = arith.constant 0 : i32
      %dma_wait3A_62 = tpu.memref_slice %dma_wait3A_59[%dma_wait3A_60, %dma_wait3A_61] : memref<128x128xf32, #tpu.memory_space<vmem>> -> memref<120x128xf32, #tpu.memory_space<vmem>>
      tpu.wait_dma2 semaphore(%run_scoped3A_28 : memref<!tpu.dma_semaphore, #tpu.memory_space<semaphore_mem>>) src(%dma_wait3A_62 : memref<120x128xf32, #tpu.memory_space<vmem>>) dst(%dma_wait3A_55 : memref<120x128xf32, #tpu.memory_space<vmem_shared>>)
      tpu.yield
    }) : () -> ()
    %barrier3A = arith.constant 0 : index
    tpu.barrier barrier_id(%barrier3A)
    %scan3A_20 = arith.constant 0 : i32
    %scan3A_21 = arith.constant 0 : i32
    %scan3A_22 = arith.constant 10 : i32
    %scan3A_23 = arith.addi %scan3A_21, %scan3A_22 : i32
    %scan3A_24 = arith.constant 1 : i32
    %scan3A_25 = scf.for %scan3A_28 = %scan3A_21 to %scan3A_23 step %scan3A_24 iter_args(%scan3A_29 = %scan3A_20) -> (i32)  : i32 {
      %mul3A_30 = arith.constant 8 : i32
      %mul3A_31 = arith.muli %scan3A_28, %mul3A_30 : i32
      "tpu.region"() ({
        %run_scoped3A_417 = tpu.sem_alloc : memref<!tpu.dma_semaphore, #tpu.memory_space<semaphore_mem>>
        %dma_start3A_418 = arith.constant 0 : i32
        %dma_start3A_419 = arith.constant 0 : i32
        %dma_start3A_420 = tpu.memref_slice %arg3[%add3A, %dma_start3A_418, %dma_start3A_419] : memref<32x80x128xi32, #tpu.memory_space<hbm>> -> memref<1x80x128xi32, #tpu.memory_space<hbm>>
        %dma_start3A_421 = tpu.memref_squeeze %dma_start3A_420 : memref<1x80x128xi32, #tpu.memory_space<hbm>> -> memref<80x128xi32, #tpu.memory_space<hbm>>
        %dma_start3A_422 = arith.constant 0 : i32
        %dma_start3A_423 = tpu.memref_slice %dma_start3A_421[%mul3A_31, %dma_start3A_422] : memref<80x128xi32, #tpu.memory_space<hbm>> -> memref<8x128xi32, #tpu.memory_space<hbm>>
        %dma_start3A_424 = arith.constant 0 : i32
        %dma_start3A_425 = arith.constant 0 : i32
        %dma_start3A_426 = tpu.memref_slice %arg3[%add3A, %dma_start3A_424, %dma_start3A_425] : memref<32x80x128xi32, #tpu.memory_space<hbm>> -> memref<1x80x128xi32, #tpu.memory_space<hbm>>
        %dma_start3A_427 = tpu.memref_squeeze %dma_start3A_426 : memref<1x80x128xi32, #tpu.memory_space<hbm>> -> memref<80x128xi32, #tpu.memory_space<hbm>>
        %dma_start3A_428 = arith.constant 0 : i32
        %dma_start3A_429 = tpu.memref_slice %dma_start3A_427[%mul3A_31, %dma_start3A_428] : memref<80x128xi32, #tpu.memory_space<hbm>> -> memref<8x128xi32, #tpu.memory_space<hbm>>
        tpu.enqueue_dma source(%dma_start3A_429 : memref<8x128xi32, #tpu.memory_space<hbm>>) target(%arg7 : memref<8x128xi32, #tpu.memory_space<vmem>>) target_semaphore(%run_scoped3A_417 : memref<!tpu.dma_semaphore, #tpu.memory_space<semaphore_mem>>)
        %dma_wait3A_430 = arith.constant 0 : i32
        %dma_wait3A_431 = arith.constant 0 : i32
        %dma_wait3A_432 = tpu.memref_slice %arg3[%add3A, %dma_wait3A_430, %dma_wait3A_431] : memref<32x80x128xi32, #tpu.memory_space<hbm>> -> memref<1x80x128xi32, #tpu.memory_space<hbm>>
        %dma_wait3A_433 = tpu.memref_squeeze %dma_wait3A_432 : memref<1x80x128xi32, #tpu.memory_space<hbm>> -> memref<80x128xi32, #tpu.memory_space<hbm>>
        %dma_wait3A_434 = arith.constant 0 : i32
        %dma_wait3A_435 = tpu.memref_slice %dma_wait3A_433[%mul3A_31, %dma_wait3A_434] : memref<80x128xi32, #tpu.memory_space<hbm>> -> memref<8x128xi32, #tpu.memory_space<hbm>>
        %dma_wait3A_436 = arith.constant 0 : i32
        %dma_wait3A_437 = arith.constant 0 : i32
        %dma_wait3A_438 = tpu.memref_slice %arg3[%add3A, %dma_wait3A_436, %dma_wait3A_437] : memref<32x80x128xi32, #tpu.memory_space<hbm>> -> memref<1x80x128xi32, #tpu.memory_space<hbm>>
        %dma_wait3A_439 = tpu.memref_squeeze %dma_wait3A_438 : memref<1x80x128xi32, #tpu.memory_space<hbm>> -> memref<80x128xi32, #tpu.memory_space<hbm>>
        %dma_wait3A_440 = arith.constant 0 : i32
        %dma_wait3A_441 = tpu.memref_slice %dma_wait3A_439[%mul3A_31, %dma_wait3A_440] : memref<80x128xi32, #tpu.memory_space<hbm>> -> memref<8x128xi32, #tpu.memory_space<hbm>>
        tpu.wait_dma2 semaphore(%run_scoped3A_417 : memref<!tpu.dma_semaphore, #tpu.memory_space<semaphore_mem>>) src(%dma_wait3A_441 : memref<8x128xi32, #tpu.memory_space<hbm>>) dst(%arg7 : memref<8x128xi32, #tpu.memory_space<vmem>>)
        tpu.yield
      }) : () -> ()
      %mul3A_32 = arith.constant 8 : i32
      %mul3A_33 = arith.muli %scan3A_28, %mul3A_32 : i32
      "tpu.region"() ({
        %run_scoped3A_417 = tpu.sem_alloc : memref<!tpu.dma_semaphore, #tpu.memory_space<semaphore_mem>>
        %dma_start3A_418 = arith.constant 0 : i32
        %dma_start3A_419 = arith.constant 0 : i32
        %dma_start3A_420 = tpu.memref_slice %arg4[%add3A, %dma_start3A_418, %dma_start3A_419] : memref<32x80x128xi32, #tpu.memory_space<hbm>> -> memref<1x80x128xi32, #tpu.memory_space<hbm>>
        %dma_start3A_421 = tpu.memref_squeeze %dma_start3A_420 : memref<1x80x128xi32, #tpu.memory_space<hbm>> -> memref<80x128xi32, #tpu.memory_space<hbm>>
        %dma_start3A_422 = arith.constant 0 : i32
        %dma_start3A_423 = tpu.memref_slice %dma_start3A_421[%mul3A_33, %dma_start3A_422] : memref<80x128xi32, #tpu.memory_space<hbm>> -> memref<8x128xi32, #tpu.memory_space<hbm>>
        %dma_start3A_424 = arith.constant 0 : i32
        %dma_start3A_425 = arith.constant 0 : i32
        %dma_start3A_426 = tpu.memref_slice %arg4[%add3A, %dma_start3A_424, %dma_start3A_425] : memref<32x80x128xi32, #tpu.memory_space<hbm>> -> memref<1x80x128xi32, #tpu.memory_space<hbm>>
        %dma_start3A_427 = tpu.memref_squeeze %dma_start3A_426 : memref<1x80x128xi32, #tpu.memory_space<hbm>> -> memref<80x128xi32, #tpu.memory_space<hbm>>
        %dma_start3A_428 = arith.constant 0 : i32
        %dma_start3A_429 = tpu.memref_slice %dma_start3A_427[%mul3A_33, %dma_start3A_428] : memref<80x128xi32, #tpu.memory_space<hbm>> -> memref<8x128xi32, #tpu.memory_space<hbm>>
        tpu.enqueue_dma source(%dma_start3A_429 : memref<8x128xi32, #tpu.memory_space<hbm>>) target(%arg8 : memref<8x128xi32, #tpu.memory_space<vmem>>) target_semaphore(%run_scoped3A_417 : memref<!tpu.dma_semaphore, #tpu.memory_space<semaphore_mem>>)
        %dma_wait3A_430 = arith.constant 0 : i32
        %dma_wait3A_431 = arith.constant 0 : i32
        %dma_wait3A_432 = tpu.memref_slice %arg4[%add3A, %dma_wait3A_430, %dma_wait3A_431] : memref<32x80x128xi32, #tpu.memory_space<hbm>> -> memref<1x80x128xi32, #tpu.memory_space<hbm>>
        %dma_wait3A_433 = tpu.memref_squeeze %dma_wait3A_432 : memref<1x80x128xi32, #tpu.memory_space<hbm>> -> memref<80x128xi32, #tpu.memory_space<hbm>>
        %dma_wait3A_434 = arith.constant 0 : i32
        %dma_wait3A_435 = tpu.memref_slice %dma_wait3A_433[%mul3A_33, %dma_wait3A_434] : memref<80x128xi32, #tpu.memory_space<hbm>> -> memref<8x128xi32, #tpu.memory_space<hbm>>
        %dma_wait3A_436 = arith.constant 0 : i32
        %dma_wait3A_437 = arith.constant 0 : i32
        %dma_wait3A_438 = tpu.memref_slice %arg4[%add3A, %dma_wait3A_436, %dma_wait3A_437] : memref<32x80x128xi32, #tpu.memory_space<hbm>> -> memref<1x80x128xi32, #tpu.memory_space<hbm>>
        %dma_wait3A_439 = tpu.memref_squeeze %dma_wait3A_438 : memref<1x80x128xi32, #tpu.memory_space<hbm>> -> memref<80x128xi32, #tpu.memory_space<hbm>>
        %dma_wait3A_440 = arith.constant 0 : i32
        %dma_wait3A_441 = tpu.memref_slice %dma_wait3A_439[%mul3A_33, %dma_wait3A_440] : memref<80x128xi32, #tpu.memory_space<hbm>> -> memref<8x128xi32, #tpu.memory_space<hbm>>
        tpu.wait_dma2 semaphore(%run_scoped3A_417 : memref<!tpu.dma_semaphore, #tpu.memory_space<semaphore_mem>>) src(%dma_wait3A_441 : memref<8x128xi32, #tpu.memory_space<hbm>>) dst(%arg8 : memref<8x128xi32, #tpu.memory_space<vmem>>)
        tpu.yield
      }) : () -> ()
      %dma_start3A = arith.constant 0 : i32
      %dma_start3A_34 = arith.constant 0 : i32
      %dma_start3A_35 = arith.constant 0 : i32
      %dma_start3A_36 = arith.constant 0 : i32
      %dma_start3A_37 = tpu.memref_slice %arg9[%dma_start3A_34, %dma_start3A_35, %dma_start3A_36] : memref<2x128x128xf32, #tpu.memory_space<vmem>> -> memref<1x128x128xf32, #tpu.memory_space<vmem>>
      %dma_start3A_38 = tpu.memref_squeeze %dma_start3A_37 : memref<1x128x128xf32, #tpu.memory_space<vmem>> -> memref<128x128xf32, #tpu.memory_space<vmem>>
      %dma_start3A_39 = arith.constant 0 : i32
      %dma_start3A_40 = tpu.memref_slice %arg7[%dma_start3A, %dma_start3A_39] : memref<8x128xi32, #tpu.memory_space<vmem>> -> memref<1x128xi32, #tpu.memory_space<vmem>>
      %dma_start3A_41 = tpu.memref_squeeze %dma_start3A_40 : memref<1x128xi32, #tpu.memory_space<vmem>> -> memref<128xi32, #tpu.memory_space<vmem>>
      %dma_start3A_42 = arith.constant 0 : i32
      %dma_start3A_43 = arith.constant 0 : i32
      %dma_start3A_44 = tpu.memref_slice %arg2[%dma_start3A_42, %dma_start3A_43] : memref<10000x128xf32, #tpu.memory_space<hbm>> -> memref<10000x128xf32, #tpu.memory_space<hbm>>
      tpu.enqueue_indirect_dma source(%dma_start3A_44 : memref<10000x128xf32, #tpu.memory_space<hbm>>) target(%dma_start3A_38 : memref<128x128xf32, #tpu.memory_space<vmem>>) offsets(%dma_start3A_41 : memref<128xi32, #tpu.memory_space<vmem>>) semaphore(%arg10 : memref<!tpu.dma_semaphore, #tpu.memory_space<semaphore_mem>>)
      %dma_start3A_45 = arith.constant 1 : i32
      %dma_start3A_46 = arith.constant 1 : i32
      %dma_start3A_47 = arith.constant 0 : i32
      %dma_start3A_48 = arith.constant 0 : i32
      %dma_start3A_49 = tpu.memref_slice %arg9[%dma_start3A_46, %dma_start3A_47, %dma_start3A_48] : memref<2x128x128xf32, #tpu.memory_space<vmem>> -> memref<1x128x128xf32, #tpu.memory_space<vmem>>
      %dma_start3A_50 = tpu.memref_squeeze %dma_start3A_49 : memref<1x128x128xf32, #tpu.memory_space<vmem>> -> memref<128x128xf32, #tpu.memory_space<vmem>>
      %dma_start3A_51 = arith.constant 0 : i32
      %dma_start3A_52 = tpu.memref_slice %arg7[%dma_start3A_45, %dma_start3A_51] : memref<8x128xi32, #tpu.memory_space<vmem>> -> memref<1x128xi32, #tpu.memory_space<vmem>>
      %dma_start3A_53 = tpu.memref_squeeze %dma_start3A_52 : memref<1x128xi32, #tpu.memory_space<vmem>> -> memref<128xi32, #tpu.memory_space<vmem>>
      %dma_start3A_54 = arith.constant 0 : i32
      %dma_start3A_55 = arith.constant 0 : i32
      %dma_start3A_56 = tpu.memref_slice %arg2[%dma_start3A_54, %dma_start3A_55] : memref<10000x128xf32, #tpu.memory_space<hbm>> -> memref<10000x128xf32, #tpu.memory_space<hbm>>
      tpu.enqueue_indirect_dma source(%dma_start3A_56 : memref<10000x128xf32, #tpu.memory_space<hbm>>) target(%dma_start3A_50 : memref<128x128xf32, #tpu.memory_space<vmem>>) offsets(%dma_start3A_53 : memref<128xi32, #tpu.memory_space<vmem>>) semaphore(%arg11 : memref<!tpu.dma_semaphore, #tpu.memory_space<semaphore_mem>>)
      %dma_wait3A = arith.constant 0 : i32
      %dma_wait3A_57 = arith.constant 0 : i32
      %dma_wait3A_58 = arith.constant 0 : i32
      %dma_wait3A_59 = arith.constant 0 : i32
      %dma_wait3A_60 = tpu.memref_slice %arg9[%dma_wait3A_57, %dma_wait3A_58, %dma_wait3A_59] : memref<2x128x128xf32, #tpu.memory_space<vmem>> -> memref<1x128x128xf32, #tpu.memory_space<vmem>>
      %dma_wait3A_61 = tpu.memref_squeeze %dma_wait3A_60 : memref<1x128x128xf32, #tpu.memory_space<vmem>> -> memref<128x128xf32, #tpu.memory_space<vmem>>
      %dma_wait3A_62 = arith.constant 0 : i32
      %dma_wait3A_63 = tpu.memref_slice %arg7[%dma_wait3A, %dma_wait3A_62] : memref<8x128xi32, #tpu.memory_space<vmem>> -> memref<1x128xi32, #tpu.memory_space<vmem>>
      %dma_wait3A_64 = tpu.memref_squeeze %dma_wait3A_63 : memref<1x128xi32, #tpu.memory_space<vmem>> -> memref<128xi32, #tpu.memory_space<vmem>>
      %dma_wait3A_65 = arith.constant 0 : i32
      %dma_wait3A_66 = arith.constant 0 : i32
      %dma_wait3A_67 = tpu.memref_slice %arg2[%dma_wait3A_65, %dma_wait3A_66] : memref<10000x128xf32, #tpu.memory_space<hbm>> -> memref<10000x128xf32, #tpu.memory_space<hbm>>
      tpu.wait_indirect_dma semaphore(%arg10 : memref<!tpu.dma_semaphore, #tpu.memory_space<semaphore_mem>>) src(%dma_wait3A_67 : memref<10000x128xf32, #tpu.memory_space<hbm>>) dst(%dma_wait3A_61 : memref<128x128xf32, #tpu.memory_space<vmem>>)
      %dma_start3A_68 = arith.constant 0 : i32
      %dma_start3A_69 = arith.constant 0 : i32
      %dma_start3A_70 = arith.constant 0 : i32
      %dma_start3A_71 = arith.constant 0 : i32
      %dma_start3A_72 = tpu.memref_slice %arg9[%dma_start3A_68, %dma_start3A_70, %dma_start3A_71] : memref<2x128x128xf32, #tpu.memory_space<vmem>> -> memref<1x128x128xf32, #tpu.memory_space<vmem>>
      %dma_start3A_73 = tpu.memref_squeeze %dma_start3A_72 : memref<1x128x128xf32, #tpu.memory_space<vmem>> -> memref<128x128xf32, #tpu.memory_space<vmem>>
      %dma_start3A_74 = arith.constant 0 : i32
      %dma_start3A_75 = tpu.memref_slice %arg8[%dma_start3A_69, %dma_start3A_74] : memref<8x128xi32, #tpu.memory_space<vmem>> -> memref<1x128xi32, #tpu.memory_space<vmem>>
      %dma_start3A_76 = tpu.memref_squeeze %dma_start3A_75 : memref<1x128xi32, #tpu.memory_space<vmem>> -> memref<128xi32, #tpu.memory_space<vmem>>
      %dma_start3A_77 = arith.constant 0 : i32
      %dma_start3A_78 = arith.constant 0 : i32
      %dma_start3A_79 = tpu.memref_slice %arg6[%dma_start3A_77, %dma_start3A_78] : memref<10112x128xf32, #tpu.memory_space<vmem_shared>> -> memref<10112x128xf32, #tpu.memory_space<vmem_shared>>
      tpu.enqueue_indirect_dma source(%dma_start3A_73 : memref<128x128xf32, #tpu.memory_space<vmem>>) target(%dma_start3A_79 : memref<10112x128xf32, #tpu.memory_space<vmem_shared>>) offsets(%dma_start3A_76 : memref<128xi32, #tpu.memory_space<vmem>>) semaphore(%arg12 : memref<!tpu.dma_semaphore, #tpu.memory_space<semaphore_mem>>) {add = true}
      %dma_wait3A_80 = arith.constant 0 : i32
      %dma_wait3A_81 = arith.constant 0 : i32
      %dma_wait3A_82 = arith.constant 0 : i32
      %dma_wait3A_83 = arith.constant 0 : i32
      %dma_wait3A_84 = tpu.memref_slice %arg9[%dma_wait3A_80, %dma_wait3A_82, %dma_wait3A_83] : memref<2x128x128xf32, #tpu.memory_space<vmem>> -> memref<1x128x128xf32, #tpu.memory_space<vmem>>
      %dma_wait3A_85 = tpu.memref_squeeze %dma_wait3A_84 : memref<1x128x128xf32, #tpu.memory_space<vmem>> -> memref<128x128xf32, #tpu.memory_space<vmem>>
      %dma_wait3A_86 = arith.constant 0 : i32
      %dma_wait3A_87 = tpu.memref_slice %arg8[%dma_wait3A_81, %dma_wait3A_86] : memref<8x128xi32, #tpu.memory_space<vmem>> -> memref<1x128xi32, #tpu.memory_space<vmem>>
      %dma_wait3A_88 = tpu.memref_squeeze %dma_wait3A_87 : memref<1x128xi32, #tpu.memory_space<vmem>> -> memref<128xi32, #tpu.memory_space<vmem>>
      %dma_wait3A_89 = arith.constant 0 : i32
      %dma_wait3A_90 = arith.constant 0 : i32
      %dma_wait3A_91 = tpu.memref_slice %arg6[%dma_wait3A_89, %dma_wait3A_90] : memref<10112x128xf32, #tpu.memory_space<vmem_shared>> -> memref<10112x128xf32, #tpu.memory_space<vmem_shared>>
      tpu.wait_indirect_dma semaphore(%arg12 : memref<!tpu.dma_semaphore, #tpu.memory_space<semaphore_mem>>) src(%dma_wait3A_85 : memref<128x128xf32, #tpu.memory_space<vmem>>) dst(%dma_wait3A_91 : memref<10112x128xf32, #tpu.memory_space<vmem_shared>>)
      %dma_start3A_92 = arith.constant 2 : i32
      %dma_start3A_93 = arith.constant 0 : i32
      %dma_start3A_94 = arith.constant 0 : i32
      %dma_start3A_95 = arith.constant 0 : i32
      %dma_start3A_96 = tpu.memref_slice %arg9[%dma_start3A_93, %dma_start3A_94, %dma_start3A_95] : memref<2x128x128xf32, #tpu.memory_space<vmem>> -> memref<1x128x128xf32, #tpu.memory_space<vmem>>
      %dma_start3A_97 = tpu.memref_squeeze %dma_start3A_96 : memref<1x128x128xf32, #tpu.memory_space<vmem>> -> memref<128x128xf32, #tpu.memory_space<vmem>>
      %dma_start3A_98 = arith.constant 0 : i32
      %dma_start3A_99 = tpu.memref_slice %arg7[%dma_start3A_92, %dma_start3A_98] : memref<8x128xi32, #tpu.memory_space<vmem>> -> memref<1x128xi32, #tpu.memory_space<vmem>>
      %dma_start3A_100 = tpu.memref_squeeze %dma_start3A_99 : memref<1x128xi32, #tpu.memory_space<vmem>> -> memref<128xi32, #tpu.memory_space<vmem>>
      %dma_start3A_101 = arith.constant 0 : i32
      %dma_start3A_102 = arith.constant 0 : i32
      %dma_start3A_103 = tpu.memref_slice %arg2[%dma_start3A_101, %dma_start3A_102] : memref<10000x128xf32, #tpu.memory_space<hbm>> -> memref<10000x128xf32, #tpu.memory_space<hbm>>
      tpu.enqueue_indirect_dma source(%dma_start3A_103 : memref<10000x128xf32, #tpu.memory_space<hbm>>) target(%dma_start3A_97 : memref<128x128xf32, #tpu.memory_space<vmem>>) offsets(%dma_start3A_100 : memref<128xi32, #tpu.memory_space<vmem>>) semaphore(%arg10 : memref<!tpu.dma_semaphore, #tpu.memory_space<semaphore_mem>>)
      %dma_wait3A_104 = arith.constant 1 : i32
      %dma_wait3A_105 = arith.constant 1 : i32
      %dma_wait3A_106 = arith.constant 0 : i32
      %dma_wait3A_107 = arith.constant 0 : i32
      %dma_wait3A_108 = tpu.memref_slice %arg9[%dma_wait3A_105, %dma_wait3A_106, %dma_wait3A_107] : memref<2x128x128xf32, #tpu.memory_space<vmem>> -> memref<1x128x128xf32, #tpu.memory_space<vmem>>
      %dma_wait3A_109 = tpu.memref_squeeze %dma_wait3A_108 : memref<1x128x128xf32, #tpu.memory_space<vmem>> -> memref<128x128xf32, #tpu.memory_space<vmem>>
      %dma_wait3A_110 = arith.constant 0 : i32
      %dma_wait3A_111 = tpu.memref_slice %arg7[%dma_wait3A_104, %dma_wait3A_110] : memref<8x128xi32, #tpu.memory_space<vmem>> -> memref<1x128xi32, #tpu.memory_space<vmem>>
      %dma_wait3A_112 = tpu.memref_squeeze %dma_wait3A_111 : memref<1x128xi32, #tpu.memory_space<vmem>> -> memref<128xi32, #tpu.memory_space<vmem>>
      %dma_wait3A_113 = arith.constant 0 : i32
      %dma_wait3A_114 = arith.constant 0 : i32
      %dma_wait3A_115 = tpu.memref_slice %arg2[%dma_wait3A_113, %dma_wait3A_114] : memref<10000x128xf32, #tpu.memory_space<hbm>> -> memref<10000x128xf32, #tpu.memory_space<hbm>>
      tpu.wait_indirect_dma semaphore(%arg11 : memref<!tpu.dma_semaphore, #tpu.memory_space<semaphore_mem>>) src(%dma_wait3A_115 : memref<10000x128xf32, #tpu.memory_space<hbm>>) dst(%dma_wait3A_109 : memref<128x128xf32, #tpu.memory_space<vmem>>)
      %dma_start3A_116 = arith.constant 1 : i32
      %dma_start3A_117 = arith.constant 1 : i32
      %dma_start3A_118 = arith.constant 0 : i32
      %dma_start3A_119 = arith.constant 0 : i32
      %dma_start3A_120 = tpu.memref_slice %arg9[%dma_start3A_116, %dma_start3A_118, %dma_start3A_119] : memref<2x128x128xf32, #tpu.memory_space<vmem>> -> memref<1x128x128xf32, #tpu.memory_space<vmem>>
      %dma_start3A_121 = tpu.memref_squeeze %dma_start3A_120 : memref<1x128x128xf32, #tpu.memory_space<vmem>> -> memref<128x128xf32, #tpu.memory_space<vmem>>
      %dma_start3A_122 = arith.constant 0 : i32
      %dma_start3A_123 = tpu.memref_slice %arg8[%dma_start3A_117, %dma_start3A_122] : memref<8x128xi32, #tpu.memory_space<vmem>> -> memref<1x128xi32, #tpu.memory_space<vmem>>
      %dma_start3A_124 = tpu.memref_squeeze %dma_start3A_123 : memref<1x128xi32, #tpu.memory_space<vmem>> -> memref<128xi32, #tpu.memory_space<vmem>>
      %dma_start3A_125 = arith.constant 0 : i32
      %dma_start3A_126 = arith.constant 0 : i32
      %dma_start3A_127 = tpu.memref_slice %arg6[%dma_start3A_125, %dma_start3A_126] : memref<10112x128xf32, #tpu.memory_space<vmem_shared>> -> memref<10112x128xf32, #tpu.memory_space<vmem_shared>>
      tpu.enqueue_indirect_dma source(%dma_start3A_121 : memref<128x128xf32, #tpu.memory_space<vmem>>) target(%dma_start3A_127 : memref<10112x128xf32, #tpu.memory_space<vmem_shared>>) offsets(%dma_start3A_124 : memref<128xi32, #tpu.memory_space<vmem>>) semaphore(%arg13 : memref<!tpu.dma_semaphore, #tpu.memory_space<semaphore_mem>>) {add = true}
      %dma_wait3A_128 = arith.constant 1 : i32
      %dma_wait3A_129 = arith.constant 1 : i32
      %dma_wait3A_130 = arith.constant 0 : i32
      %dma_wait3A_131 = arith.constant 0 : i32
      %dma_wait3A_132 = tpu.memref_slice %arg9[%dma_wait3A_128, %dma_wait3A_130, %dma_wait3A_131] : memref<2x128x128xf32, #tpu.memory_space<vmem>> -> memref<1x128x128xf32, #tpu.memory_space<vmem>>
      %dma_wait3A_133 = tpu.memref_squeeze %dma_wait3A_132 : memref<1x128x128xf32, #tpu.memory_space<vmem>> -> memref<128x128xf32, #tpu.memory_space<vmem>>
      %dma_wait3A_134 = arith.constant 0 : i32
      %dma_wait3A_135 = tpu.memref_slice %arg8[%dma_wait3A_129, %dma_wait3A_134] : memref<8x128xi32, #tpu.memory_space<vmem>> -> memref<1x128xi32, #tpu.memory_space<vmem>>
      %dma_wait3A_136 = tpu.memref_squeeze %dma_wait3A_135 : memref<1x128xi32, #tpu.memory_space<vmem>> -> memref<128xi32, #tpu.memory_space<vmem>>
      %dma_wait3A_137 = arith.constant 0 : i32
      %dma_wait3A_138 = arith.constant 0 : i32
      %dma_wait3A_139 = tpu.memref_slice %arg6[%dma_wait3A_137, %dma_wait3A_138] : memref<10112x128xf32, #tpu.memory_space<vmem_shared>> -> memref<10112x128xf32, #tpu.memory_space<vmem_shared>>
      tpu.wait_indirect_dma semaphore(%arg13 : memref<!tpu.dma_semaphore, #tpu.memory_space<semaphore_mem>>) src(%dma_wait3A_133 : memref<128x128xf32, #tpu.memory_space<vmem>>) dst(%dma_wait3A_139 : memref<10112x128xf32, #tpu.memory_space<vmem_shared>>)
      %dma_start3A_140 = arith.constant 3 : i32
      %dma_start3A_141 = arith.constant 1 : i32
      %dma_start3A_142 = arith.constant 0 : i32
      %dma_start3A_143 = arith.constant 0 : i32
      %dma_start3A_144 = tpu.memref_slice %arg9[%dma_start3A_141, %dma_start3A_142, %dma_start3A_143] : memref<2x128x128xf32, #tpu.memory_space<vmem>> -> memref<1x128x128xf32, #tpu.memory_space<vmem>>
      %dma_start3A_145 = tpu.memref_squeeze %dma_start3A_144 : memref<1x128x128xf32, #tpu.memory_space<vmem>> -> memref<128x128xf32, #tpu.memory_space<vmem>>
      %dma_start3A_146 = arith.constant 0 : i32
      %dma_start3A_147 = tpu.memref_slice %arg7[%dma_start3A_140, %dma_start3A_146] : memref<8x128xi32, #tpu.memory_space<vmem>> -> memref<1x128xi32, #tpu.memory_space<vmem>>
      %dma_start3A_148 = tpu.memref_squeeze %dma_start3A_147 : memref<1x128xi32, #tpu.memory_space<vmem>> -> memref<128xi32, #tpu.memory_space<vmem>>
      %dma_start3A_149 = arith.constant 0 : i32
      %dma_start3A_150 = arith.constant 0 : i32
      %dma_start3A_151 = tpu.memref_slice %arg2[%dma_start3A_149, %dma_start3A_150] : memref<10000x128xf32, #tpu.memory_space<hbm>> -> memref<10000x128xf32, #tpu.memory_space<hbm>>
      tpu.enqueue_indirect_dma source(%dma_start3A_151 : memref<10000x128xf32, #tpu.memory_space<hbm>>) target(%dma_start3A_145 : memref<128x128xf32, #tpu.memory_space<vmem>>) offsets(%dma_start3A_148 : memref<128xi32, #tpu.memory_space<vmem>>) semaphore(%arg11 : memref<!tpu.dma_semaphore, #tpu.memory_space<semaphore_mem>>)
      %dma_wait3A_152 = arith.constant 2 : i32
      %dma_wait3A_153 = arith.constant 0 : i32
      %dma_wait3A_154 = arith.constant 0 : i32
      %dma_wait3A_155 = arith.constant 0 : i32
      %dma_wait3A_156 = tpu.memref_slice %arg9[%dma_wait3A_153, %dma_wait3A_154, %dma_wait3A_155] : memref<2x128x128xf32, #tpu.memory_space<vmem>> -> memref<1x128x128xf32, #tpu.memory_space<vmem>>
      %dma_wait3A_157 = tpu.memref_squeeze %dma_wait3A_156 : memref<1x128x128xf32, #tpu.memory_space<vmem>> -> memref<128x128xf32, #tpu.memory_space<vmem>>
      %dma_wait3A_158 = arith.constant 0 : i32
      %dma_wait3A_159 = tpu.memref_slice %arg7[%dma_wait3A_152, %dma_wait3A_158] : memref<8x128xi32, #tpu.memory_space<vmem>> -> memref<1x128xi32, #tpu.memory_space<vmem>>
      %dma_wait3A_160 = tpu.memref_squeeze %dma_wait3A_159 : memref<1x128xi32, #tpu.memory_space<vmem>> -> memref<128xi32, #tpu.memory_space<vmem>>
      %dma_wait3A_161 = arith.constant 0 : i32
      %dma_wait3A_162 = arith.constant 0 : i32
      %dma_wait3A_163 = tpu.memref_slice %arg2[%dma_wait3A_161, %dma_wait3A_162] : memref<10000x128xf32, #tpu.memory_space<hbm>> -> memref<10000x128xf32, #tpu.memory_space<hbm>>
      tpu.wait_indirect_dma semaphore(%arg10 : memref<!tpu.dma_semaphore, #tpu.memory_space<semaphore_mem>>) src(%dma_wait3A_163 : memref<10000x128xf32, #tpu.memory_space<hbm>>) dst(%dma_wait3A_157 : memref<128x128xf32, #tpu.memory_space<vmem>>)
      %dma_start3A_164 = arith.constant 0 : i32
      %dma_start3A_165 = arith.constant 2 : i32
      %dma_start3A_166 = arith.constant 0 : i32
      %dma_start3A_167 = arith.constant 0 : i32
      %dma_start3A_168 = tpu.memref_slice %arg9[%dma_start3A_164, %dma_start3A_166, %dma_start3A_167] : memref<2x128x128xf32, #tpu.memory_space<vmem>> -> memref<1x128x128xf32, #tpu.memory_space<vmem>>
      %dma_start3A_169 = tpu.memref_squeeze %dma_start3A_168 : memref<1x128x128xf32, #tpu.memory_space<vmem>> -> memref<128x128xf32, #tpu.memory_space<vmem>>
      %dma_start3A_170 = arith.constant 0 : i32
      %dma_start3A_171 = tpu.memref_slice %arg8[%dma_start3A_165, %dma_start3A_170] : memref<8x128xi32, #tpu.memory_space<vmem>> -> memref<1x128xi32, #tpu.memory_space<vmem>>
      %dma_start3A_172 = tpu.memref_squeeze %dma_start3A_171 : memref<1x128xi32, #tpu.memory_space<vmem>> -> memref<128xi32, #tpu.memory_space<vmem>>
      %dma_start3A_173 = arith.constant 0 : i32
      %dma_start3A_174 = arith.constant 0 : i32
      %dma_start3A_175 = tpu.memref_slice %arg6[%dma_start3A_173, %dma_start3A_174] : memref<10112x128xf32, #tpu.memory_space<vmem_shared>> -> memref<10112x128xf32, #tpu.memory_space<vmem_shared>>
      tpu.enqueue_indirect_dma source(%dma_start3A_169 : memref<128x128xf32, #tpu.memory_space<vmem>>) target(%dma_start3A_175 : memref<10112x128xf32, #tpu.memory_space<vmem_shared>>) offsets(%dma_start3A_172 : memref<128xi32, #tpu.memory_space<vmem>>) semaphore(%arg12 : memref<!tpu.dma_semaphore, #tpu.memory_space<semaphore_mem>>) {add = true}
      %dma_wait3A_176 = arith.constant 0 : i32
      %dma_wait3A_177 = arith.constant 2 : i32
      %dma_wait3A_178 = arith.constant 0 : i32
      %dma_wait3A_179 = arith.constant 0 : i32
      %dma_wait3A_180 = tpu.memref_slice %arg9[%dma_wait3A_176, %dma_wait3A_178, %dma_wait3A_179] : memref<2x128x128xf32, #tpu.memory_space<vmem>> -> memref<1x128x128xf32, #tpu.memory_space<vmem>>
      %dma_wait3A_181 = tpu.memref_squeeze %dma_wait3A_180 : memref<1x128x128xf32, #tpu.memory_space<vmem>> -> memref<128x128xf32, #tpu.memory_space<vmem>>
      %dma_wait3A_182 = arith.constant 0 : i32
      %dma_wait3A_183 = tpu.memref_slice %arg8[%dma_wait3A_177, %dma_wait3A_182] : memref<8x128xi32, #tpu.memory_space<vmem>> -> memref<1x128xi32, #tpu.memory_space<vmem>>
      %dma_wait3A_184 = tpu.memref_squeeze %dma_wait3A_183 : memref<1x128xi32, #tpu.memory_space<vmem>> -> memref<128xi32, #tpu.memory_space<vmem>>
      %dma_wait3A_185 = arith.constant 0 : i32
      %dma_wait3A_186 = arith.constant 0 : i32
      %dma_wait3A_187 = tpu.memref_slice %arg6[%dma_wait3A_185, %dma_wait3A_186] : memref<10112x128xf32, #tpu.memory_space<vmem_shared>> -> memref<10112x128xf32, #tpu.memory_space<vmem_shared>>
      tpu.wait_indirect_dma semaphore(%arg12 : memref<!tpu.dma_semaphore, #tpu.memory_space<semaphore_mem>>) src(%dma_wait3A_181 : memref<128x128xf32, #tpu.memory_space<vmem>>) dst(%dma_wait3A_187 : memref<10112x128xf32, #tpu.memory_space<vmem_shared>>)
      %dma_start3A_188 = arith.constant 4 : i32
      %dma_start3A_189 = arith.constant 0 : i32
      %dma_start3A_190 = arith.constant 0 : i32
      %dma_start3A_191 = arith.constant 0 : i32
      %dma_start3A_192 = tpu.memref_slice %arg9[%dma_start3A_189, %dma_start3A_190, %dma_start3A_191] : memref<2x128x128xf32, #tpu.memory_space<vmem>> -> memref<1x128x128xf32, #tpu.memory_space<vmem>>
      %dma_start3A_193 = tpu.memref_squeeze %dma_start3A_192 : memref<1x128x128xf32, #tpu.memory_space<vmem>> -> memref<128x128xf32, #tpu.memory_space<vmem>>
      %dma_start3A_194 = arith.constant 0 : i32
      %dma_start3A_195 = tpu.memref_slice %arg7[%dma_start3A_188, %dma_start3A_194] : memref<8x128xi32, #tpu.memory_space<vmem>> -> memref<1x128xi32, #tpu.memory_space<vmem>>
      %dma_start3A_196 = tpu.memref_squeeze %dma_start3A_195 : memref<1x128xi32, #tpu.memory_space<vmem>> -> memref<128xi32, #tpu.memory_space<vmem>>
      %dma_start3A_197 = arith.constant 0 : i32
      %dma_start3A_198 = arith.constant 0 : i32
      %dma_start3A_199 = tpu.memref_slice %arg2[%dma_start3A_197, %dma_start3A_198] : memref<10000x128xf32, #tpu.memory_space<hbm>> -> memref<10000x128xf32, #tpu.memory_space<hbm>>
      tpu.enqueue_indirect_dma source(%dma_start3A_199 : memref<10000x128xf32, #tpu.memory_space<hbm>>) target(%dma_start3A_193 : memref<128x128xf32, #tpu.memory_space<vmem>>) offsets(%dma_start3A_196 : memref<128xi32, #tpu.memory_space<vmem>>) semaphore(%arg10 : memref<!tpu.dma_semaphore, #tpu.memory_space<semaphore_mem>>)
      %dma_wait3A_200 = arith.constant 3 : i32
      %dma_wait3A_201 = arith.constant 1 : i32
      %dma_wait3A_202 = arith.constant 0 : i32
      %dma_wait3A_203 = arith.constant 0 : i32
      %dma_wait3A_204 = tpu.memref_slice %arg9[%dma_wait3A_201, %dma_wait3A_202, %dma_wait3A_203] : memref<2x128x128xf32, #tpu.memory_space<vmem>> -> memref<1x128x128xf32, #tpu.memory_space<vmem>>
      %dma_wait3A_205 = tpu.memref_squeeze %dma_wait3A_204 : memref<1x128x128xf32, #tpu.memory_space<vmem>> -> memref<128x128xf32, #tpu.memory_space<vmem>>
      %dma_wait3A_206 = arith.constant 0 : i32
      %dma_wait3A_207 = tpu.memref_slice %arg7[%dma_wait3A_200, %dma_wait3A_206] : memref<8x128xi32, #tpu.memory_space<vmem>> -> memref<1x128xi32, #tpu.memory_space<vmem>>
      %dma_wait3A_208 = tpu.memref_squeeze %dma_wait3A_207 : memref<1x128xi32, #tpu.memory_space<vmem>> -> memref<128xi32, #tpu.memory_space<vmem>>
      %dma_wait3A_209 = arith.constant 0 : i32
      %dma_wait3A_210 = arith.constant 0 : i32
      %dma_wait3A_211 = tpu.memref_slice %arg2[%dma_wait3A_209, %dma_wait3A_210] : memref<10000x128xf32, #tpu.memory_space<hbm>> -> memref<10000x128xf32, #tpu.memory_space<hbm>>
      tpu.wait_indirect_dma semaphore(%arg11 : memref<!tpu.dma_semaphore, #tpu.memory_space<semaphore_mem>>) src(%dma_wait3A_211 : memref<10000x128xf32, #tpu.memory_space<hbm>>) dst(%dma_wait3A_205 : memref<128x128xf32, #tpu.memory_space<vmem>>)
      %dma_start3A_212 = arith.constant 1 : i32
      %dma_start3A_213 = arith.constant 3 : i32
      %dma_start3A_214 = arith.constant 0 : i32
      %dma_start3A_215 = arith.constant 0 : i32
      %dma_start3A_216 = tpu.memref_slice %arg9[%dma_start3A_212, %dma_start3A_214, %dma_start3A_215] : memref<2x128x128xf32, #tpu.memory_space<vmem>> -> memref<1x128x128xf32, #tpu.memory_space<vmem>>
      %dma_start3A_217 = tpu.memref_squeeze %dma_start3A_216 : memref<1x128x128xf32, #tpu.memory_space<vmem>> -> memref<128x128xf32, #tpu.memory_space<vmem>>
      %dma_start3A_218 = arith.constant 0 : i32
      %dma_start3A_219 = tpu.memref_slice %arg8[%dma_start3A_213, %dma_start3A_218] : memref<8x128xi32, #tpu.memory_space<vmem>> -> memref<1x128xi32, #tpu.memory_space<vmem>>
      %dma_start3A_220 = tpu.memref_squeeze %dma_start3A_219 : memref<1x128xi32, #tpu.memory_space<vmem>> -> memref<128xi32, #tpu.memory_space<vmem>>
      %dma_start3A_221 = arith.constant 0 : i32
      %dma_start3A_222 = arith.constant 0 : i32
      %dma_start3A_223 = tpu.memref_slice %arg6[%dma_start3A_221, %dma_start3A_222] : memref<10112x128xf32, #tpu.memory_space<vmem_shared>> -> memref<10112x128xf32, #tpu.memory_space<vmem_shared>>
      tpu.enqueue_indirect_dma source(%dma_start3A_217 : memref<128x128xf32, #tpu.memory_space<vmem>>) target(%dma_start3A_223 : memref<10112x128xf32, #tpu.memory_space<vmem_shared>>) offsets(%dma_start3A_220 : memref<128xi32, #tpu.memory_space<vmem>>) semaphore(%arg13 : memref<!tpu.dma_semaphore, #tpu.memory_space<semaphore_mem>>) {add = true}
      %dma_wait3A_224 = arith.constant 1 : i32
      %dma_wait3A_225 = arith.constant 3 : i32
      %dma_wait3A_226 = arith.constant 0 : i32
      %dma_wait3A_227 = arith.constant 0 : i32
      %dma_wait3A_228 = tpu.memref_slice %arg9[%dma_wait3A_224, %dma_wait3A_226, %dma_wait3A_227] : memref<2x128x128xf32, #tpu.memory_space<vmem>> -> memref<1x128x128xf32, #tpu.memory_space<vmem>>
      %dma_wait3A_229 = tpu.memref_squeeze %dma_wait3A_228 : memref<1x128x128xf32, #tpu.memory_space<vmem>> -> memref<128x128xf32, #tpu.memory_space<vmem>>
      %dma_wait3A_230 = arith.constant 0 : i32
      %dma_wait3A_231 = tpu.memref_slice %arg8[%dma_wait3A_225, %dma_wait3A_230] : memref<8x128xi32, #tpu.memory_space<vmem>> -> memref<1x128xi32, #tpu.memory_space<vmem>>
      %dma_wait3A_232 = tpu.memref_squeeze %dma_wait3A_231 : memref<1x128xi32, #tpu.memory_space<vmem>> -> memref<128xi32, #tpu.memory_space<vmem>>
      %dma_wait3A_233 = arith.constant 0 : i32
      %dma_wait3A_234 = arith.constant 0 : i32
      %dma_wait3A_235 = tpu.memref_slice %arg6[%dma_wait3A_233, %dma_wait3A_234] : memref<10112x128xf32, #tpu.memory_space<vmem_shared>> -> memref<10112x128xf32, #tpu.memory_space<vmem_shared>>
      tpu.wait_indirect_dma semaphore(%arg13 : memref<!tpu.dma_semaphore, #tpu.memory_space<semaphore_mem>>) src(%dma_wait3A_229 : memref<128x128xf32, #tpu.memory_space<vmem>>) dst(%dma_wait3A_235 : memref<10112x128xf32, #tpu.memory_space<vmem_shared>>)
      %dma_start3A_236 = arith.constant 5 : i32
      %dma_start3A_237 = arith.constant 1 : i32
      %dma_start3A_238 = arith.constant 0 : i32
      %dma_start3A_239 = arith.constant 0 : i32
      %dma_start3A_240 = tpu.memref_slice %arg9[%dma_start3A_237, %dma_start3A_238, %dma_start3A_239] : memref<2x128x128xf32, #tpu.memory_space<vmem>> -> memref<1x128x128xf32, #tpu.memory_space<vmem>>
      %dma_start3A_241 = tpu.memref_squeeze %dma_start3A_240 : memref<1x128x128xf32, #tpu.memory_space<vmem>> -> memref<128x128xf32, #tpu.memory_space<vmem>>
      %dma_start3A_242 = arith.constant 0 : i32
      %dma_start3A_243 = tpu.memref_slice %arg7[%dma_start3A_236, %dma_start3A_242] : memref<8x128xi32, #tpu.memory_space<vmem>> -> memref<1x128xi32, #tpu.memory_space<vmem>>
      %dma_start3A_244 = tpu.memref_squeeze %dma_start3A_243 : memref<1x128xi32, #tpu.memory_space<vmem>> -> memref<128xi32, #tpu.memory_space<vmem>>
      %dma_start3A_245 = arith.constant 0 : i32
      %dma_start3A_246 = arith.constant 0 : i32
      %dma_start3A_247 = tpu.memref_slice %arg2[%dma_start3A_245, %dma_start3A_246] : memref<10000x128xf32, #tpu.memory_space<hbm>> -> memref<10000x128xf32, #tpu.memory_space<hbm>>
      tpu.enqueue_indirect_dma source(%dma_start3A_247 : memref<10000x128xf32, #tpu.memory_space<hbm>>) target(%dma_start3A_241 : memref<128x128xf32, #tpu.memory_space<vmem>>) offsets(%dma_start3A_244 : memref<128xi32, #tpu.memory_space<vmem>>) semaphore(%arg11 : memref<!tpu.dma_semaphore, #tpu.memory_space<semaphore_mem>>)
      %dma_wait3A_248 = arith.constant 4 : i32
      %dma_wait3A_249 = arith.constant 0 : i32
      %dma_wait3A_250 = arith.constant 0 : i32
      %dma_wait3A_251 = arith.constant 0 : i32
      %dma_wait3A_252 = tpu.memref_slice %arg9[%dma_wait3A_249, %dma_wait3A_250, %dma_wait3A_251] : memref<2x128x128xf32, #tpu.memory_space<vmem>> -> memref<1x128x128xf32, #tpu.memory_space<vmem>>
      %dma_wait3A_253 = tpu.memref_squeeze %dma_wait3A_252 : memref<1x128x128xf32, #tpu.memory_space<vmem>> -> memref<128x128xf32, #tpu.memory_space<vmem>>
      %dma_wait3A_254 = arith.constant 0 : i32
      %dma_wait3A_255 = tpu.memref_slice %arg7[%dma_wait3A_248, %dma_wait3A_254] : memref<8x128xi32, #tpu.memory_space<vmem>> -> memref<1x128xi32, #tpu.memory_space<vmem>>
      %dma_wait3A_256 = tpu.memref_squeeze %dma_wait3A_255 : memref<1x128xi32, #tpu.memory_space<vmem>> -> memref<128xi32, #tpu.memory_space<vmem>>
      %dma_wait3A_257 = arith.constant 0 : i32
      %dma_wait3A_258 = arith.constant 0 : i32
      %dma_wait3A_259 = tpu.memref_slice %arg2[%dma_wait3A_257, %dma_wait3A_258] : memref<10000x128xf32, #tpu.memory_space<hbm>> -> memref<10000x128xf32, #tpu.memory_space<hbm>>
      tpu.wait_indirect_dma semaphore(%arg10 : memref<!tpu.dma_semaphore, #tpu.memory_space<semaphore_mem>>) src(%dma_wait3A_259 : memref<10000x128xf32, #tpu.memory_space<hbm>>) dst(%dma_wait3A_253 : memref<128x128xf32, #tpu.memory_space<vmem>>)
      %dma_start3A_260 = arith.constant 0 : i32
      %dma_start3A_261 = arith.constant 4 : i32
      %dma_start3A_262 = arith.constant 0 : i32
      %dma_start3A_263 = arith.constant 0 : i32
      %dma_start3A_264 = tpu.memref_slice %arg9[%dma_start3A_260, %dma_start3A_262, %dma_start3A_263] : memref<2x128x128xf32, #tpu.memory_space<vmem>> -> memref<1x128x128xf32, #tpu.memory_space<vmem>>
      %dma_start3A_265 = tpu.memref_squeeze %dma_start3A_264 : memref<1x128x128xf32, #tpu.memory_space<vmem>> -> memref<128x128xf32, #tpu.memory_space<vmem>>
      %dma_start3A_266 = arith.constant 0 : i32
      %dma_start3A_267 = tpu.memref_slice %arg8[%dma_start3A_261, %dma_start3A_266] : memref<8x128xi32, #tpu.memory_space<vmem>> -> memref<1x128xi32, #tpu.memory_space<vmem>>
      %dma_start3A_268 = tpu.memref_squeeze %dma_start3A_267 : memref<1x128xi32, #tpu.memory_space<vmem>> -> memref<128xi32, #tpu.memory_space<vmem>>
      %dma_start3A_269 = arith.constant 0 : i32
      %dma_start3A_270 = arith.constant 0 : i32
      %dma_start3A_271 = tpu.memref_slice %arg6[%dma_start3A_269, %dma_start3A_270] : memref<10112x128xf32, #tpu.memory_space<vmem_shared>> -> memref<10112x128xf32, #tpu.memory_space<vmem_shared>>
      tpu.enqueue_indirect_dma source(%dma_start3A_265 : memref<128x128xf32, #tpu.memory_space<vmem>>) target(%dma_start3A_271 : memref<10112x128xf32, #tpu.memory_space<vmem_shared>>) offsets(%dma_start3A_268 : memref<128xi32, #tpu.memory_space<vmem>>) semaphore(%arg12 : memref<!tpu.dma_semaphore, #tpu.memory_space<semaphore_mem>>) {add = true}
      %dma_wait3A_272 = arith.constant 0 : i32
      %dma_wait3A_273 = arith.constant 4 : i32
      %dma_wait3A_274 = arith.constant 0 : i32
      %dma_wait3A_275 = arith.constant 0 : i32
      %dma_wait3A_276 = tpu.memref_slice %arg9[%dma_wait3A_272, %dma_wait3A_274, %dma_wait3A_275] : memref<2x128x128xf32, #tpu.memory_space<vmem>> -> memref<1x128x128xf32, #tpu.memory_space<vmem>>
      %dma_wait3A_277 = tpu.memref_squeeze %dma_wait3A_276 : memref<1x128x128xf32, #tpu.memory_space<vmem>> -> memref<128x128xf32, #tpu.memory_space<vmem>>
      %dma_wait3A_278 = arith.constant 0 : i32
      %dma_wait3A_279 = tpu.memref_slice %arg8[%dma_wait3A_273, %dma_wait3A_278] : memref<8x128xi32, #tpu.memory_space<vmem>> -> memref<1x128xi32, #tpu.memory_space<vmem>>
      %dma_wait3A_280 = tpu.memref_squeeze %dma_wait3A_279 : memref<1x128xi32, #tpu.memory_space<vmem>> -> memref<128xi32, #tpu.memory_space<vmem>>
      %dma_wait3A_281 = arith.constant 0 : i32
      %dma_wait3A_282 = arith.constant 0 : i32
      %dma_wait3A_283 = tpu.memref_slice %arg6[%dma_wait3A_281, %dma_wait3A_282] : memref<10112x128xf32, #tpu.memory_space<vmem_shared>> -> memref<10112x128xf32, #tpu.memory_space<vmem_shared>>
      tpu.wait_indirect_dma semaphore(%arg12 : memref<!tpu.dma_semaphore, #tpu.memory_space<semaphore_mem>>) src(%dma_wait3A_277 : memref<128x128xf32, #tpu.memory_space<vmem>>) dst(%dma_wait3A_283 : memref<10112x128xf32, #tpu.memory_space<vmem_shared>>)
      %dma_start3A_284 = arith.constant 6 : i32
      %dma_start3A_285 = arith.constant 0 : i32
      %dma_start3A_286 = arith.constant 0 : i32
      %dma_start3A_287 = arith.constant 0 : i32
      %dma_start3A_288 = tpu.memref_slice %arg9[%dma_start3A_285, %dma_start3A_286, %dma_start3A_287] : memref<2x128x128xf32, #tpu.memory_space<vmem>> -> memref<1x128x128xf32, #tpu.memory_space<vmem>>
      %dma_start3A_289 = tpu.memref_squeeze %dma_start3A_288 : memref<1x128x128xf32, #tpu.memory_space<vmem>> -> memref<128x128xf32, #tpu.memory_space<vmem>>
      %dma_start3A_290 = arith.constant 0 : i32
      %dma_start3A_291 = tpu.memref_slice %arg7[%dma_start3A_284, %dma_start3A_290] : memref<8x128xi32, #tpu.memory_space<vmem>> -> memref<1x128xi32, #tpu.memory_space<vmem>>
      %dma_start3A_292 = tpu.memref_squeeze %dma_start3A_291 : memref<1x128xi32, #tpu.memory_space<vmem>> -> memref<128xi32, #tpu.memory_space<vmem>>
      %dma_start3A_293 = arith.constant 0 : i32
      %dma_start3A_294 = arith.constant 0 : i32
      %dma_start3A_295 = tpu.memref_slice %arg2[%dma_start3A_293, %dma_start3A_294] : memref<10000x128xf32, #tpu.memory_space<hbm>> -> memref<10000x128xf32, #tpu.memory_space<hbm>>
      tpu.enqueue_indirect_dma source(%dma_start3A_295 : memref<10000x128xf32, #tpu.memory_space<hbm>>) target(%dma_start3A_289 : memref<128x128xf32, #tpu.memory_space<vmem>>) offsets(%dma_start3A_292 : memref<128xi32, #tpu.memory_space<vmem>>) semaphore(%arg10 : memref<!tpu.dma_semaphore, #tpu.memory_space<semaphore_mem>>)
      %dma_wait3A_296 = arith.constant 5 : i32
      %dma_wait3A_297 = arith.constant 1 : i32
      %dma_wait3A_298 = arith.constant 0 : i32
      %dma_wait3A_299 = arith.constant 0 : i32
      %dma_wait3A_300 = tpu.memref_slice %arg9[%dma_wait3A_297, %dma_wait3A_298, %dma_wait3A_299] : memref<2x128x128xf32, #tpu.memory_space<vmem>> -> memref<1x128x128xf32, #tpu.memory_space<vmem>>
      %dma_wait3A_301 = tpu.memref_squeeze %dma_wait3A_300 : memref<1x128x128xf32, #tpu.memory_space<vmem>> -> memref<128x128xf32, #tpu.memory_space<vmem>>
      %dma_wait3A_302 = arith.constant 0 : i32
      %dma_wait3A_303 = tpu.memref_slice %arg7[%dma_wait3A_296, %dma_wait3A_302] : memref<8x128xi32, #tpu.memory_space<vmem>> -> memref<1x128xi32, #tpu.memory_space<vmem>>
      %dma_wait3A_304 = tpu.memref_squeeze %dma_wait3A_303 : memref<1x128xi32, #tpu.memory_space<vmem>> -> memref<128xi32, #tpu.memory_space<vmem>>
      %dma_wait3A_305 = arith.constant 0 : i32
      %dma_wait3A_306 = arith.constant 0 : i32
      %dma_wait3A_307 = tpu.memref_slice %arg2[%dma_wait3A_305, %dma_wait3A_306] : memref<10000x128xf32, #tpu.memory_space<hbm>> -> memref<10000x128xf32, #tpu.memory_space<hbm>>
      tpu.wait_indirect_dma semaphore(%arg11 : memref<!tpu.dma_semaphore, #tpu.memory_space<semaphore_mem>>) src(%dma_wait3A_307 : memref<10000x128xf32, #tpu.memory_space<hbm>>) dst(%dma_wait3A_301 : memref<128x128xf32, #tpu.memory_space<vmem>>)
      %dma_start3A_308 = arith.constant 1 : i32
      %dma_start3A_309 = arith.constant 5 : i32
      %dma_start3A_310 = arith.constant 0 : i32
      %dma_start3A_311 = arith.constant 0 : i32
      %dma_start3A_312 = tpu.memref_slice %arg9[%dma_start3A_308, %dma_start3A_310, %dma_start3A_311] : memref<2x128x128xf32, #tpu.memory_space<vmem>> -> memref<1x128x128xf32, #tpu.memory_space<vmem>>
      %dma_start3A_313 = tpu.memref_squeeze %dma_start3A_312 : memref<1x128x128xf32, #tpu.memory_space<vmem>> -> memref<128x128xf32, #tpu.memory_space<vmem>>
      %dma_start3A_314 = arith.constant 0 : i32
      %dma_start3A_315 = tpu.memref_slice %arg8[%dma_start3A_309, %dma_start3A_314] : memref<8x128xi32, #tpu.memory_space<vmem>> -> memref<1x128xi32, #tpu.memory_space<vmem>>
      %dma_start3A_316 = tpu.memref_squeeze %dma_start3A_315 : memref<1x128xi32, #tpu.memory_space<vmem>> -> memref<128xi32, #tpu.memory_space<vmem>>
      %dma_start3A_317 = arith.constant 0 : i32
      %dma_start3A_318 = arith.constant 0 : i32
      %dma_start3A_319 = tpu.memref_slice %arg6[%dma_start3A_317, %dma_start3A_318] : memref<10112x128xf32, #tpu.memory_space<vmem_shared>> -> memref<10112x128xf32, #tpu.memory_space<vmem_shared>>
      tpu.enqueue_indirect_dma source(%dma_start3A_313 : memref<128x128xf32, #tpu.memory_space<vmem>>) target(%dma_start3A_319 : memref<10112x128xf32, #tpu.memory_space<vmem_shared>>) offsets(%dma_start3A_316 : memref<128xi32, #tpu.memory_space<vmem>>) semaphore(%arg13 : memref<!tpu.dma_semaphore, #tpu.memory_space<semaphore_mem>>) {add = true}
      %dma_wait3A_320 = arith.constant 1 : i32
      %dma_wait3A_321 = arith.constant 5 : i32
      %dma_wait3A_322 = arith.constant 0 : i32
      %dma_wait3A_323 = arith.constant 0 : i32
      %dma_wait3A_324 = tpu.memref_slice %arg9[%dma_wait3A_320, %dma_wait3A_322, %dma_wait3A_323] : memref<2x128x128xf32, #tpu.memory_space<vmem>> -> memref<1x128x128xf32, #tpu.memory_space<vmem>>
      %dma_wait3A_325 = tpu.memref_squeeze %dma_wait3A_324 : memref<1x128x128xf32, #tpu.memory_space<vmem>> -> memref<128x128xf32, #tpu.memory_space<vmem>>
      %dma_wait3A_326 = arith.constant 0 : i32
      %dma_wait3A_327 = tpu.memref_slice %arg8[%dma_wait3A_321, %dma_wait3A_326] : memref<8x128xi32, #tpu.memory_space<vmem>> -> memref<1x128xi32, #tpu.memory_space<vmem>>
      %dma_wait3A_328 = tpu.memref_squeeze %dma_wait3A_327 : memref<1x128xi32, #tpu.memory_space<vmem>> -> memref<128xi32, #tpu.memory_space<vmem>>
      %dma_wait3A_329 = arith.constant 0 : i32
      %dma_wait3A_330 = arith.constant 0 : i32
      %dma_wait3A_331 = tpu.memref_slice %arg6[%dma_wait3A_329, %dma_wait3A_330] : memref<10112x128xf32, #tpu.memory_space<vmem_shared>> -> memref<10112x128xf32, #tpu.memory_space<vmem_shared>>
      tpu.wait_indirect_dma semaphore(%arg13 : memref<!tpu.dma_semaphore, #tpu.memory_space<semaphore_mem>>) src(%dma_wait3A_325 : memref<128x128xf32, #tpu.memory_space<vmem>>) dst(%dma_wait3A_331 : memref<10112x128xf32, #tpu.memory_space<vmem_shared>>)
      %dma_start3A_332 = arith.constant 7 : i32
      %dma_start3A_333 = arith.constant 1 : i32
      %dma_start3A_334 = arith.constant 0 : i32
      %dma_start3A_335 = arith.constant 0 : i32
      %dma_start3A_336 = tpu.memref_slice %arg9[%dma_start3A_333, %dma_start3A_334, %dma_start3A_335] : memref<2x128x128xf32, #tpu.memory_space<vmem>> -> memref<1x128x128xf32, #tpu.memory_space<vmem>>
      %dma_start3A_337 = tpu.memref_squeeze %dma_start3A_336 : memref<1x128x128xf32, #tpu.memory_space<vmem>> -> memref<128x128xf32, #tpu.memory_space<vmem>>
      %dma_start3A_338 = arith.constant 0 : i32
      %dma_start3A_339 = tpu.memref_slice %arg7[%dma_start3A_332, %dma_start3A_338] : memref<8x128xi32, #tpu.memory_space<vmem>> -> memref<1x128xi32, #tpu.memory_space<vmem>>
      %dma_start3A_340 = tpu.memref_squeeze %dma_start3A_339 : memref<1x128xi32, #tpu.memory_space<vmem>> -> memref<128xi32, #tpu.memory_space<vmem>>
      %dma_start3A_341 = arith.constant 0 : i32
      %dma_start3A_342 = arith.constant 0 : i32
      %dma_start3A_343 = tpu.memref_slice %arg2[%dma_start3A_341, %dma_start3A_342] : memref<10000x128xf32, #tpu.memory_space<hbm>> -> memref<10000x128xf32, #tpu.memory_space<hbm>>
      tpu.enqueue_indirect_dma source(%dma_start3A_343 : memref<10000x128xf32, #tpu.memory_space<hbm>>) target(%dma_start3A_337 : memref<128x128xf32, #tpu.memory_space<vmem>>) offsets(%dma_start3A_340 : memref<128xi32, #tpu.memory_space<vmem>>) semaphore(%arg11 : memref<!tpu.dma_semaphore, #tpu.memory_space<semaphore_mem>>)
      %dma_wait3A_344 = arith.constant 6 : i32
      %dma_wait3A_345 = arith.constant 0 : i32
      %dma_wait3A_346 = arith.constant 0 : i32
      %dma_wait3A_347 = arith.constant 0 : i32
      %dma_wait3A_348 = tpu.memref_slice %arg9[%dma_wait3A_345, %dma_wait3A_346, %dma_wait3A_347] : memref<2x128x128xf32, #tpu.memory_space<vmem>> -> memref<1x128x128xf32, #tpu.memory_space<vmem>>
      %dma_wait3A_349 = tpu.memref_squeeze %dma_wait3A_348 : memref<1x128x128xf32, #tpu.memory_space<vmem>> -> memref<128x128xf32, #tpu.memory_space<vmem>>
      %dma_wait3A_350 = arith.constant 0 : i32
      %dma_wait3A_351 = tpu.memref_slice %arg7[%dma_wait3A_344, %dma_wait3A_350] : memref<8x128xi32, #tpu.memory_space<vmem>> -> memref<1x128xi32, #tpu.memory_space<vmem>>
      %dma_wait3A_352 = tpu.memref_squeeze %dma_wait3A_351 : memref<1x128xi32, #tpu.memory_space<vmem>> -> memref<128xi32, #tpu.memory_space<vmem>>
      %dma_wait3A_353 = arith.constant 0 : i32
      %dma_wait3A_354 = arith.constant 0 : i32
      %dma_wait3A_355 = tpu.memref_slice %arg2[%dma_wait3A_353, %dma_wait3A_354] : memref<10000x128xf32, #tpu.memory_space<hbm>> -> memref<10000x128xf32, #tpu.memory_space<hbm>>
      tpu.wait_indirect_dma semaphore(%arg10 : memref<!tpu.dma_semaphore, #tpu.memory_space<semaphore_mem>>) src(%dma_wait3A_355 : memref<10000x128xf32, #tpu.memory_space<hbm>>) dst(%dma_wait3A_349 : memref<128x128xf32, #tpu.memory_space<vmem>>)
      %dma_start3A_356 = arith.constant 0 : i32
      %dma_start3A_357 = arith.constant 6 : i32
      %dma_start3A_358 = arith.constant 0 : i32
      %dma_start3A_359 = arith.constant 0 : i32
      %dma_start3A_360 = tpu.memref_slice %arg9[%dma_start3A_356, %dma_start3A_358, %dma_start3A_359] : memref<2x128x128xf32, #tpu.memory_space<vmem>> -> memref<1x128x128xf32, #tpu.memory_space<vmem>>
      %dma_start3A_361 = tpu.memref_squeeze %dma_start3A_360 : memref<1x128x128xf32, #tpu.memory_space<vmem>> -> memref<128x128xf32, #tpu.memory_space<vmem>>
      %dma_start3A_362 = arith.constant 0 : i32
      %dma_start3A_363 = tpu.memref_slice %arg8[%dma_start3A_357, %dma_start3A_362] : memref<8x128xi32, #tpu.memory_space<vmem>> -> memref<1x128xi32, #tpu.memory_space<vmem>>
      %dma_start3A_364 = tpu.memref_squeeze %dma_start3A_363 : memref<1x128xi32, #tpu.memory_space<vmem>> -> memref<128xi32, #tpu.memory_space<vmem>>
      %dma_start3A_365 = arith.constant 0 : i32
      %dma_start3A_366 = arith.constant 0 : i32
      %dma_start3A_367 = tpu.memref_slice %arg6[%dma_start3A_365, %dma_start3A_366] : memref<10112x128xf32, #tpu.memory_space<vmem_shared>> -> memref<10112x128xf32, #tpu.memory_space<vmem_shared>>
      tpu.enqueue_indirect_dma source(%dma_start3A_361 : memref<128x128xf32, #tpu.memory_space<vmem>>) target(%dma_start3A_367 : memref<10112x128xf32, #tpu.memory_space<vmem_shared>>) offsets(%dma_start3A_364 : memref<128xi32, #tpu.memory_space<vmem>>) semaphore(%arg12 : memref<!tpu.dma_semaphore, #tpu.memory_space<semaphore_mem>>) {add = true}
      %dma_wait3A_368 = arith.constant 7 : i32
      %dma_wait3A_369 = arith.constant 1 : i32
      %dma_wait3A_370 = arith.constant 0 : i32
      %dma_wait3A_371 = arith.constant 0 : i32
      %dma_wait3A_372 = tpu.memref_slice %arg9[%dma_wait3A_369, %dma_wait3A_370, %dma_wait3A_371] : memref<2x128x128xf32, #tpu.memory_space<vmem>> -> memref<1x128x128xf32, #tpu.memory_space<vmem>>
      %dma_wait3A_373 = tpu.memref_squeeze %dma_wait3A_372 : memref<1x128x128xf32, #tpu.memory_space<vmem>> -> memref<128x128xf32, #tpu.memory_space<vmem>>
      %dma_wait3A_374 = arith.constant 0 : i32
      %dma_wait3A_375 = tpu.memref_slice %arg7[%dma_wait3A_368, %dma_wait3A_374] : memref<8x128xi32, #tpu.memory_space<vmem>> -> memref<1x128xi32, #tpu.memory_space<vmem>>
      %dma_wait3A_376 = tpu.memref_squeeze %dma_wait3A_375 : memref<1x128xi32, #tpu.memory_space<vmem>> -> memref<128xi32, #tpu.memory_space<vmem>>
      %dma_wait3A_377 = arith.constant 0 : i32
      %dma_wait3A_378 = arith.constant 0 : i32
      %dma_wait3A_379 = tpu.memref_slice %arg2[%dma_wait3A_377, %dma_wait3A_378] : memref<10000x128xf32, #tpu.memory_space<hbm>> -> memref<10000x128xf32, #tpu.memory_space<hbm>>
      tpu.wait_indirect_dma semaphore(%arg11 : memref<!tpu.dma_semaphore, #tpu.memory_space<semaphore_mem>>) src(%dma_wait3A_379 : memref<10000x128xf32, #tpu.memory_space<hbm>>) dst(%dma_wait3A_373 : memref<128x128xf32, #tpu.memory_space<vmem>>)
      %dma_start3A_380 = arith.constant 1 : i32
      %dma_start3A_381 = arith.constant 7 : i32
      %dma_start3A_382 = arith.constant 0 : i32
      %dma_start3A_383 = arith.constant 0 : i32
      %dma_start3A_384 = tpu.memref_slice %arg9[%dma_start3A_380, %dma_start3A_382, %dma_start3A_383] : memref<2x128x128xf32, #tpu.memory_space<vmem>> -> memref<1x128x128xf32, #tpu.memory_space<vmem>>
      %dma_start3A_385 = tpu.memref_squeeze %dma_start3A_384 : memref<1x128x128xf32, #tpu.memory_space<vmem>> -> memref<128x128xf32, #tpu.memory_space<vmem>>
      %dma_start3A_386 = arith.constant 0 : i32
      %dma_start3A_387 = tpu.memref_slice %arg8[%dma_start3A_381, %dma_start3A_386] : memref<8x128xi32, #tpu.memory_space<vmem>> -> memref<1x128xi32, #tpu.memory_space<vmem>>
      %dma_start3A_388 = tpu.memref_squeeze %dma_start3A_387 : memref<1x128xi32, #tpu.memory_space<vmem>> -> memref<128xi32, #tpu.memory_space<vmem>>
      %dma_start3A_389 = arith.constant 0 : i32
      %dma_start3A_390 = arith.constant 0 : i32
      %dma_start3A_391 = tpu.memref_slice %arg6[%dma_start3A_389, %dma_start3A_390] : memref<10112x128xf32, #tpu.memory_space<vmem_shared>> -> memref<10112x128xf32, #tpu.memory_space<vmem_shared>>
      tpu.enqueue_indirect_dma source(%dma_start3A_385 : memref<128x128xf32, #tpu.memory_space<vmem>>) target(%dma_start3A_391 : memref<10112x128xf32, #tpu.memory_space<vmem_shared>>) offsets(%dma_start3A_388 : memref<128xi32, #tpu.memory_space<vmem>>) semaphore(%arg13 : memref<!tpu.dma_semaphore, #tpu.memory_space<semaphore_mem>>) {add = true}
      %dma_wait3A_392 = arith.constant 0 : i32
      %dma_wait3A_393 = arith.constant 6 : i32
      %dma_wait3A_394 = arith.constant 0 : i32
      %dma_wait3A_395 = arith.constant 0 : i32
      %dma_wait3A_396 = tpu.memref_slice %arg9[%dma_wait3A_392, %dma_wait3A_394, %dma_wait3A_395] : memref<2x128x128xf32, #tpu.memory_space<vmem>> -> memref<1x128x128xf32, #tpu.memory_space<vmem>>
      %dma_wait3A_397 = tpu.memref_squeeze %dma_wait3A_396 : memref<1x128x128xf32, #tpu.memory_space<vmem>> -> memref<128x128xf32, #tpu.memory_space<vmem>>
      %dma_wait3A_398 = arith.constant 0 : i32
      %dma_wait3A_399 = tpu.memref_slice %arg8[%dma_wait3A_393, %dma_wait3A_398] : memref<8x128xi32, #tpu.memory_space<vmem>> -> memref<1x128xi32, #tpu.memory_space<vmem>>
      %dma_wait3A_400 = tpu.memref_squeeze %dma_wait3A_399 : memref<1x128xi32, #tpu.memory_space<vmem>> -> memref<128xi32, #tpu.memory_space<vmem>>
      %dma_wait3A_401 = arith.constant 0 : i32
      %dma_wait3A_402 = arith.constant 0 : i32
      %dma_wait3A_403 = tpu.memref_slice %arg6[%dma_wait3A_401, %dma_wait3A_402] : memref<10112x128xf32, #tpu.memory_space<vmem_shared>> -> memref<10112x128xf32, #tpu.memory_space<vmem_shared>>
      tpu.wait_indirect_dma semaphore(%arg12 : memref<!tpu.dma_semaphore, #tpu.memory_space<semaphore_mem>>) src(%dma_wait3A_397 : memref<128x128xf32, #tpu.memory_space<vmem>>) dst(%dma_wait3A_403 : memref<10112x128xf32, #tpu.memory_space<vmem_shared>>)
      %dma_wait3A_404 = arith.constant 1 : i32
      %dma_wait3A_405 = arith.constant 7 : i32
      %dma_wait3A_406 = arith.constant 0 : i32
      %dma_wait3A_407 = arith.constant 0 : i32
      %dma_wait3A_408 = tpu.memref_slice %arg9[%dma_wait3A_404, %dma_wait3A_406, %dma_wait3A_407] : memref<2x128x128xf32, #tpu.memory_space<vmem>> -> memref<1x128x128xf32, #tpu.memory_space<vmem>>
      %dma_wait3A_409 = tpu.memref_squeeze %dma_wait3A_408 : memref<1x128x128xf32, #tpu.memory_space<vmem>> -> memref<128x128xf32, #tpu.memory_space<vmem>>
      %dma_wait3A_410 = arith.constant 0 : i32
      %dma_wait3A_411 = tpu.memref_slice %arg8[%dma_wait3A_405, %dma_wait3A_410] : memref<8x128xi32, #tpu.memory_space<vmem>> -> memref<1x128xi32, #tpu.memory_space<vmem>>
      %dma_wait3A_412 = tpu.memref_squeeze %dma_wait3A_411 : memref<1x128xi32, #tpu.memory_space<vmem>> -> memref<128xi32, #tpu.memory_space<vmem>>
      %dma_wait3A_413 = arith.constant 0 : i32
      %dma_wait3A_414 = arith.constant 0 : i32
      %dma_wait3A_415 = tpu.memref_slice %arg6[%dma_wait3A_413, %dma_wait3A_414] : memref<10112x128xf32, #tpu.memory_space<vmem_shared>> -> memref<10112x128xf32, #tpu.memory_space<vmem_shared>>
      tpu.wait_indirect_dma semaphore(%arg13 : memref<!tpu.dma_semaphore, #tpu.memory_space<semaphore_mem>>) src(%dma_wait3A_409 : memref<128x128xf32, #tpu.memory_space<vmem>>) dst(%dma_wait3A_415 : memref<10112x128xf32, #tpu.memory_space<vmem_shared>>)
      %scan3A_416 = arith.constant 0 : i32
      scf.yield %scan3A_416 : i32
    }
    %scan3A_26 = arith.constant 10 : i32
    %barrier3A_27 = arith.constant 0 : index
    tpu.barrier barrier_id(%barrier3A_27)
    "tpu.region"() ({
      %run_scoped3A_28 = tpu.sem_alloc : memref<!tpu.dma_semaphore, #tpu.memory_space<semaphore_mem>>
      %dma_start3A = arith.constant 0 : i32
      %dma_start3A_29 = arith.constant 0 : i32
      %dma_start3A_30 = tpu.memref_slice %arg5[%arg0, %dma_start3A, %dma_start3A_29] : memref<2x10112x128xf32, #tpu.memory_space<hbm>> -> memref<1x10112x128xf32, #tpu.memory_space<hbm>>
      %dma_start3A_31 = tpu.memref_squeeze %dma_start3A_30 : memref<1x10112x128xf32, #tpu.memory_space<hbm>> -> memref<10112x128xf32, #tpu.memory_space<hbm>>
      %dma_start3A_32 = arith.constant 0 : i32
      %dma_start3A_33 = tpu.memref_slice %dma_start3A_31[%mul3A_2, %dma_start3A_32] : memref<10112x128xf32, #tpu.memory_space<hbm>> -> memref<632x128xf32, #tpu.memory_space<hbm>>
      %dma_start3A_34 = arith.constant 0 : i32
      %dma_start3A_35 = tpu.memref_slice %arg6[%mul3A_2, %dma_start3A_34] : memref<10112x128xf32, #tpu.memory_space<vmem_shared>> -> memref<632x128xf32, #tpu.memory_space<vmem_shared>>
      tpu.enqueue_dma source(%dma_start3A_35 : memref<632x128xf32, #tpu.memory_space<vmem_shared>>) target(%dma_start3A_33 : memref<632x128xf32, #tpu.memory_space<hbm>>) target_semaphore(%run_scoped3A_28 : memref<!tpu.dma_semaphore, #tpu.memory_space<semaphore_mem>>)
      %dma_wait3A = arith.constant 0 : i32
      %dma_wait3A_36 = arith.constant 0 : i32
      %dma_wait3A_37 = tpu.memref_slice %arg5[%arg0, %dma_wait3A, %dma_wait3A_36] : memref<2x10112x128xf32, #tpu.memory_space<hbm>> -> memref<1x10112x128xf32, #tpu.memory_space<hbm>>
      %dma_wait3A_38 = tpu.memref_squeeze %dma_wait3A_37 : memref<1x10112x128xf32, #tpu.memory_space<hbm>> -> memref<10112x128xf32, #tpu.memory_space<hbm>>
      %dma_wait3A_39 = arith.constant 0 : i32
      %dma_wait3A_40 = tpu.memref_slice %dma_wait3A_38[%mul3A_2, %dma_wait3A_39] : memref<10112x128xf32, #tpu.memory_space<hbm>> -> memref<632x128xf32, #tpu.memory_space<hbm>>
      %dma_wait3A_41 = arith.constant 0 : i32
      %dma_wait3A_42 = tpu.memref_slice %arg6[%mul3A_2, %dma_wait3A_41] : memref<10112x128xf32, #tpu.memory_space<vmem_shared>> -> memref<632x128xf32, #tpu.memory_space<vmem_shared>>
      tpu.wait_dma2 semaphore(%run_scoped3A_28 : memref<!tpu.dma_semaphore, #tpu.memory_space<semaphore_mem>>) src(%dma_wait3A_42 : memref<632x128xf32, #tpu.memory_space<vmem_shared>>) dst(%dma_wait3A_40 : memref<632x128xf32, #tpu.memory_space<hbm>>)
      tpu.yield
    }) : () -> ()
    return
  }
}

#map = affine_map<(d0, d1) -> (0, 0)>
#map1 = affine_map<(d0, d1) -> (0, 0, 0)>
module attributes {stable_mosaic.version = 14 : i64} {
  func.func @body(%arg0: i32, %arg1: i32, %arg2: memref<10000x128xf32, #tpu.memory_space<hbm>>, %arg3: memref<32x80x128xi32, #tpu.memory_space<hbm>>, %arg4: memref<32x80x128xi32, #tpu.memory_space<hbm>>, %arg5: memref<2x10112x128xf32, #tpu.memory_space<hbm>>, %arg6: memref<10112x128xf32, #tpu.memory_space<vmem_shared>>, %arg7: memref<8x128xi32, #tpu.memory_space<vmem>>, %arg8: memref<8x128xi32, #tpu.memory_space<vmem>>, %arg9: memref<2x128x128xf32, #tpu.memory_space<vmem>>, %arg10: memref<!tpu.dma_semaphore, #tpu.memory_space<semaphore_mem>>, %arg11: memref<!tpu.dma_semaphore, #tpu.memory_space<semaphore_mem>>, %arg12: memref<!tpu.dma_semaphore, #tpu.memory_space<semaphore_mem>>, %arg13: memref<!tpu.dma_semaphore, #tpu.memory_space<semaphore_mem>>) attributes {dimension_semantics = [#tpu.dimension_semantics<core_parallel>, #tpu.dimension_semantics<subcore_parallel>], iteration_bounds = array<i64: 2, 16>, scalar_prefetch = 0 : i64, scratch_operands = 8 : i64, tpu.core_type = #tpu.core_type<sc_vector_subcore>, window_params = [{transform_indices = #map}, {transform_indices = #map1}, {transform_indices = #map1}, {transform_indices = #map1}]} {
    %mul3A = arith.constant 2 : i32
    %mul3A_0 = arith.muli %arg1, %mul3A : i32
    %add3A = arith.addi %mul3A_0, %arg0 : i32
    %mul3A_1 = arith.constant 632 : i32
    %mul3A_2 = arith.muli %arg1, %mul3A_1 : i32
    %scan3A = arith.constant 0 : i32
    %scan3A_3 = arith.constant 0 : i32
    %scan3A_4 = arith.constant 0 : i32
    %scan3A_5 = arith.constant 128 : i32
    %scan3A_6 = arith.addi %scan3A_4, %scan3A_5 : i32
    %scan3A_7 = arith.constant 1 : i32
    %scan3A_8 = scf.for %scan3A_28 = %scan3A_4 to %scan3A_6 step %scan3A_7 iter_args(%scan3A_29 = %scan3A_3) -> (i32)  : i32 {
      %broadcast_in_dim3A = arith.constant 0.000000e+00 : f32
      %broadcast_in_dim3A_30 = vector.broadcast %broadcast_in_dim3A : f32 to vector<16xf32>
      %swap3A = arith.constant 0 : i32
      %swap3A_31 = arith.constant 0 : i32
      %swap3A_32 = tpu.memref_slice %arg9[%scan3A, %swap3A, %swap3A_31] : memref<2x128x128xf32, #tpu.memory_space<vmem>> -> memref<1x128x128xf32, #tpu.memory_space<vmem>>
      %swap3A_33 = tpu.memref_squeeze %swap3A_32 : memref<1x128x128xf32, #tpu.memory_space<vmem>> -> memref<128x128xf32, #tpu.memory_space<vmem>>
      %swap3A_34 = arith.index_cast %scan3A_28 : i32 to index
      %swap3A_35 = arith.constant 0 : index
      %swap3A_36 = tpu.vector_load %swap3A_33[%swap3A_34, %swap3A_35] {strides = array<i32>} : memref<128x128xf32, #tpu.memory_space<vmem>>, vector<1x16xf32>,
      %swap3A_37 = vector.shape_cast %swap3A_36 : vector<1x16xf32> to vector<16xf32>
      %swap3A_38 = vector.shape_cast %broadcast_in_dim3A_30 : vector<16xf32> to vector<1x16xf32>
      tpu.vector_store %swap3A_33[%swap3A_34, %swap3A_35], %swap3A_38 {strides = array<i32>} : memref<128x128xf32, #tpu.memory_space<vmem>>, vector<1x16xf32>,
      %swap3A_39 = arith.constant 0 : i32
      %swap3A_40 = arith.constant 0 : i32
      %swap3A_41 = tpu.memref_slice %arg9[%scan3A, %swap3A_39, %swap3A_40] : memref<2x128x128xf32, #tpu.memory_space<vmem>> -> memref<1x128x128xf32, #tpu.memory_space<vmem>>
      %swap3A_42 = tpu.memref_squeeze %swap3A_41 : memref<1x128x128xf32, #tpu.memory_space<vmem>> -> memref<128x128xf32, #tpu.memory_space<vmem>>
      %swap3A_43 = arith.index_cast %scan3A_28 : i32 to index
      %swap3A_44 = arith.constant 16 : index
      %swap3A_45 = tpu.vector_load %swap3A_42[%swap3A_43, %swap3A_44] {strides = array<i32>} : memref<128x128xf32, #tpu.memory_space<vmem>>, vector<1x16xf32>,
      %swap3A_46 = vector.shape_cast %swap3A_45 : vector<1x16xf32> to vector<16xf32>
      %swap3A_47 = vector.shape_cast %broadcast_in_dim3A_30 : vector<16xf32> to vector<1x16xf32>
      tpu.vector_store %swap3A_42[%swap3A_43, %swap3A_44], %swap3A_47 {strides = array<i32>} : memref<128x128xf32, #tpu.memory_space<vmem>>, vector<1x16xf32>,
      %swap3A_48 = arith.constant 0 : i32
      %swap3A_49 = arith.constant 0 : i32
      %swap3A_50 = tpu.memref_slice %arg9[%scan3A, %swap3A_48, %swap3A_49] : memref<2x128x128xf32, #tpu.memory_space<vmem>> -> memref<1x128x128xf32, #tpu.memory_space<vmem>>
      %swap3A_51 = tpu.memref_squeeze %swap3A_50 : memref<1x128x128xf32, #tpu.memory_space<vmem>> -> memref<128x128xf32, #tpu.memory_space<vmem>>
      %swap3A_52 = arith.index_cast %scan3A_28 : i32 to index
      %swap3A_53 = arith.constant 32 : index
      %swap3A_54 = tpu.vector_load %swap3A_51[%swap3A_52, %swap3A_53] {strides = array<i32>} : memref<128x128xf32, #tpu.memory_space<vmem>>, vector<1x16xf32>,
      %swap3A_55 = vector.shape_cast %swap3A_54 : vector<1x16xf32> to vector<16xf32>
      %swap3A_56 = vector.shape_cast %broadcast_in_dim3A_30 : vector<16xf32> to vector<1x16xf32>
      tpu.vector_store %swap3A_51[%swap3A_52, %swap3A_53], %swap3A_56 {strides = array<i32>} : memref<128x128xf32, #tpu.memory_space<vmem>>, vector<1x16xf32>,
      %swap3A_57 = arith.constant 0 : i32
      %swap3A_58 = arith.constant 0 : i32
      %swap3A_59 = tpu.memref_slice %arg9[%scan3A, %swap3A_57, %swap3A_58] : memref<2x128x128xf32, #tpu.memory_space<vmem>> -> memref<1x128x128xf32, #tpu.memory_space<vmem>>
      %swap3A_60 = tpu.memref_squeeze %swap3A_59 : memref<1x128x128xf32, #tpu.memory_space<vmem>> -> memref<128x128xf32, #tpu.memory_space<vmem>>
      %swap3A_61 = arith.index_cast %scan3A_28 : i32 to index
      %swap3A_62 = arith.constant 48 : index
      %swap3A_63 = tpu.vector_load %swap3A_60[%swap3A_61, %swap3A_62] {strides = array<i32>} : memref<128x128xf32, #tpu.memory_space<vmem>>, vector<1x16xf32>,
      %swap3A_64 = vector.shape_cast %swap3A_63 : vector<1x16xf32> to vector<16xf32>
      %swap3A_65 = vector.shape_cast %broadcast_in_dim3A_30 : vector<16xf32> to vector<1x16xf32>
      tpu.vector_store %swap3A_60[%swap3A_61, %swap3A_62], %swap3A_65 {strides = array<i32>} : memref<128x128xf32, #tpu.memory_space<vmem>>, vector<1x16xf32>,
      %swap3A_66 = arith.constant 0 : i32
      %swap3A_67 = arith.constant 0 : i32
      %swap3A_68 = tpu.memref_slice %arg9[%scan3A, %swap3A_66, %swap3A_67] : memref<2x128x128xf32, #tpu.memory_space<vmem>> -> memref<1x128x128xf32, #tpu.memory_space<vmem>>
      %swap3A_69 = tpu.memref_squeeze %swap3A_68 : memref<1x128x128xf32, #tpu.memory_space<vmem>> -> memref<128x128xf32, #tpu.memory_space<vmem>>
      %swap3A_70 = arith.index_cast %scan3A_28 : i32 to index
      %swap3A_71 = arith.constant 64 : index
      %swap3A_72 = tpu.vector_load %swap3A_69[%swap3A_70, %swap3A_71] {strides = array<i32>} : memref<128x128xf32, #tpu.memory_space<vmem>>, vector<1x16xf32>,
      %swap3A_73 = vector.shape_cast %swap3A_72 : vector<1x16xf32> to vector<16xf32>
      %swap3A_74 = vector.shape_cast %broadcast_in_dim3A_30 : vector<16xf32> to vector<1x16xf32>
      tpu.vector_store %swap3A_69[%swap3A_70, %swap3A_71], %swap3A_74 {strides = array<i32>} : memref<128x128xf32, #tpu.memory_space<vmem>>, vector<1x16xf32>,
      %swap3A_75 = arith.constant 0 : i32
      %swap3A_76 = arith.constant 0 : i32
      %swap3A_77 = tpu.memref_slice %arg9[%scan3A, %swap3A_75, %swap3A_76] : memref<2x128x128xf32, #tpu.memory_space<vmem>> -> memref<1x128x128xf32, #tpu.memory_space<vmem>>
      %swap3A_78 = tpu.memref_squeeze %swap3A_77 : memref<1x128x128xf32, #tpu.memory_space<vmem>> -> memref<128x128xf32, #tpu.memory_space<vmem>>
      %swap3A_79 = arith.index_cast %scan3A_28 : i32 to index
      %swap3A_80 = arith.constant 80 : index
      %swap3A_81 = tpu.vector_load %swap3A_78[%swap3A_79, %swap3A_80] {strides = array<i32>} : memref<128x128xf32, #tpu.memory_space<vmem>>, vector<1x16xf32>,
      %swap3A_82 = vector.shape_cast %swap3A_81 : vector<1x16xf32> to vector<16xf32>
      %swap3A_83 = vector.shape_cast %broadcast_in_dim3A_30 : vector<16xf32> to vector<1x16xf32>
      tpu.vector_store %swap3A_78[%swap3A_79, %swap3A_80], %swap3A_83 {strides = array<i32>} : memref<128x128xf32, #tpu.memory_space<vmem>>, vector<1x16xf32>,
      %swap3A_84 = arith.constant 0 : i32
      %swap3A_85 = arith.constant 0 : i32
      %swap3A_86 = tpu.memref_slice %arg9[%scan3A, %swap3A_84, %swap3A_85] : memref<2x128x128xf32, #tpu.memory_space<vmem>> -> memref<1x128x128xf32, #tpu.memory_space<vmem>>
      %swap3A_87 = tpu.memref_squeeze %swap3A_86 : memref<1x128x128xf32, #tpu.memory_space<vmem>> -> memref<128x128xf32, #tpu.memory_space<vmem>>
      %swap3A_88 = arith.index_cast %scan3A_28 : i32 to index
      %swap3A_89 = arith.constant 96 : index
      %swap3A_90 = tpu.vector_load %swap3A_87[%swap3A_88, %swap3A_89] {strides = array<i32>} : memref<128x128xf32, #tpu.memory_space<vmem>>, vector<1x16xf32>,
      %swap3A_91 = vector.shape_cast %swap3A_90 : vector<1x16xf32> to vector<16xf32>
      %swap3A_92 = vector.shape_cast %broadcast_in_dim3A_30 : vector<16xf32> to vector<1x16xf32>
      tpu.vector_store %swap3A_87[%swap3A_88, %swap3A_89], %swap3A_92 {strides = array<i32>} : memref<128x128xf32, #tpu.memory_space<vmem>>, vector<1x16xf32>,
      %swap3A_93 = arith.constant 0 : i32
      %swap3A_94 = arith.constant 0 : i32
      %swap3A_95 = tpu.memref_slice %arg9[%scan3A, %swap3A_93, %swap3A_94] : memref<2x128x128xf32, #tpu.memory_space<vmem>> -> memref<1x128x128xf32, #tpu.memory_space<vmem>>
      %swap3A_96 = tpu.memref_squeeze %swap3A_95 : memref<1x128x128xf32, #tpu.memory_space<vmem>> -> memref<128x128xf32, #tpu.memory_space<vmem>>
      %swap3A_97 = arith.index_cast %scan3A_28 : i32 to index
      %swap3A_98 = arith.constant 112 : index
      %swap3A_99 = tpu.vector_load %swap3A_96[%swap3A_97, %swap3A_98] {strides = array<i32>} : memref<128x128xf32, #tpu.memory_space<vmem>>, vector<1x16xf32>,
      %swap3A_100 = vector.shape_cast %swap3A_99 : vector<1x16xf32> to vector<16xf32>
      %swap3A_101 = vector.shape_cast %broadcast_in_dim3A_30 : vector<16xf32> to vector<1x16xf32>
      tpu.vector_store %swap3A_96[%swap3A_97, %swap3A_98], %swap3A_101 {strides = array<i32>} : memref<128x128xf32, #tpu.memory_space<vmem>>, vector<1x16xf32>,
      %scan3A_102 = arith.constant 0 : i32
      scf.yield %scan3A_102 : i32
    }
    %scan3A_9 = arith.constant 128 : i32
    %scan3A_10 = arith.constant 0 : i32
    %scan3A_11 = arith.constant 0 : i32
    %scan3A_12 = arith.constant 0 : i32
    %scan3A_13 = arith.constant 4 : i32
    %scan3A_14 = arith.addi %scan3A_12, %scan3A_13 : i32
    %scan3A_15 = arith.constant 1 : i32
    %scan3A_16 = scf.for %scan3A_28 = %scan3A_12 to %scan3A_14 step %scan3A_15 iter_args(%scan3A_29 = %scan3A_11) -> (i32)  : i32 {
      %mul3A_30 = arith.constant 128 : i32
      %mul3A_31 = arith.muli %scan3A_28, %mul3A_30 : i32
      %add3A_32 = arith.addi %mul3A_2, %mul3A_31 : i32
      "tpu.region"() ({
        %run_scoped3A_34 = tpu.sem_alloc : memref<!tpu.dma_semaphore, #tpu.memory_space<semaphore_mem>>
        %dma_start3A = arith.constant 0 : i32
        %dma_start3A_35 = arith.constant 0 : i32
        %dma_start3A_36 = tpu.memref_slice %arg9[%scan3A_10, %dma_start3A, %dma_start3A_35] : memref<2x128x128xf32, #tpu.memory_space<vmem>> -> memref<1x128x128xf32, #tpu.memory_space<vmem>>
        %dma_start3A_37 = tpu.memref_squeeze %dma_start3A_36 : memref<1x128x128xf32, #tpu.memory_space<vmem>> -> memref<128x128xf32, #tpu.memory_space<vmem>>
        %dma_start3A_38 = arith.constant 0 : i32
        %dma_start3A_39 = tpu.memref_slice %arg6[%add3A_32, %dma_start3A_38] : memref<10112x128xf32, #tpu.memory_space<vmem_shared>> -> memref<128x128xf32, #tpu.memory_space<vmem_shared>>
        %dma_start3A_40 = arith.constant 0 : i32
        %dma_start3A_41 = tpu.memref_slice %arg6[%add3A_32, %dma_start3A_40] : memref<10112x128xf32, #tpu.memory_space<vmem_shared>> -> memref<128x128xf32, #tpu.memory_space<vmem_shared>>
        %dma_start3A_42 = arith.constant 0 : i32
        %dma_start3A_43 = arith.constant 0 : i32
        %dma_start3A_44 = tpu.memref_slice %arg9[%scan3A_10, %dma_start3A_42, %dma_start3A_43] : memref<2x128x128xf32, #tpu.memory_space<vmem>> -> memref<1x128x128xf32, #tpu.memory_space<vmem>>
        %dma_start3A_45 = tpu.memref_squeeze %dma_start3A_44 : memref<1x128x128xf32, #tpu.memory_space<vmem>> -> memref<128x128xf32, #tpu.memory_space<vmem>>
        tpu.enqueue_dma source(%dma_start3A_45 : memref<128x128xf32, #tpu.memory_space<vmem>>) target(%dma_start3A_41 : memref<128x128xf32, #tpu.memory_space<vmem_shared>>) target_semaphore(%run_scoped3A_34 : memref<!tpu.dma_semaphore, #tpu.memory_space<semaphore_mem>>)
        %dma_wait3A = arith.constant 0 : i32
        %dma_wait3A_46 = arith.constant 0 : i32
        %dma_wait3A_47 = tpu.memref_slice %arg9[%scan3A_10, %dma_wait3A, %dma_wait3A_46] : memref<2x128x128xf32, #tpu.memory_space<vmem>> -> memref<1x128x128xf32, #tpu.memory_space<vmem>>
        %dma_wait3A_48 = tpu.memref_squeeze %dma_wait3A_47 : memref<1x128x128xf32, #tpu.memory_space<vmem>> -> memref<128x128xf32, #tpu.memory_space<vmem>>
        %dma_wait3A_49 = arith.constant 0 : i32
        %dma_wait3A_50 = tpu.memref_slice %arg6[%add3A_32, %dma_wait3A_49] : memref<10112x128xf32, #tpu.memory_space<vmem_shared>> -> memref<128x128xf32, #tpu.memory_space<vmem_shared>>
        %dma_wait3A_51 = arith.constant 0 : i32
        %dma_wait3A_52 = tpu.memref_slice %arg6[%add3A_32, %dma_wait3A_51] : memref<10112x128xf32, #tpu.memory_space<vmem_shared>> -> memref<128x128xf32, #tpu.memory_space<vmem_shared>>
        %dma_wait3A_53 = arith.constant 0 : i32
        %dma_wait3A_54 = arith.constant 0 : i32
        %dma_wait3A_55 = tpu.memref_slice %arg9[%scan3A_10, %dma_wait3A_53, %dma_wait3A_54] : memref<2x128x128xf32, #tpu.memory_space<vmem>> -> memref<1x128x128xf32, #tpu.memory_space<vmem>>
        %dma_wait3A_56 = tpu.memref_squeeze %dma_wait3A_55 : memref<1x128x128xf32, #tpu.memory_space<vmem>> -> memref<128x128xf32, #tpu.memory_space<vmem>>
        tpu.wait_dma2 semaphore(%run_scoped3A_34 : memref<!tpu.dma_semaphore, #tpu.memory_space<semaphore_mem>>) src(%dma_wait3A_56 : memref<128x128xf32, #tpu.memory_space<vmem>>) dst(%dma_wait3A_52 : memref<128x128xf32, #tpu.memory_space<vmem_shared>>)
        tpu.yield
      }) : () -> ()
      %scan3A_33 = arith.constant 0 : i32
      scf.yield %scan3A_33 : i32
    }
    %scan3A_17 = arith.constant 4 : i32
    %add3A_18 = arith.constant 512 : i32
    %add3A_19 = arith.addi %mul3A_2, %add3A_18 : i32
    %run_scoped3A = arith.constant 0 : i32
    "tpu.region"() ({
      %run_scoped3A_28 = tpu.sem_alloc : memref<!tpu.dma_semaphore, #tpu.memory_space<semaphore_mem>>
      %dma_start3A = arith.constant 0 : i32
      %dma_start3A_29 = arith.constant 0 : i32
      %dma_start3A_30 = tpu.memref_slice %arg9[%run_scoped3A, %dma_start3A, %dma_start3A_29] : memref<2x128x128xf32, #tpu.memory_space<vmem>> -> memref<1x128x128xf32, #tpu.memory_space<vmem>>
      %dma_start3A_31 = tpu.memref_squeeze %dma_start3A_30 : memref<1x128x128xf32, #tpu.memory_space<vmem>> -> memref<128x128xf32, #tpu.memory_space<vmem>>
      %dma_start3A_32 = arith.constant 0 : i32
      %dma_start3A_33 = arith.constant 0 : i32
      %dma_start3A_34 = tpu.memref_slice %dma_start3A_31[%dma_start3A_32, %dma_start3A_33] : memref<128x128xf32, #tpu.memory_space<vmem>> -> memref<120x128xf32, #tpu.memory_space<vmem>>
      %dma_start3A_35 = arith.constant 0 : i32
      %dma_start3A_36 = tpu.memref_slice %arg6[%add3A_19, %dma_start3A_35] : memref<10112x128xf32, #tpu.memory_space<vmem_shared>> -> memref<120x128xf32, #tpu.memory_space<vmem_shared>>
      %dma_start3A_37 = arith.constant 0 : i32
      %dma_start3A_38 = tpu.memref_slice %arg6[%add3A_19, %dma_start3A_37] : memref<10112x128xf32, #tpu.memory_space<vmem_shared>> -> memref<120x128xf32, #tpu.memory_space<vmem_shared>>
      %dma_start3A_39 = arith.constant 0 : i32
      %dma_start3A_40 = arith.constant 0 : i32
      %dma_start3A_41 = tpu.memref_slice %arg9[%run_scoped3A, %dma_start3A_39, %dma_start3A_40] : memref<2x128x128xf32, #tpu.memory_space<vmem>> -> memref<1x128x128xf32, #tpu.memory_space<vmem>>
      %dma_start3A_42 = tpu.memref_squeeze %dma_start3A_41 : memref<1x128x128xf32, #tpu.memory_space<vmem>> -> memref<128x128xf32, #tpu.memory_space<vmem>>
      %dma_start3A_43 = arith.constant 0 : i32
      %dma_start3A_44 = arith.constant 0 : i32
      %dma_start3A_45 = tpu.memref_slice %dma_start3A_42[%dma_start3A_43, %dma_start3A_44] : memref<128x128xf32, #tpu.memory_space<vmem>> -> memref<120x128xf32, #tpu.memory_space<vmem>>
      tpu.enqueue_dma source(%dma_start3A_45 : memref<120x128xf32, #tpu.memory_space<vmem>>) target(%dma_start3A_38 : memref<120x128xf32, #tpu.memory_space<vmem_shared>>) target_semaphore(%run_scoped3A_28 : memref<!tpu.dma_semaphore, #tpu.memory_space<semaphore_mem>>)
      %dma_wait3A = arith.constant 0 : i32
      %dma_wait3A_46 = arith.constant 0 : i32
      %dma_wait3A_47 = tpu.memref_slice %arg9[%run_scoped3A, %dma_wait3A, %dma_wait3A_46] : memref<2x128x128xf32, #tpu.memory_space<vmem>> -> memref<1x128x128xf32, #tpu.memory_space<vmem>>
      %dma_wait3A_48 = tpu.memref_squeeze %dma_wait3A_47 : memref<1x128x128xf32, #tpu.memory_space<vmem>> -> memref<128x128xf32, #tpu.memory_space<vmem>>
      %dma_wait3A_49 = arith.constant 0 : i32
      %dma_wait3A_50 = arith.constant 0 : i32
      %dma_wait3A_51 = tpu.memref_slice %dma_wait3A_48[%dma_wait3A_49, %dma_wait3A_50] : memref<128x128xf32, #tpu.memory_space<vmem>> -> memref<120x128xf32, #tpu.memory_space<vmem>>
      %dma_wait3A_52 = arith.constant 0 : i32
      %dma_wait3A_53 = tpu.memref_slice %arg6[%add3A_19, %dma_wait3A_52] : memref<10112x128xf32, #tpu.memory_space<vmem_shared>> -> memref<120x128xf32, #tpu.memory_space<vmem_shared>>
      %dma_wait3A_54 = arith.constant 0 : i32
      %dma_wait3A_55 = tpu.memref_slice %arg6[%add3A_19, %dma_wait3A_54] : memref<10112x128xf32, #tpu.memory_space<vmem_shared>> -> memref<120x128xf32, #tpu.memory_space<vmem_shared>>
      %dma_wait3A_56 = arith.constant 0 : i32
      %dma_wait3A_57 = arith.constant 0 : i32
      %dma_wait3A_58 = tpu.memref_slice %arg9[%run_scoped3A, %dma_wait3A_56, %dma_wait3A_57] : memref<2x128x128xf32, #tpu.memory_space<vmem>> -> memref<1x128x128xf32, #tpu.memory_space<vmem>>
      %dma_wait3A_59 = tpu.memref_squeeze %dma_wait3A_58 : memref<1x128x128xf32, #tpu.memory_space<vmem>> -> memref<128x128xf32, #tpu.memory_space<vmem>>
      %dma_wait3A_60 = arith.constant 0 : i32
      %dma_wait3A_61 = arith.constant 0 : i32
      %dma_wait3A_62 = tpu.memref_slice %dma_wait3A_59[%dma_wait3A_60, %dma_wait3A_61] : memref<128x128xf32, #tpu.memory_space<vmem>> -> memref<120x128xf32, #tpu.memory_space<vmem>>
      tpu.wait_dma2 semaphore(%run_scoped3A_28 : memref<!tpu.dma_semaphore, #tpu.memory_space<semaphore_mem>>) src(%dma_wait3A_62 : memref<120x128xf32, #tpu.memory_space<vmem>>) dst(%dma_wait3A_55 : memref<120x128xf32, #tpu.memory_space<vmem_shared>>)
      tpu.yield
    }) : () -> ()
    %barrier3A = arith.constant 0 : index
    tpu.barrier barrier_id(%barrier3A)
    %scan3A_20 = arith.constant 0 : i32
    %scan3A_21 = arith.constant 0 : i32
    %scan3A_22 = arith.constant 10 : i32
    %scan3A_23 = arith.addi %scan3A_21, %scan3A_22 : i32
    %scan3A_24 = arith.constant 1 : i32
    %scan3A_25 = scf.for %scan3A_28 = %scan3A_21 to %scan3A_23 step %scan3A_24 iter_args(%scan3A_29 = %scan3A_20) -> (i32)  : i32 {
      %mul3A_30 = arith.constant 8 : i32
      %mul3A_31 = arith.muli %scan3A_28, %mul3A_30 : i32
      "tpu.region"() ({
        %run_scoped3A_417 = tpu.sem_alloc : memref<!tpu.dma_semaphore, #tpu.memory_space<semaphore_mem>>
        %dma_start3A_418 = arith.constant 0 : i32
        %dma_start3A_419 = arith.constant 0 : i32
        %dma_start3A_420 = tpu.memref_slice %arg3[%add3A, %dma_start3A_418, %dma_start3A_419] : memref<32x80x128xi32, #tpu.memory_space<hbm>> -> memref<1x80x128xi32, #tpu.memory_space<hbm>>
        %dma_start3A_421 = tpu.memref_squeeze %dma_start3A_420 : memref<1x80x128xi32, #tpu.memory_space<hbm>> -> memref<80x128xi32, #tpu.memory_space<hbm>>
        %dma_start3A_422 = arith.constant 0 : i32
        %dma_start3A_423 = tpu.memref_slice %dma_start3A_421[%mul3A_31, %dma_start3A_422] : memref<80x128xi32, #tpu.memory_space<hbm>> -> memref<8x128xi32, #tpu.memory_space<hbm>>
        %dma_start3A_424 = arith.constant 0 : i32
        %dma_start3A_425 = arith.constant 0 : i32
        %dma_start3A_426 = tpu.memref_slice %arg3[%add3A, %dma_start3A_424, %dma_start3A_425] : memref<32x80x128xi32, #tpu.memory_space<hbm>> -> memref<1x80x128xi32, #tpu.memory_space<hbm>>
        %dma_start3A_427 = tpu.memref_squeeze %dma_start3A_426 : memref<1x80x128xi32, #tpu.memory_space<hbm>> -> memref<80x128xi32, #tpu.memory_space<hbm>>
        %dma_start3A_428 = arith.constant 0 : i32
        %dma_start3A_429 = tpu.memref_slice %dma_start3A_427[%mul3A_31, %dma_start3A_428] : memref<80x128xi32, #tpu.memory_space<hbm>> -> memref<8x128xi32, #tpu.memory_space<hbm>>
        tpu.enqueue_dma source(%dma_start3A_429 : memref<8x128xi32, #tpu.memory_space<hbm>>) target(%arg7 : memref<8x128xi32, #tpu.memory_space<vmem>>) target_semaphore(%run_scoped3A_417 : memref<!tpu.dma_semaphore, #tpu.memory_space<semaphore_mem>>)
        %dma_wait3A_430 = arith.constant 0 : i32
        %dma_wait3A_431 = arith.constant 0 : i32
        %dma_wait3A_432 = tpu.memref_slice %arg3[%add3A, %dma_wait3A_430, %dma_wait3A_431] : memref<32x80x128xi32, #tpu.memory_space<hbm>> -> memref<1x80x128xi32, #tpu.memory_space<hbm>>
        %dma_wait3A_433 = tpu.memref_squeeze %dma_wait3A_432 : memref<1x80x128xi32, #tpu.memory_space<hbm>> -> memref<80x128xi32, #tpu.memory_space<hbm>>
        %dma_wait3A_434 = arith.constant 0 : i32
        %dma_wait3A_435 = tpu.memref_slice %dma_wait3A_433[%mul3A_31, %dma_wait3A_434] : memref<80x128xi32, #tpu.memory_space<hbm>> -> memref<8x128xi32, #tpu.memory_space<hbm>>
        %dma_wait3A_436 = arith.constant 0 : i32
        %dma_wait3A_437 = arith.constant 0 : i32
        %dma_wait3A_438 = tpu.memref_slice %arg3[%add3A, %dma_wait3A_436, %dma_wait3A_437] : memref<32x80x128xi32, #tpu.memory_space<hbm>> -> memref<1x80x128xi32, #tpu.memory_space<hbm>>
        %dma_wait3A_439 = tpu.memref_squeeze %dma_wait3A_438 : memref<1x80x128xi32, #tpu.memory_space<hbm>> -> memref<80x128xi32, #tpu.memory_space<hbm>>
        %dma_wait3A_440 = arith.constant 0 : i32
        %dma_wait3A_441 = tpu.memref_slice %dma_wait3A_439[%mul3A_31, %dma_wait3A_440] : memref<80x128xi32, #tpu.memory_space<hbm>> -> memref<8x128xi32, #tpu.memory_space<hbm>>
        tpu.wait_dma2 semaphore(%run_scoped3A_417 : memref<!tpu.dma_semaphore, #tpu.memory_space<semaphore_mem>>) src(%dma_wait3A_441 : memref<8x128xi32, #tpu.memory_space<hbm>>) dst(%arg7 : memref<8x128xi32, #tpu.memory_space<vmem>>)
        tpu.yield
      }) : () -> ()
      %mul3A_32 = arith.constant 8 : i32
      %mul3A_33 = arith.muli %scan3A_28, %mul3A_32 : i32
      "tpu.region"() ({
        %run_scoped3A_417 = tpu.sem_alloc : memref<!tpu.dma_semaphore, #tpu.memory_space<semaphore_mem>>
        %dma_start3A_418 = arith.constant 0 : i32
        %dma_start3A_419 = arith.constant 0 : i32
        %dma_start3A_420 = tpu.memref_slice %arg4[%add3A, %dma_start3A_418, %dma_start3A_419] : memref<32x80x128xi32, #tpu.memory_space<hbm>> -> memref<1x80x128xi32, #tpu.memory_space<hbm>>
        %dma_start3A_421 = tpu.memref_squeeze %dma_start3A_420 : memref<1x80x128xi32, #tpu.memory_space<hbm>> -> memref<80x128xi32, #tpu.memory_space<hbm>>
        %dma_start3A_422 = arith.constant 0 : i32
        %dma_start3A_423 = tpu.memref_slice %dma_start3A_421[%mul3A_33, %dma_start3A_422] : memref<80x128xi32, #tpu.memory_space<hbm>> -> memref<8x128xi32, #tpu.memory_space<hbm>>
        %dma_start3A_424 = arith.constant 0 : i32
        %dma_start3A_425 = arith.constant 0 : i32
        %dma_start3A_426 = tpu.memref_slice %arg4[%add3A, %dma_start3A_424, %dma_start3A_425] : memref<32x80x128xi32, #tpu.memory_space<hbm>> -> memref<1x80x128xi32, #tpu.memory_space<hbm>>
        %dma_start3A_427 = tpu.memref_squeeze %dma_start3A_426 : memref<1x80x128xi32, #tpu.memory_space<hbm>> -> memref<80x128xi32, #tpu.memory_space<hbm>>
        %dma_start3A_428 = arith.constant 0 : i32
        %dma_start3A_429 = tpu.memref_slice %dma_start3A_427[%mul3A_33, %dma_start3A_428] : memref<80x128xi32, #tpu.memory_space<hbm>> -> memref<8x128xi32, #tpu.memory_space<hbm>>
        tpu.enqueue_dma source(%dma_start3A_429 : memref<8x128xi32, #tpu.memory_space<hbm>>) target(%arg8 : memref<8x128xi32, #tpu.memory_space<vmem>>) target_semaphore(%run_scoped3A_417 : memref<!tpu.dma_semaphore, #tpu.memory_space<semaphore_mem>>)
        %dma_wait3A_430 = arith.constant 0 : i32
        %dma_wait3A_431 = arith.constant 0 : i32
        %dma_wait3A_432 = tpu.memref_slice %arg4[%add3A, %dma_wait3A_430, %dma_wait3A_431] : memref<32x80x128xi32, #tpu.memory_space<hbm>> -> memref<1x80x128xi32, #tpu.memory_space<hbm>>
        %dma_wait3A_433 = tpu.memref_squeeze %dma_wait3A_432 : memref<1x80x128xi32, #tpu.memory_space<hbm>> -> memref<80x128xi32, #tpu.memory_space<hbm>>
        %dma_wait3A_434 = arith.constant 0 : i32
        %dma_wait3A_435 = tpu.memref_slice %dma_wait3A_433[%mul3A_33, %dma_wait3A_434] : memref<80x128xi32, #tpu.memory_space<hbm>> -> memref<8x128xi32, #tpu.memory_space<hbm>>
        %dma_wait3A_436 = arith.constant 0 : i32
        %dma_wait3A_437 = arith.constant 0 : i32
        %dma_wait3A_438 = tpu.memref_slice %arg4[%add3A, %dma_wait3A_436, %dma_wait3A_437] : memref<32x80x128xi32, #tpu.memory_space<hbm>> -> memref<1x80x128xi32, #tpu.memory_space<hbm>>
        %dma_wait3A_439 = tpu.memref_squeeze %dma_wait3A_438 : memref<1x80x128xi32, #tpu.memory_space<hbm>> -> memref<80x128xi32, #tpu.memory_space<hbm>>
        %dma_wait3A_440 = arith.constant 0 : i32
        %dma_wait3A_441 = tpu.memref_slice %dma_wait3A_439[%mul3A_33, %dma_wait3A_440] : memref<80x128xi32, #tpu.memory_space<hbm>> -> memref<8x128xi32, #tpu.memory_space<hbm>>
        tpu.wait_dma2 semaphore(%run_scoped3A_417 : memref<!tpu.dma_semaphore, #tpu.memory_space<semaphore_mem>>) src(%dma_wait3A_441 : memref<8x128xi32, #tpu.memory_space<hbm>>) dst(%arg8 : memref<8x128xi32, #tpu.memory_space<vmem>>)
        tpu.yield
      }) : () -> ()
      %dma_start3A = arith.constant 0 : i32
      %dma_start3A_34 = arith.constant 0 : i32
      %dma_start3A_35 = arith.constant 0 : i32
      %dma_start3A_36 = arith.constant 0 : i32
      %dma_start3A_37 = tpu.memref_slice %arg9[%dma_start3A_34, %dma_start3A_35, %dma_start3A_36] : memref<2x128x128xf32, #tpu.memory_space<vmem>> -> memref<1x128x128xf32, #tpu.memory_space<vmem>>
      %dma_start3A_38 = tpu.memref_squeeze %dma_start3A_37 : memref<1x128x128xf32, #tpu.memory_space<vmem>> -> memref<128x128xf32, #tpu.memory_space<vmem>>
      %dma_start3A_39 = arith.constant 0 : i32
      %dma_start3A_40 = tpu.memref_slice %arg7[%dma_start3A, %dma_start3A_39] : memref<8x128xi32, #tpu.memory_space<vmem>> -> memref<1x128xi32, #tpu.memory_space<vmem>>
      %dma_start3A_41 = tpu.memref_squeeze %dma_start3A_40 : memref<1x128xi32, #tpu.memory_space<vmem>> -> memref<128xi32, #tpu.memory_space<vmem>>
      %dma_start3A_42 = arith.constant 0 : i32
      %dma_start3A_43 = arith.constant 0 : i32
      %dma_start3A_44 = tpu.memref_slice %arg2[%dma_start3A_42, %dma_start3A_43] : memref<10000x128xf32, #tpu.memory_space<hbm>> -> memref<10000x128xf32, #tpu.memory_space<hbm>>
      tpu.enqueue_indirect_dma source(%dma_start3A_44 : memref<10000x128xf32, #tpu.memory_space<hbm>>) target(%dma_start3A_38 : memref<128x128xf32, #tpu.memory_space<vmem>>) offsets(%dma_start3A_41 : memref<128xi32, #tpu.memory_space<vmem>>) semaphore(%arg10 : memref<!tpu.dma_semaphore, #tpu.memory_space<semaphore_mem>>)
      %dma_start3A_45 = arith.constant 1 : i32
      %dma_start3A_46 = arith.constant 1 : i32
      %dma_start3A_47 = arith.constant 0 : i32
      %dma_start3A_48 = arith.constant 0 : i32
      %dma_start3A_49 = tpu.memref_slice %arg9[%dma_start3A_46, %dma_start3A_47, %dma_start3A_48] : memref<2x128x128xf32, #tpu.memory_space<vmem>> -> memref<1x128x128xf32, #tpu.memory_space<vmem>>
      %dma_start3A_50 = tpu.memref_squeeze %dma_start3A_49 : memref<1x128x128xf32, #tpu.memory_space<vmem>> -> memref<128x128xf32, #tpu.memory_space<vmem>>
      %dma_start3A_51 = arith.constant 0 : i32
      %dma_start3A_52 = tpu.memref_slice %arg7[%dma_start3A_45, %dma_start3A_51] : memref<8x128xi32, #tpu.memory_space<vmem>> -> memref<1x128xi32, #tpu.memory_space<vmem>>
      %dma_start3A_53 = tpu.memref_squeeze %dma_start3A_52 : memref<1x128xi32, #tpu.memory_space<vmem>> -> memref<128xi32, #tpu.memory_space<vmem>>
      %dma_start3A_54 = arith.constant 0 : i32
      %dma_start3A_55 = arith.constant 0 : i32
      %dma_start3A_56 = tpu.memref_slice %arg2[%dma_start3A_54, %dma_start3A_55] : memref<10000x128xf32, #tpu.memory_space<hbm>> -> memref<10000x128xf32, #tpu.memory_space<hbm>>
      tpu.enqueue_indirect_dma source(%dma_start3A_56 : memref<10000x128xf32, #tpu.memory_space<hbm>>) target(%dma_start3A_50 : memref<128x128xf32, #tpu.memory_space<vmem>>) offsets(%dma_start3A_53 : memref<128xi32, #tpu.memory_space<vmem>>) semaphore(%arg11 : memref<!tpu.dma_semaphore, #tpu.memory_space<semaphore_mem>>)
      %dma_wait3A = arith.constant 0 : i32
      %dma_wait3A_57 = arith.constant 0 : i32
      %dma_wait3A_58 = arith.constant 0 : i32
      %dma_wait3A_59 = arith.constant 0 : i32
      %dma_wait3A_60 = tpu.memref_slice %arg9[%dma_wait3A_57, %dma_wait3A_58, %dma_wait3A_59] : memref<2x128x128xf32, #tpu.memory_space<vmem>> -> memref<1x128x128xf32, #tpu.memory_space<vmem>>
      %dma_wait3A_61 = tpu.memref_squeeze %dma_wait3A_60 : memref<1x128x128xf32, #tpu.memory_space<vmem>> -> memref<128x128xf32, #tpu.memory_space<vmem>>
      %dma_wait3A_62 = arith.constant 0 : i32
      %dma_wait3A_63 = tpu.memref_slice %arg7[%dma_wait3A, %dma_wait3A_62] : memref<8x128xi32, #tpu.memory_space<vmem>> -> memref<1x128xi32, #tpu.memory_space<vmem>>
      %dma_wait3A_64 = tpu.memref_squeeze %dma_wait3A_63 : memref<1x128xi32, #tpu.memory_space<vmem>> -> memref<128xi32, #tpu.memory_space<vmem>>
      %dma_wait3A_65 = arith.constant 0 : i32
      %dma_wait3A_66 = arith.constant 0 : i32
      %dma_wait3A_67 = tpu.memref_slice %arg2[%dma_wait3A_65, %dma_wait3A_66] : memref<10000x128xf32, #tpu.memory_space<hbm>> -> memref<10000x128xf32, #tpu.memory_space<hbm>>
      tpu.wait_indirect_dma semaphore(%arg10 : memref<!tpu.dma_semaphore, #tpu.memory_space<semaphore_mem>>) src(%dma_wait3A_67 : memref<10000x128xf32, #tpu.memory_space<hbm>>) dst(%dma_wait3A_61 : memref<128x128xf32, #tpu.memory_space<vmem>>)
      %dma_start3A_68 = arith.constant 0 : i32
      %dma_start3A_69 = arith.constant 0 : i32
      %dma_start3A_70 = arith.constant 0 : i32
      %dma_start3A_71 = arith.constant 0 : i32
      %dma_start3A_72 = tpu.memref_slice %arg9[%dma_start3A_68, %dma_start3A_70, %dma_start3A_71] : memref<2x128x128xf32, #tpu.memory_space<vmem>> -> memref<1x128x128xf32, #tpu.memory_space<vmem>>
      %dma_start3A_73 = tpu.memref_squeeze %dma_start3A_72 : memref<1x128x128xf32, #tpu.memory_space<vmem>> -> memref<128x128xf32, #tpu.memory_space<vmem>>
      %dma_start3A_74 = arith.constant 0 : i32
      %dma_start3A_75 = tpu.memref_slice %arg8[%dma_start3A_69, %dma_start3A_74] : memref<8x128xi32, #tpu.memory_space<vmem>> -> memref<1x128xi32, #tpu.memory_space<vmem>>
      %dma_start3A_76 = tpu.memref_squeeze %dma_start3A_75 : memref<1x128xi32, #tpu.memory_space<vmem>> -> memref<128xi32, #tpu.memory_space<vmem>>
      %dma_start3A_77 = arith.constant 0 : i32
      %dma_start3A_78 = arith.constant 0 : i32
      %dma_start3A_79 = tpu.memref_slice %arg6[%dma_start3A_77, %dma_start3A_78] : memref<10112x128xf32, #tpu.memory_space<vmem_shared>> -> memref<10112x128xf32, #tpu.memory_space<vmem_shared>>
      tpu.enqueue_indirect_dma source(%dma_start3A_73 : memref<128x128xf32, #tpu.memory_space<vmem>>) target(%dma_start3A_79 : memref<10112x128xf32, #tpu.memory_space<vmem_shared>>) offsets(%dma_start3A_76 : memref<128xi32, #tpu.memory_space<vmem>>) semaphore(%arg12 : memref<!tpu.dma_semaphore, #tpu.memory_space<semaphore_mem>>) {add = true}
      %dma_wait3A_80 = arith.constant 0 : i32
      %dma_wait3A_81 = arith.constant 0 : i32
      %dma_wait3A_82 = arith.constant 0 : i32
      %dma_wait3A_83 = arith.constant 0 : i32
      %dma_wait3A_84 = tpu.memref_slice %arg9[%dma_wait3A_80, %dma_wait3A_82, %dma_wait3A_83] : memref<2x128x128xf32, #tpu.memory_space<vmem>> -> memref<1x128x128xf32, #tpu.memory_space<vmem>>
      %dma_wait3A_85 = tpu.memref_squeeze %dma_wait3A_84 : memref<1x128x128xf32, #tpu.memory_space<vmem>> -> memref<128x128xf32, #tpu.memory_space<vmem>>
      %dma_wait3A_86 = arith.constant 0 : i32
      %dma_wait3A_87 = tpu.memref_slice %arg8[%dma_wait3A_81, %dma_wait3A_86] : memref<8x128xi32, #tpu.memory_space<vmem>> -> memref<1x128xi32, #tpu.memory_space<vmem>>
      %dma_wait3A_88 = tpu.memref_squeeze %dma_wait3A_87 : memref<1x128xi32, #tpu.memory_space<vmem>> -> memref<128xi32, #tpu.memory_space<vmem>>
      %dma_wait3A_89 = arith.constant 0 : i32
      %dma_wait3A_90 = arith.constant 0 : i32
      %dma_wait3A_91 = tpu.memref_slice %arg6[%dma_wait3A_89, %dma_wait3A_90] : memref<10112x128xf32, #tpu.memory_space<vmem_shared>> -> memref<10112x128xf32, #tpu.memory_space<vmem_shared>>
      tpu.wait_indirect_dma semaphore(%arg12 : memref<!tpu.dma_semaphore, #tpu.memory_space<semaphore_mem>>) src(%dma_wait3A_85 : memref<128x128xf32, #tpu.memory_space<vmem>>) dst(%dma_wait3A_91 : memref<10112x128xf32, #tpu.memory_space<vmem_shared>>)
      %dma_start3A_92 = arith.constant 2 : i32
      %dma_start3A_93 = arith.constant 0 : i32
      %dma_start3A_94 = arith.constant 0 : i32
      %dma_start3A_95 = arith.constant 0 : i32
      %dma_start3A_96 = tpu.memref_slice %arg9[%dma_start3A_93, %dma_start3A_94, %dma_start3A_95] : memref<2x128x128xf32, #tpu.memory_space<vmem>> -> memref<1x128x128xf32, #tpu.memory_space<vmem>>
      %dma_start3A_97 = tpu.memref_squeeze %dma_start3A_96 : memref<1x128x128xf32, #tpu.memory_space<vmem>> -> memref<128x128xf32, #tpu.memory_space<vmem>>
      %dma_start3A_98 = arith.constant 0 : i32
      %dma_start3A_99 = tpu.memref_slice %arg7[%dma_start3A_92, %dma_start3A_98] : memref<8x128xi32, #tpu.memory_space<vmem>> -> memref<1x128xi32, #tpu.memory_space<vmem>>
      %dma_start3A_100 = tpu.memref_squeeze %dma_start3A_99 : memref<1x128xi32, #tpu.memory_space<vmem>> -> memref<128xi32, #tpu.memory_space<vmem>>
      %dma_start3A_101 = arith.constant 0 : i32
      %dma_start3A_102 = arith.constant 0 : i32
      %dma_start3A_103 = tpu.memref_slice %arg2[%dma_start3A_101, %dma_start3A_102] : memref<10000x128xf32, #tpu.memory_space<hbm>> -> memref<10000x128xf32, #tpu.memory_space<hbm>>
      tpu.enqueue_indirect_dma source(%dma_start3A_103 : memref<10000x128xf32, #tpu.memory_space<hbm>>) target(%dma_start3A_97 : memref<128x128xf32, #tpu.memory_space<vmem>>) offsets(%dma_start3A_100 : memref<128xi32, #tpu.memory_space<vmem>>) semaphore(%arg10 : memref<!tpu.dma_semaphore, #tpu.memory_space<semaphore_mem>>)
      %dma_wait3A_104 = arith.constant 1 : i32
      %dma_wait3A_105 = arith.constant 1 : i32
      %dma_wait3A_106 = arith.constant 0 : i32
      %dma_wait3A_107 = arith.constant 0 : i32
      %dma_wait3A_108 = tpu.memref_slice %arg9[%dma_wait3A_105, %dma_wait3A_106, %dma_wait3A_107] : memref<2x128x128xf32, #tpu.memory_space<vmem>> -> memref<1x128x128xf32, #tpu.memory_space<vmem>>
      %dma_wait3A_109 = tpu.memref_squeeze %dma_wait3A_108 : memref<1x128x128xf32, #tpu.memory_space<vmem>> -> memref<128x128xf32, #tpu.memory_space<vmem>>
      %dma_wait3A_110 = arith.constant 0 : i32
      %dma_wait3A_111 = tpu.memref_slice %arg7[%dma_wait3A_104, %dma_wait3A_110] : memref<8x128xi32, #tpu.memory_space<vmem>> -> memref<1x128xi32, #tpu.memory_space<vmem>>
      %dma_wait3A_112 = tpu.memref_squeeze %dma_wait3A_111 : memref<1x128xi32, #tpu.memory_space<vmem>> -> memref<128xi32, #tpu.memory_space<vmem>>
      %dma_wait3A_113 = arith.constant 0 : i32
      %dma_wait3A_114 = arith.constant 0 : i32
      %dma_wait3A_115 = tpu.memref_slice %arg2[%dma_wait3A_113, %dma_wait3A_114] : memref<10000x128xf32, #tpu.memory_space<hbm>> -> memref<10000x128xf32, #tpu.memory_space<hbm>>
      tpu.wait_indirect_dma semaphore(%arg11 : memref<!tpu.dma_semaphore, #tpu.memory_space<semaphore_mem>>) src(%dma_wait3A_115 : memref<10000x128xf32, #tpu.memory_space<hbm>>) dst(%dma_wait3A_109 : memref<128x128xf32, #tpu.memory_space<vmem>>)
      %dma_start3A_116 = arith.constant 1 : i32
      %dma_start3A_117 = arith.constant 1 : i32
      %dma_start3A_118 = arith.constant 0 : i32
      %dma_start3A_119 = arith.constant 0 : i32
      %dma_start3A_120 = tpu.memref_slice %arg9[%dma_start3A_116, %dma_start3A_118, %dma_start3A_119] : memref<2x128x128xf32, #tpu.memory_space<vmem>> -> memref<1x128x128xf32, #tpu.memory_space<vmem>>
      %dma_start3A_121 = tpu.memref_squeeze %dma_start3A_120 : memref<1x128x128xf32, #tpu.memory_space<vmem>> -> memref<128x128xf32, #tpu.memory_space<vmem>>
      %dma_start3A_122 = arith.constant 0 : i32
      %dma_start3A_123 = tpu.memref_slice %arg8[%dma_start3A_117, %dma_start3A_122] : memref<8x128xi32, #tpu.memory_space<vmem>> -> memref<1x128xi32, #tpu.memory_space<vmem>>
      %dma_start3A_124 = tpu.memref_squeeze %dma_start3A_123 : memref<1x128xi32, #tpu.memory_space<vmem>> -> memref<128xi32, #tpu.memory_space<vmem>>
      %dma_start3A_125 = arith.constant 0 : i32
      %dma_start3A_126 = arith.constant 0 : i32
      %dma_start3A_127 = tpu.memref_slice %arg6[%dma_start3A_125, %dma_start3A_126] : memref<10112x128xf32, #tpu.memory_space<vmem_shared>> -> memref<10112x128xf32, #tpu.memory_space<vmem_shared>>
      tpu.enqueue_indirect_dma source(%dma_start3A_121 : memref<128x128xf32, #tpu.memory_space<vmem>>) target(%dma_start3A_127 : memref<10112x128xf32, #tpu.memory_space<vmem_shared>>) offsets(%dma_start3A_124 : memref<128xi32, #tpu.memory_space<vmem>>) semaphore(%arg13 : memref<!tpu.dma_semaphore, #tpu.memory_space<semaphore_mem>>) {add = true}
      %dma_wait3A_128 = arith.constant 1 : i32
      %dma_wait3A_129 = arith.constant 1 : i32
      %dma_wait3A_130 = arith.constant 0 : i32
      %dma_wait3A_131 = arith.constant 0 : i32
      %dma_wait3A_132 = tpu.memref_slice %arg9[%dma_wait3A_128, %dma_wait3A_130, %dma_wait3A_131] : memref<2x128x128xf32, #tpu.memory_space<vmem>> -> memref<1x128x128xf32, #tpu.memory_space<vmem>>
      %dma_wait3A_133 = tpu.memref_squeeze %dma_wait3A_132 : memref<1x128x128xf32, #tpu.memory_space<vmem>> -> memref<128x128xf32, #tpu.memory_space<vmem>>
      %dma_wait3A_134 = arith.constant 0 : i32
      %dma_wait3A_135 = tpu.memref_slice %arg8[%dma_wait3A_129, %dma_wait3A_134] : memref<8x128xi32, #tpu.memory_space<vmem>> -> memref<1x128xi32, #tpu.memory_space<vmem>>
      %dma_wait3A_136 = tpu.memref_squeeze %dma_wait3A_135 : memref<1x128xi32, #tpu.memory_space<vmem>> -> memref<128xi32, #tpu.memory_space<vmem>>
      %dma_wait3A_137 = arith.constant 0 : i32
      %dma_wait3A_138 = arith.constant 0 : i32
      %dma_wait3A_139 = tpu.memref_slice %arg6[%dma_wait3A_137, %dma_wait3A_138] : memref<10112x128xf32, #tpu.memory_space<vmem_shared>> -> memref<10112x128xf32, #tpu.memory_space<vmem_shared>>
      tpu.wait_indirect_dma semaphore(%arg13 : memref<!tpu.dma_semaphore, #tpu.memory_space<semaphore_mem>>) src(%dma_wait3A_133 : memref<128x128xf32, #tpu.memory_space<vmem>>) dst(%dma_wait3A_139 : memref<10112x128xf32, #tpu.memory_space<vmem_shared>>)
      %dma_start3A_140 = arith.constant 3 : i32
      %dma_start3A_141 = arith.constant 1 : i32
      %dma_start3A_142 = arith.constant 0 : i32
      %dma_start3A_143 = arith.constant 0 : i32
      %dma_start3A_144 = tpu.memref_slice %arg9[%dma_start3A_141, %dma_start3A_142, %dma_start3A_143] : memref<2x128x128xf32, #tpu.memory_space<vmem>> -> memref<1x128x128xf32, #tpu.memory_space<vmem>>
      %dma_start3A_145 = tpu.memref_squeeze %dma_start3A_144 : memref<1x128x128xf32, #tpu.memory_space<vmem>> -> memref<128x128xf32, #tpu.memory_space<vmem>>
      %dma_start3A_146 = arith.constant 0 : i32
      %dma_start3A_147 = tpu.memref_slice %arg7[%dma_start3A_140, %dma_start3A_146] : memref<8x128xi32, #tpu.memory_space<vmem>> -> memref<1x128xi32, #tpu.memory_space<vmem>>
      %dma_start3A_148 = tpu.memref_squeeze %dma_start3A_147 : memref<1x128xi32, #tpu.memory_space<vmem>> -> memref<128xi32, #tpu.memory_space<vmem>>
      %dma_start3A_149 = arith.constant 0 : i32
      %dma_start3A_150 = arith.constant 0 : i32
      %dma_start3A_151 = tpu.memref_slice %arg2[%dma_start3A_149, %dma_start3A_150] : memref<10000x128xf32, #tpu.memory_space<hbm>> -> memref<10000x128xf32, #tpu.memory_space<hbm>>
      tpu.enqueue_indirect_dma source(%dma_start3A_151 : memref<10000x128xf32, #tpu.memory_space<hbm>>) target(%dma_start3A_145 : memref<128x128xf32, #tpu.memory_space<vmem>>) offsets(%dma_start3A_148 : memref<128xi32, #tpu.memory_space<vmem>>) semaphore(%arg11 : memref<!tpu.dma_semaphore, #tpu.memory_space<semaphore_mem>>)
      %dma_wait3A_152 = arith.constant 2 : i32
      %dma_wait3A_153 = arith.constant 0 : i32
      %dma_wait3A_154 = arith.constant 0 : i32
      %dma_wait3A_155 = arith.constant 0 : i32
      %dma_wait3A_156 = tpu.memref_slice %arg9[%dma_wait3A_153, %dma_wait3A_154, %dma_wait3A_155] : memref<2x128x128xf32, #tpu.memory_space<vmem>> -> memref<1x128x128xf32, #tpu.memory_space<vmem>>
      %dma_wait3A_157 = tpu.memref_squeeze %dma_wait3A_156 : memref<1x128x128xf32, #tpu.memory_space<vmem>> -> memref<128x128xf32, #tpu.memory_space<vmem>>
      %dma_wait3A_158 = arith.constant 0 : i32
      %dma_wait3A_159 = tpu.memref_slice %arg7[%dma_wait3A_152, %dma_wait3A_158] : memref<8x128xi32, #tpu.memory_space<vmem>> -> memref<1x128xi32, #tpu.memory_space<vmem>>
      %dma_wait3A_160 = tpu.memref_squeeze %dma_wait3A_159 : memref<1x128xi32, #tpu.memory_space<vmem>> -> memref<128xi32, #tpu.memory_space<vmem>>
      %dma_wait3A_161 = arith.constant 0 : i32
      %dma_wait3A_162 = arith.constant 0 : i32
      %dma_wait3A_163 = tpu.memref_slice %arg2[%dma_wait3A_161, %dma_wait3A_162] : memref<10000x128xf32, #tpu.memory_space<hbm>> -> memref<10000x128xf32, #tpu.memory_space<hbm>>
      tpu.wait_indirect_dma semaphore(%arg10 : memref<!tpu.dma_semaphore, #tpu.memory_space<semaphore_mem>>) src(%dma_wait3A_163 : memref<10000x128xf32, #tpu.memory_space<hbm>>) dst(%dma_wait3A_157 : memref<128x128xf32, #tpu.memory_space<vmem>>)
      %dma_start3A_164 = arith.constant 0 : i32
      %dma_start3A_165 = arith.constant 2 : i32
      %dma_start3A_166 = arith.constant 0 : i32
      %dma_start3A_167 = arith.constant 0 : i32
      %dma_start3A_168 = tpu.memref_slice %arg9[%dma_start3A_164, %dma_start3A_166, %dma_start3A_167] : memref<2x128x128xf32, #tpu.memory_space<vmem>> -> memref<1x128x128xf32, #tpu.memory_space<vmem>>
      %dma_start3A_169 = tpu.memref_squeeze %dma_start3A_168 : memref<1x128x128xf32, #tpu.memory_space<vmem>> -> memref<128x128xf32, #tpu.memory_space<vmem>>
      %dma_start3A_170 = arith.constant 0 : i32
      %dma_start3A_171 = tpu.memref_slice %arg8[%dma_start3A_165, %dma_start3A_170] : memref<8x128xi32, #tpu.memory_space<vmem>> -> memref<1x128xi32, #tpu.memory_space<vmem>>
      %dma_start3A_172 = tpu.memref_squeeze %dma_start3A_171 : memref<1x128xi32, #tpu.memory_space<vmem>> -> memref<128xi32, #tpu.memory_space<vmem>>
      %dma_start3A_173 = arith.constant 0 : i32
      %dma_start3A_174 = arith.constant 0 : i32
      %dma_start3A_175 = tpu.memref_slice %arg6[%dma_start3A_173, %dma_start3A_174] : memref<10112x128xf32, #tpu.memory_space<vmem_shared>> -> memref<10112x128xf32, #tpu.memory_space<vmem_shared>>
      tpu.enqueue_indirect_dma source(%dma_start3A_169 : memref<128x128xf32, #tpu.memory_space<vmem>>) target(%dma_start3A_175 : memref<10112x128xf32, #tpu.memory_space<vmem_shared>>) offsets(%dma_start3A_172 : memref<128xi32, #tpu.memory_space<vmem>>) semaphore(%arg12 : memref<!tpu.dma_semaphore, #tpu.memory_space<semaphore_mem>>) {add = true}
      %dma_wait3A_176 = arith.constant 0 : i32
      %dma_wait3A_177 = arith.constant 2 : i32
      %dma_wait3A_178 = arith.constant 0 : i32
      %dma_wait3A_179 = arith.constant 0 : i32
      %dma_wait3A_180 = tpu.memref_slice %arg9[%dma_wait3A_176, %dma_wait3A_178, %dma_wait3A_179] : memref<2x128x128xf32, #tpu.memory_space<vmem>> -> memref<1x128x128xf32, #tpu.memory_space<vmem>>
      %dma_wait3A_181 = tpu.memref_squeeze %dma_wait3A_180 : memref<1x128x128xf32, #tpu.memory_space<vmem>> -> memref<128x128xf32, #tpu.memory_space<vmem>>
      %dma_wait3A_182 = arith.constant 0 : i32
      %dma_wait3A_183 = tpu.memref_slice %arg8[%dma_wait3A_177, %dma_wait3A_182] : memref<8x128xi32, #tpu.memory_space<vmem>> -> memref<1x128xi32, #tpu.memory_space<vmem>>
      %dma_wait3A_184 = tpu.memref_squeeze %dma_wait3A_183 : memref<1x128xi32, #tpu.memory_space<vmem>> -> memref<128xi32, #tpu.memory_space<vmem>>
      %dma_wait3A_185 = arith.constant 0 : i32
      %dma_wait3A_186 = arith.constant 0 : i32
      %dma_wait3A_187 = tpu.memref_slice %arg6[%dma_wait3A_185, %dma_wait3A_186] : memref<10112x128xf32, #tpu.memory_space<vmem_shared>> -> memref<10112x128xf32, #tpu.memory_space<vmem_shared>>
      tpu.wait_indirect_dma semaphore(%arg12 : memref<!tpu.dma_semaphore, #tpu.memory_space<semaphore_mem>>) src(%dma_wait3A_181 : memref<128x128xf32, #tpu.memory_space<vmem>>) dst(%dma_wait3A_187 : memref<10112x128xf32, #tpu.memory_space<vmem_shared>>)
      %dma_start3A_188 = arith.constant 4 : i32
      %dma_start3A_189 = arith.constant 0 : i32
      %dma_start3A_190 = arith.constant 0 : i32
      %dma_start3A_191 = arith.constant 0 : i32
      %dma_start3A_192 = tpu.memref_slice %arg9[%dma_start3A_189, %dma_start3A_190, %dma_start3A_191] : memref<2x128x128xf32, #tpu.memory_space<vmem>> -> memref<1x128x128xf32, #tpu.memory_space<vmem>>
      %dma_start3A_193 = tpu.memref_squeeze %dma_start3A_192 : memref<1x128x128xf32, #tpu.memory_space<vmem>> -> memref<128x128xf32, #tpu.memory_space<vmem>>
      %dma_start3A_194 = arith.constant 0 : i32
      %dma_start3A_195 = tpu.memref_slice %arg7[%dma_start3A_188, %dma_start3A_194] : memref<8x128xi32, #tpu.memory_space<vmem>> -> memref<1x128xi32, #tpu.memory_space<vmem>>
      %dma_start3A_196 = tpu.memref_squeeze %dma_start3A_195 : memref<1x128xi32, #tpu.memory_space<vmem>> -> memref<128xi32, #tpu.memory_space<vmem>>
      %dma_start3A_197 = arith.constant 0 : i32
      %dma_start3A_198 = arith.constant 0 : i32
      %dma_start3A_199 = tpu.memref_slice %arg2[%dma_start3A_197, %dma_start3A_198] : memref<10000x128xf32, #tpu.memory_space<hbm>> -> memref<10000x128xf32, #tpu.memory_space<hbm>>
      tpu.enqueue_indirect_dma source(%dma_start3A_199 : memref<10000x128xf32, #tpu.memory_space<hbm>>) target(%dma_start3A_193 : memref<128x128xf32, #tpu.memory_space<vmem>>) offsets(%dma_start3A_196 : memref<128xi32, #tpu.memory_space<vmem>>) semaphore(%arg10 : memref<!tpu.dma_semaphore, #tpu.memory_space<semaphore_mem>>)
      %dma_wait3A_200 = arith.constant 3 : i32
      %dma_wait3A_201 = arith.constant 1 : i32
      %dma_wait3A_202 = arith.constant 0 : i32
      %dma_wait3A_203 = arith.constant 0 : i32
      %dma_wait3A_204 = tpu.memref_slice %arg9[%dma_wait3A_201, %dma_wait3A_202, %dma_wait3A_203] : memref<2x128x128xf32, #tpu.memory_space<vmem>> -> memref<1x128x128xf32, #tpu.memory_space<vmem>>
      %dma_wait3A_205 = tpu.memref_squeeze %dma_wait3A_204 : memref<1x128x128xf32, #tpu.memory_space<vmem>> -> memref<128x128xf32, #tpu.memory_space<vmem>>
      %dma_wait3A_206 = arith.constant 0 : i32
      %dma_wait3A_207 = tpu.memref_slice %arg7[%dma_wait3A_200, %dma_wait3A_206] : memref<8x128xi32, #tpu.memory_space<vmem>> -> memref<1x128xi32, #tpu.memory_space<vmem>>
      %dma_wait3A_208 = tpu.memref_squeeze %dma_wait3A_207 : memref<1x128xi32, #tpu.memory_space<vmem>> -> memref<128xi32, #tpu.memory_space<vmem>>
      %dma_wait3A_209 = arith.constant 0 : i32
      %dma_wait3A_210 = arith.constant 0 : i32
      %dma_wait3A_211 = tpu.memref_slice %arg2[%dma_wait3A_209, %dma_wait3A_210] : memref<10000x128xf32, #tpu.memory_space<hbm>> -> memref<10000x128xf32, #tpu.memory_space<hbm>>
      tpu.wait_indirect_dma semaphore(%arg11 : memref<!tpu.dma_semaphore, #tpu.memory_space<semaphore_mem>>) src(%dma_wait3A_211 : memref<10000x128xf32, #tpu.memory_space<hbm>>) dst(%dma_wait3A_205 : memref<128x128xf32, #tpu.memory_space<vmem>>)
      %dma_start3A_212 = arith.constant 1 : i32
      %dma_start3A_213 = arith.constant 3 : i32
      %dma_start3A_214 = arith.constant 0 : i32
      %dma_start3A_215 = arith.constant 0 : i32
      %dma_start3A_216 = tpu.memref_slice %arg9[%dma_start3A_212, %dma_start3A_214, %dma_start3A_215] : memref<2x128x128xf32, #tpu.memory_space<vmem>> -> memref<1x128x128xf32, #tpu.memory_space<vmem>>
      %dma_start3A_217 = tpu.memref_squeeze %dma_start3A_216 : memref<1x128x128xf32, #tpu.memory_space<vmem>> -> memref<128x128xf32, #tpu.memory_space<vmem>>
      %dma_start3A_218 = arith.constant 0 : i32
      %dma_start3A_219 = tpu.memref_slice %arg8[%dma_start3A_213, %dma_start3A_218] : memref<8x128xi32, #tpu.memory_space<vmem>> -> memref<1x128xi32, #tpu.memory_space<vmem>>
      %dma_start3A_220 = tpu.memref_squeeze %dma_start3A_219 : memref<1x128xi32, #tpu.memory_space<vmem>> -> memref<128xi32, #tpu.memory_space<vmem>>
      %dma_start3A_221 = arith.constant 0 : i32
      %dma_start3A_222 = arith.constant 0 : i32
      %dma_start3A_223 = tpu.memref_slice %arg6[%dma_start3A_221, %dma_start3A_222] : memref<10112x128xf32, #tpu.memory_space<vmem_shared>> -> memref<10112x128xf32, #tpu.memory_space<vmem_shared>>
      tpu.enqueue_indirect_dma source(%dma_start3A_217 : memref<128x128xf32, #tpu.memory_space<vmem>>) target(%dma_start3A_223 : memref<10112x128xf32, #tpu.memory_space<vmem_shared>>) offsets(%dma_start3A_220 : memref<128xi32, #tpu.memory_space<vmem>>) semaphore(%arg13 : memref<!tpu.dma_semaphore, #tpu.memory_space<semaphore_mem>>) {add = true}
      %dma_wait3A_224 = arith.constant 1 : i32
      %dma_wait3A_225 = arith.constant 3 : i32
      %dma_wait3A_226 = arith.constant 0 : i32
      %dma_wait3A_227 = arith.constant 0 : i32
      %dma_wait3A_228 = tpu.memref_slice %arg9[%dma_wait3A_224, %dma_wait3A_226, %dma_wait3A_227] : memref<2x128x128xf32, #tpu.memory_space<vmem>> -> memref<1x128x128xf32, #tpu.memory_space<vmem>>
      %dma_wait3A_229 = tpu.memref_squeeze %dma_wait3A_228 : memref<1x128x128xf32, #tpu.memory_space<vmem>> -> memref<128x128xf32, #tpu.memory_space<vmem>>
      %dma_wait3A_230 = arith.constant 0 : i32
      %dma_wait3A_231 = tpu.memref_slice %arg8[%dma_wait3A_225, %dma_wait3A_230] : memref<8x128xi32, #tpu.memory_space<vmem>> -> memref<1x128xi32, #tpu.memory_space<vmem>>
      %dma_wait3A_232 = tpu.memref_squeeze %dma_wait3A_231 : memref<1x128xi32, #tpu.memory_space<vmem>> -> memref<128xi32, #tpu.memory_space<vmem>>
      %dma_wait3A_233 = arith.constant 0 : i32
      %dma_wait3A_234 = arith.constant 0 : i32
      %dma_wait3A_235 = tpu.memref_slice %arg6[%dma_wait3A_233, %dma_wait3A_234] : memref<10112x128xf32, #tpu.memory_space<vmem_shared>> -> memref<10112x128xf32, #tpu.memory_space<vmem_shared>>
      tpu.wait_indirect_dma semaphore(%arg13 : memref<!tpu.dma_semaphore, #tpu.memory_space<semaphore_mem>>) src(%dma_wait3A_229 : memref<128x128xf32, #tpu.memory_space<vmem>>) dst(%dma_wait3A_235 : memref<10112x128xf32, #tpu.memory_space<vmem_shared>>)
      %dma_start3A_236 = arith.constant 5 : i32
      %dma_start3A_237 = arith.constant 1 : i32
      %dma_start3A_238 = arith.constant 0 : i32
      %dma_start3A_239 = arith.constant 0 : i32
      %dma_start3A_240 = tpu.memref_slice %arg9[%dma_start3A_237, %dma_start3A_238, %dma_start3A_239] : memref<2x128x128xf32, #tpu.memory_space<vmem>> -> memref<1x128x128xf32, #tpu.memory_space<vmem>>
      %dma_start3A_241 = tpu.memref_squeeze %dma_start3A_240 : memref<1x128x128xf32, #tpu.memory_space<vmem>> -> memref<128x128xf32, #tpu.memory_space<vmem>>
      %dma_start3A_242 = arith.constant 0 : i32
      %dma_start3A_243 = tpu.memref_slice %arg7[%dma_start3A_236, %dma_start3A_242] : memref<8x128xi32, #tpu.memory_space<vmem>> -> memref<1x128xi32, #tpu.memory_space<vmem>>
      %dma_start3A_244 = tpu.memref_squeeze %dma_start3A_243 : memref<1x128xi32, #tpu.memory_space<vmem>> -> memref<128xi32, #tpu.memory_space<vmem>>
      %dma_start3A_245 = arith.constant 0 : i32
      %dma_start3A_246 = arith.constant 0 : i32
      %dma_start3A_247 = tpu.memref_slice %arg2[%dma_start3A_245, %dma_start3A_246] : memref<10000x128xf32, #tpu.memory_space<hbm>> -> memref<10000x128xf32, #tpu.memory_space<hbm>>
      tpu.enqueue_indirect_dma source(%dma_start3A_247 : memref<10000x128xf32, #tpu.memory_space<hbm>>) target(%dma_start3A_241 : memref<128x128xf32, #tpu.memory_space<vmem>>) offsets(%dma_start3A_244 : memref<128xi32, #tpu.memory_space<vmem>>) semaphore(%arg11 : memref<!tpu.dma_semaphore, #tpu.memory_space<semaphore_mem>>)
      %dma_wait3A_248 = arith.constant 4 : i32
      %dma_wait3A_249 = arith.constant 0 : i32
      %dma_wait3A_250 = arith.constant 0 : i32
      %dma_wait3A_251 = arith.constant 0 : i32
      %dma_wait3A_252 = tpu.memref_slice %arg9[%dma_wait3A_249, %dma_wait3A_250, %dma_wait3A_251] : memref<2x128x128xf32, #tpu.memory_space<vmem>> -> memref<1x128x128xf32, #tpu.memory_space<vmem>>
      %dma_wait3A_253 = tpu.memref_squeeze %dma_wait3A_252 : memref<1x128x128xf32, #tpu.memory_space<vmem>> -> memref<128x128xf32, #tpu.memory_space<vmem>>
      %dma_wait3A_254 = arith.constant 0 : i32
      %dma_wait3A_255 = tpu.memref_slice %arg7[%dma_wait3A_248, %dma_wait3A_254] : memref<8x128xi32, #tpu.memory_space<vmem>> -> memref<1x128xi32, #tpu.memory_space<vmem>>
      %dma_wait3A_256 = tpu.memref_squeeze %dma_wait3A_255 : memref<1x128xi32, #tpu.memory_space<vmem>> -> memref<128xi32, #tpu.memory_space<vmem>>
      %dma_wait3A_257 = arith.constant 0 : i32
      %dma_wait3A_258 = arith.constant 0 : i32
      %dma_wait3A_259 = tpu.memref_slice %arg2[%dma_wait3A_257, %dma_wait3A_258] : memref<10000x128xf32, #tpu.memory_space<hbm>> -> memref<10000x128xf32, #tpu.memory_space<hbm>>
      tpu.wait_indirect_dma semaphore(%arg10 : memref<!tpu.dma_semaphore, #tpu.memory_space<semaphore_mem>>) src(%dma_wait3A_259 : memref<10000x128xf32, #tpu.memory_space<hbm>>) dst(%dma_wait3A_253 : memref<128x128xf32, #tpu.memory_space<vmem>>)
      %dma_start3A_260 = arith.constant 0 : i32
      %dma_start3A_261 = arith.constant 4 : i32
      %dma_start3A_262 = arith.constant 0 : i32
      %dma_start3A_263 = arith.constant 0 : i32
      %dma_start3A_264 = tpu.memref_slice %arg9[%dma_start3A_260, %dma_start3A_262, %dma_start3A_263] : memref<2x128x128xf32, #tpu.memory_space<vmem>> -> memref<1x128x128xf32, #tpu.memory_space<vmem>>
      %dma_start3A_265 = tpu.memref_squeeze %dma_start3A_264 : memref<1x128x128xf32, #tpu.memory_space<vmem>> -> memref<128x128xf32, #tpu.memory_space<vmem>>
      %dma_start3A_266 = arith.constant 0 : i32
      %dma_start3A_267 = tpu.memref_slice %arg8[%dma_start3A_261, %dma_start3A_266] : memref<8x128xi32, #tpu.memory_space<vmem>> -> memref<1x128xi32, #tpu.memory_space<vmem>>
      %dma_start3A_268 = tpu.memref_squeeze %dma_start3A_267 : memref<1x128xi32, #tpu.memory_space<vmem>> -> memref<128xi32, #tpu.memory_space<vmem>>
      %dma_start3A_269 = arith.constant 0 : i32
      %dma_start3A_270 = arith.constant 0 : i32
      %dma_start3A_271 = tpu.memref_slice %arg6[%dma_start3A_269, %dma_start3A_270] : memref<10112x128xf32, #tpu.memory_space<vmem_shared>> -> memref<10112x128xf32, #tpu.memory_space<vmem_shared>>
      tpu.enqueue_indirect_dma source(%dma_start3A_265 : memref<128x128xf32, #tpu.memory_space<vmem>>) target(%dma_start3A_271 : memref<10112x128xf32, #tpu.memory_space<vmem_shared>>) offsets(%dma_start3A_268 : memref<128xi32, #tpu.memory_space<vmem>>) semaphore(%arg12 : memref<!tpu.dma_semaphore, #tpu.memory_space<semaphore_mem>>) {add = true}
      %dma_wait3A_272 = arith.constant 0 : i32
      %dma_wait3A_273 = arith.constant 4 : i32
      %dma_wait3A_274 = arith.constant 0 : i32
      %dma_wait3A_275 = arith.constant 0 : i32
      %dma_wait3A_276 = tpu.memref_slice %arg9[%dma_wait3A_272, %dma_wait3A_274, %dma_wait3A_275] : memref<2x128x128xf32, #tpu.memory_space<vmem>> -> memref<1x128x128xf32, #tpu.memory_space<vmem>>
      %dma_wait3A_277 = tpu.memref_squeeze %dma_wait3A_276 : memref<1x128x128xf32, #tpu.memory_space<vmem>> -> memref<128x128xf32, #tpu.memory_space<vmem>>
      %dma_wait3A_278 = arith.constant 0 : i32
      %dma_wait3A_279 = tpu.memref_slice %arg8[%dma_wait3A_273, %dma_wait3A_278] : memref<8x128xi32, #tpu.memory_space<vmem>> -> memref<1x128xi32, #tpu.memory_space<vmem>>
      %dma_wait3A_280 = tpu.memref_squeeze %dma_wait3A_279 : memref<1x128xi32, #tpu.memory_space<vmem>> -> memref<128xi32, #tpu.memory_space<vmem>>
      %dma_wait3A_281 = arith.constant 0 : i32
      %dma_wait3A_282 = arith.constant 0 : i32
      %dma_wait3A_283 = tpu.memref_slice %arg6[%dma_wait3A_281, %dma_wait3A_282] : memref<10112x128xf32, #tpu.memory_space<vmem_shared>> -> memref<10112x128xf32, #tpu.memory_space<vmem_shared>>
      tpu.wait_indirect_dma semaphore(%arg12 : memref<!tpu.dma_semaphore, #tpu.memory_space<semaphore_mem>>) src(%dma_wait3A_277 : memref<128x128xf32, #tpu.memory_space<vmem>>) dst(%dma_wait3A_283 : memref<10112x128xf32, #tpu.memory_space<vmem_shared>>)
      %dma_start3A_284 = arith.constant 6 : i32
      %dma_start3A_285 = arith.constant 0 : i32
      %dma_start3A_286 = arith.constant 0 : i32
      %dma_start3A_287 = arith.constant 0 : i32
      %dma_start3A_288 = tpu.memref_slice %arg9[%dma_start3A_285, %dma_start3A_286, %dma_start3A_287] : memref<2x128x128xf32, #tpu.memory_space<vmem>> -> memref<1x128x128xf32, #tpu.memory_space<vmem>>
      %dma_start3A_289 = tpu.memref_squeeze %dma_start3A_288 : memref<1x128x128xf32, #tpu.memory_space<vmem>> -> memref<128x128xf32, #tpu.memory_space<vmem>>
      %dma_start3A_290 = arith.constant 0 : i32
      %dma_start3A_291 = tpu.memref_slice %arg7[%dma_start3A_284, %dma_start3A_290] : memref<8x128xi32, #tpu.memory_space<vmem>> -> memref<1x128xi32, #tpu.memory_space<vmem>>
      %dma_start3A_292 = tpu.memref_squeeze %dma_start3A_291 : memref<1x128xi32, #tpu.memory_space<vmem>> -> memref<128xi32, #tpu.memory_space<vmem>>
      %dma_start3A_293 = arith.constant 0 : i32
      %dma_start3A_294 = arith.constant 0 : i32
      %dma_start3A_295 = tpu.memref_slice %arg2[%dma_start3A_293, %dma_start3A_294] : memref<10000x128xf32, #tpu.memory_space<hbm>> -> memref<10000x128xf32, #tpu.memory_space<hbm>>
      tpu.enqueue_indirect_dma source(%dma_start3A_295 : memref<10000x128xf32, #tpu.memory_space<hbm>>) target(%dma_start3A_289 : memref<128x128xf32, #tpu.memory_space<vmem>>) offsets(%dma_start3A_292 : memref<128xi32, #tpu.memory_space<vmem>>) semaphore(%arg10 : memref<!tpu.dma_semaphore, #tpu.memory_space<semaphore_mem>>)
      %dma_wait3A_296 = arith.constant 5 : i32
      %dma_wait3A_297 = arith.constant 1 : i32
      %dma_wait3A_298 = arith.constant 0 : i32
      %dma_wait3A_299 = arith.constant 0 : i32
      %dma_wait3A_300 = tpu.memref_slice %arg9[%dma_wait3A_297, %dma_wait3A_298, %dma_wait3A_299] : memref<2x128x128xf32, #tpu.memory_space<vmem>> -> memref<1x128x128xf32, #tpu.memory_space<vmem>>
      %dma_wait3A_301 = tpu.memref_squeeze %dma_wait3A_300 : memref<1x128x128xf32, #tpu.memory_space<vmem>> -> memref<128x128xf32, #tpu.memory_space<vmem>>
      %dma_wait3A_302 = arith.constant 0 : i32
      %dma_wait3A_303 = tpu.memref_slice %arg7[%dma_wait3A_296, %dma_wait3A_302] : memref<8x128xi32, #tpu.memory_space<vmem>> -> memref<1x128xi32, #tpu.memory_space<vmem>>
      %dma_wait3A_304 = tpu.memref_squeeze %dma_wait3A_303 : memref<1x128xi32, #tpu.memory_space<vmem>> -> memref<128xi32, #tpu.memory_space<vmem>>
      %dma_wait3A_305 = arith.constant 0 : i32
      %dma_wait3A_306 = arith.constant 0 : i32
      %dma_wait3A_307 = tpu.memref_slice %arg2[%dma_wait3A_305, %dma_wait3A_306] : memref<10000x128xf32, #tpu.memory_space<hbm>> -> memref<10000x128xf32, #tpu.memory_space<hbm>>
      tpu.wait_indirect_dma semaphore(%arg11 : memref<!tpu.dma_semaphore, #tpu.memory_space<semaphore_mem>>) src(%dma_wait3A_307 : memref<10000x128xf32, #tpu.memory_space<hbm>>) dst(%dma_wait3A_301 : memref<128x128xf32, #tpu.memory_space<vmem>>)
      %dma_start3A_308 = arith.constant 1 : i32
      %dma_start3A_309 = arith.constant 5 : i32
      %dma_start3A_310 = arith.constant 0 : i32
      %dma_start3A_311 = arith.constant 0 : i32
      %dma_start3A_312 = tpu.memref_slice %arg9[%dma_start3A_308, %dma_start3A_310, %dma_start3A_311] : memref<2x128x128xf32, #tpu.memory_space<vmem>> -> memref<1x128x128xf32, #tpu.memory_space<vmem>>
      %dma_start3A_313 = tpu.memref_squeeze %dma_start3A_312 : memref<1x128x128xf32, #tpu.memory_space<vmem>> -> memref<128x128xf32, #tpu.memory_space<vmem>>
      %dma_start3A_314 = arith.constant 0 : i32
      %dma_start3A_315 = tpu.memref_slice %arg8[%dma_start3A_309, %dma_start3A_314] : memref<8x128xi32, #tpu.memory_space<vmem>> -> memref<1x128xi32, #tpu.memory_space<vmem>>
      %dma_start3A_316 = tpu.memref_squeeze %dma_start3A_315 : memref<1x128xi32, #tpu.memory_space<vmem>> -> memref<128xi32, #tpu.memory_space<vmem>>
      %dma_start3A_317 = arith.constant 0 : i32
      %dma_start3A_318 = arith.constant 0 : i32
      %dma_start3A_319 = tpu.memref_slice %arg6[%dma_start3A_317, %dma_start3A_318] : memref<10112x128xf32, #tpu.memory_space<vmem_shared>> -> memref<10112x128xf32, #tpu.memory_space<vmem_shared>>
      tpu.enqueue_indirect_dma source(%dma_start3A_313 : memref<128x128xf32, #tpu.memory_space<vmem>>) target(%dma_start3A_319 : memref<10112x128xf32, #tpu.memory_space<vmem_shared>>) offsets(%dma_start3A_316 : memref<128xi32, #tpu.memory_space<vmem>>) semaphore(%arg13 : memref<!tpu.dma_semaphore, #tpu.memory_space<semaphore_mem>>) {add = true}
      %dma_wait3A_320 = arith.constant 1 : i32
      %dma_wait3A_321 = arith.constant 5 : i32
      %dma_wait3A_322 = arith.constant 0 : i32
      %dma_wait3A_323 = arith.constant 0 : i32
      %dma_wait3A_324 = tpu.memref_slice %arg9[%dma_wait3A_320, %dma_wait3A_322, %dma_wait3A_323] : memref<2x128x128xf32, #tpu.memory_space<vmem>> -> memref<1x128x128xf32, #tpu.memory_space<vmem>>
      %dma_wait3A_325 = tpu.memref_squeeze %dma_wait3A_324 : memref<1x128x128xf32, #tpu.memory_space<vmem>> -> memref<128x128xf32, #tpu.memory_space<vmem>>
      %dma_wait3A_326 = arith.constant 0 : i32
      %dma_wait3A_327 = tpu.memref_slice %arg8[%dma_wait3A_321, %dma_wait3A_326] : memref<8x128xi32, #tpu.memory_space<vmem>> -> memref<1x128xi32, #tpu.memory_space<vmem>>
      %dma_wait3A_328 = tpu.memref_squeeze %dma_wait3A_327 : memref<1x128xi32, #tpu.memory_space<vmem>> -> memref<128xi32, #tpu.memory_space<vmem>>
      %dma_wait3A_329 = arith.constant 0 : i32
      %dma_wait3A_330 = arith.constant 0 : i32
      %dma_wait3A_331 = tpu.memref_slice %arg6[%dma_wait3A_329, %dma_wait3A_330] : memref<10112x128xf32, #tpu.memory_space<vmem_shared>> -> memref<10112x128xf32, #tpu.memory_space<vmem_shared>>
      tpu.wait_indirect_dma semaphore(%arg13 : memref<!tpu.dma_semaphore, #tpu.memory_space<semaphore_mem>>) src(%dma_wait3A_325 : memref<128x128xf32, #tpu.memory_space<vmem>>) dst(%dma_wait3A_331 : memref<10112x128xf32, #tpu.memory_space<vmem_shared>>)
      %dma_start3A_332 = arith.constant 7 : i32
      %dma_start3A_333 = arith.constant 1 : i32
      %dma_start3A_334 = arith.constant 0 : i32
      %dma_start3A_335 = arith.constant 0 : i32
      %dma_start3A_336 = tpu.memref_slice %arg9[%dma_start3A_333, %dma_start3A_334, %dma_start3A_335] : memref<2x128x128xf32, #tpu.memory_space<vmem>> -> memref<1x128x128xf32, #tpu.memory_space<vmem>>
      %dma_start3A_337 = tpu.memref_squeeze %dma_start3A_336 : memref<1x128x128xf32, #tpu.memory_space<vmem>> -> memref<128x128xf32, #tpu.memory_space<vmem>>
      %dma_start3A_338 = arith.constant 0 : i32
      %dma_start3A_339 = tpu.memref_slice %arg7[%dma_start3A_332, %dma_start3A_338] : memref<8x128xi32, #tpu.memory_space<vmem>> -> memref<1x128xi32, #tpu.memory_space<vmem>>
      %dma_start3A_340 = tpu.memref_squeeze %dma_start3A_339 : memref<1x128xi32, #tpu.memory_space<vmem>> -> memref<128xi32, #tpu.memory_space<vmem>>
      %dma_start3A_341 = arith.constant 0 : i32
      %dma_start3A_342 = arith.constant 0 : i32
      %dma_start3A_343 = tpu.memref_slice %arg2[%dma_start3A_341, %dma_start3A_342] : memref<10000x128xf32, #tpu.memory_space<hbm>> -> memref<10000x128xf32, #tpu.memory_space<hbm>>
      tpu.enqueue_indirect_dma source(%dma_start3A_343 : memref<10000x128xf32, #tpu.memory_space<hbm>>) target(%dma_start3A_337 : memref<128x128xf32, #tpu.memory_space<vmem>>) offsets(%dma_start3A_340 : memref<128xi32, #tpu.memory_space<vmem>>) semaphore(%arg11 : memref<!tpu.dma_semaphore, #tpu.memory_space<semaphore_mem>>)
      %dma_wait3A_344 = arith.constant 6 : i32
      %dma_wait3A_345 = arith.constant 0 : i32
      %dma_wait3A_346 = arith.constant 0 : i32
      %dma_wait3A_347 = arith.constant 0 : i32
      %dma_wait3A_348 = tpu.memref_slice %arg9[%dma_wait3A_345, %dma_wait3A_346, %dma_wait3A_347] : memref<2x128x128xf32, #tpu.memory_space<vmem>> -> memref<1x128x128xf32, #tpu.memory_space<vmem>>
      %dma_wait3A_349 = tpu.memref_squeeze %dma_wait3A_348 : memref<1x128x128xf32, #tpu.memory_space<vmem>> -> memref<128x128xf32, #tpu.memory_space<vmem>>
      %dma_wait3A_350 = arith.constant 0 : i32
      %dma_wait3A_351 = tpu.memref_slice %arg7[%dma_wait3A_344, %dma_wait3A_350] : memref<8x128xi32, #tpu.memory_space<vmem>> -> memref<1x128xi32, #tpu.memory_space<vmem>>
      %dma_wait3A_352 = tpu.memref_squeeze %dma_wait3A_351 : memref<1x128xi32, #tpu.memory_space<vmem>> -> memref<128xi32, #tpu.memory_space<vmem>>
      %dma_wait3A_353 = arith.constant 0 : i32
      %dma_wait3A_354 = arith.constant 0 : i32
      %dma_wait3A_355 = tpu.memref_slice %arg2[%dma_wait3A_353, %dma_wait3A_354] : memref<10000x128xf32, #tpu.memory_space<hbm>> -> memref<10000x128xf32, #tpu.memory_space<hbm>>
      tpu.wait_indirect_dma semaphore(%arg10 : memref<!tpu.dma_semaphore, #tpu.memory_space<semaphore_mem>>) src(%dma_wait3A_355 : memref<10000x128xf32, #tpu.memory_space<hbm>>) dst(%dma_wait3A_349 : memref<128x128xf32, #tpu.memory_space<vmem>>)
      %dma_start3A_356 = arith.constant 0 : i32
      %dma_start3A_357 = arith.constant 6 : i32
      %dma_start3A_358 = arith.constant 0 : i32
      %dma_start3A_359 = arith.constant 0 : i32
      %dma_start3A_360 = tpu.memref_slice %arg9[%dma_start3A_356, %dma_start3A_358, %dma_start3A_359] : memref<2x128x128xf32, #tpu.memory_space<vmem>> -> memref<1x128x128xf32, #tpu.memory_space<vmem>>
      %dma_start3A_361 = tpu.memref_squeeze %dma_start3A_360 : memref<1x128x128xf32, #tpu.memory_space<vmem>> -> memref<128x128xf32, #tpu.memory_space<vmem>>
      %dma_start3A_362 = arith.constant 0 : i32
      %dma_start3A_363 = tpu.memref_slice %arg8[%dma_start3A_357, %dma_start3A_362] : memref<8x128xi32, #tpu.memory_space<vmem>> -> memref<1x128xi32, #tpu.memory_space<vmem>>
      %dma_start3A_364 = tpu.memref_squeeze %dma_start3A_363 : memref<1x128xi32, #tpu.memory_space<vmem>> -> memref<128xi32, #tpu.memory_space<vmem>>
      %dma_start3A_365 = arith.constant 0 : i32
      %dma_start3A_366 = arith.constant 0 : i32
      %dma_start3A_367 = tpu.memref_slice %arg6[%dma_start3A_365, %dma_start3A_366] : memref<10112x128xf32, #tpu.memory_space<vmem_shared>> -> memref<10112x128xf32, #tpu.memory_space<vmem_shared>>
      tpu.enqueue_indirect_dma source(%dma_start3A_361 : memref<128x128xf32, #tpu.memory_space<vmem>>) target(%dma_start3A_367 : memref<10112x128xf32, #tpu.memory_space<vmem_shared>>) offsets(%dma_start3A_364 : memref<128xi32, #tpu.memory_space<vmem>>) semaphore(%arg12 : memref<!tpu.dma_semaphore, #tpu.memory_space<semaphore_mem>>) {add = true}
      %dma_wait3A_368 = arith.constant 7 : i32
      %dma_wait3A_369 = arith.constant 1 : i32
      %dma_wait3A_370 = arith.constant 0 : i32
      %dma_wait3A_371 = arith.constant 0 : i32
      %dma_wait3A_372 = tpu.memref_slice %arg9[%dma_wait3A_369, %dma_wait3A_370, %dma_wait3A_371] : memref<2x128x128xf32, #tpu.memory_space<vmem>> -> memref<1x128x128xf32, #tpu.memory_space<vmem>>
      %dma_wait3A_373 = tpu.memref_squeeze %dma_wait3A_372 : memref<1x128x128xf32, #tpu.memory_space<vmem>> -> memref<128x128xf32, #tpu.memory_space<vmem>>
      %dma_wait3A_374 = arith.constant 0 : i32
      %dma_wait3A_375 = tpu.memref_slice %arg7[%dma_wait3A_368, %dma_wait3A_374] : memref<8x128xi32, #tpu.memory_space<vmem>> -> memref<1x128xi32, #tpu.memory_space<vmem>>
      %dma_wait3A_376 = tpu.memref_squeeze %dma_wait3A_375 : memref<1x128xi32, #tpu.memory_space<vmem>> -> memref<128xi32, #tpu.memory_space<vmem>>
      %dma_wait3A_377 = arith.constant 0 : i32
      %dma_wait3A_378 = arith.constant 0 : i32
      %dma_wait3A_379 = tpu.memref_slice %arg2[%dma_wait3A_377, %dma_wait3A_378] : memref<10000x128xf32, #tpu.memory_space<hbm>> -> memref<10000x128xf32, #tpu.memory_space<hbm>>
      tpu.wait_indirect_dma semaphore(%arg11 : memref<!tpu.dma_semaphore, #tpu.memory_space<semaphore_mem>>) src(%dma_wait3A_379 : memref<10000x128xf32, #tpu.memory_space<hbm>>) dst(%dma_wait3A_373 : memref<128x128xf32, #tpu.memory_space<vmem>>)
      %dma_start3A_380 = arith.constant 1 : i32
      %dma_start3A_381 = arith.constant 7 : i32
      %dma_start3A_382 = arith.constant 0 : i32
      %dma_start3A_383 = arith.constant 0 : i32
      %dma_start3A_384 = tpu.memref_slice %arg9[%dma_start3A_380, %dma_start3A_382, %dma_start3A_383] : memref<2x128x128xf32, #tpu.memory_space<vmem>> -> memref<1x128x128xf32, #tpu.memory_space<vmem>>
      %dma_start3A_385 = tpu.memref_squeeze %dma_start3A_384 : memref<1x128x128xf32, #tpu.memory_space<vmem>> -> memref<128x128xf32, #tpu.memory_space<vmem>>
      %dma_start3A_386 = arith.constant 0 : i32
      %dma_start3A_387 = tpu.memref_slice %arg8[%dma_start3A_381, %dma_start3A_386] : memref<8x128xi32, #tpu.memory_space<vmem>> -> memref<1x128xi32, #tpu.memory_space<vmem>>
      %dma_start3A_388 = tpu.memref_squeeze %dma_start3A_387 : memref<1x128xi32, #tpu.memory_space<vmem>> -> memref<128xi32, #tpu.memory_space<vmem>>
      %dma_start3A_389 = arith.constant 0 : i32
      %dma_start3A_390 = arith.constant 0 : i32
      %dma_start3A_391 = tpu.memref_slice %arg6[%dma_start3A_389, %dma_start3A_390] : memref<10112x128xf32, #tpu.memory_space<vmem_shared>> -> memref<10112x128xf32, #tpu.memory_space<vmem_shared>>
      tpu.enqueue_indirect_dma source(%dma_start3A_385 : memref<128x128xf32, #tpu.memory_space<vmem>>) target(%dma_start3A_391 : memref<10112x128xf32, #tpu.memory_space<vmem_shared>>) offsets(%dma_start3A_388 : memref<128xi32, #tpu.memory_space<vmem>>) semaphore(%arg13 : memref<!tpu.dma_semaphore, #tpu.memory_space<semaphore_mem>>) {add = true}
      %dma_wait3A_392 = arith.constant 0 : i32
      %dma_wait3A_393 = arith.constant 6 : i32
      %dma_wait3A_394 = arith.constant 0 : i32
      %dma_wait3A_395 = arith.constant 0 : i32
      %dma_wait3A_396 = tpu.memref_slice %arg9[%dma_wait3A_392, %dma_wait3A_394, %dma_wait3A_395] : memref<2x128x128xf32, #tpu.memory_space<vmem>> -> memref<1x128x128xf32, #tpu.memory_space<vmem>>
      %dma_wait3A_397 = tpu.memref_squeeze %dma_wait3A_396 : memref<1x128x128xf32, #tpu.memory_space<vmem>> -> memref<128x128xf32, #tpu.memory_space<vmem>>
      %dma_wait3A_398 = arith.constant 0 : i32
      %dma_wait3A_399 = tpu.memref_slice %arg8[%dma_wait3A_393, %dma_wait3A_398] : memref<8x128xi32, #tpu.memory_space<vmem>> -> memref<1x128xi32, #tpu.memory_space<vmem>>
      %dma_wait3A_400 = tpu.memref_squeeze %dma_wait3A_399 : memref<1x128xi32, #tpu.memory_space<vmem>> -> memref<128xi32, #tpu.memory_space<vmem>>
      %dma_wait3A_401 = arith.constant 0 : i32
      %dma_wait3A_402 = arith.constant 0 : i32
      %dma_wait3A_403 = tpu.memref_slice %arg6[%dma_wait3A_401, %dma_wait3A_402] : memref<10112x128xf32, #tpu.memory_space<vmem_shared>> -> memref<10112x128xf32, #tpu.memory_space<vmem_shared>>
      tpu.wait_indirect_dma semaphore(%arg12 : memref<!tpu.dma_semaphore, #tpu.memory_space<semaphore_mem>>) src(%dma_wait3A_397 : memref<128x128xf32, #tpu.memory_space<vmem>>) dst(%dma_wait3A_403 : memref<10112x128xf32, #tpu.memory_space<vmem_shared>>)
      %dma_wait3A_404 = arith.constant 1 : i32
      %dma_wait3A_405 = arith.constant 7 : i32
      %dma_wait3A_406 = arith.constant 0 : i32
      %dma_wait3A_407 = arith.constant 0 : i32
      %dma_wait3A_408 = tpu.memref_slice %arg9[%dma_wait3A_404, %dma_wait3A_406, %dma_wait3A_407] : memref<2x128x128xf32, #tpu.memory_space<vmem>> -> memref<1x128x128xf32, #tpu.memory_space<vmem>>
      %dma_wait3A_409 = tpu.memref_squeeze %dma_wait3A_408 : memref<1x128x128xf32, #tpu.memory_space<vmem>> -> memref<128x128xf32, #tpu.memory_space<vmem>>
      %dma_wait3A_410 = arith.constant 0 : i32
      %dma_wait3A_411 = tpu.memref_slice %arg8[%dma_wait3A_405, %dma_wait3A_410] : memref<8x128xi32, #tpu.memory_space<vmem>> -> memref<1x128xi32, #tpu.memory_space<vmem>>
      %dma_wait3A_412 = tpu.memref_squeeze %dma_wait3A_411 : memref<1x128xi32, #tpu.memory_space<vmem>> -> memref<128xi32, #tpu.memory_space<vmem>>
      %dma_wait3A_413 = arith.constant 0 : i32
      %dma_wait3A_414 = arith.constant 0 : i32
      %dma_wait3A_415 = tpu.memref_slice %arg6[%dma_wait3A_413, %dma_wait3A_414] : memref<10112x128xf32, #tpu.memory_space<vmem_shared>> -> memref<10112x128xf32, #tpu.memory_space<vmem_shared>>
      tpu.wait_indirect_dma semaphore(%arg13 : memref<!tpu.dma_semaphore, #tpu.memory_space<semaphore_mem>>) src(%dma_wait3A_409 : memref<128x128xf32, #tpu.memory_space<vmem>>) dst(%dma_wait3A_415 : memref<10112x128xf32, #tpu.memory_space<vmem_shared>>)
      %scan3A_416 = arith.constant 0 : i32
      scf.yield %scan3A_416 : i32
    }
    %scan3A_26 = arith.constant 10 : i32
    %barrier3A_27 = arith.constant 0 : index
    tpu.barrier barrier_id(%barrier3A_27)
    "tpu.region"() ({
      %run_scoped3A_28 = tpu.sem_alloc : memref<!tpu.dma_semaphore, #tpu.memory_space<semaphore_mem>>
      %dma_start3A = arith.constant 0 : i32
      %dma_start3A_29 = arith.constant 0 : i32
      %dma_start3A_30 = tpu.memref_slice %arg5[%arg0, %dma_start3A, %dma_start3A_29] : memref<2x10112x128xf32, #tpu.memory_space<hbm>> -> memref<1x10112x128xf32, #tpu.memory_space<hbm>>
      %dma_start3A_31 = tpu.memref_squeeze %dma_start3A_30 : memref<1x10112x128xf32, #tpu.memory_space<hbm>> -> memref<10112x128xf32, #tpu.memory_space<hbm>>
      %dma_start3A_32 = arith.constant 0 : i32
      %dma_start3A_33 = tpu.memref_slice %dma_start3A_31[%mul3A_2, %dma_start3A_32] : memref<10112x128xf32, #tpu.memory_space<hbm>> -> memref<632x128xf32, #tpu.memory_space<hbm>>
      %dma_start3A_34 = arith.constant 0 : i32
      %dma_start3A_35 = tpu.memref_slice %arg6[%mul3A_2, %dma_start3A_34] : memref<10112x128xf32, #tpu.memory_space<vmem_shared>> -> memref<632x128xf32, #tpu.memory_space<vmem_shared>>
      tpu.enqueue_dma source(%dma_start3A_35 : memref<632x128xf32, #tpu.memory_space<vmem_shared>>) target(%dma_start3A_33 : memref<632x128xf32, #tpu.memory_space<hbm>>) target_semaphore(%run_scoped3A_28 : memref<!tpu.dma_semaphore, #tpu.memory_space<semaphore_mem>>)
      %dma_wait3A = arith.constant 0 : i32
      %dma_wait3A_36 = arith.constant 0 : i32
      %dma_wait3A_37 = tpu.memref_slice %arg5[%arg0, %dma_wait3A, %dma_wait3A_36] : memref<2x10112x128xf32, #tpu.memory_space<hbm>> -> memref<1x10112x128xf32, #tpu.memory_space<hbm>>
      %dma_wait3A_38 = tpu.memref_squeeze %dma_wait3A_37 : memref<1x10112x128xf32, #tpu.memory_space<hbm>> -> memref<10112x128xf32, #tpu.memory_space<hbm>>
      %dma_wait3A_39 = arith.constant 0 : i32
      %dma_wait3A_40 = tpu.memref_slice %dma_wait3A_38[%mul3A_2, %dma_wait3A_39] : memref<10112x128xf32, #tpu.memory_space<hbm>> -> memref<632x128xf32, #tpu.memory_space<hbm>>
      %dma_wait3A_41 = arith.constant 0 : i32
      %dma_wait3A_42 = tpu.memref_slice %arg6[%mul3A_2, %dma_wait3A_41] : memref<10112x128xf32, #tpu.memory_space<vmem_shared>> -> memref<632x128xf32, #tpu.memory_space<vmem_shared>>
      tpu.wait_dma2 semaphore(%run_scoped3A_28 : memref<!tpu.dma_semaphore, #tpu.memory_space<semaphore_mem>>) src(%dma_wait3A_42 : memref<632x128xf32, #tpu.memory_space<vmem_shared>>) dst(%dma_wait3A_40 : memref<632x128xf32, #tpu.memory_space<hbm>>)
      tpu.yield
    }) : () -> ()
    return
  }
}

#map = affine_map<(d0, d1) -> (0, 0, 0)>
module attributes {stable_mosaic.version = 14 : i64} {
  func.func @body(%arg0: i32, %arg1: i32, %arg2: memref<32x80x128xi32, #tpu.memory_space<hbm>>, %arg3: memref<2x10112x128xf32, #tpu.memory_space<hbm>>, %arg4: memref<10112x128xf32, #tpu.memory_space<vmem_shared>>, %arg5: memref<8x128xi32, #tpu.memory_space<vmem>>, %arg6: memref<128x128xf32, #tpu.memory_space<vmem>>) attributes {dimension_semantics = [#tpu.dimension_semantics<core_parallel>, #tpu.dimension_semantics<subcore_parallel>], iteration_bounds = array<i64: 2, 16>, scalar_prefetch = 0 : i64, scratch_operands = 3 : i64, tpu.core_type = #tpu.core_type<sc_vector_subcore>, window_params = [{transform_indices = #map}, {transform_indices = #map}]} {
    %mul3A = arith.constant 2 : i32
    %mul3A_0 = arith.muli %arg1, %mul3A : i32
    %add3A = arith.addi %mul3A_0, %arg0 : i32
    %mul3A_1 = arith.constant 632 : i32
    %mul3A_2 = arith.muli %arg1, %mul3A_1 : i32
    %scan3A = arith.constant 0 : i32
    %scan3A_3 = arith.constant 0 : i32
    %scan3A_4 = arith.constant 128 : i32
    %scan3A_5 = arith.addi %scan3A_3, %scan3A_4 : i32
    %scan3A_6 = arith.constant 1 : i32
    %scan3A_7 = scf.for %scan3A_33 = %scan3A_3 to %scan3A_5 step %scan3A_6 iter_args(%scan3A_34 = %scan3A) -> (i32)  : i32 {
      %broadcast_in_dim3A = arith.constant 0.000000e+00 : f32
      %broadcast_in_dim3A_35 = vector.broadcast %broadcast_in_dim3A : f32 to vector<16xf32>
      %swap3A = arith.index_cast %scan3A_33 : i32 to index
      %swap3A_36 = arith.constant 0 : index
      %swap3A_37 = tpu.vector_load %arg6[%swap3A, %swap3A_36] {strides = array<i32>} : memref<128x128xf32, #tpu.memory_space<vmem>>, vector<1x16xf32>,
      %swap3A_38 = vector.shape_cast %swap3A_37 : vector<1x16xf32> to vector<16xf32>
      %swap3A_39 = vector.shape_cast %broadcast_in_dim3A_35 : vector<16xf32> to vector<1x16xf32>
      tpu.vector_store %arg6[%swap3A, %swap3A_36], %swap3A_39 {strides = array<i32>} : memref<128x128xf32, #tpu.memory_space<vmem>>, vector<1x16xf32>,
      %swap3A_40 = arith.index_cast %scan3A_33 : i32 to index
      %swap3A_41 = arith.constant 16 : index
      %swap3A_42 = tpu.vector_load %arg6[%swap3A_40, %swap3A_41] {strides = array<i32>} : memref<128x128xf32, #tpu.memory_space<vmem>>, vector<1x16xf32>,
      %swap3A_43 = vector.shape_cast %swap3A_42 : vector<1x16xf32> to vector<16xf32>
      %swap3A_44 = vector.shape_cast %broadcast_in_dim3A_35 : vector<16xf32> to vector<1x16xf32>
      tpu.vector_store %arg6[%swap3A_40, %swap3A_41], %swap3A_44 {strides = array<i32>} : memref<128x128xf32, #tpu.memory_space<vmem>>, vector<1x16xf32>,
      %swap3A_45 = arith.index_cast %scan3A_33 : i32 to index
      %swap3A_46 = arith.constant 32 : index
      %swap3A_47 = tpu.vector_load %arg6[%swap3A_45, %swap3A_46] {strides = array<i32>} : memref<128x128xf32, #tpu.memory_space<vmem>>, vector<1x16xf32>,
      %swap3A_48 = vector.shape_cast %swap3A_47 : vector<1x16xf32> to vector<16xf32>
      %swap3A_49 = vector.shape_cast %broadcast_in_dim3A_35 : vector<16xf32> to vector<1x16xf32>
      tpu.vector_store %arg6[%swap3A_45, %swap3A_46], %swap3A_49 {strides = array<i32>} : memref<128x128xf32, #tpu.memory_space<vmem>>, vector<1x16xf32>,
      %swap3A_50 = arith.index_cast %scan3A_33 : i32 to index
      %swap3A_51 = arith.constant 48 : index
      %swap3A_52 = tpu.vector_load %arg6[%swap3A_50, %swap3A_51] {strides = array<i32>} : memref<128x128xf32, #tpu.memory_space<vmem>>, vector<1x16xf32>,
      %swap3A_53 = vector.shape_cast %swap3A_52 : vector<1x16xf32> to vector<16xf32>
      %swap3A_54 = vector.shape_cast %broadcast_in_dim3A_35 : vector<16xf32> to vector<1x16xf32>
      tpu.vector_store %arg6[%swap3A_50, %swap3A_51], %swap3A_54 {strides = array<i32>} : memref<128x128xf32, #tpu.memory_space<vmem>>, vector<1x16xf32>,
      %swap3A_55 = arith.index_cast %scan3A_33 : i32 to index
      %swap3A_56 = arith.constant 64 : index
      %swap3A_57 = tpu.vector_load %arg6[%swap3A_55, %swap3A_56] {strides = array<i32>} : memref<128x128xf32, #tpu.memory_space<vmem>>, vector<1x16xf32>,
      %swap3A_58 = vector.shape_cast %swap3A_57 : vector<1x16xf32> to vector<16xf32>
      %swap3A_59 = vector.shape_cast %broadcast_in_dim3A_35 : vector<16xf32> to vector<1x16xf32>
      tpu.vector_store %arg6[%swap3A_55, %swap3A_56], %swap3A_59 {strides = array<i32>} : memref<128x128xf32, #tpu.memory_space<vmem>>, vector<1x16xf32>,
      %swap3A_60 = arith.index_cast %scan3A_33 : i32 to index
      %swap3A_61 = arith.constant 80 : index
      %swap3A_62 = tpu.vector_load %arg6[%swap3A_60, %swap3A_61] {strides = array<i32>} : memref<128x128xf32, #tpu.memory_space<vmem>>, vector<1x16xf32>,
      %swap3A_63 = vector.shape_cast %swap3A_62 : vector<1x16xf32> to vector<16xf32>
      %swap3A_64 = vector.shape_cast %broadcast_in_dim3A_35 : vector<16xf32> to vector<1x16xf32>
      tpu.vector_store %arg6[%swap3A_60, %swap3A_61], %swap3A_64 {strides = array<i32>} : memref<128x128xf32, #tpu.memory_space<vmem>>, vector<1x16xf32>,
      %swap3A_65 = arith.index_cast %scan3A_33 : i32 to index
      %swap3A_66 = arith.constant 96 : index
      %swap3A_67 = tpu.vector_load %arg6[%swap3A_65, %swap3A_66] {strides = array<i32>} : memref<128x128xf32, #tpu.memory_space<vmem>>, vector<1x16xf32>,
      %swap3A_68 = vector.shape_cast %swap3A_67 : vector<1x16xf32> to vector<16xf32>
      %swap3A_69 = vector.shape_cast %broadcast_in_dim3A_35 : vector<16xf32> to vector<1x16xf32>
      tpu.vector_store %arg6[%swap3A_65, %swap3A_66], %swap3A_69 {strides = array<i32>} : memref<128x128xf32, #tpu.memory_space<vmem>>, vector<1x16xf32>,
      %swap3A_70 = arith.index_cast %scan3A_33 : i32 to index
      %swap3A_71 = arith.constant 112 : index
      %swap3A_72 = tpu.vector_load %arg6[%swap3A_70, %swap3A_71] {strides = array<i32>} : memref<128x128xf32, #tpu.memory_space<vmem>>, vector<1x16xf32>,
      %swap3A_73 = vector.shape_cast %swap3A_72 : vector<1x16xf32> to vector<16xf32>
      %swap3A_74 = vector.shape_cast %broadcast_in_dim3A_35 : vector<16xf32> to vector<1x16xf32>
      tpu.vector_store %arg6[%swap3A_70, %swap3A_71], %swap3A_74 {strides = array<i32>} : memref<128x128xf32, #tpu.memory_space<vmem>>, vector<1x16xf32>,
      %scan3A_75 = arith.constant 0 : i32
      scf.yield %scan3A_75 : i32
    }
    %scan3A_8 = arith.constant 128 : i32
    %scan3A_9 = arith.constant 0 : i32
    %scan3A_10 = arith.constant 0 : i32
    %scan3A_11 = arith.constant 4 : i32
    %scan3A_12 = arith.addi %scan3A_10, %scan3A_11 : i32
    %scan3A_13 = arith.constant 1 : i32
    %scan3A_14 = scf.for %scan3A_33 = %scan3A_10 to %scan3A_12 step %scan3A_13 iter_args(%scan3A_34 = %scan3A_9) -> (i32)  : i32 {
      %mul3A_35 = arith.constant 128 : i32
      %mul3A_36 = arith.muli %scan3A_33, %mul3A_35 : i32
      %add3A_37 = arith.addi %mul3A_2, %mul3A_36 : i32
      "tpu.region"() ({
        %run_scoped3A = tpu.sem_alloc : memref<!tpu.dma_semaphore, #tpu.memory_space<semaphore_mem>>
        %dma_start3A = arith.constant 0 : i32
        %dma_start3A_39 = tpu.memref_slice %arg4[%add3A_37, %dma_start3A] : memref<10112x128xf32, #tpu.memory_space<vmem_shared>> -> memref<128x128xf32, #tpu.memory_space<vmem_shared>>
        %dma_start3A_40 = arith.constant 0 : i32
        %dma_start3A_41 = tpu.memref_slice %arg4[%add3A_37, %dma_start3A_40] : memref<10112x128xf32, #tpu.memory_space<vmem_shared>> -> memref<128x128xf32, #tpu.memory_space<vmem_shared>>
        tpu.enqueue_dma source(%arg6 : memref<128x128xf32, #tpu.memory_space<vmem>>) target(%dma_start3A_41 : memref<128x128xf32, #tpu.memory_space<vmem_shared>>) target_semaphore(%run_scoped3A : memref<!tpu.dma_semaphore, #tpu.memory_space<semaphore_mem>>)
        %dma_wait3A = arith.constant 0 : i32
        %dma_wait3A_42 = tpu.memref_slice %arg4[%add3A_37, %dma_wait3A] : memref<10112x128xf32, #tpu.memory_space<vmem_shared>> -> memref<128x128xf32, #tpu.memory_space<vmem_shared>>
        %dma_wait3A_43 = arith.constant 0 : i32
        %dma_wait3A_44 = tpu.memref_slice %arg4[%add3A_37, %dma_wait3A_43] : memref<10112x128xf32, #tpu.memory_space<vmem_shared>> -> memref<128x128xf32, #tpu.memory_space<vmem_shared>>
        tpu.wait_dma2 semaphore(%run_scoped3A : memref<!tpu.dma_semaphore, #tpu.memory_space<semaphore_mem>>) src(%arg6 : memref<128x128xf32, #tpu.memory_space<vmem>>) dst(%dma_wait3A_44 : memref<128x128xf32, #tpu.memory_space<vmem_shared>>)
        tpu.yield
      }) : () -> ()
      %scan3A_38 = arith.constant 0 : i32
      scf.yield %scan3A_38 : i32
    }
    %scan3A_15 = arith.constant 4 : i32
    %add3A_16 = arith.constant 512 : i32
    %add3A_17 = arith.addi %mul3A_2, %add3A_16 : i32
    "tpu.region"() ({
      %run_scoped3A = tpu.sem_alloc : memref<!tpu.dma_semaphore, #tpu.memory_space<semaphore_mem>>
      %dma_start3A = arith.constant 0 : i32
      %dma_start3A_33 = arith.constant 0 : i32
      %dma_start3A_34 = tpu.memref_slice %arg6[%dma_start3A, %dma_start3A_33] : memref<128x128xf32, #tpu.memory_space<vmem>> -> memref<120x128xf32, #tpu.memory_space<vmem>>
      %dma_start3A_35 = arith.constant 0 : i32
      %dma_start3A_36 = tpu.memref_slice %arg4[%add3A_17, %dma_start3A_35] : memref<10112x128xf32, #tpu.memory_space<vmem_shared>> -> memref<120x128xf32, #tpu.memory_space<vmem_shared>>
      %dma_start3A_37 = arith.constant 0 : i32
      %dma_start3A_38 = tpu.memref_slice %arg4[%add3A_17, %dma_start3A_37] : memref<10112x128xf32, #tpu.memory_space<vmem_shared>> -> memref<120x128xf32, #tpu.memory_space<vmem_shared>>
      %dma_start3A_39 = arith.constant 0 : i32
      %dma_start3A_40 = arith.constant 0 : i32
      %dma_start3A_41 = tpu.memref_slice %arg6[%dma_start3A_39, %dma_start3A_40] : memref<128x128xf32, #tpu.memory_space<vmem>> -> memref<120x128xf32, #tpu.memory_space<vmem>>
      tpu.enqueue_dma source(%dma_start3A_41 : memref<120x128xf32, #tpu.memory_space<vmem>>) target(%dma_start3A_38 : memref<120x128xf32, #tpu.memory_space<vmem_shared>>) target_semaphore(%run_scoped3A : memref<!tpu.dma_semaphore, #tpu.memory_space<semaphore_mem>>)
      %dma_wait3A = arith.constant 0 : i32
      %dma_wait3A_42 = arith.constant 0 : i32
      %dma_wait3A_43 = tpu.memref_slice %arg6[%dma_wait3A, %dma_wait3A_42] : memref<128x128xf32, #tpu.memory_space<vmem>> -> memref<120x128xf32, #tpu.memory_space<vmem>>
      %dma_wait3A_44 = arith.constant 0 : i32
      %dma_wait3A_45 = tpu.memref_slice %arg4[%add3A_17, %dma_wait3A_44] : memref<10112x128xf32, #tpu.memory_space<vmem_shared>> -> memref<120x128xf32, #tpu.memory_space<vmem_shared>>
      %dma_wait3A_46 = arith.constant 0 : i32
      %dma_wait3A_47 = tpu.memref_slice %arg4[%add3A_17, %dma_wait3A_46] : memref<10112x128xf32, #tpu.memory_space<vmem_shared>> -> memref<120x128xf32, #tpu.memory_space<vmem_shared>>
      %dma_wait3A_48 = arith.constant 0 : i32
      %dma_wait3A_49 = arith.constant 0 : i32
      %dma_wait3A_50 = tpu.memref_slice %arg6[%dma_wait3A_48, %dma_wait3A_49] : memref<128x128xf32, #tpu.memory_space<vmem>> -> memref<120x128xf32, #tpu.memory_space<vmem>>
      tpu.wait_dma2 semaphore(%run_scoped3A : memref<!tpu.dma_semaphore, #tpu.memory_space<semaphore_mem>>) src(%dma_wait3A_50 : memref<120x128xf32, #tpu.memory_space<vmem>>) dst(%dma_wait3A_47 : memref<120x128xf32, #tpu.memory_space<vmem_shared>>)
      tpu.yield
    }) : () -> ()
    %scan3A_18 = arith.constant 0 : i32
    %scan3A_19 = arith.constant 0 : i32
    %scan3A_20 = arith.constant 128 : i32
    %scan3A_21 = arith.addi %scan3A_19, %scan3A_20 : i32
    %scan3A_22 = arith.constant 1 : i32
    %scan3A_23 = scf.for %scan3A_33 = %scan3A_19 to %scan3A_21 step %scan3A_22 iter_args(%scan3A_34 = %scan3A_18) -> (i32)  : i32 {
      %broadcast_in_dim3A = arith.constant 1.000000e+00 : f32
      %broadcast_in_dim3A_35 = vector.broadcast %broadcast_in_dim3A : f32 to vector<16xf32>
      %swap3A = arith.index_cast %scan3A_33 : i32 to index
      %swap3A_36 = arith.constant 0 : index
      %swap3A_37 = tpu.vector_load %arg6[%swap3A, %swap3A_36] {strides = array<i32>} : memref<128x128xf32, #tpu.memory_space<vmem>>, vector<1x16xf32>,
      %swap3A_38 = vector.shape_cast %swap3A_37 : vector<1x16xf32> to vector<16xf32>
      %swap3A_39 = vector.shape_cast %broadcast_in_dim3A_35 : vector<16xf32> to vector<1x16xf32>
      tpu.vector_store %arg6[%swap3A, %swap3A_36], %swap3A_39 {strides = array<i32>} : memref<128x128xf32, #tpu.memory_space<vmem>>, vector<1x16xf32>,
      %scan3A_40 = arith.constant 0 : i32
      scf.yield %scan3A_40 : i32
    }
    %scan3A_24 = arith.constant 128 : i32
    %barrier3A = arith.constant 0 : index
    tpu.barrier barrier_id(%barrier3A)
    %scan3A_25 = arith.constant 0 : i32
    %scan3A_26 = arith.constant 0 : i32
    %scan3A_27 = arith.constant 10 : i32
    %scan3A_28 = arith.addi %scan3A_26, %scan3A_27 : i32
    %scan3A_29 = arith.constant 1 : i32
    %scan3A_30 = scf.for %scan3A_33 = %scan3A_26 to %scan3A_28 step %scan3A_29 iter_args(%scan3A_34 = %scan3A_25) -> (i32)  : i32 {
      %mul3A_35 = arith.constant 8 : i32
      %mul3A_36 = arith.muli %scan3A_33, %mul3A_35 : i32
      "tpu.region"() ({
        %run_scoped3A_45 = tpu.sem_alloc : memref<!tpu.dma_semaphore, #tpu.memory_space<semaphore_mem>>
        %dma_start3A = arith.constant 0 : i32
        %dma_start3A_46 = arith.constant 0 : i32
        %dma_start3A_47 = tpu.memref_slice %arg2[%add3A, %dma_start3A, %dma_start3A_46] : memref<32x80x128xi32, #tpu.memory_space<hbm>> -> memref<1x80x128xi32, #tpu.memory_space<hbm>>
        %dma_start3A_48 = tpu.memref_squeeze %dma_start3A_47 : memref<1x80x128xi32, #tpu.memory_space<hbm>> -> memref<80x128xi32, #tpu.memory_space<hbm>>
        %dma_start3A_49 = arith.constant 0 : i32
        %dma_start3A_50 = tpu.memref_slice %dma_start3A_48[%mul3A_36, %dma_start3A_49] : memref<80x128xi32, #tpu.memory_space<hbm>> -> memref<8x128xi32, #tpu.memory_space<hbm>>
        %dma_start3A_51 = arith.constant 0 : i32
        %dma_start3A_52 = arith.constant 0 : i32
        %dma_start3A_53 = tpu.memref_slice %arg2[%add3A, %dma_start3A_51, %dma_start3A_52] : memref<32x80x128xi32, #tpu.memory_space<hbm>> -> memref<1x80x128xi32, #tpu.memory_space<hbm>>
        %dma_start3A_54 = tpu.memref_squeeze %dma_start3A_53 : memref<1x80x128xi32, #tpu.memory_space<hbm>> -> memref<80x128xi32, #tpu.memory_space<hbm>>
        %dma_start3A_55 = arith.constant 0 : i32
        %dma_start3A_56 = tpu.memref_slice %dma_start3A_54[%mul3A_36, %dma_start3A_55] : memref<80x128xi32, #tpu.memory_space<hbm>> -> memref<8x128xi32, #tpu.memory_space<hbm>>
        tpu.enqueue_dma source(%dma_start3A_56 : memref<8x128xi32, #tpu.memory_space<hbm>>) target(%arg5 : memref<8x128xi32, #tpu.memory_space<vmem>>) target_semaphore(%run_scoped3A_45 : memref<!tpu.dma_semaphore, #tpu.memory_space<semaphore_mem>>)
        %dma_wait3A = arith.constant 0 : i32
        %dma_wait3A_57 = arith.constant 0 : i32
        %dma_wait3A_58 = tpu.memref_slice %arg2[%add3A, %dma_wait3A, %dma_wait3A_57] : memref<32x80x128xi32, #tpu.memory_space<hbm>> -> memref<1x80x128xi32, #tpu.memory_space<hbm>>
        %dma_wait3A_59 = tpu.memref_squeeze %dma_wait3A_58 : memref<1x80x128xi32, #tpu.memory_space<hbm>> -> memref<80x128xi32, #tpu.memory_space<hbm>>
        %dma_wait3A_60 = arith.constant 0 : i32
        %dma_wait3A_61 = tpu.memref_slice %dma_wait3A_59[%mul3A_36, %dma_wait3A_60] : memref<80x128xi32, #tpu.memory_space<hbm>> -> memref<8x128xi32, #tpu.memory_space<hbm>>
        %dma_wait3A_62 = arith.constant 0 : i32
        %dma_wait3A_63 = arith.constant 0 : i32
        %dma_wait3A_64 = tpu.memref_slice %arg2[%add3A, %dma_wait3A_62, %dma_wait3A_63] : memref<32x80x128xi32, #tpu.memory_space<hbm>> -> memref<1x80x128xi32, #tpu.memory_space<hbm>>
        %dma_wait3A_65 = tpu.memref_squeeze %dma_wait3A_64 : memref<1x80x128xi32, #tpu.memory_space<hbm>> -> memref<80x128xi32, #tpu.memory_space<hbm>>
        %dma_wait3A_66 = arith.constant 0 : i32
        %dma_wait3A_67 = tpu.memref_slice %dma_wait3A_65[%mul3A_36, %dma_wait3A_66] : memref<80x128xi32, #tpu.memory_space<hbm>> -> memref<8x128xi32, #tpu.memory_space<hbm>>
        tpu.wait_dma2 semaphore(%run_scoped3A_45 : memref<!tpu.dma_semaphore, #tpu.memory_space<semaphore_mem>>) src(%dma_wait3A_67 : memref<8x128xi32, #tpu.memory_space<hbm>>) dst(%arg5 : memref<8x128xi32, #tpu.memory_space<vmem>>)
        tpu.yield
      }) : () -> ()
      %run_scoped3A = arith.constant 0 : i32
      "tpu.region"() ({
        %run_scoped3A_45 = tpu.sem_alloc : memref<!tpu.dma_semaphore, #tpu.memory_space<semaphore_mem>>
        %dma_start3A = arith.constant 0 : i32
        %dma_start3A_46 = tpu.memref_slice %arg5[%run_scoped3A, %dma_start3A] : memref<8x128xi32, #tpu.memory_space<vmem>> -> memref<1x128xi32, #tpu.memory_space<vmem>>
        %dma_start3A_47 = tpu.memref_squeeze %dma_start3A_46 : memref<1x128xi32, #tpu.memory_space<vmem>> -> memref<128xi32, #tpu.memory_space<vmem>>
        %dma_start3A_48 = arith.constant 0 : i32
        %dma_start3A_49 = arith.constant 0 : i32
        %dma_start3A_50 = tpu.memref_slice %arg4[%dma_start3A_48, %dma_start3A_49] : memref<10112x128xf32, #tpu.memory_space<vmem_shared>> -> memref<10112x128xf32, #tpu.memory_space<vmem_shared>>
        tpu.enqueue_indirect_dma source(%arg6 : memref<128x128xf32, #tpu.memory_space<vmem>>) target(%dma_start3A_50 : memref<10112x128xf32, #tpu.memory_space<vmem_shared>>) offsets(%dma_start3A_47 : memref<128xi32, #tpu.memory_space<vmem>>) semaphore(%run_scoped3A_45 : memref<!tpu.dma_semaphore, #tpu.memory_space<semaphore_mem>>) {add = true}
        %dma_wait3A = arith.constant 0 : i32
        %dma_wait3A_51 = tpu.memref_slice %arg5[%run_scoped3A, %dma_wait3A] : memref<8x128xi32, #tpu.memory_space<vmem>> -> memref<1x128xi32, #tpu.memory_space<vmem>>
        %dma_wait3A_52 = tpu.memref_squeeze %dma_wait3A_51 : memref<1x128xi32, #tpu.memory_space<vmem>> -> memref<128xi32, #tpu.memory_space<vmem>>
        %dma_wait3A_53 = arith.constant 0 : i32
        %dma_wait3A_54 = arith.constant 0 : i32
        %dma_wait3A_55 = tpu.memref_slice %arg4[%dma_wait3A_53, %dma_wait3A_54] : memref<10112x128xf32, #tpu.memory_space<vmem_shared>> -> memref<10112x128xf32, #tpu.memory_space<vmem_shared>>
        tpu.wait_indirect_dma semaphore(%run_scoped3A_45 : memref<!tpu.dma_semaphore, #tpu.memory_space<semaphore_mem>>) src(%arg6 : memref<128x128xf32, #tpu.memory_space<vmem>>) dst(%dma_wait3A_55 : memref<10112x128xf32, #tpu.memory_space<vmem_shared>>)
        tpu.yield
      }) : () -> ()
      %run_scoped3A_37 = arith.constant 1 : i32
      "tpu.region"() ({
        %run_scoped3A_45 = tpu.sem_alloc : memref<!tpu.dma_semaphore, #tpu.memory_space<semaphore_mem>>
        %dma_start3A = arith.constant 0 : i32
        %dma_start3A_46 = tpu.memref_slice %arg5[%run_scoped3A_37, %dma_start3A] : memref<8x128xi32, #tpu.memory_space<vmem>> -> memref<1x128xi32, #tpu.memory_space<vmem>>
        %dma_start3A_47 = tpu.memref_squeeze %dma_start3A_46 : memref<1x128xi32, #tpu.memory_space<vmem>> -> memref<128xi32, #tpu.memory_space<vmem>>
        %dma_start3A_48 = arith.constant 0 : i32
        %dma_start3A_49 = arith.constant 0 : i32
        %dma_start3A_50 = tpu.memref_slice %arg4[%dma_start3A_48, %dma_start3A_49] : memref<10112x128xf32, #tpu.memory_space<vmem_shared>> -> memref<10112x128xf32, #tpu.memory_space<vmem_shared>>
        tpu.enqueue_indirect_dma source(%arg6 : memref<128x128xf32, #tpu.memory_space<vmem>>) target(%dma_start3A_50 : memref<10112x128xf32, #tpu.memory_space<vmem_shared>>) offsets(%dma_start3A_47 : memref<128xi32, #tpu.memory_space<vmem>>) semaphore(%run_scoped3A_45 : memref<!tpu.dma_semaphore, #tpu.memory_space<semaphore_mem>>) {add = true}
        %dma_wait3A = arith.constant 0 : i32
        %dma_wait3A_51 = tpu.memref_slice %arg5[%run_scoped3A_37, %dma_wait3A] : memref<8x128xi32, #tpu.memory_space<vmem>> -> memref<1x128xi32, #tpu.memory_space<vmem>>
        %dma_wait3A_52 = tpu.memref_squeeze %dma_wait3A_51 : memref<1x128xi32, #tpu.memory_space<vmem>> -> memref<128xi32, #tpu.memory_space<vmem>>
        %dma_wait3A_53 = arith.constant 0 : i32
        %dma_wait3A_54 = arith.constant 0 : i32
        %dma_wait3A_55 = tpu.memref_slice %arg4[%dma_wait3A_53, %dma_wait3A_54] : memref<10112x128xf32, #tpu.memory_space<vmem_shared>> -> memref<10112x128xf32, #tpu.memory_space<vmem_shared>>
        tpu.wait_indirect_dma semaphore(%run_scoped3A_45 : memref<!tpu.dma_semaphore, #tpu.memory_space<semaphore_mem>>) src(%arg6 : memref<128x128xf32, #tpu.memory_space<vmem>>) dst(%dma_wait3A_55 : memref<10112x128xf32, #tpu.memory_space<vmem_shared>>)
        tpu.yield
      }) : () -> ()
      %run_scoped3A_38 = arith.constant 2 : i32
      "tpu.region"() ({
        %run_scoped3A_45 = tpu.sem_alloc : memref<!tpu.dma_semaphore, #tpu.memory_space<semaphore_mem>>
        %dma_start3A = arith.constant 0 : i32
        %dma_start3A_46 = tpu.memref_slice %arg5[%run_scoped3A_38, %dma_start3A] : memref<8x128xi32, #tpu.memory_space<vmem>> -> memref<1x128xi32, #tpu.memory_space<vmem>>
        %dma_start3A_47 = tpu.memref_squeeze %dma_start3A_46 : memref<1x128xi32, #tpu.memory_space<vmem>> -> memref<128xi32, #tpu.memory_space<vmem>>
        %dma_start3A_48 = arith.constant 0 : i32
        %dma_start3A_49 = arith.constant 0 : i32
        %dma_start3A_50 = tpu.memref_slice %arg4[%dma_start3A_48, %dma_start3A_49] : memref<10112x128xf32, #tpu.memory_space<vmem_shared>> -> memref<10112x128xf32, #tpu.memory_space<vmem_shared>>
        tpu.enqueue_indirect_dma source(%arg6 : memref<128x128xf32, #tpu.memory_space<vmem>>) target(%dma_start3A_50 : memref<10112x128xf32, #tpu.memory_space<vmem_shared>>) offsets(%dma_start3A_47 : memref<128xi32, #tpu.memory_space<vmem>>) semaphore(%run_scoped3A_45 : memref<!tpu.dma_semaphore, #tpu.memory_space<semaphore_mem>>) {add = true}
        %dma_wait3A = arith.constant 0 : i32
        %dma_wait3A_51 = tpu.memref_slice %arg5[%run_scoped3A_38, %dma_wait3A] : memref<8x128xi32, #tpu.memory_space<vmem>> -> memref<1x128xi32, #tpu.memory_space<vmem>>
        %dma_wait3A_52 = tpu.memref_squeeze %dma_wait3A_51 : memref<1x128xi32, #tpu.memory_space<vmem>> -> memref<128xi32, #tpu.memory_space<vmem>>
        %dma_wait3A_53 = arith.constant 0 : i32
        %dma_wait3A_54 = arith.constant 0 : i32
        %dma_wait3A_55 = tpu.memref_slice %arg4[%dma_wait3A_53, %dma_wait3A_54] : memref<10112x128xf32, #tpu.memory_space<vmem_shared>> -> memref<10112x128xf32, #tpu.memory_space<vmem_shared>>
        tpu.wait_indirect_dma semaphore(%run_scoped3A_45 : memref<!tpu.dma_semaphore, #tpu.memory_space<semaphore_mem>>) src(%arg6 : memref<128x128xf32, #tpu.memory_space<vmem>>) dst(%dma_wait3A_55 : memref<10112x128xf32, #tpu.memory_space<vmem_shared>>)
        tpu.yield
      }) : () -> ()
      %run_scoped3A_39 = arith.constant 3 : i32
      "tpu.region"() ({
        %run_scoped3A_45 = tpu.sem_alloc : memref<!tpu.dma_semaphore, #tpu.memory_space<semaphore_mem>>
        %dma_start3A = arith.constant 0 : i32
        %dma_start3A_46 = tpu.memref_slice %arg5[%run_scoped3A_39, %dma_start3A] : memref<8x128xi32, #tpu.memory_space<vmem>> -> memref<1x128xi32, #tpu.memory_space<vmem>>
        %dma_start3A_47 = tpu.memref_squeeze %dma_start3A_46 : memref<1x128xi32, #tpu.memory_space<vmem>> -> memref<128xi32, #tpu.memory_space<vmem>>
        %dma_start3A_48 = arith.constant 0 : i32
        %dma_start3A_49 = arith.constant 0 : i32
        %dma_start3A_50 = tpu.memref_slice %arg4[%dma_start3A_48, %dma_start3A_49] : memref<10112x128xf32, #tpu.memory_space<vmem_shared>> -> memref<10112x128xf32, #tpu.memory_space<vmem_shared>>
        tpu.enqueue_indirect_dma source(%arg6 : memref<128x128xf32, #tpu.memory_space<vmem>>) target(%dma_start3A_50 : memref<10112x128xf32, #tpu.memory_space<vmem_shared>>) offsets(%dma_start3A_47 : memref<128xi32, #tpu.memory_space<vmem>>) semaphore(%run_scoped3A_45 : memref<!tpu.dma_semaphore, #tpu.memory_space<semaphore_mem>>) {add = true}
        %dma_wait3A = arith.constant 0 : i32
        %dma_wait3A_51 = tpu.memref_slice %arg5[%run_scoped3A_39, %dma_wait3A] : memref<8x128xi32, #tpu.memory_space<vmem>> -> memref<1x128xi32, #tpu.memory_space<vmem>>
        %dma_wait3A_52 = tpu.memref_squeeze %dma_wait3A_51 : memref<1x128xi32, #tpu.memory_space<vmem>> -> memref<128xi32, #tpu.memory_space<vmem>>
        %dma_wait3A_53 = arith.constant 0 : i32
        %dma_wait3A_54 = arith.constant 0 : i32
        %dma_wait3A_55 = tpu.memref_slice %arg4[%dma_wait3A_53, %dma_wait3A_54] : memref<10112x128xf32, #tpu.memory_space<vmem_shared>> -> memref<10112x128xf32, #tpu.memory_space<vmem_shared>>
        tpu.wait_indirect_dma semaphore(%run_scoped3A_45 : memref<!tpu.dma_semaphore, #tpu.memory_space<semaphore_mem>>) src(%arg6 : memref<128x128xf32, #tpu.memory_space<vmem>>) dst(%dma_wait3A_55 : memref<10112x128xf32, #tpu.memory_space<vmem_shared>>)
        tpu.yield
      }) : () -> ()
      %run_scoped3A_40 = arith.constant 4 : i32
      "tpu.region"() ({
        %run_scoped3A_45 = tpu.sem_alloc : memref<!tpu.dma_semaphore, #tpu.memory_space<semaphore_mem>>
        %dma_start3A = arith.constant 0 : i32
        %dma_start3A_46 = tpu.memref_slice %arg5[%run_scoped3A_40, %dma_start3A] : memref<8x128xi32, #tpu.memory_space<vmem>> -> memref<1x128xi32, #tpu.memory_space<vmem>>
        %dma_start3A_47 = tpu.memref_squeeze %dma_start3A_46 : memref<1x128xi32, #tpu.memory_space<vmem>> -> memref<128xi32, #tpu.memory_space<vmem>>
        %dma_start3A_48 = arith.constant 0 : i32
        %dma_start3A_49 = arith.constant 0 : i32
        %dma_start3A_50 = tpu.memref_slice %arg4[%dma_start3A_48, %dma_start3A_49] : memref<10112x128xf32, #tpu.memory_space<vmem_shared>> -> memref<10112x128xf32, #tpu.memory_space<vmem_shared>>
        tpu.enqueue_indirect_dma source(%arg6 : memref<128x128xf32, #tpu.memory_space<vmem>>) target(%dma_start3A_50 : memref<10112x128xf32, #tpu.memory_space<vmem_shared>>) offsets(%dma_start3A_47 : memref<128xi32, #tpu.memory_space<vmem>>) semaphore(%run_scoped3A_45 : memref<!tpu.dma_semaphore, #tpu.memory_space<semaphore_mem>>) {add = true}
        %dma_wait3A = arith.constant 0 : i32
        %dma_wait3A_51 = tpu.memref_slice %arg5[%run_scoped3A_40, %dma_wait3A] : memref<8x128xi32, #tpu.memory_space<vmem>> -> memref<1x128xi32, #tpu.memory_space<vmem>>
        %dma_wait3A_52 = tpu.memref_squeeze %dma_wait3A_51 : memref<1x128xi32, #tpu.memory_space<vmem>> -> memref<128xi32, #tpu.memory_space<vmem>>
        %dma_wait3A_53 = arith.constant 0 : i32
        %dma_wait3A_54 = arith.constant 0 : i32
        %dma_wait3A_55 = tpu.memref_slice %arg4[%dma_wait3A_53, %dma_wait3A_54] : memref<10112x128xf32, #tpu.memory_space<vmem_shared>> -> memref<10112x128xf32, #tpu.memory_space<vmem_shared>>
        tpu.wait_indirect_dma semaphore(%run_scoped3A_45 : memref<!tpu.dma_semaphore, #tpu.memory_space<semaphore_mem>>) src(%arg6 : memref<128x128xf32, #tpu.memory_space<vmem>>) dst(%dma_wait3A_55 : memref<10112x128xf32, #tpu.memory_space<vmem_shared>>)
        tpu.yield
      }) : () -> ()
      %run_scoped3A_41 = arith.constant 5 : i32
      "tpu.region"() ({
        %run_scoped3A_45 = tpu.sem_alloc : memref<!tpu.dma_semaphore, #tpu.memory_space<semaphore_mem>>
        %dma_start3A = arith.constant 0 : i32
        %dma_start3A_46 = tpu.memref_slice %arg5[%run_scoped3A_41, %dma_start3A] : memref<8x128xi32, #tpu.memory_space<vmem>> -> memref<1x128xi32, #tpu.memory_space<vmem>>
        %dma_start3A_47 = tpu.memref_squeeze %dma_start3A_46 : memref<1x128xi32, #tpu.memory_space<vmem>> -> memref<128xi32, #tpu.memory_space<vmem>>
        %dma_start3A_48 = arith.constant 0 : i32
        %dma_start3A_49 = arith.constant 0 : i32
        %dma_start3A_50 = tpu.memref_slice %arg4[%dma_start3A_48, %dma_start3A_49] : memref<10112x128xf32, #tpu.memory_space<vmem_shared>> -> memref<10112x128xf32, #tpu.memory_space<vmem_shared>>
        tpu.enqueue_indirect_dma source(%arg6 : memref<128x128xf32, #tpu.memory_space<vmem>>) target(%dma_start3A_50 : memref<10112x128xf32, #tpu.memory_space<vmem_shared>>) offsets(%dma_start3A_47 : memref<128xi32, #tpu.memory_space<vmem>>) semaphore(%run_scoped3A_45 : memref<!tpu.dma_semaphore, #tpu.memory_space<semaphore_mem>>) {add = true}
        %dma_wait3A = arith.constant 0 : i32
        %dma_wait3A_51 = tpu.memref_slice %arg5[%run_scoped3A_41, %dma_wait3A] : memref<8x128xi32, #tpu.memory_space<vmem>> -> memref<1x128xi32, #tpu.memory_space<vmem>>
        %dma_wait3A_52 = tpu.memref_squeeze %dma_wait3A_51 : memref<1x128xi32, #tpu.memory_space<vmem>> -> memref<128xi32, #tpu.memory_space<vmem>>
        %dma_wait3A_53 = arith.constant 0 : i32
        %dma_wait3A_54 = arith.constant 0 : i32
        %dma_wait3A_55 = tpu.memref_slice %arg4[%dma_wait3A_53, %dma_wait3A_54] : memref<10112x128xf32, #tpu.memory_space<vmem_shared>> -> memref<10112x128xf32, #tpu.memory_space<vmem_shared>>
        tpu.wait_indirect_dma semaphore(%run_scoped3A_45 : memref<!tpu.dma_semaphore, #tpu.memory_space<semaphore_mem>>) src(%arg6 : memref<128x128xf32, #tpu.memory_space<vmem>>) dst(%dma_wait3A_55 : memref<10112x128xf32, #tpu.memory_space<vmem_shared>>)
        tpu.yield
      }) : () -> ()
      %run_scoped3A_42 = arith.constant 6 : i32
      "tpu.region"() ({
        %run_scoped3A_45 = tpu.sem_alloc : memref<!tpu.dma_semaphore, #tpu.memory_space<semaphore_mem>>
        %dma_start3A = arith.constant 0 : i32
        %dma_start3A_46 = tpu.memref_slice %arg5[%run_scoped3A_42, %dma_start3A] : memref<8x128xi32, #tpu.memory_space<vmem>> -> memref<1x128xi32, #tpu.memory_space<vmem>>
        %dma_start3A_47 = tpu.memref_squeeze %dma_start3A_46 : memref<1x128xi32, #tpu.memory_space<vmem>> -> memref<128xi32, #tpu.memory_space<vmem>>
        %dma_start3A_48 = arith.constant 0 : i32
        %dma_start3A_49 = arith.constant 0 : i32
        %dma_start3A_50 = tpu.memref_slice %arg4[%dma_start3A_48, %dma_start3A_49] : memref<10112x128xf32, #tpu.memory_space<vmem_shared>> -> memref<10112x128xf32, #tpu.memory_space<vmem_shared>>
        tpu.enqueue_indirect_dma source(%arg6 : memref<128x128xf32, #tpu.memory_space<vmem>>) target(%dma_start3A_50 : memref<10112x128xf32, #tpu.memory_space<vmem_shared>>) offsets(%dma_start3A_47 : memref<128xi32, #tpu.memory_space<vmem>>) semaphore(%run_scoped3A_45 : memref<!tpu.dma_semaphore, #tpu.memory_space<semaphore_mem>>) {add = true}
        %dma_wait3A = arith.constant 0 : i32
        %dma_wait3A_51 = tpu.memref_slice %arg5[%run_scoped3A_42, %dma_wait3A] : memref<8x128xi32, #tpu.memory_space<vmem>> -> memref<1x128xi32, #tpu.memory_space<vmem>>
        %dma_wait3A_52 = tpu.memref_squeeze %dma_wait3A_51 : memref<1x128xi32, #tpu.memory_space<vmem>> -> memref<128xi32, #tpu.memory_space<vmem>>
        %dma_wait3A_53 = arith.constant 0 : i32
        %dma_wait3A_54 = arith.constant 0 : i32
        %dma_wait3A_55 = tpu.memref_slice %arg4[%dma_wait3A_53, %dma_wait3A_54] : memref<10112x128xf32, #tpu.memory_space<vmem_shared>> -> memref<10112x128xf32, #tpu.memory_space<vmem_shared>>
        tpu.wait_indirect_dma semaphore(%run_scoped3A_45 : memref<!tpu.dma_semaphore, #tpu.memory_space<semaphore_mem>>) src(%arg6 : memref<128x128xf32, #tpu.memory_space<vmem>>) dst(%dma_wait3A_55 : memref<10112x128xf32, #tpu.memory_space<vmem_shared>>)
        tpu.yield
      }) : () -> ()
      %run_scoped3A_43 = arith.constant 7 : i32
      "tpu.region"() ({
        %run_scoped3A_45 = tpu.sem_alloc : memref<!tpu.dma_semaphore, #tpu.memory_space<semaphore_mem>>
        %dma_start3A = arith.constant 0 : i32
        %dma_start3A_46 = tpu.memref_slice %arg5[%run_scoped3A_43, %dma_start3A] : memref<8x128xi32, #tpu.memory_space<vmem>> -> memref<1x128xi32, #tpu.memory_space<vmem>>
        %dma_start3A_47 = tpu.memref_squeeze %dma_start3A_46 : memref<1x128xi32, #tpu.memory_space<vmem>> -> memref<128xi32, #tpu.memory_space<vmem>>
        %dma_start3A_48 = arith.constant 0 : i32
        %dma_start3A_49 = arith.constant 0 : i32
        %dma_start3A_50 = tpu.memref_slice %arg4[%dma_start3A_48, %dma_start3A_49] : memref<10112x128xf32, #tpu.memory_space<vmem_shared>> -> memref<10112x128xf32, #tpu.memory_space<vmem_shared>>
        tpu.enqueue_indirect_dma source(%arg6 : memref<128x128xf32, #tpu.memory_space<vmem>>) target(%dma_start3A_50 : memref<10112x128xf32, #tpu.memory_space<vmem_shared>>) offsets(%dma_start3A_47 : memref<128xi32, #tpu.memory_space<vmem>>) semaphore(%run_scoped3A_45 : memref<!tpu.dma_semaphore, #tpu.memory_space<semaphore_mem>>) {add = true}
        %dma_wait3A = arith.constant 0 : i32
        %dma_wait3A_51 = tpu.memref_slice %arg5[%run_scoped3A_43, %dma_wait3A] : memref<8x128xi32, #tpu.memory_space<vmem>> -> memref<1x128xi32, #tpu.memory_space<vmem>>
        %dma_wait3A_52 = tpu.memref_squeeze %dma_wait3A_51 : memref<1x128xi32, #tpu.memory_space<vmem>> -> memref<128xi32, #tpu.memory_space<vmem>>
        %dma_wait3A_53 = arith.constant 0 : i32
        %dma_wait3A_54 = arith.constant 0 : i32
        %dma_wait3A_55 = tpu.memref_slice %arg4[%dma_wait3A_53, %dma_wait3A_54] : memref<10112x128xf32, #tpu.memory_space<vmem_shared>> -> memref<10112x128xf32, #tpu.memory_space<vmem_shared>>
        tpu.wait_indirect_dma semaphore(%run_scoped3A_45 : memref<!tpu.dma_semaphore, #tpu.memory_space<semaphore_mem>>) src(%arg6 : memref<128x128xf32, #tpu.memory_space<vmem>>) dst(%dma_wait3A_55 : memref<10112x128xf32, #tpu.memory_space<vmem_shared>>)
        tpu.yield
      }) : () -> ()
      %scan3A_44 = arith.constant 0 : i32
      scf.yield %scan3A_44 : i32
    }
    %scan3A_31 = arith.constant 10 : i32
    %barrier3A_32 = arith.constant 0 : index
    tpu.barrier barrier_id(%barrier3A_32)
    "tpu.region"() ({
      %run_scoped3A = tpu.sem_alloc : memref<!tpu.dma_semaphore, #tpu.memory_space<semaphore_mem>>
      %dma_start3A = arith.constant 0 : i32
      %dma_start3A_33 = arith.constant 0 : i32
      %dma_start3A_34 = tpu.memref_slice %arg3[%arg0, %dma_start3A, %dma_start3A_33] : memref<2x10112x128xf32, #tpu.memory_space<hbm>> -> memref<1x10112x128xf32, #tpu.memory_space<hbm>>
      %dma_start3A_35 = tpu.memref_squeeze %dma_start3A_34 : memref<1x10112x128xf32, #tpu.memory_space<hbm>> -> memref<10112x128xf32, #tpu.memory_space<hbm>>
      %dma_start3A_36 = arith.constant 0 : i32
      %dma_start3A_37 = tpu.memref_slice %dma_start3A_35[%mul3A_2, %dma_start3A_36] : memref<10112x128xf32, #tpu.memory_space<hbm>> -> memref<632x128xf32, #tpu.memory_space<hbm>>
      %dma_start3A_38 = arith.constant 0 : i32
      %dma_start3A_39 = tpu.memref_slice %arg4[%mul3A_2, %dma_start3A_38] : memref<10112x128xf32, #tpu.memory_space<vmem_shared>> -> memref<632x128xf32, #tpu.memory_space<vmem_shared>>
      tpu.enqueue_dma source(%dma_start3A_39 : memref<632x128xf32, #tpu.memory_space<vmem_shared>>) target(%dma_start3A_37 : memref<632x128xf32, #tpu.memory_space<hbm>>) target_semaphore(%run_scoped3A : memref<!tpu.dma_semaphore, #tpu.memory_space<semaphore_mem>>)
      %dma_wait3A = arith.constant 0 : i32
      %dma_wait3A_40 = arith.constant 0 : i32
      %dma_wait3A_41 = tpu.memref_slice %arg3[%arg0, %dma_wait3A, %dma_wait3A_40] : memref<2x10112x128xf32, #tpu.memory_space<hbm>> -> memref<1x10112x128xf32, #tpu.memory_space<hbm>>
      %dma_wait3A_42 = tpu.memref_squeeze %dma_wait3A_41 : memref<1x10112x128xf32, #tpu.memory_space<hbm>> -> memref<10112x128xf32, #tpu.memory_space<hbm>>
      %dma_wait3A_43 = arith.constant 0 : i32
      %dma_wait3A_44 = tpu.memref_slice %dma_wait3A_42[%mul3A_2, %dma_wait3A_43] : memref<10112x128xf32, #tpu.memory_space<hbm>> -> memref<632x128xf32, #tpu.memory_space<hbm>>
      %dma_wait3A_45 = arith.constant 0 : i32
      %dma_wait3A_46 = tpu.memref_slice %arg4[%mul3A_2, %dma_wait3A_45] : memref<10112x128xf32, #tpu.memory_space<vmem_shared>> -> memref<632x128xf32, #tpu.memory_space<vmem_shared>>
      tpu.wait_dma2 semaphore(%run_scoped3A : memref<!tpu.dma_semaphore, #tpu.memory_space<semaphore_mem>>) src(%dma_wait3A_46 : memref<632x128xf32, #tpu.memory_space<vmem_shared>>) dst(%dma_wait3A_44 : memref<632x128xf32, #tpu.memory_space<hbm>>)
      tpu.yield
    }) : () -> ()
    return
  }
}

#map = affine_map<(d0, d1) -> (0, 0)>
#map1 = affine_map<(d0, d1) -> (0, 0, 0)>
module attributes {stable_mosaic.version = 14 : i64} {
  func.func @body(%arg0: i32, %arg1: i32, %arg2: memref<10000x128xf32, #tpu.memory_space<hbm>>, %arg3: memref<32x80x128xi32, #tpu.memory_space<hbm>>, %arg4: memref<32x80x128xi32, #tpu.memory_space<hbm>>, %arg5: memref<2x10112x128xf32, #tpu.memory_space<hbm>>, %arg6: memref<10112x128xf32, #tpu.memory_space<vmem_shared>>, %arg7: memref<8x128xi32, #tpu.memory_space<vmem>>, %arg8: memref<8x128xi32, #tpu.memory_space<vmem>>, %arg9: memref<2x128x128xf32, #tpu.memory_space<vmem>>, %arg10: memref<!tpu.dma_semaphore, #tpu.memory_space<semaphore_mem>>, %arg11: memref<!tpu.dma_semaphore, #tpu.memory_space<semaphore_mem>>, %arg12: memref<!tpu.dma_semaphore, #tpu.memory_space<semaphore_mem>>, %arg13: memref<!tpu.dma_semaphore, #tpu.memory_space<semaphore_mem>>) attributes {dimension_semantics = [#tpu.dimension_semantics<core_parallel>, #tpu.dimension_semantics<subcore_parallel>], iteration_bounds = array<i64: 2, 16>, scalar_prefetch = 0 : i64, scratch_operands = 8 : i64, tpu.core_type = #tpu.core_type<sc_vector_subcore>, window_params = [{transform_indices = #map}, {transform_indices = #map1}, {transform_indices = #map1}, {transform_indices = #map1}]} {
    %mul3A = arith.constant 2 : i32
    %mul3A_0 = arith.muli %arg1, %mul3A : i32
    %add3A = arith.addi %mul3A_0, %arg0 : i32
    %mul3A_1 = arith.constant 632 : i32
    %mul3A_2 = arith.muli %arg1, %mul3A_1 : i32
    %scan3A = arith.constant 0 : i32
    %scan3A_3 = arith.constant 0 : i32
    %scan3A_4 = arith.constant 0 : i32
    %scan3A_5 = arith.constant 128 : i32
    %scan3A_6 = arith.addi %scan3A_4, %scan3A_5 : i32
    %scan3A_7 = arith.constant 1 : i32
    %scan3A_8 = scf.for %scan3A_28 = %scan3A_4 to %scan3A_6 step %scan3A_7 iter_args(%scan3A_29 = %scan3A_3) -> (i32)  : i32 {
      %broadcast_in_dim3A = arith.constant 0.000000e+00 : f32
      %broadcast_in_dim3A_30 = vector.broadcast %broadcast_in_dim3A : f32 to vector<16xf32>
      %swap3A = arith.constant 0 : i32
      %swap3A_31 = arith.constant 0 : i32
      %swap3A_32 = tpu.memref_slice %arg9[%scan3A, %swap3A, %swap3A_31] : memref<2x128x128xf32, #tpu.memory_space<vmem>> -> memref<1x128x128xf32, #tpu.memory_space<vmem>>
      %swap3A_33 = tpu.memref_squeeze %swap3A_32 : memref<1x128x128xf32, #tpu.memory_space<vmem>> -> memref<128x128xf32, #tpu.memory_space<vmem>>
      %swap3A_34 = arith.index_cast %scan3A_28 : i32 to index
      %swap3A_35 = arith.constant 0 : index
      %swap3A_36 = tpu.vector_load %swap3A_33[%swap3A_34, %swap3A_35] {strides = array<i32>} : memref<128x128xf32, #tpu.memory_space<vmem>>, vector<1x16xf32>,
      %swap3A_37 = vector.shape_cast %swap3A_36 : vector<1x16xf32> to vector<16xf32>
      %swap3A_38 = vector.shape_cast %broadcast_in_dim3A_30 : vector<16xf32> to vector<1x16xf32>
      tpu.vector_store %swap3A_33[%swap3A_34, %swap3A_35], %swap3A_38 {strides = array<i32>} : memref<128x128xf32, #tpu.memory_space<vmem>>, vector<1x16xf32>,
      %swap3A_39 = arith.constant 0 : i32
      %swap3A_40 = arith.constant 0 : i32
      %swap3A_41 = tpu.memref_slice %arg9[%scan3A, %swap3A_39, %swap3A_40] : memref<2x128x128xf32, #tpu.memory_space<vmem>> -> memref<1x128x128xf32, #tpu.memory_space<vmem>>
      %swap3A_42 = tpu.memref_squeeze %swap3A_41 : memref<1x128x128xf32, #tpu.memory_space<vmem>> -> memref<128x128xf32, #tpu.memory_space<vmem>>
      %swap3A_43 = arith.index_cast %scan3A_28 : i32 to index
      %swap3A_44 = arith.constant 16 : index
      %swap3A_45 = tpu.vector_load %swap3A_42[%swap3A_43, %swap3A_44] {strides = array<i32>} : memref<128x128xf32, #tpu.memory_space<vmem>>, vector<1x16xf32>,
      %swap3A_46 = vector.shape_cast %swap3A_45 : vector<1x16xf32> to vector<16xf32>
      %swap3A_47 = vector.shape_cast %broadcast_in_dim3A_30 : vector<16xf32> to vector<1x16xf32>
      tpu.vector_store %swap3A_42[%swap3A_43, %swap3A_44], %swap3A_47 {strides = array<i32>} : memref<128x128xf32, #tpu.memory_space<vmem>>, vector<1x16xf32>,
      %swap3A_48 = arith.constant 0 : i32
      %swap3A_49 = arith.constant 0 : i32
      %swap3A_50 = tpu.memref_slice %arg9[%scan3A, %swap3A_48, %swap3A_49] : memref<2x128x128xf32, #tpu.memory_space<vmem>> -> memref<1x128x128xf32, #tpu.memory_space<vmem>>
      %swap3A_51 = tpu.memref_squeeze %swap3A_50 : memref<1x128x128xf32, #tpu.memory_space<vmem>> -> memref<128x128xf32, #tpu.memory_space<vmem>>
      %swap3A_52 = arith.index_cast %scan3A_28 : i32 to index
      %swap3A_53 = arith.constant 32 : index
      %swap3A_54 = tpu.vector_load %swap3A_51[%swap3A_52, %swap3A_53] {strides = array<i32>} : memref<128x128xf32, #tpu.memory_space<vmem>>, vector<1x16xf32>,
      %swap3A_55 = vector.shape_cast %swap3A_54 : vector<1x16xf32> to vector<16xf32>
      %swap3A_56 = vector.shape_cast %broadcast_in_dim3A_30 : vector<16xf32> to vector<1x16xf32>
      tpu.vector_store %swap3A_51[%swap3A_52, %swap3A_53], %swap3A_56 {strides = array<i32>} : memref<128x128xf32, #tpu.memory_space<vmem>>, vector<1x16xf32>,
      %swap3A_57 = arith.constant 0 : i32
      %swap3A_58 = arith.constant 0 : i32
      %swap3A_59 = tpu.memref_slice %arg9[%scan3A, %swap3A_57, %swap3A_58] : memref<2x128x128xf32, #tpu.memory_space<vmem>> -> memref<1x128x128xf32, #tpu.memory_space<vmem>>
      %swap3A_60 = tpu.memref_squeeze %swap3A_59 : memref<1x128x128xf32, #tpu.memory_space<vmem>> -> memref<128x128xf32, #tpu.memory_space<vmem>>
      %swap3A_61 = arith.index_cast %scan3A_28 : i32 to index
      %swap3A_62 = arith.constant 48 : index
      %swap3A_63 = tpu.vector_load %swap3A_60[%swap3A_61, %swap3A_62] {strides = array<i32>} : memref<128x128xf32, #tpu.memory_space<vmem>>, vector<1x16xf32>,
      %swap3A_64 = vector.shape_cast %swap3A_63 : vector<1x16xf32> to vector<16xf32>
      %swap3A_65 = vector.shape_cast %broadcast_in_dim3A_30 : vector<16xf32> to vector<1x16xf32>
      tpu.vector_store %swap3A_60[%swap3A_61, %swap3A_62], %swap3A_65 {strides = array<i32>} : memref<128x128xf32, #tpu.memory_space<vmem>>, vector<1x16xf32>,
      %swap3A_66 = arith.constant 0 : i32
      %swap3A_67 = arith.constant 0 : i32
      %swap3A_68 = tpu.memref_slice %arg9[%scan3A, %swap3A_66, %swap3A_67] : memref<2x128x128xf32, #tpu.memory_space<vmem>> -> memref<1x128x128xf32, #tpu.memory_space<vmem>>
      %swap3A_69 = tpu.memref_squeeze %swap3A_68 : memref<1x128x128xf32, #tpu.memory_space<vmem>> -> memref<128x128xf32, #tpu.memory_space<vmem>>
      %swap3A_70 = arith.index_cast %scan3A_28 : i32 to index
      %swap3A_71 = arith.constant 64 : index
      %swap3A_72 = tpu.vector_load %swap3A_69[%swap3A_70, %swap3A_71] {strides = array<i32>} : memref<128x128xf32, #tpu.memory_space<vmem>>, vector<1x16xf32>,
      %swap3A_73 = vector.shape_cast %swap3A_72 : vector<1x16xf32> to vector<16xf32>
      %swap3A_74 = vector.shape_cast %broadcast_in_dim3A_30 : vector<16xf32> to vector<1x16xf32>
      tpu.vector_store %swap3A_69[%swap3A_70, %swap3A_71], %swap3A_74 {strides = array<i32>} : memref<128x128xf32, #tpu.memory_space<vmem>>, vector<1x16xf32>,
      %swap3A_75 = arith.constant 0 : i32
      %swap3A_76 = arith.constant 0 : i32
      %swap3A_77 = tpu.memref_slice %arg9[%scan3A, %swap3A_75, %swap3A_76] : memref<2x128x128xf32, #tpu.memory_space<vmem>> -> memref<1x128x128xf32, #tpu.memory_space<vmem>>
      %swap3A_78 = tpu.memref_squeeze %swap3A_77 : memref<1x128x128xf32, #tpu.memory_space<vmem>> -> memref<128x128xf32, #tpu.memory_space<vmem>>
      %swap3A_79 = arith.index_cast %scan3A_28 : i32 to index
      %swap3A_80 = arith.constant 80 : index
      %swap3A_81 = tpu.vector_load %swap3A_78[%swap3A_79, %swap3A_80] {strides = array<i32>} : memref<128x128xf32, #tpu.memory_space<vmem>>, vector<1x16xf32>,
      %swap3A_82 = vector.shape_cast %swap3A_81 : vector<1x16xf32> to vector<16xf32>
      %swap3A_83 = vector.shape_cast %broadcast_in_dim3A_30 : vector<16xf32> to vector<1x16xf32>
      tpu.vector_store %swap3A_78[%swap3A_79, %swap3A_80], %swap3A_83 {strides = array<i32>} : memref<128x128xf32, #tpu.memory_space<vmem>>, vector<1x16xf32>,
      %swap3A_84 = arith.constant 0 : i32
      %swap3A_85 = arith.constant 0 : i32
      %swap3A_86 = tpu.memref_slice %arg9[%scan3A, %swap3A_84, %swap3A_85] : memref<2x128x128xf32, #tpu.memory_space<vmem>> -> memref<1x128x128xf32, #tpu.memory_space<vmem>>
      %swap3A_87 = tpu.memref_squeeze %swap3A_86 : memref<1x128x128xf32, #tpu.memory_space<vmem>> -> memref<128x128xf32, #tpu.memory_space<vmem>>
      %swap3A_88 = arith.index_cast %scan3A_28 : i32 to index
      %swap3A_89 = arith.constant 96 : index
      %swap3A_90 = tpu.vector_load %swap3A_87[%swap3A_88, %swap3A_89] {strides = array<i32>} : memref<128x128xf32, #tpu.memory_space<vmem>>, vector<1x16xf32>,
      %swap3A_91 = vector.shape_cast %swap3A_90 : vector<1x16xf32> to vector<16xf32>
      %swap3A_92 = vector.shape_cast %broadcast_in_dim3A_30 : vector<16xf32> to vector<1x16xf32>
      tpu.vector_store %swap3A_87[%swap3A_88, %swap3A_89], %swap3A_92 {strides = array<i32>} : memref<128x128xf32, #tpu.memory_space<vmem>>, vector<1x16xf32>,
      %swap3A_93 = arith.constant 0 : i32
      %swap3A_94 = arith.constant 0 : i32
      %swap3A_95 = tpu.memref_slice %arg9[%scan3A, %swap3A_93, %swap3A_94] : memref<2x128x128xf32, #tpu.memory_space<vmem>> -> memref<1x128x128xf32, #tpu.memory_space<vmem>>
      %swap3A_96 = tpu.memref_squeeze %swap3A_95 : memref<1x128x128xf32, #tpu.memory_space<vmem>> -> memref<128x128xf32, #tpu.memory_space<vmem>>
      %swap3A_97 = arith.index_cast %scan3A_28 : i32 to index
      %swap3A_98 = arith.constant 112 : index
      %swap3A_99 = tpu.vector_load %swap3A_96[%swap3A_97, %swap3A_98] {strides = array<i32>} : memref<128x128xf32, #tpu.memory_space<vmem>>, vector<1x16xf32>,
      %swap3A_100 = vector.shape_cast %swap3A_99 : vector<1x16xf32> to vector<16xf32>
      %swap3A_101 = vector.shape_cast %broadcast_in_dim3A_30 : vector<16xf32> to vector<1x16xf32>
      tpu.vector_store %swap3A_96[%swap3A_97, %swap3A_98], %swap3A_101 {strides = array<i32>} : memref<128x128xf32, #tpu.memory_space<vmem>>, vector<1x16xf32>,
      %scan3A_102 = arith.constant 0 : i32
      scf.yield %scan3A_102 : i32
    }
    %scan3A_9 = arith.constant 128 : i32
    %scan3A_10 = arith.constant 0 : i32
    %scan3A_11 = arith.constant 0 : i32
    %scan3A_12 = arith.constant 0 : i32
    %scan3A_13 = arith.constant 4 : i32
    %scan3A_14 = arith.addi %scan3A_12, %scan3A_13 : i32
    %scan3A_15 = arith.constant 1 : i32
    %scan3A_16 = scf.for %scan3A_28 = %scan3A_12 to %scan3A_14 step %scan3A_15 iter_args(%scan3A_29 = %scan3A_11) -> (i32)  : i32 {
      %mul3A_30 = arith.constant 128 : i32
      %mul3A_31 = arith.muli %scan3A_28, %mul3A_30 : i32
      %add3A_32 = arith.addi %mul3A_2, %mul3A_31 : i32
      "tpu.region"() ({
        %run_scoped3A_34 = tpu.sem_alloc : memref<!tpu.dma_semaphore, #tpu.memory_space<semaphore_mem>>
        %dma_start3A = arith.constant 0 : i32
        %dma_start3A_35 = arith.constant 0 : i32
        %dma_start3A_36 = tpu.memref_slice %arg9[%scan3A_10, %dma_start3A, %dma_start3A_35] : memref<2x128x128xf32, #tpu.memory_space<vmem>> -> memref<1x128x128xf32, #tpu.memory_space<vmem>>
        %dma_start3A_37 = tpu.memref_squeeze %dma_start3A_36 : memref<1x128x128xf32, #tpu.memory_space<vmem>> -> memref<128x128xf32, #tpu.memory_space<vmem>>
        %dma_start3A_38 = arith.constant 0 : i32
        %dma_start3A_39 = tpu.memref_slice %arg6[%add3A_32, %dma_start3A_38] : memref<10112x128xf32, #tpu.memory_space<vmem_shared>> -> memref<128x128xf32, #tpu.memory_space<vmem_shared>>
        %dma_start3A_40 = arith.constant 0 : i32
        %dma_start3A_41 = tpu.memref_slice %arg6[%add3A_32, %dma_start3A_40] : memref<10112x128xf32, #tpu.memory_space<vmem_shared>> -> memref<128x128xf32, #tpu.memory_space<vmem_shared>>
        %dma_start3A_42 = arith.constant 0 : i32
        %dma_start3A_43 = arith.constant 0 : i32
        %dma_start3A_44 = tpu.memref_slice %arg9[%scan3A_10, %dma_start3A_42, %dma_start3A_43] : memref<2x128x128xf32, #tpu.memory_space<vmem>> -> memref<1x128x128xf32, #tpu.memory_space<vmem>>
        %dma_start3A_45 = tpu.memref_squeeze %dma_start3A_44 : memref<1x128x128xf32, #tpu.memory_space<vmem>> -> memref<128x128xf32, #tpu.memory_space<vmem>>
        tpu.enqueue_dma source(%dma_start3A_45 : memref<128x128xf32, #tpu.memory_space<vmem>>) target(%dma_start3A_41 : memref<128x128xf32, #tpu.memory_space<vmem_shared>>) target_semaphore(%run_scoped3A_34 : memref<!tpu.dma_semaphore, #tpu.memory_space<semaphore_mem>>)
        %dma_wait3A = arith.constant 0 : i32
        %dma_wait3A_46 = arith.constant 0 : i32
        %dma_wait3A_47 = tpu.memref_slice %arg9[%scan3A_10, %dma_wait3A, %dma_wait3A_46] : memref<2x128x128xf32, #tpu.memory_space<vmem>> -> memref<1x128x128xf32, #tpu.memory_space<vmem>>
        %dma_wait3A_48 = tpu.memref_squeeze %dma_wait3A_47 : memref<1x128x128xf32, #tpu.memory_space<vmem>> -> memref<128x128xf32, #tpu.memory_space<vmem>>
        %dma_wait3A_49 = arith.constant 0 : i32
        %dma_wait3A_50 = tpu.memref_slice %arg6[%add3A_32, %dma_wait3A_49] : memref<10112x128xf32, #tpu.memory_space<vmem_shared>> -> memref<128x128xf32, #tpu.memory_space<vmem_shared>>
        %dma_wait3A_51 = arith.constant 0 : i32
        %dma_wait3A_52 = tpu.memref_slice %arg6[%add3A_32, %dma_wait3A_51] : memref<10112x128xf32, #tpu.memory_space<vmem_shared>> -> memref<128x128xf32, #tpu.memory_space<vmem_shared>>
        %dma_wait3A_53 = arith.constant 0 : i32
        %dma_wait3A_54 = arith.constant 0 : i32
        %dma_wait3A_55 = tpu.memref_slice %arg9[%scan3A_10, %dma_wait3A_53, %dma_wait3A_54] : memref<2x128x128xf32, #tpu.memory_space<vmem>> -> memref<1x128x128xf32, #tpu.memory_space<vmem>>
        %dma_wait3A_56 = tpu.memref_squeeze %dma_wait3A_55 : memref<1x128x128xf32, #tpu.memory_space<vmem>> -> memref<128x128xf32, #tpu.memory_space<vmem>>
        tpu.wait_dma2 semaphore(%run_scoped3A_34 : memref<!tpu.dma_semaphore, #tpu.memory_space<semaphore_mem>>) src(%dma_wait3A_56 : memref<128x128xf32, #tpu.memory_space<vmem>>) dst(%dma_wait3A_52 : memref<128x128xf32, #tpu.memory_space<vmem_shared>>)
        tpu.yield
      }) : () -> ()
      %scan3A_33 = arith.constant 0 : i32
      scf.yield %scan3A_33 : i32
    }
    %scan3A_17 = arith.constant 4 : i32
    %add3A_18 = arith.constant 512 : i32
    %add3A_19 = arith.addi %mul3A_2, %add3A_18 : i32
    %run_scoped3A = arith.constant 0 : i32
    "tpu.region"() ({
      %run_scoped3A_28 = tpu.sem_alloc : memref<!tpu.dma_semaphore, #tpu.memory_space<semaphore_mem>>
      %dma_start3A = arith.constant 0 : i32
      %dma_start3A_29 = arith.constant 0 : i32
      %dma_start3A_30 = tpu.memref_slice %arg9[%run_scoped3A, %dma_start3A, %dma_start3A_29] : memref<2x128x128xf32, #tpu.memory_space<vmem>> -> memref<1x128x128xf32, #tpu.memory_space<vmem>>
      %dma_start3A_31 = tpu.memref_squeeze %dma_start3A_30 : memref<1x128x128xf32, #tpu.memory_space<vmem>> -> memref<128x128xf32, #tpu.memory_space<vmem>>
      %dma_start3A_32 = arith.constant 0 : i32
      %dma_start3A_33 = arith.constant 0 : i32
      %dma_start3A_34 = tpu.memref_slice %dma_start3A_31[%dma_start3A_32, %dma_start3A_33] : memref<128x128xf32, #tpu.memory_space<vmem>> -> memref<120x128xf32, #tpu.memory_space<vmem>>
      %dma_start3A_35 = arith.constant 0 : i32
      %dma_start3A_36 = tpu.memref_slice %arg6[%add3A_19, %dma_start3A_35] : memref<10112x128xf32, #tpu.memory_space<vmem_shared>> -> memref<120x128xf32, #tpu.memory_space<vmem_shared>>
      %dma_start3A_37 = arith.constant 0 : i32
      %dma_start3A_38 = tpu.memref_slice %arg6[%add3A_19, %dma_start3A_37] : memref<10112x128xf32, #tpu.memory_space<vmem_shared>> -> memref<120x128xf32, #tpu.memory_space<vmem_shared>>
      %dma_start3A_39 = arith.constant 0 : i32
      %dma_start3A_40 = arith.constant 0 : i32
      %dma_start3A_41 = tpu.memref_slice %arg9[%run_scoped3A, %dma_start3A_39, %dma_start3A_40] : memref<2x128x128xf32, #tpu.memory_space<vmem>> -> memref<1x128x128xf32, #tpu.memory_space<vmem>>
      %dma_start3A_42 = tpu.memref_squeeze %dma_start3A_41 : memref<1x128x128xf32, #tpu.memory_space<vmem>> -> memref<128x128xf32, #tpu.memory_space<vmem>>
      %dma_start3A_43 = arith.constant 0 : i32
      %dma_start3A_44 = arith.constant 0 : i32
      %dma_start3A_45 = tpu.memref_slice %dma_start3A_42[%dma_start3A_43, %dma_start3A_44] : memref<128x128xf32, #tpu.memory_space<vmem>> -> memref<120x128xf32, #tpu.memory_space<vmem>>
      tpu.enqueue_dma source(%dma_start3A_45 : memref<120x128xf32, #tpu.memory_space<vmem>>) target(%dma_start3A_38 : memref<120x128xf32, #tpu.memory_space<vmem_shared>>) target_semaphore(%run_scoped3A_28 : memref<!tpu.dma_semaphore, #tpu.memory_space<semaphore_mem>>)
      %dma_wait3A = arith.constant 0 : i32
      %dma_wait3A_46 = arith.constant 0 : i32
      %dma_wait3A_47 = tpu.memref_slice %arg9[%run_scoped3A, %dma_wait3A, %dma_wait3A_46] : memref<2x128x128xf32, #tpu.memory_space<vmem>> -> memref<1x128x128xf32, #tpu.memory_space<vmem>>
      %dma_wait3A_48 = tpu.memref_squeeze %dma_wait3A_47 : memref<1x128x128xf32, #tpu.memory_space<vmem>> -> memref<128x128xf32, #tpu.memory_space<vmem>>
      %dma_wait3A_49 = arith.constant 0 : i32
      %dma_wait3A_50 = arith.constant 0 : i32
      %dma_wait3A_51 = tpu.memref_slice %dma_wait3A_48[%dma_wait3A_49, %dma_wait3A_50] : memref<128x128xf32, #tpu.memory_space<vmem>> -> memref<120x128xf32, #tpu.memory_space<vmem>>
      %dma_wait3A_52 = arith.constant 0 : i32
      %dma_wait3A_53 = tpu.memref_slice %arg6[%add3A_19, %dma_wait3A_52] : memref<10112x128xf32, #tpu.memory_space<vmem_shared>> -> memref<120x128xf32, #tpu.memory_space<vmem_shared>>
      %dma_wait3A_54 = arith.constant 0 : i32
      %dma_wait3A_55 = tpu.memref_slice %arg6[%add3A_19, %dma_wait3A_54] : memref<10112x128xf32, #tpu.memory_space<vmem_shared>> -> memref<120x128xf32, #tpu.memory_space<vmem_shared>>
      %dma_wait3A_56 = arith.constant 0 : i32
      %dma_wait3A_57 = arith.constant 0 : i32
      %dma_wait3A_58 = tpu.memref_slice %arg9[%run_scoped3A, %dma_wait3A_56, %dma_wait3A_57] : memref<2x128x128xf32, #tpu.memory_space<vmem>> -> memref<1x128x128xf32, #tpu.memory_space<vmem>>
      %dma_wait3A_59 = tpu.memref_squeeze %dma_wait3A_58 : memref<1x128x128xf32, #tpu.memory_space<vmem>> -> memref<128x128xf32, #tpu.memory_space<vmem>>
      %dma_wait3A_60 = arith.constant 0 : i32
      %dma_wait3A_61 = arith.constant 0 : i32
      %dma_wait3A_62 = tpu.memref_slice %dma_wait3A_59[%dma_wait3A_60, %dma_wait3A_61] : memref<128x128xf32, #tpu.memory_space<vmem>> -> memref<120x128xf32, #tpu.memory_space<vmem>>
      tpu.wait_dma2 semaphore(%run_scoped3A_28 : memref<!tpu.dma_semaphore, #tpu.memory_space<semaphore_mem>>) src(%dma_wait3A_62 : memref<120x128xf32, #tpu.memory_space<vmem>>) dst(%dma_wait3A_55 : memref<120x128xf32, #tpu.memory_space<vmem_shared>>)
      tpu.yield
    }) : () -> ()
    %barrier3A = arith.constant 0 : index
    tpu.barrier barrier_id(%barrier3A)
    %scan3A_20 = arith.constant 0 : i32
    %scan3A_21 = arith.constant 0 : i32
    %scan3A_22 = arith.constant 10 : i32
    %scan3A_23 = arith.addi %scan3A_21, %scan3A_22 : i32
    %scan3A_24 = arith.constant 1 : i32
    %scan3A_25 = scf.for %scan3A_28 = %scan3A_21 to %scan3A_23 step %scan3A_24 iter_args(%scan3A_29 = %scan3A_20) -> (i32)  : i32 {
      %mul3A_30 = arith.constant 8 : i32
      %mul3A_31 = arith.muli %scan3A_28, %mul3A_30 : i32
      "tpu.region"() ({
        %run_scoped3A_417 = tpu.sem_alloc : memref<!tpu.dma_semaphore, #tpu.memory_space<semaphore_mem>>
        %dma_start3A_418 = arith.constant 0 : i32
        %dma_start3A_419 = arith.constant 0 : i32
        %dma_start3A_420 = tpu.memref_slice %arg3[%add3A, %dma_start3A_418, %dma_start3A_419] : memref<32x80x128xi32, #tpu.memory_space<hbm>> -> memref<1x80x128xi32, #tpu.memory_space<hbm>>
        %dma_start3A_421 = tpu.memref_squeeze %dma_start3A_420 : memref<1x80x128xi32, #tpu.memory_space<hbm>> -> memref<80x128xi32, #tpu.memory_space<hbm>>
        %dma_start3A_422 = arith.constant 0 : i32
        %dma_start3A_423 = tpu.memref_slice %dma_start3A_421[%mul3A_31, %dma_start3A_422] : memref<80x128xi32, #tpu.memory_space<hbm>> -> memref<8x128xi32, #tpu.memory_space<hbm>>
        %dma_start3A_424 = arith.constant 0 : i32
        %dma_start3A_425 = arith.constant 0 : i32
        %dma_start3A_426 = tpu.memref_slice %arg3[%add3A, %dma_start3A_424, %dma_start3A_425] : memref<32x80x128xi32, #tpu.memory_space<hbm>> -> memref<1x80x128xi32, #tpu.memory_space<hbm>>
        %dma_start3A_427 = tpu.memref_squeeze %dma_start3A_426 : memref<1x80x128xi32, #tpu.memory_space<hbm>> -> memref<80x128xi32, #tpu.memory_space<hbm>>
        %dma_start3A_428 = arith.constant 0 : i32
        %dma_start3A_429 = tpu.memref_slice %dma_start3A_427[%mul3A_31, %dma_start3A_428] : memref<80x128xi32, #tpu.memory_space<hbm>> -> memref<8x128xi32, #tpu.memory_space<hbm>>
        tpu.enqueue_dma source(%dma_start3A_429 : memref<8x128xi32, #tpu.memory_space<hbm>>) target(%arg7 : memref<8x128xi32, #tpu.memory_space<vmem>>) target_semaphore(%run_scoped3A_417 : memref<!tpu.dma_semaphore, #tpu.memory_space<semaphore_mem>>)
        %dma_wait3A_430 = arith.constant 0 : i32
        %dma_wait3A_431 = arith.constant 0 : i32
        %dma_wait3A_432 = tpu.memref_slice %arg3[%add3A, %dma_wait3A_430, %dma_wait3A_431] : memref<32x80x128xi32, #tpu.memory_space<hbm>> -> memref<1x80x128xi32, #tpu.memory_space<hbm>>
        %dma_wait3A_433 = tpu.memref_squeeze %dma_wait3A_432 : memref<1x80x128xi32, #tpu.memory_space<hbm>> -> memref<80x128xi32, #tpu.memory_space<hbm>>
        %dma_wait3A_434 = arith.constant 0 : i32
        %dma_wait3A_435 = tpu.memref_slice %dma_wait3A_433[%mul3A_31, %dma_wait3A_434] : memref<80x128xi32, #tpu.memory_space<hbm>> -> memref<8x128xi32, #tpu.memory_space<hbm>>
        %dma_wait3A_436 = arith.constant 0 : i32
        %dma_wait3A_437 = arith.constant 0 : i32
        %dma_wait3A_438 = tpu.memref_slice %arg3[%add3A, %dma_wait3A_436, %dma_wait3A_437] : memref<32x80x128xi32, #tpu.memory_space<hbm>> -> memref<1x80x128xi32, #tpu.memory_space<hbm>>
        %dma_wait3A_439 = tpu.memref_squeeze %dma_wait3A_438 : memref<1x80x128xi32, #tpu.memory_space<hbm>> -> memref<80x128xi32, #tpu.memory_space<hbm>>
        %dma_wait3A_440 = arith.constant 0 : i32
        %dma_wait3A_441 = tpu.memref_slice %dma_wait3A_439[%mul3A_31, %dma_wait3A_440] : memref<80x128xi32, #tpu.memory_space<hbm>> -> memref<8x128xi32, #tpu.memory_space<hbm>>
        tpu.wait_dma2 semaphore(%run_scoped3A_417 : memref<!tpu.dma_semaphore, #tpu.memory_space<semaphore_mem>>) src(%dma_wait3A_441 : memref<8x128xi32, #tpu.memory_space<hbm>>) dst(%arg7 : memref<8x128xi32, #tpu.memory_space<vmem>>)
        tpu.yield
      }) : () -> ()
      %mul3A_32 = arith.constant 8 : i32
      %mul3A_33 = arith.muli %scan3A_28, %mul3A_32 : i32
      "tpu.region"() ({
        %run_scoped3A_417 = tpu.sem_alloc : memref<!tpu.dma_semaphore, #tpu.memory_space<semaphore_mem>>
        %dma_start3A_418 = arith.constant 0 : i32
        %dma_start3A_419 = arith.constant 0 : i32
        %dma_start3A_420 = tpu.memref_slice %arg4[%add3A, %dma_start3A_418, %dma_start3A_419] : memref<32x80x128xi32, #tpu.memory_space<hbm>> -> memref<1x80x128xi32, #tpu.memory_space<hbm>>
        %dma_start3A_421 = tpu.memref_squeeze %dma_start3A_420 : memref<1x80x128xi32, #tpu.memory_space<hbm>> -> memref<80x128xi32, #tpu.memory_space<hbm>>
        %dma_start3A_422 = arith.constant 0 : i32
        %dma_start3A_423 = tpu.memref_slice %dma_start3A_421[%mul3A_33, %dma_start3A_422] : memref<80x128xi32, #tpu.memory_space<hbm>> -> memref<8x128xi32, #tpu.memory_space<hbm>>
        %dma_start3A_424 = arith.constant 0 : i32
        %dma_start3A_425 = arith.constant 0 : i32
        %dma_start3A_426 = tpu.memref_slice %arg4[%add3A, %dma_start3A_424, %dma_start3A_425] : memref<32x80x128xi32, #tpu.memory_space<hbm>> -> memref<1x80x128xi32, #tpu.memory_space<hbm>>
        %dma_start3A_427 = tpu.memref_squeeze %dma_start3A_426 : memref<1x80x128xi32, #tpu.memory_space<hbm>> -> memref<80x128xi32, #tpu.memory_space<hbm>>
        %dma_start3A_428 = arith.constant 0 : i32
        %dma_start3A_429 = tpu.memref_slice %dma_start3A_427[%mul3A_33, %dma_start3A_428] : memref<80x128xi32, #tpu.memory_space<hbm>> -> memref<8x128xi32, #tpu.memory_space<hbm>>
        tpu.enqueue_dma source(%dma_start3A_429 : memref<8x128xi32, #tpu.memory_space<hbm>>) target(%arg8 : memref<8x128xi32, #tpu.memory_space<vmem>>) target_semaphore(%run_scoped3A_417 : memref<!tpu.dma_semaphore, #tpu.memory_space<semaphore_mem>>)
        %dma_wait3A_430 = arith.constant 0 : i32
        %dma_wait3A_431 = arith.constant 0 : i32
        %dma_wait3A_432 = tpu.memref_slice %arg4[%add3A, %dma_wait3A_430, %dma_wait3A_431] : memref<32x80x128xi32, #tpu.memory_space<hbm>> -> memref<1x80x128xi32, #tpu.memory_space<hbm>>
        %dma_wait3A_433 = tpu.memref_squeeze %dma_wait3A_432 : memref<1x80x128xi32, #tpu.memory_space<hbm>> -> memref<80x128xi32, #tpu.memory_space<hbm>>
        %dma_wait3A_434 = arith.constant 0 : i32
        %dma_wait3A_435 = tpu.memref_slice %dma_wait3A_433[%mul3A_33, %dma_wait3A_434] : memref<80x128xi32, #tpu.memory_space<hbm>> -> memref<8x128xi32, #tpu.memory_space<hbm>>
        %dma_wait3A_436 = arith.constant 0 : i32
        %dma_wait3A_437 = arith.constant 0 : i32
        %dma_wait3A_438 = tpu.memref_slice %arg4[%add3A, %dma_wait3A_436, %dma_wait3A_437] : memref<32x80x128xi32, #tpu.memory_space<hbm>> -> memref<1x80x128xi32, #tpu.memory_space<hbm>>
        %dma_wait3A_439 = tpu.memref_squeeze %dma_wait3A_438 : memref<1x80x128xi32, #tpu.memory_space<hbm>> -> memref<80x128xi32, #tpu.memory_space<hbm>>
        %dma_wait3A_440 = arith.constant 0 : i32
        %dma_wait3A_441 = tpu.memref_slice %dma_wait3A_439[%mul3A_33, %dma_wait3A_440] : memref<80x128xi32, #tpu.memory_space<hbm>> -> memref<8x128xi32, #tpu.memory_space<hbm>>
        tpu.wait_dma2 semaphore(%run_scoped3A_417 : memref<!tpu.dma_semaphore, #tpu.memory_space<semaphore_mem>>) src(%dma_wait3A_441 : memref<8x128xi32, #tpu.memory_space<hbm>>) dst(%arg8 : memref<8x128xi32, #tpu.memory_space<vmem>>)
        tpu.yield
      }) : () -> ()
      %dma_start3A = arith.constant 0 : i32
      %dma_start3A_34 = arith.constant 0 : i32
      %dma_start3A_35 = arith.constant 0 : i32
      %dma_start3A_36 = arith.constant 0 : i32
      %dma_start3A_37 = tpu.memref_slice %arg9[%dma_start3A_34, %dma_start3A_35, %dma_start3A_36] : memref<2x128x128xf32, #tpu.memory_space<vmem>> -> memref<1x128x128xf32, #tpu.memory_space<vmem>>
      %dma_start3A_38 = tpu.memref_squeeze %dma_start3A_37 : memref<1x128x128xf32, #tpu.memory_space<vmem>> -> memref<128x128xf32, #tpu.memory_space<vmem>>
      %dma_start3A_39 = arith.constant 0 : i32
      %dma_start3A_40 = tpu.memref_slice %arg7[%dma_start3A, %dma_start3A_39] : memref<8x128xi32, #tpu.memory_space<vmem>> -> memref<1x128xi32, #tpu.memory_space<vmem>>
      %dma_start3A_41 = tpu.memref_squeeze %dma_start3A_40 : memref<1x128xi32, #tpu.memory_space<vmem>> -> memref<128xi32, #tpu.memory_space<vmem>>
      %dma_start3A_42 = arith.constant 0 : i32
      %dma_start3A_43 = arith.constant 0 : i32
      %dma_start3A_44 = tpu.memref_slice %arg2[%dma_start3A_42, %dma_start3A_43] : memref<10000x128xf32, #tpu.memory_space<hbm>> -> memref<10000x128xf32, #tpu.memory_space<hbm>>
      tpu.enqueue_indirect_dma source(%dma_start3A_44 : memref<10000x128xf32, #tpu.memory_space<hbm>>) target(%dma_start3A_38 : memref<128x128xf32, #tpu.memory_space<vmem>>) offsets(%dma_start3A_41 : memref<128xi32, #tpu.memory_space<vmem>>) semaphore(%arg10 : memref<!tpu.dma_semaphore, #tpu.memory_space<semaphore_mem>>)
      %dma_start3A_45 = arith.constant 1 : i32
      %dma_start3A_46 = arith.constant 1 : i32
      %dma_start3A_47 = arith.constant 0 : i32
      %dma_start3A_48 = arith.constant 0 : i32
      %dma_start3A_49 = tpu.memref_slice %arg9[%dma_start3A_46, %dma_start3A_47, %dma_start3A_48] : memref<2x128x128xf32, #tpu.memory_space<vmem>> -> memref<1x128x128xf32, #tpu.memory_space<vmem>>
      %dma_start3A_50 = tpu.memref_squeeze %dma_start3A_49 : memref<1x128x128xf32, #tpu.memory_space<vmem>> -> memref<128x128xf32, #tpu.memory_space<vmem>>
      %dma_start3A_51 = arith.constant 0 : i32
      %dma_start3A_52 = tpu.memref_slice %arg7[%dma_start3A_45, %dma_start3A_51] : memref<8x128xi32, #tpu.memory_space<vmem>> -> memref<1x128xi32, #tpu.memory_space<vmem>>
      %dma_start3A_53 = tpu.memref_squeeze %dma_start3A_52 : memref<1x128xi32, #tpu.memory_space<vmem>> -> memref<128xi32, #tpu.memory_space<vmem>>
      %dma_start3A_54 = arith.constant 0 : i32
      %dma_start3A_55 = arith.constant 0 : i32
      %dma_start3A_56 = tpu.memref_slice %arg2[%dma_start3A_54, %dma_start3A_55] : memref<10000x128xf32, #tpu.memory_space<hbm>> -> memref<10000x128xf32, #tpu.memory_space<hbm>>
      tpu.enqueue_indirect_dma source(%dma_start3A_56 : memref<10000x128xf32, #tpu.memory_space<hbm>>) target(%dma_start3A_50 : memref<128x128xf32, #tpu.memory_space<vmem>>) offsets(%dma_start3A_53 : memref<128xi32, #tpu.memory_space<vmem>>) semaphore(%arg11 : memref<!tpu.dma_semaphore, #tpu.memory_space<semaphore_mem>>)
      %dma_wait3A = arith.constant 0 : i32
      %dma_wait3A_57 = arith.constant 0 : i32
      %dma_wait3A_58 = arith.constant 0 : i32
      %dma_wait3A_59 = arith.constant 0 : i32
      %dma_wait3A_60 = tpu.memref_slice %arg9[%dma_wait3A_57, %dma_wait3A_58, %dma_wait3A_59] : memref<2x128x128xf32, #tpu.memory_space<vmem>> -> memref<1x128x128xf32, #tpu.memory_space<vmem>>
      %dma_wait3A_61 = tpu.memref_squeeze %dma_wait3A_60 : memref<1x128x128xf32, #tpu.memory_space<vmem>> -> memref<128x128xf32, #tpu.memory_space<vmem>>
      %dma_wait3A_62 = arith.constant 0 : i32
      %dma_wait3A_63 = tpu.memref_slice %arg7[%dma_wait3A, %dma_wait3A_62] : memref<8x128xi32, #tpu.memory_space<vmem>> -> memref<1x128xi32, #tpu.memory_space<vmem>>
      %dma_wait3A_64 = tpu.memref_squeeze %dma_wait3A_63 : memref<1x128xi32, #tpu.memory_space<vmem>> -> memref<128xi32, #tpu.memory_space<vmem>>
      %dma_wait3A_65 = arith.constant 0 : i32
      %dma_wait3A_66 = arith.constant 0 : i32
      %dma_wait3A_67 = tpu.memref_slice %arg2[%dma_wait3A_65, %dma_wait3A_66] : memref<10000x128xf32, #tpu.memory_space<hbm>> -> memref<10000x128xf32, #tpu.memory_space<hbm>>
      tpu.wait_indirect_dma semaphore(%arg10 : memref<!tpu.dma_semaphore, #tpu.memory_space<semaphore_mem>>) src(%dma_wait3A_67 : memref<10000x128xf32, #tpu.memory_space<hbm>>) dst(%dma_wait3A_61 : memref<128x128xf32, #tpu.memory_space<vmem>>)
      %dma_start3A_68 = arith.constant 0 : i32
      %dma_start3A_69 = arith.constant 0 : i32
      %dma_start3A_70 = arith.constant 0 : i32
      %dma_start3A_71 = arith.constant 0 : i32
      %dma_start3A_72 = tpu.memref_slice %arg9[%dma_start3A_68, %dma_start3A_70, %dma_start3A_71] : memref<2x128x128xf32, #tpu.memory_space<vmem>> -> memref<1x128x128xf32, #tpu.memory_space<vmem>>
      %dma_start3A_73 = tpu.memref_squeeze %dma_start3A_72 : memref<1x128x128xf32, #tpu.memory_space<vmem>> -> memref<128x128xf32, #tpu.memory_space<vmem>>
      %dma_start3A_74 = arith.constant 0 : i32
      %dma_start3A_75 = tpu.memref_slice %arg8[%dma_start3A_69, %dma_start3A_74] : memref<8x128xi32, #tpu.memory_space<vmem>> -> memref<1x128xi32, #tpu.memory_space<vmem>>
      %dma_start3A_76 = tpu.memref_squeeze %dma_start3A_75 : memref<1x128xi32, #tpu.memory_space<vmem>> -> memref<128xi32, #tpu.memory_space<vmem>>
      %dma_start3A_77 = arith.constant 0 : i32
      %dma_start3A_78 = arith.constant 0 : i32
      %dma_start3A_79 = tpu.memref_slice %arg6[%dma_start3A_77, %dma_start3A_78] : memref<10112x128xf32, #tpu.memory_space<vmem_shared>> -> memref<10112x128xf32, #tpu.memory_space<vmem_shared>>
      tpu.enqueue_indirect_dma source(%dma_start3A_73 : memref<128x128xf32, #tpu.memory_space<vmem>>) target(%dma_start3A_79 : memref<10112x128xf32, #tpu.memory_space<vmem_shared>>) offsets(%dma_start3A_76 : memref<128xi32, #tpu.memory_space<vmem>>) semaphore(%arg12 : memref<!tpu.dma_semaphore, #tpu.memory_space<semaphore_mem>>) {add = true}
      %dma_wait3A_80 = arith.constant 0 : i32
      %dma_wait3A_81 = arith.constant 0 : i32
      %dma_wait3A_82 = arith.constant 0 : i32
      %dma_wait3A_83 = arith.constant 0 : i32
      %dma_wait3A_84 = tpu.memref_slice %arg9[%dma_wait3A_80, %dma_wait3A_82, %dma_wait3A_83] : memref<2x128x128xf32, #tpu.memory_space<vmem>> -> memref<1x128x128xf32, #tpu.memory_space<vmem>>
      %dma_wait3A_85 = tpu.memref_squeeze %dma_wait3A_84 : memref<1x128x128xf32, #tpu.memory_space<vmem>> -> memref<128x128xf32, #tpu.memory_space<vmem>>
      %dma_wait3A_86 = arith.constant 0 : i32
      %dma_wait3A_87 = tpu.memref_slice %arg8[%dma_wait3A_81, %dma_wait3A_86] : memref<8x128xi32, #tpu.memory_space<vmem>> -> memref<1x128xi32, #tpu.memory_space<vmem>>
      %dma_wait3A_88 = tpu.memref_squeeze %dma_wait3A_87 : memref<1x128xi32, #tpu.memory_space<vmem>> -> memref<128xi32, #tpu.memory_space<vmem>>
      %dma_wait3A_89 = arith.constant 0 : i32
      %dma_wait3A_90 = arith.constant 0 : i32
      %dma_wait3A_91 = tpu.memref_slice %arg6[%dma_wait3A_89, %dma_wait3A_90] : memref<10112x128xf32, #tpu.memory_space<vmem_shared>> -> memref<10112x128xf32, #tpu.memory_space<vmem_shared>>
      tpu.wait_indirect_dma semaphore(%arg12 : memref<!tpu.dma_semaphore, #tpu.memory_space<semaphore_mem>>) src(%dma_wait3A_85 : memref<128x128xf32, #tpu.memory_space<vmem>>) dst(%dma_wait3A_91 : memref<10112x128xf32, #tpu.memory_space<vmem_shared>>)
      %dma_start3A_92 = arith.constant 2 : i32
      %dma_start3A_93 = arith.constant 0 : i32
      %dma_start3A_94 = arith.constant 0 : i32
      %dma_start3A_95 = arith.constant 0 : i32
      %dma_start3A_96 = tpu.memref_slice %arg9[%dma_start3A_93, %dma_start3A_94, %dma_start3A_95] : memref<2x128x128xf32, #tpu.memory_space<vmem>> -> memref<1x128x128xf32, #tpu.memory_space<vmem>>
      %dma_start3A_97 = tpu.memref_squeeze %dma_start3A_96 : memref<1x128x128xf32, #tpu.memory_space<vmem>> -> memref<128x128xf32, #tpu.memory_space<vmem>>
      %dma_start3A_98 = arith.constant 0 : i32
      %dma_start3A_99 = tpu.memref_slice %arg7[%dma_start3A_92, %dma_start3A_98] : memref<8x128xi32, #tpu.memory_space<vmem>> -> memref<1x128xi32, #tpu.memory_space<vmem>>
      %dma_start3A_100 = tpu.memref_squeeze %dma_start3A_99 : memref<1x128xi32, #tpu.memory_space<vmem>> -> memref<128xi32, #tpu.memory_space<vmem>>
      %dma_start3A_101 = arith.constant 0 : i32
      %dma_start3A_102 = arith.constant 0 : i32
      %dma_start3A_103 = tpu.memref_slice %arg2[%dma_start3A_101, %dma_start3A_102] : memref<10000x128xf32, #tpu.memory_space<hbm>> -> memref<10000x128xf32, #tpu.memory_space<hbm>>
      tpu.enqueue_indirect_dma source(%dma_start3A_103 : memref<10000x128xf32, #tpu.memory_space<hbm>>) target(%dma_start3A_97 : memref<128x128xf32, #tpu.memory_space<vmem>>) offsets(%dma_start3A_100 : memref<128xi32, #tpu.memory_space<vmem>>) semaphore(%arg10 : memref<!tpu.dma_semaphore, #tpu.memory_space<semaphore_mem>>)
      %dma_wait3A_104 = arith.constant 1 : i32
      %dma_wait3A_105 = arith.constant 1 : i32
      %dma_wait3A_106 = arith.constant 0 : i32
      %dma_wait3A_107 = arith.constant 0 : i32
      %dma_wait3A_108 = tpu.memref_slice %arg9[%dma_wait3A_105, %dma_wait3A_106, %dma_wait3A_107] : memref<2x128x128xf32, #tpu.memory_space<vmem>> -> memref<1x128x128xf32, #tpu.memory_space<vmem>>
      %dma_wait3A_109 = tpu.memref_squeeze %dma_wait3A_108 : memref<1x128x128xf32, #tpu.memory_space<vmem>> -> memref<128x128xf32, #tpu.memory_space<vmem>>
      %dma_wait3A_110 = arith.constant 0 : i32
      %dma_wait3A_111 = tpu.memref_slice %arg7[%dma_wait3A_104, %dma_wait3A_110] : memref<8x128xi32, #tpu.memory_space<vmem>> -> memref<1x128xi32, #tpu.memory_space<vmem>>
      %dma_wait3A_112 = tpu.memref_squeeze %dma_wait3A_111 : memref<1x128xi32, #tpu.memory_space<vmem>> -> memref<128xi32, #tpu.memory_space<vmem>>
      %dma_wait3A_113 = arith.constant 0 : i32
      %dma_wait3A_114 = arith.constant 0 : i32
      %dma_wait3A_115 = tpu.memref_slice %arg2[%dma_wait3A_113, %dma_wait3A_114] : memref<10000x128xf32, #tpu.memory_space<hbm>> -> memref<10000x128xf32, #tpu.memory_space<hbm>>
      tpu.wait_indirect_dma semaphore(%arg11 : memref<!tpu.dma_semaphore, #tpu.memory_space<semaphore_mem>>) src(%dma_wait3A_115 : memref<10000x128xf32, #tpu.memory_space<hbm>>) dst(%dma_wait3A_109 : memref<128x128xf32, #tpu.memory_space<vmem>>)
      %dma_start3A_116 = arith.constant 1 : i32
      %dma_start3A_117 = arith.constant 1 : i32
      %dma_start3A_118 = arith.constant 0 : i32
      %dma_start3A_119 = arith.constant 0 : i32
      %dma_start3A_120 = tpu.memref_slice %arg9[%dma_start3A_116, %dma_start3A_118, %dma_start3A_119] : memref<2x128x128xf32, #tpu.memory_space<vmem>> -> memref<1x128x128xf32, #tpu.memory_space<vmem>>
      %dma_start3A_121 = tpu.memref_squeeze %dma_start3A_120 : memref<1x128x128xf32, #tpu.memory_space<vmem>> -> memref<128x128xf32, #tpu.memory_space<vmem>>
      %dma_start3A_122 = arith.constant 0 : i32
      %dma_start3A_123 = tpu.memref_slice %arg8[%dma_start3A_117, %dma_start3A_122] : memref<8x128xi32, #tpu.memory_space<vmem>> -> memref<1x128xi32, #tpu.memory_space<vmem>>
      %dma_start3A_124 = tpu.memref_squeeze %dma_start3A_123 : memref<1x128xi32, #tpu.memory_space<vmem>> -> memref<128xi32, #tpu.memory_space<vmem>>
      %dma_start3A_125 = arith.constant 0 : i32
      %dma_start3A_126 = arith.constant 0 : i32
      %dma_start3A_127 = tpu.memref_slice %arg6[%dma_start3A_125, %dma_start3A_126] : memref<10112x128xf32, #tpu.memory_space<vmem_shared>> -> memref<10112x128xf32, #tpu.memory_space<vmem_shared>>
      tpu.enqueue_indirect_dma source(%dma_start3A_121 : memref<128x128xf32, #tpu.memory_space<vmem>>) target(%dma_start3A_127 : memref<10112x128xf32, #tpu.memory_space<vmem_shared>>) offsets(%dma_start3A_124 : memref<128xi32, #tpu.memory_space<vmem>>) semaphore(%arg13 : memref<!tpu.dma_semaphore, #tpu.memory_space<semaphore_mem>>) {add = true}
      %dma_wait3A_128 = arith.constant 1 : i32
      %dma_wait3A_129 = arith.constant 1 : i32
      %dma_wait3A_130 = arith.constant 0 : i32
      %dma_wait3A_131 = arith.constant 0 : i32
      %dma_wait3A_132 = tpu.memref_slice %arg9[%dma_wait3A_128, %dma_wait3A_130, %dma_wait3A_131] : memref<2x128x128xf32, #tpu.memory_space<vmem>> -> memref<1x128x128xf32, #tpu.memory_space<vmem>>
      %dma_wait3A_133 = tpu.memref_squeeze %dma_wait3A_132 : memref<1x128x128xf32, #tpu.memory_space<vmem>> -> memref<128x128xf32, #tpu.memory_space<vmem>>
      %dma_wait3A_134 = arith.constant 0 : i32
      %dma_wait3A_135 = tpu.memref_slice %arg8[%dma_wait3A_129, %dma_wait3A_134] : memref<8x128xi32, #tpu.memory_space<vmem>> -> memref<1x128xi32, #tpu.memory_space<vmem>>
      %dma_wait3A_136 = tpu.memref_squeeze %dma_wait3A_135 : memref<1x128xi32, #tpu.memory_space<vmem>> -> memref<128xi32, #tpu.memory_space<vmem>>
      %dma_wait3A_137 = arith.constant 0 : i32
      %dma_wait3A_138 = arith.constant 0 : i32
      %dma_wait3A_139 = tpu.memref_slice %arg6[%dma_wait3A_137, %dma_wait3A_138] : memref<10112x128xf32, #tpu.memory_space<vmem_shared>> -> memref<10112x128xf32, #tpu.memory_space<vmem_shared>>
      tpu.wait_indirect_dma semaphore(%arg13 : memref<!tpu.dma_semaphore, #tpu.memory_space<semaphore_mem>>) src(%dma_wait3A_133 : memref<128x128xf32, #tpu.memory_space<vmem>>) dst(%dma_wait3A_139 : memref<10112x128xf32, #tpu.memory_space<vmem_shared>>)
      %dma_start3A_140 = arith.constant 3 : i32
      %dma_start3A_141 = arith.constant 1 : i32
      %dma_start3A_142 = arith.constant 0 : i32
      %dma_start3A_143 = arith.constant 0 : i32
      %dma_start3A_144 = tpu.memref_slice %arg9[%dma_start3A_141, %dma_start3A_142, %dma_start3A_143] : memref<2x128x128xf32, #tpu.memory_space<vmem>> -> memref<1x128x128xf32, #tpu.memory_space<vmem>>
      %dma_start3A_145 = tpu.memref_squeeze %dma_start3A_144 : memref<1x128x128xf32, #tpu.memory_space<vmem>> -> memref<128x128xf32, #tpu.memory_space<vmem>>
      %dma_start3A_146 = arith.constant 0 : i32
      %dma_start3A_147 = tpu.memref_slice %arg7[%dma_start3A_140, %dma_start3A_146] : memref<8x128xi32, #tpu.memory_space<vmem>> -> memref<1x128xi32, #tpu.memory_space<vmem>>
      %dma_start3A_148 = tpu.memref_squeeze %dma_start3A_147 : memref<1x128xi32, #tpu.memory_space<vmem>> -> memref<128xi32, #tpu.memory_space<vmem>>
      %dma_start3A_149 = arith.constant 0 : i32
      %dma_start3A_150 = arith.constant 0 : i32
      %dma_start3A_151 = tpu.memref_slice %arg2[%dma_start3A_149, %dma_start3A_150] : memref<10000x128xf32, #tpu.memory_space<hbm>> -> memref<10000x128xf32, #tpu.memory_space<hbm>>
      tpu.enqueue_indirect_dma source(%dma_start3A_151 : memref<10000x128xf32, #tpu.memory_space<hbm>>) target(%dma_start3A_145 : memref<128x128xf32, #tpu.memory_space<vmem>>) offsets(%dma_start3A_148 : memref<128xi32, #tpu.memory_space<vmem>>) semaphore(%arg11 : memref<!tpu.dma_semaphore, #tpu.memory_space<semaphore_mem>>)
      %dma_wait3A_152 = arith.constant 2 : i32
      %dma_wait3A_153 = arith.constant 0 : i32
      %dma_wait3A_154 = arith.constant 0 : i32
      %dma_wait3A_155 = arith.constant 0 : i32
      %dma_wait3A_156 = tpu.memref_slice %arg9[%dma_wait3A_153, %dma_wait3A_154, %dma_wait3A_155] : memref<2x128x128xf32, #tpu.memory_space<vmem>> -> memref<1x128x128xf32, #tpu.memory_space<vmem>>
      %dma_wait3A_157 = tpu.memref_squeeze %dma_wait3A_156 : memref<1x128x128xf32, #tpu.memory_space<vmem>> -> memref<128x128xf32, #tpu.memory_space<vmem>>
      %dma_wait3A_158 = arith.constant 0 : i32
      %dma_wait3A_159 = tpu.memref_slice %arg7[%dma_wait3A_152, %dma_wait3A_158] : memref<8x128xi32, #tpu.memory_space<vmem>> -> memref<1x128xi32, #tpu.memory_space<vmem>>
      %dma_wait3A_160 = tpu.memref_squeeze %dma_wait3A_159 : memref<1x128xi32, #tpu.memory_space<vmem>> -> memref<128xi32, #tpu.memory_space<vmem>>
      %dma_wait3A_161 = arith.constant 0 : i32
      %dma_wait3A_162 = arith.constant 0 : i32
      %dma_wait3A_163 = tpu.memref_slice %arg2[%dma_wait3A_161, %dma_wait3A_162] : memref<10000x128xf32, #tpu.memory_space<hbm>> -> memref<10000x128xf32, #tpu.memory_space<hbm>>
      tpu.wait_indirect_dma semaphore(%arg10 : memref<!tpu.dma_semaphore, #tpu.memory_space<semaphore_mem>>) src(%dma_wait3A_163 : memref<10000x128xf32, #tpu.memory_space<hbm>>) dst(%dma_wait3A_157 : memref<128x128xf32, #tpu.memory_space<vmem>>)
      %dma_start3A_164 = arith.constant 0 : i32
      %dma_start3A_165 = arith.constant 2 : i32
      %dma_start3A_166 = arith.constant 0 : i32
      %dma_start3A_167 = arith.constant 0 : i32
      %dma_start3A_168 = tpu.memref_slice %arg9[%dma_start3A_164, %dma_start3A_166, %dma_start3A_167] : memref<2x128x128xf32, #tpu.memory_space<vmem>> -> memref<1x128x128xf32, #tpu.memory_space<vmem>>
      %dma_start3A_169 = tpu.memref_squeeze %dma_start3A_168 : memref<1x128x128xf32, #tpu.memory_space<vmem>> -> memref<128x128xf32, #tpu.memory_space<vmem>>
      %dma_start3A_170 = arith.constant 0 : i32
      %dma_start3A_171 = tpu.memref_slice %arg8[%dma_start3A_165, %dma_start3A_170] : memref<8x128xi32, #tpu.memory_space<vmem>> -> memref<1x128xi32, #tpu.memory_space<vmem>>
      %dma_start3A_172 = tpu.memref_squeeze %dma_start3A_171 : memref<1x128xi32, #tpu.memory_space<vmem>> -> memref<128xi32, #tpu.memory_space<vmem>>
      %dma_start3A_173 = arith.constant 0 : i32
      %dma_start3A_174 = arith.constant 0 : i32
      %dma_start3A_175 = tpu.memref_slice %arg6[%dma_start3A_173, %dma_start3A_174] : memref<10112x128xf32, #tpu.memory_space<vmem_shared>> -> memref<10112x128xf32, #tpu.memory_space<vmem_shared>>
      tpu.enqueue_indirect_dma source(%dma_start3A_169 : memref<128x128xf32, #tpu.memory_space<vmem>>) target(%dma_start3A_175 : memref<10112x128xf32, #tpu.memory_space<vmem_shared>>) offsets(%dma_start3A_172 : memref<128xi32, #tpu.memory_space<vmem>>) semaphore(%arg12 : memref<!tpu.dma_semaphore, #tpu.memory_space<semaphore_mem>>) {add = true}
      %dma_wait3A_176 = arith.constant 0 : i32
      %dma_wait3A_177 = arith.constant 2 : i32
      %dma_wait3A_178 = arith.constant 0 : i32
      %dma_wait3A_179 = arith.constant 0 : i32
      %dma_wait3A_180 = tpu.memref_slice %arg9[%dma_wait3A_176, %dma_wait3A_178, %dma_wait3A_179] : memref<2x128x128xf32, #tpu.memory_space<vmem>> -> memref<1x128x128xf32, #tpu.memory_space<vmem>>
      %dma_wait3A_181 = tpu.memref_squeeze %dma_wait3A_180 : memref<1x128x128xf32, #tpu.memory_space<vmem>> -> memref<128x128xf32, #tpu.memory_space<vmem>>
      %dma_wait3A_182 = arith.constant 0 : i32
      %dma_wait3A_183 = tpu.memref_slice %arg8[%dma_wait3A_177, %dma_wait3A_182] : memref<8x128xi32, #tpu.memory_space<vmem>> -> memref<1x128xi32, #tpu.memory_space<vmem>>
      %dma_wait3A_184 = tpu.memref_squeeze %dma_wait3A_183 : memref<1x128xi32, #tpu.memory_space<vmem>> -> memref<128xi32, #tpu.memory_space<vmem>>
      %dma_wait3A_185 = arith.constant 0 : i32
      %dma_wait3A_186 = arith.constant 0 : i32
      %dma_wait3A_187 = tpu.memref_slice %arg6[%dma_wait3A_185, %dma_wait3A_186] : memref<10112x128xf32, #tpu.memory_space<vmem_shared>> -> memref<10112x128xf32, #tpu.memory_space<vmem_shared>>
      tpu.wait_indirect_dma semaphore(%arg12 : memref<!tpu.dma_semaphore, #tpu.memory_space<semaphore_mem>>) src(%dma_wait3A_181 : memref<128x128xf32, #tpu.memory_space<vmem>>) dst(%dma_wait3A_187 : memref<10112x128xf32, #tpu.memory_space<vmem_shared>>)
      %dma_start3A_188 = arith.constant 4 : i32
      %dma_start3A_189 = arith.constant 0 : i32
      %dma_start3A_190 = arith.constant 0 : i32
      %dma_start3A_191 = arith.constant 0 : i32
      %dma_start3A_192 = tpu.memref_slice %arg9[%dma_start3A_189, %dma_start3A_190, %dma_start3A_191] : memref<2x128x128xf32, #tpu.memory_space<vmem>> -> memref<1x128x128xf32, #tpu.memory_space<vmem>>
      %dma_start3A_193 = tpu.memref_squeeze %dma_start3A_192 : memref<1x128x128xf32, #tpu.memory_space<vmem>> -> memref<128x128xf32, #tpu.memory_space<vmem>>
      %dma_start3A_194 = arith.constant 0 : i32
      %dma_start3A_195 = tpu.memref_slice %arg7[%dma_start3A_188, %dma_start3A_194] : memref<8x128xi32, #tpu.memory_space<vmem>> -> memref<1x128xi32, #tpu.memory_space<vmem>>
      %dma_start3A_196 = tpu.memref_squeeze %dma_start3A_195 : memref<1x128xi32, #tpu.memory_space<vmem>> -> memref<128xi32, #tpu.memory_space<vmem>>
      %dma_start3A_197 = arith.constant 0 : i32
      %dma_start3A_198 = arith.constant 0 : i32
      %dma_start3A_199 = tpu.memref_slice %arg2[%dma_start3A_197, %dma_start3A_198] : memref<10000x128xf32, #tpu.memory_space<hbm>> -> memref<10000x128xf32, #tpu.memory_space<hbm>>
      tpu.enqueue_indirect_dma source(%dma_start3A_199 : memref<10000x128xf32, #tpu.memory_space<hbm>>) target(%dma_start3A_193 : memref<128x128xf32, #tpu.memory_space<vmem>>) offsets(%dma_start3A_196 : memref<128xi32, #tpu.memory_space<vmem>>) semaphore(%arg10 : memref<!tpu.dma_semaphore, #tpu.memory_space<semaphore_mem>>)
      %dma_wait3A_200 = arith.constant 3 : i32
      %dma_wait3A_201 = arith.constant 1 : i32
      %dma_wait3A_202 = arith.constant 0 : i32
      %dma_wait3A_203 = arith.constant 0 : i32
      %dma_wait3A_204 = tpu.memref_slice %arg9[%dma_wait3A_201, %dma_wait3A_202, %dma_wait3A_203] : memref<2x128x128xf32, #tpu.memory_space<vmem>> -> memref<1x128x128xf32, #tpu.memory_space<vmem>>
      %dma_wait3A_205 = tpu.memref_squeeze %dma_wait3A_204 : memref<1x128x128xf32, #tpu.memory_space<vmem>> -> memref<128x128xf32, #tpu.memory_space<vmem>>
      %dma_wait3A_206 = arith.constant 0 : i32
      %dma_wait3A_207 = tpu.memref_slice %arg7[%dma_wait3A_200, %dma_wait3A_206] : memref<8x128xi32, #tpu.memory_space<vmem>> -> memref<1x128xi32, #tpu.memory_space<vmem>>
      %dma_wait3A_208 = tpu.memref_squeeze %dma_wait3A_207 : memref<1x128xi32, #tpu.memory_space<vmem>> -> memref<128xi32, #tpu.memory_space<vmem>>
      %dma_wait3A_209 = arith.constant 0 : i32
      %dma_wait3A_210 = arith.constant 0 : i32
      %dma_wait3A_211 = tpu.memref_slice %arg2[%dma_wait3A_209, %dma_wait3A_210] : memref<10000x128xf32, #tpu.memory_space<hbm>> -> memref<10000x128xf32, #tpu.memory_space<hbm>>
      tpu.wait_indirect_dma semaphore(%arg11 : memref<!tpu.dma_semaphore, #tpu.memory_space<semaphore_mem>>) src(%dma_wait3A_211 : memref<10000x128xf32, #tpu.memory_space<hbm>>) dst(%dma_wait3A_205 : memref<128x128xf32, #tpu.memory_space<vmem>>)
      %dma_start3A_212 = arith.constant 1 : i32
      %dma_start3A_213 = arith.constant 3 : i32
      %dma_start3A_214 = arith.constant 0 : i32
      %dma_start3A_215 = arith.constant 0 : i32
      %dma_start3A_216 = tpu.memref_slice %arg9[%dma_start3A_212, %dma_start3A_214, %dma_start3A_215] : memref<2x128x128xf32, #tpu.memory_space<vmem>> -> memref<1x128x128xf32, #tpu.memory_space<vmem>>
      %dma_start3A_217 = tpu.memref_squeeze %dma_start3A_216 : memref<1x128x128xf32, #tpu.memory_space<vmem>> -> memref<128x128xf32, #tpu.memory_space<vmem>>
      %dma_start3A_218 = arith.constant 0 : i32
      %dma_start3A_219 = tpu.memref_slice %arg8[%dma_start3A_213, %dma_start3A_218] : memref<8x128xi32, #tpu.memory_space<vmem>> -> memref<1x128xi32, #tpu.memory_space<vmem>>
      %dma_start3A_220 = tpu.memref_squeeze %dma_start3A_219 : memref<1x128xi32, #tpu.memory_space<vmem>> -> memref<128xi32, #tpu.memory_space<vmem>>
      %dma_start3A_221 = arith.constant 0 : i32
      %dma_start3A_222 = arith.constant 0 : i32
      %dma_start3A_223 = tpu.memref_slice %arg6[%dma_start3A_221, %dma_start3A_222] : memref<10112x128xf32, #tpu.memory_space<vmem_shared>> -> memref<10112x128xf32, #tpu.memory_space<vmem_shared>>
      tpu.enqueue_indirect_dma source(%dma_start3A_217 : memref<128x128xf32, #tpu.memory_space<vmem>>) target(%dma_start3A_223 : memref<10112x128xf32, #tpu.memory_space<vmem_shared>>) offsets(%dma_start3A_220 : memref<128xi32, #tpu.memory_space<vmem>>) semaphore(%arg13 : memref<!tpu.dma_semaphore, #tpu.memory_space<semaphore_mem>>) {add = true}
      %dma_wait3A_224 = arith.constant 1 : i32
      %dma_wait3A_225 = arith.constant 3 : i32
      %dma_wait3A_226 = arith.constant 0 : i32
      %dma_wait3A_227 = arith.constant 0 : i32
      %dma_wait3A_228 = tpu.memref_slice %arg9[%dma_wait3A_224, %dma_wait3A_226, %dma_wait3A_227] : memref<2x128x128xf32, #tpu.memory_space<vmem>> -> memref<1x128x128xf32, #tpu.memory_space<vmem>>
      %dma_wait3A_229 = tpu.memref_squeeze %dma_wait3A_228 : memref<1x128x128xf32, #tpu.memory_space<vmem>> -> memref<128x128xf32, #tpu.memory_space<vmem>>
      %dma_wait3A_230 = arith.constant 0 : i32
      %dma_wait3A_231 = tpu.memref_slice %arg8[%dma_wait3A_225, %dma_wait3A_230] : memref<8x128xi32, #tpu.memory_space<vmem>> -> memref<1x128xi32, #tpu.memory_space<vmem>>
      %dma_wait3A_232 = tpu.memref_squeeze %dma_wait3A_231 : memref<1x128xi32, #tpu.memory_space<vmem>> -> memref<128xi32, #tpu.memory_space<vmem>>
      %dma_wait3A_233 = arith.constant 0 : i32
      %dma_wait3A_234 = arith.constant 0 : i32
      %dma_wait3A_235 = tpu.memref_slice %arg6[%dma_wait3A_233, %dma_wait3A_234] : memref<10112x128xf32, #tpu.memory_space<vmem_shared>> -> memref<10112x128xf32, #tpu.memory_space<vmem_shared>>
      tpu.wait_indirect_dma semaphore(%arg13 : memref<!tpu.dma_semaphore, #tpu.memory_space<semaphore_mem>>) src(%dma_wait3A_229 : memref<128x128xf32, #tpu.memory_space<vmem>>) dst(%dma_wait3A_235 : memref<10112x128xf32, #tpu.memory_space<vmem_shared>>)
      %dma_start3A_236 = arith.constant 5 : i32
      %dma_start3A_237 = arith.constant 1 : i32
      %dma_start3A_238 = arith.constant 0 : i32
      %dma_start3A_239 = arith.constant 0 : i32
      %dma_start3A_240 = tpu.memref_slice %arg9[%dma_start3A_237, %dma_start3A_238, %dma_start3A_239] : memref<2x128x128xf32, #tpu.memory_space<vmem>> -> memref<1x128x128xf32, #tpu.memory_space<vmem>>
      %dma_start3A_241 = tpu.memref_squeeze %dma_start3A_240 : memref<1x128x128xf32, #tpu.memory_space<vmem>> -> memref<128x128xf32, #tpu.memory_space<vmem>>
      %dma_start3A_242 = arith.constant 0 : i32
      %dma_start3A_243 = tpu.memref_slice %arg7[%dma_start3A_236, %dma_start3A_242] : memref<8x128xi32, #tpu.memory_space<vmem>> -> memref<1x128xi32, #tpu.memory_space<vmem>>
      %dma_start3A_244 = tpu.memref_squeeze %dma_start3A_243 : memref<1x128xi32, #tpu.memory_space<vmem>> -> memref<128xi32, #tpu.memory_space<vmem>>
      %dma_start3A_245 = arith.constant 0 : i32
      %dma_start3A_246 = arith.constant 0 : i32
      %dma_start3A_247 = tpu.memref_slice %arg2[%dma_start3A_245, %dma_start3A_246] : memref<10000x128xf32, #tpu.memory_space<hbm>> -> memref<10000x128xf32, #tpu.memory_space<hbm>>
      tpu.enqueue_indirect_dma source(%dma_start3A_247 : memref<10000x128xf32, #tpu.memory_space<hbm>>) target(%dma_start3A_241 : memref<128x128xf32, #tpu.memory_space<vmem>>) offsets(%dma_start3A_244 : memref<128xi32, #tpu.memory_space<vmem>>) semaphore(%arg11 : memref<!tpu.dma_semaphore, #tpu.memory_space<semaphore_mem>>)
      %dma_wait3A_248 = arith.constant 4 : i32
      %dma_wait3A_249 = arith.constant 0 : i32
      %dma_wait3A_250 = arith.constant 0 : i32
      %dma_wait3A_251 = arith.constant 0 : i32
      %dma_wait3A_252 = tpu.memref_slice %arg9[%dma_wait3A_249, %dma_wait3A_250, %dma_wait3A_251] : memref<2x128x128xf32, #tpu.memory_space<vmem>> -> memref<1x128x128xf32, #tpu.memory_space<vmem>>
      %dma_wait3A_253 = tpu.memref_squeeze %dma_wait3A_252 : memref<1x128x128xf32, #tpu.memory_space<vmem>> -> memref<128x128xf32, #tpu.memory_space<vmem>>
      %dma_wait3A_254 = arith.constant 0 : i32
      %dma_wait3A_255 = tpu.memref_slice %arg7[%dma_wait3A_248, %dma_wait3A_254] : memref<8x128xi32, #tpu.memory_space<vmem>> -> memref<1x128xi32, #tpu.memory_space<vmem>>
      %dma_wait3A_256 = tpu.memref_squeeze %dma_wait3A_255 : memref<1x128xi32, #tpu.memory_space<vmem>> -> memref<128xi32, #tpu.memory_space<vmem>>
      %dma_wait3A_257 = arith.constant 0 : i32
      %dma_wait3A_258 = arith.constant 0 : i32
      %dma_wait3A_259 = tpu.memref_slice %arg2[%dma_wait3A_257, %dma_wait3A_258] : memref<10000x128xf32, #tpu.memory_space<hbm>> -> memref<10000x128xf32, #tpu.memory_space<hbm>>
      tpu.wait_indirect_dma semaphore(%arg10 : memref<!tpu.dma_semaphore, #tpu.memory_space<semaphore_mem>>) src(%dma_wait3A_259 : memref<10000x128xf32, #tpu.memory_space<hbm>>) dst(%dma_wait3A_253 : memref<128x128xf32, #tpu.memory_space<vmem>>)
      %dma_start3A_260 = arith.constant 0 : i32
      %dma_start3A_261 = arith.constant 4 : i32
      %dma_start3A_262 = arith.constant 0 : i32
      %dma_start3A_263 = arith.constant 0 : i32
      %dma_start3A_264 = tpu.memref_slice %arg9[%dma_start3A_260, %dma_start3A_262, %dma_start3A_263] : memref<2x128x128xf32, #tpu.memory_space<vmem>> -> memref<1x128x128xf32, #tpu.memory_space<vmem>>
      %dma_start3A_265 = tpu.memref_squeeze %dma_start3A_264 : memref<1x128x128xf32, #tpu.memory_space<vmem>> -> memref<128x128xf32, #tpu.memory_space<vmem>>
      %dma_start3A_266 = arith.constant 0 : i32
      %dma_start3A_267 = tpu.memref_slice %arg8[%dma_start3A_261, %dma_start3A_266] : memref<8x128xi32, #tpu.memory_space<vmem>> -> memref<1x128xi32, #tpu.memory_space<vmem>>
      %dma_start3A_268 = tpu.memref_squeeze %dma_start3A_267 : memref<1x128xi32, #tpu.memory_space<vmem>> -> memref<128xi32, #tpu.memory_space<vmem>>
      %dma_start3A_269 = arith.constant 0 : i32
      %dma_start3A_270 = arith.constant 0 : i32
      %dma_start3A_271 = tpu.memref_slice %arg6[%dma_start3A_269, %dma_start3A_270] : memref<10112x128xf32, #tpu.memory_space<vmem_shared>> -> memref<10112x128xf32, #tpu.memory_space<vmem_shared>>
      tpu.enqueue_indirect_dma source(%dma_start3A_265 : memref<128x128xf32, #tpu.memory_space<vmem>>) target(%dma_start3A_271 : memref<10112x128xf32, #tpu.memory_space<vmem_shared>>) offsets(%dma_start3A_268 : memref<128xi32, #tpu.memory_space<vmem>>) semaphore(%arg12 : memref<!tpu.dma_semaphore, #tpu.memory_space<semaphore_mem>>) {add = true}
      %dma_wait3A_272 = arith.constant 0 : i32
      %dma_wait3A_273 = arith.constant 4 : i32
      %dma_wait3A_274 = arith.constant 0 : i32
      %dma_wait3A_275 = arith.constant 0 : i32
      %dma_wait3A_276 = tpu.memref_slice %arg9[%dma_wait3A_272, %dma_wait3A_274, %dma_wait3A_275] : memref<2x128x128xf32, #tpu.memory_space<vmem>> -> memref<1x128x128xf32, #tpu.memory_space<vmem>>
      %dma_wait3A_277 = tpu.memref_squeeze %dma_wait3A_276 : memref<1x128x128xf32, #tpu.memory_space<vmem>> -> memref<128x128xf32, #tpu.memory_space<vmem>>
      %dma_wait3A_278 = arith.constant 0 : i32
      %dma_wait3A_279 = tpu.memref_slice %arg8[%dma_wait3A_273, %dma_wait3A_278] : memref<8x128xi32, #tpu.memory_space<vmem>> -> memref<1x128xi32, #tpu.memory_space<vmem>>
      %dma_wait3A_280 = tpu.memref_squeeze %dma_wait3A_279 : memref<1x128xi32, #tpu.memory_space<vmem>> -> memref<128xi32, #tpu.memory_space<vmem>>
      %dma_wait3A_281 = arith.constant 0 : i32
      %dma_wait3A_282 = arith.constant 0 : i32
      %dma_wait3A_283 = tpu.memref_slice %arg6[%dma_wait3A_281, %dma_wait3A_282] : memref<10112x128xf32, #tpu.memory_space<vmem_shared>> -> memref<10112x128xf32, #tpu.memory_space<vmem_shared>>
      tpu.wait_indirect_dma semaphore(%arg12 : memref<!tpu.dma_semaphore, #tpu.memory_space<semaphore_mem>>) src(%dma_wait3A_277 : memref<128x128xf32, #tpu.memory_space<vmem>>) dst(%dma_wait3A_283 : memref<10112x128xf32, #tpu.memory_space<vmem_shared>>)
      %dma_start3A_284 = arith.constant 6 : i32
      %dma_start3A_285 = arith.constant 0 : i32
      %dma_start3A_286 = arith.constant 0 : i32
      %dma_start3A_287 = arith.constant 0 : i32
      %dma_start3A_288 = tpu.memref_slice %arg9[%dma_start3A_285, %dma_start3A_286, %dma_start3A_287] : memref<2x128x128xf32, #tpu.memory_space<vmem>> -> memref<1x128x128xf32, #tpu.memory_space<vmem>>
      %dma_start3A_289 = tpu.memref_squeeze %dma_start3A_288 : memref<1x128x128xf32, #tpu.memory_space<vmem>> -> memref<128x128xf32, #tpu.memory_space<vmem>>
      %dma_start3A_290 = arith.constant 0 : i32
      %dma_start3A_291 = tpu.memref_slice %arg7[%dma_start3A_284, %dma_start3A_290] : memref<8x128xi32, #tpu.memory_space<vmem>> -> memref<1x128xi32, #tpu.memory_space<vmem>>
      %dma_start3A_292 = tpu.memref_squeeze %dma_start3A_291 : memref<1x128xi32, #tpu.memory_space<vmem>> -> memref<128xi32, #tpu.memory_space<vmem>>
      %dma_start3A_293 = arith.constant 0 : i32
      %dma_start3A_294 = arith.constant 0 : i32
      %dma_start3A_295 = tpu.memref_slice %arg2[%dma_start3A_293, %dma_start3A_294] : memref<10000x128xf32, #tpu.memory_space<hbm>> -> memref<10000x128xf32, #tpu.memory_space<hbm>>
      tpu.enqueue_indirect_dma source(%dma_start3A_295 : memref<10000x128xf32, #tpu.memory_space<hbm>>) target(%dma_start3A_289 : memref<128x128xf32, #tpu.memory_space<vmem>>) offsets(%dma_start3A_292 : memref<128xi32, #tpu.memory_space<vmem>>) semaphore(%arg10 : memref<!tpu.dma_semaphore, #tpu.memory_space<semaphore_mem>>)
      %dma_wait3A_296 = arith.constant 5 : i32
      %dma_wait3A_297 = arith.constant 1 : i32
      %dma_wait3A_298 = arith.constant 0 : i32
      %dma_wait3A_299 = arith.constant 0 : i32
      %dma_wait3A_300 = tpu.memref_slice %arg9[%dma_wait3A_297, %dma_wait3A_298, %dma_wait3A_299] : memref<2x128x128xf32, #tpu.memory_space<vmem>> -> memref<1x128x128xf32, #tpu.memory_space<vmem>>
      %dma_wait3A_301 = tpu.memref_squeeze %dma_wait3A_300 : memref<1x128x128xf32, #tpu.memory_space<vmem>> -> memref<128x128xf32, #tpu.memory_space<vmem>>
      %dma_wait3A_302 = arith.constant 0 : i32
      %dma_wait3A_303 = tpu.memref_slice %arg7[%dma_wait3A_296, %dma_wait3A_302] : memref<8x128xi32, #tpu.memory_space<vmem>> -> memref<1x128xi32, #tpu.memory_space<vmem>>
      %dma_wait3A_304 = tpu.memref_squeeze %dma_wait3A_303 : memref<1x128xi32, #tpu.memory_space<vmem>> -> memref<128xi32, #tpu.memory_space<vmem>>
      %dma_wait3A_305 = arith.constant 0 : i32
      %dma_wait3A_306 = arith.constant 0 : i32
      %dma_wait3A_307 = tpu.memref_slice %arg2[%dma_wait3A_305, %dma_wait3A_306] : memref<10000x128xf32, #tpu.memory_space<hbm>> -> memref<10000x128xf32, #tpu.memory_space<hbm>>
      tpu.wait_indirect_dma semaphore(%arg11 : memref<!tpu.dma_semaphore, #tpu.memory_space<semaphore_mem>>) src(%dma_wait3A_307 : memref<10000x128xf32, #tpu.memory_space<hbm>>) dst(%dma_wait3A_301 : memref<128x128xf32, #tpu.memory_space<vmem>>)
      %dma_start3A_308 = arith.constant 1 : i32
      %dma_start3A_309 = arith.constant 5 : i32
      %dma_start3A_310 = arith.constant 0 : i32
      %dma_start3A_311 = arith.constant 0 : i32
      %dma_start3A_312 = tpu.memref_slice %arg9[%dma_start3A_308, %dma_start3A_310, %dma_start3A_311] : memref<2x128x128xf32, #tpu.memory_space<vmem>> -> memref<1x128x128xf32, #tpu.memory_space<vmem>>
      %dma_start3A_313 = tpu.memref_squeeze %dma_start3A_312 : memref<1x128x128xf32, #tpu.memory_space<vmem>> -> memref<128x128xf32, #tpu.memory_space<vmem>>
      %dma_start3A_314 = arith.constant 0 : i32
      %dma_start3A_315 = tpu.memref_slice %arg8[%dma_start3A_309, %dma_start3A_314] : memref<8x128xi32, #tpu.memory_space<vmem>> -> memref<1x128xi32, #tpu.memory_space<vmem>>
      %dma_start3A_316 = tpu.memref_squeeze %dma_start3A_315 : memref<1x128xi32, #tpu.memory_space<vmem>> -> memref<128xi32, #tpu.memory_space<vmem>>
      %dma_start3A_317 = arith.constant 0 : i32
      %dma_start3A_318 = arith.constant 0 : i32
      %dma_start3A_319 = tpu.memref_slice %arg6[%dma_start3A_317, %dma_start3A_318] : memref<10112x128xf32, #tpu.memory_space<vmem_shared>> -> memref<10112x128xf32, #tpu.memory_space<vmem_shared>>
      tpu.enqueue_indirect_dma source(%dma_start3A_313 : memref<128x128xf32, #tpu.memory_space<vmem>>) target(%dma_start3A_319 : memref<10112x128xf32, #tpu.memory_space<vmem_shared>>) offsets(%dma_start3A_316 : memref<128xi32, #tpu.memory_space<vmem>>) semaphore(%arg13 : memref<!tpu.dma_semaphore, #tpu.memory_space<semaphore_mem>>) {add = true}
      %dma_wait3A_320 = arith.constant 1 : i32
      %dma_wait3A_321 = arith.constant 5 : i32
      %dma_wait3A_322 = arith.constant 0 : i32
      %dma_wait3A_323 = arith.constant 0 : i32
      %dma_wait3A_324 = tpu.memref_slice %arg9[%dma_wait3A_320, %dma_wait3A_322, %dma_wait3A_323] : memref<2x128x128xf32, #tpu.memory_space<vmem>> -> memref<1x128x128xf32, #tpu.memory_space<vmem>>
      %dma_wait3A_325 = tpu.memref_squeeze %dma_wait3A_324 : memref<1x128x128xf32, #tpu.memory_space<vmem>> -> memref<128x128xf32, #tpu.memory_space<vmem>>
      %dma_wait3A_326 = arith.constant 0 : i32
      %dma_wait3A_327 = tpu.memref_slice %arg8[%dma_wait3A_321, %dma_wait3A_326] : memref<8x128xi32, #tpu.memory_space<vmem>> -> memref<1x128xi32, #tpu.memory_space<vmem>>
      %dma_wait3A_328 = tpu.memref_squeeze %dma_wait3A_327 : memref<1x128xi32, #tpu.memory_space<vmem>> -> memref<128xi32, #tpu.memory_space<vmem>>
      %dma_wait3A_329 = arith.constant 0 : i32
      %dma_wait3A_330 = arith.constant 0 : i32
      %dma_wait3A_331 = tpu.memref_slice %arg6[%dma_wait3A_329, %dma_wait3A_330] : memref<10112x128xf32, #tpu.memory_space<vmem_shared>> -> memref<10112x128xf32, #tpu.memory_space<vmem_shared>>
      tpu.wait_indirect_dma semaphore(%arg13 : memref<!tpu.dma_semaphore, #tpu.memory_space<semaphore_mem>>) src(%dma_wait3A_325 : memref<128x128xf32, #tpu.memory_space<vmem>>) dst(%dma_wait3A_331 : memref<10112x128xf32, #tpu.memory_space<vmem_shared>>)
      %dma_start3A_332 = arith.constant 7 : i32
      %dma_start3A_333 = arith.constant 1 : i32
      %dma_start3A_334 = arith.constant 0 : i32
      %dma_start3A_335 = arith.constant 0 : i32
      %dma_start3A_336 = tpu.memref_slice %arg9[%dma_start3A_333, %dma_start3A_334, %dma_start3A_335] : memref<2x128x128xf32, #tpu.memory_space<vmem>> -> memref<1x128x128xf32, #tpu.memory_space<vmem>>
      %dma_start3A_337 = tpu.memref_squeeze %dma_start3A_336 : memref<1x128x128xf32, #tpu.memory_space<vmem>> -> memref<128x128xf32, #tpu.memory_space<vmem>>
      %dma_start3A_338 = arith.constant 0 : i32
      %dma_start3A_339 = tpu.memref_slice %arg7[%dma_start3A_332, %dma_start3A_338] : memref<8x128xi32, #tpu.memory_space<vmem>> -> memref<1x128xi32, #tpu.memory_space<vmem>>
      %dma_start3A_340 = tpu.memref_squeeze %dma_start3A_339 : memref<1x128xi32, #tpu.memory_space<vmem>> -> memref<128xi32, #tpu.memory_space<vmem>>
      %dma_start3A_341 = arith.constant 0 : i32
      %dma_start3A_342 = arith.constant 0 : i32
      %dma_start3A_343 = tpu.memref_slice %arg2[%dma_start3A_341, %dma_start3A_342] : memref<10000x128xf32, #tpu.memory_space<hbm>> -> memref<10000x128xf32, #tpu.memory_space<hbm>>
      tpu.enqueue_indirect_dma source(%dma_start3A_343 : memref<10000x128xf32, #tpu.memory_space<hbm>>) target(%dma_start3A_337 : memref<128x128xf32, #tpu.memory_space<vmem>>) offsets(%dma_start3A_340 : memref<128xi32, #tpu.memory_space<vmem>>) semaphore(%arg11 : memref<!tpu.dma_semaphore, #tpu.memory_space<semaphore_mem>>)
      %dma_wait3A_344 = arith.constant 6 : i32
      %dma_wait3A_345 = arith.constant 0 : i32
      %dma_wait3A_346 = arith.constant 0 : i32
      %dma_wait3A_347 = arith.constant 0 : i32
      %dma_wait3A_348 = tpu.memref_slice %arg9[%dma_wait3A_345, %dma_wait3A_346, %dma_wait3A_347] : memref<2x128x128xf32, #tpu.memory_space<vmem>> -> memref<1x128x128xf32, #tpu.memory_space<vmem>>
      %dma_wait3A_349 = tpu.memref_squeeze %dma_wait3A_348 : memref<1x128x128xf32, #tpu.memory_space<vmem>> -> memref<128x128xf32, #tpu.memory_space<vmem>>
      %dma_wait3A_350 = arith.constant 0 : i32
      %dma_wait3A_351 = tpu.memref_slice %arg7[%dma_wait3A_344, %dma_wait3A_350] : memref<8x128xi32, #tpu.memory_space<vmem>> -> memref<1x128xi32, #tpu.memory_space<vmem>>
      %dma_wait3A_352 = tpu.memref_squeeze %dma_wait3A_351 : memref<1x128xi32, #tpu.memory_space<vmem>> -> memref<128xi32, #tpu.memory_space<vmem>>
      %dma_wait3A_353 = arith.constant 0 : i32
      %dma_wait3A_354 = arith.constant 0 : i32
      %dma_wait3A_355 = tpu.memref_slice %arg2[%dma_wait3A_353, %dma_wait3A_354] : memref<10000x128xf32, #tpu.memory_space<hbm>> -> memref<10000x128xf32, #tpu.memory_space<hbm>>
      tpu.wait_indirect_dma semaphore(%arg10 : memref<!tpu.dma_semaphore, #tpu.memory_space<semaphore_mem>>) src(%dma_wait3A_355 : memref<10000x128xf32, #tpu.memory_space<hbm>>) dst(%dma_wait3A_349 : memref<128x128xf32, #tpu.memory_space<vmem>>)
      %dma_start3A_356 = arith.constant 0 : i32
      %dma_start3A_357 = arith.constant 6 : i32
      %dma_start3A_358 = arith.constant 0 : i32
      %dma_start3A_359 = arith.constant 0 : i32
      %dma_start3A_360 = tpu.memref_slice %arg9[%dma_start3A_356, %dma_start3A_358, %dma_start3A_359] : memref<2x128x128xf32, #tpu.memory_space<vmem>> -> memref<1x128x128xf32, #tpu.memory_space<vmem>>
      %dma_start3A_361 = tpu.memref_squeeze %dma_start3A_360 : memref<1x128x128xf32, #tpu.memory_space<vmem>> -> memref<128x128xf32, #tpu.memory_space<vmem>>
      %dma_start3A_362 = arith.constant 0 : i32
      %dma_start3A_363 = tpu.memref_slice %arg8[%dma_start3A_357, %dma_start3A_362] : memref<8x128xi32, #tpu.memory_space<vmem>> -> memref<1x128xi32, #tpu.memory_space<vmem>>
      %dma_start3A_364 = tpu.memref_squeeze %dma_start3A_363 : memref<1x128xi32, #tpu.memory_space<vmem>> -> memref<128xi32, #tpu.memory_space<vmem>>
      %dma_start3A_365 = arith.constant 0 : i32
      %dma_start3A_366 = arith.constant 0 : i32
      %dma_start3A_367 = tpu.memref_slice %arg6[%dma_start3A_365, %dma_start3A_366] : memref<10112x128xf32, #tpu.memory_space<vmem_shared>> -> memref<10112x128xf32, #tpu.memory_space<vmem_shared>>
      tpu.enqueue_indirect_dma source(%dma_start3A_361 : memref<128x128xf32, #tpu.memory_space<vmem>>) target(%dma_start3A_367 : memref<10112x128xf32, #tpu.memory_space<vmem_shared>>) offsets(%dma_start3A_364 : memref<128xi32, #tpu.memory_space<vmem>>) semaphore(%arg12 : memref<!tpu.dma_semaphore, #tpu.memory_space<semaphore_mem>>) {add = true}
      %dma_wait3A_368 = arith.constant 7 : i32
      %dma_wait3A_369 = arith.constant 1 : i32
      %dma_wait3A_370 = arith.constant 0 : i32
      %dma_wait3A_371 = arith.constant 0 : i32
      %dma_wait3A_372 = tpu.memref_slice %arg9[%dma_wait3A_369, %dma_wait3A_370, %dma_wait3A_371] : memref<2x128x128xf32, #tpu.memory_space<vmem>> -> memref<1x128x128xf32, #tpu.memory_space<vmem>>
      %dma_wait3A_373 = tpu.memref_squeeze %dma_wait3A_372 : memref<1x128x128xf32, #tpu.memory_space<vmem>> -> memref<128x128xf32, #tpu.memory_space<vmem>>
      %dma_wait3A_374 = arith.constant 0 : i32
      %dma_wait3A_375 = tpu.memref_slice %arg7[%dma_wait3A_368, %dma_wait3A_374] : memref<8x128xi32, #tpu.memory_space<vmem>> -> memref<1x128xi32, #tpu.memory_space<vmem>>
      %dma_wait3A_376 = tpu.memref_squeeze %dma_wait3A_375 : memref<1x128xi32, #tpu.memory_space<vmem>> -> memref<128xi32, #tpu.memory_space<vmem>>
      %dma_wait3A_377 = arith.constant 0 : i32
      %dma_wait3A_378 = arith.constant 0 : i32
      %dma_wait3A_379 = tpu.memref_slice %arg2[%dma_wait3A_377, %dma_wait3A_378] : memref<10000x128xf32, #tpu.memory_space<hbm>> -> memref<10000x128xf32, #tpu.memory_space<hbm>>
      tpu.wait_indirect_dma semaphore(%arg11 : memref<!tpu.dma_semaphore, #tpu.memory_space<semaphore_mem>>) src(%dma_wait3A_379 : memref<10000x128xf32, #tpu.memory_space<hbm>>) dst(%dma_wait3A_373 : memref<128x128xf32, #tpu.memory_space<vmem>>)
      %dma_start3A_380 = arith.constant 1 : i32
      %dma_start3A_381 = arith.constant 7 : i32
      %dma_start3A_382 = arith.constant 0 : i32
      %dma_start3A_383 = arith.constant 0 : i32
      %dma_start3A_384 = tpu.memref_slice %arg9[%dma_start3A_380, %dma_start3A_382, %dma_start3A_383] : memref<2x128x128xf32, #tpu.memory_space<vmem>> -> memref<1x128x128xf32, #tpu.memory_space<vmem>>
      %dma_start3A_385 = tpu.memref_squeeze %dma_start3A_384 : memref<1x128x128xf32, #tpu.memory_space<vmem>> -> memref<128x128xf32, #tpu.memory_space<vmem>>
      %dma_start3A_386 = arith.constant 0 : i32
      %dma_start3A_387 = tpu.memref_slice %arg8[%dma_start3A_381, %dma_start3A_386] : memref<8x128xi32, #tpu.memory_space<vmem>> -> memref<1x128xi32, #tpu.memory_space<vmem>>
      %dma_start3A_388 = tpu.memref_squeeze %dma_start3A_387 : memref<1x128xi32, #tpu.memory_space<vmem>> -> memref<128xi32, #tpu.memory_space<vmem>>
      %dma_start3A_389 = arith.constant 0 : i32
      %dma_start3A_390 = arith.constant 0 : i32
      %dma_start3A_391 = tpu.memref_slice %arg6[%dma_start3A_389, %dma_start3A_390] : memref<10112x128xf32, #tpu.memory_space<vmem_shared>> -> memref<10112x128xf32, #tpu.memory_space<vmem_shared>>
      tpu.enqueue_indirect_dma source(%dma_start3A_385 : memref<128x128xf32, #tpu.memory_space<vmem>>) target(%dma_start3A_391 : memref<10112x128xf32, #tpu.memory_space<vmem_shared>>) offsets(%dma_start3A_388 : memref<128xi32, #tpu.memory_space<vmem>>) semaphore(%arg13 : memref<!tpu.dma_semaphore, #tpu.memory_space<semaphore_mem>>) {add = true}
      %dma_wait3A_392 = arith.constant 0 : i32
      %dma_wait3A_393 = arith.constant 6 : i32
      %dma_wait3A_394 = arith.constant 0 : i32
      %dma_wait3A_395 = arith.constant 0 : i32
      %dma_wait3A_396 = tpu.memref_slice %arg9[%dma_wait3A_392, %dma_wait3A_394, %dma_wait3A_395] : memref<2x128x128xf32, #tpu.memory_space<vmem>> -> memref<1x128x128xf32, #tpu.memory_space<vmem>>
      %dma_wait3A_397 = tpu.memref_squeeze %dma_wait3A_396 : memref<1x128x128xf32, #tpu.memory_space<vmem>> -> memref<128x128xf32, #tpu.memory_space<vmem>>
      %dma_wait3A_398 = arith.constant 0 : i32
      %dma_wait3A_399 = tpu.memref_slice %arg8[%dma_wait3A_393, %dma_wait3A_398] : memref<8x128xi32, #tpu.memory_space<vmem>> -> memref<1x128xi32, #tpu.memory_space<vmem>>
      %dma_wait3A_400 = tpu.memref_squeeze %dma_wait3A_399 : memref<1x128xi32, #tpu.memory_space<vmem>> -> memref<128xi32, #tpu.memory_space<vmem>>
      %dma_wait3A_401 = arith.constant 0 : i32
      %dma_wait3A_402 = arith.constant 0 : i32
      %dma_wait3A_403 = tpu.memref_slice %arg6[%dma_wait3A_401, %dma_wait3A_402] : memref<10112x128xf32, #tpu.memory_space<vmem_shared>> -> memref<10112x128xf32, #tpu.memory_space<vmem_shared>>
      tpu.wait_indirect_dma semaphore(%arg12 : memref<!tpu.dma_semaphore, #tpu.memory_space<semaphore_mem>>) src(%dma_wait3A_397 : memref<128x128xf32, #tpu.memory_space<vmem>>) dst(%dma_wait3A_403 : memref<10112x128xf32, #tpu.memory_space<vmem_shared>>)
      %dma_wait3A_404 = arith.constant 1 : i32
      %dma_wait3A_405 = arith.constant 7 : i32
      %dma_wait3A_406 = arith.constant 0 : i32
      %dma_wait3A_407 = arith.constant 0 : i32
      %dma_wait3A_408 = tpu.memref_slice %arg9[%dma_wait3A_404, %dma_wait3A_406, %dma_wait3A_407] : memref<2x128x128xf32, #tpu.memory_space<vmem>> -> memref<1x128x128xf32, #tpu.memory_space<vmem>>
      %dma_wait3A_409 = tpu.memref_squeeze %dma_wait3A_408 : memref<1x128x128xf32, #tpu.memory_space<vmem>> -> memref<128x128xf32, #tpu.memory_space<vmem>>
      %dma_wait3A_410 = arith.constant 0 : i32
      %dma_wait3A_411 = tpu.memref_slice %arg8[%dma_wait3A_405, %dma_wait3A_410] : memref<8x128xi32, #tpu.memory_space<vmem>> -> memref<1x128xi32, #tpu.memory_space<vmem>>
      %dma_wait3A_412 = tpu.memref_squeeze %dma_wait3A_411 : memref<1x128xi32, #tpu.memory_space<vmem>> -> memref<128xi32, #tpu.memory_space<vmem>>
      %dma_wait3A_413 = arith.constant 0 : i32
      %dma_wait3A_414 = arith.constant 0 : i32
      %dma_wait3A_415 = tpu.memref_slice %arg6[%dma_wait3A_413, %dma_wait3A_414] : memref<10112x128xf32, #tpu.memory_space<vmem_shared>> -> memref<10112x128xf32, #tpu.memory_space<vmem_shared>>
      tpu.wait_indirect_dma semaphore(%arg13 : memref<!tpu.dma_semaphore, #tpu.memory_space<semaphore_mem>>) src(%dma_wait3A_409 : memref<128x128xf32, #tpu.memory_space<vmem>>) dst(%dma_wait3A_415 : memref<10112x128xf32, #tpu.memory_space<vmem_shared>>)
      %scan3A_416 = arith.constant 0 : i32
      scf.yield %scan3A_416 : i32
    }
    %scan3A_26 = arith.constant 10 : i32
    %barrier3A_27 = arith.constant 0 : index
    tpu.barrier barrier_id(%barrier3A_27)
    "tpu.region"() ({
      %run_scoped3A_28 = tpu.sem_alloc : memref<!tpu.dma_semaphore, #tpu.memory_space<semaphore_mem>>
      %dma_start3A = arith.constant 0 : i32
      %dma_start3A_29 = arith.constant 0 : i32
      %dma_start3A_30 = tpu.memref_slice %arg5[%arg0, %dma_start3A, %dma_start3A_29] : memref<2x10112x128xf32, #tpu.memory_space<hbm>> -> memref<1x10112x128xf32, #tpu.memory_space<hbm>>
      %dma_start3A_31 = tpu.memref_squeeze %dma_start3A_30 : memref<1x10112x128xf32, #tpu.memory_space<hbm>> -> memref<10112x128xf32, #tpu.memory_space<hbm>>
      %dma_start3A_32 = arith.constant 0 : i32
      %dma_start3A_33 = tpu.memref_slice %dma_start3A_31[%mul3A_2, %dma_start3A_32] : memref<10112x128xf32, #tpu.memory_space<hbm>> -> memref<632x128xf32, #tpu.memory_space<hbm>>
      %dma_start3A_34 = arith.constant 0 : i32
      %dma_start3A_35 = tpu.memref_slice %arg6[%mul3A_2, %dma_start3A_34] : memref<10112x128xf32, #tpu.memory_space<vmem_shared>> -> memref<632x128xf32, #tpu.memory_space<vmem_shared>>
      tpu.enqueue_dma source(%dma_start3A_35 : memref<632x128xf32, #tpu.memory_space<vmem_shared>>) target(%dma_start3A_33 : memref<632x128xf32, #tpu.memory_space<hbm>>) target_semaphore(%run_scoped3A_28 : memref<!tpu.dma_semaphore, #tpu.memory_space<semaphore_mem>>)
      %dma_wait3A = arith.constant 0 : i32
      %dma_wait3A_36 = arith.constant 0 : i32
      %dma_wait3A_37 = tpu.memref_slice %arg5[%arg0, %dma_wait3A, %dma_wait3A_36] : memref<2x10112x128xf32, #tpu.memory_space<hbm>> -> memref<1x10112x128xf32, #tpu.memory_space<hbm>>
      %dma_wait3A_38 = tpu.memref_squeeze %dma_wait3A_37 : memref<1x10112x128xf32, #tpu.memory_space<hbm>> -> memref<10112x128xf32, #tpu.memory_space<hbm>>
      %dma_wait3A_39 = arith.constant 0 : i32
      %dma_wait3A_40 = tpu.memref_slice %dma_wait3A_38[%mul3A_2, %dma_wait3A_39] : memref<10112x128xf32, #tpu.memory_space<hbm>> -> memref<632x128xf32, #tpu.memory_space<hbm>>
      %dma_wait3A_41 = arith.constant 0 : i32
      %dma_wait3A_42 = tpu.memref_slice %arg6[%mul3A_2, %dma_wait3A_41] : memref<10112x128xf32, #tpu.memory_space<vmem_shared>> -> memref<632x128xf32, #tpu.memory_space<vmem_shared>>
      tpu.wait_dma2 semaphore(%run_scoped3A_28 : memref<!tpu.dma_semaphore, #tpu.memory_space<semaphore_mem>>) src(%dma_wait3A_42 : memref<632x128xf32, #tpu.memory_space<vmem_shared>>) dst(%dma_wait3A_40 : memref<632x128xf32, #tpu.memory_space<hbm>>)
      tpu.yield
    }) : () -> ()
    return
  }
}

#map = affine_map<(d0, d1) -> (0, 0)>
#map1 = affine_map<(d0, d1) -> (0, 0, 0)>
module attributes {stable_mosaic.version = 14 : i64} {
  func.func @body(%arg0: i32, %arg1: i32, %arg2: memref<10000x128xf32, #tpu.memory_space<hbm>>, %arg3: memref<32x80x128xi32, #tpu.memory_space<hbm>>, %arg4: memref<32x80x128xi32, #tpu.memory_space<hbm>>, %arg5: memref<2x10112x128xf32, #tpu.memory_space<hbm>>, %arg6: memref<10112x128xf32, #tpu.memory_space<vmem_shared>>, %arg7: memref<8x128xi32, #tpu.memory_space<vmem>>, %arg8: memref<8x128xi32, #tpu.memory_space<vmem>>, %arg9: memref<2x128x128xf32, #tpu.memory_space<vmem>>, %arg10: memref<!tpu.dma_semaphore, #tpu.memory_space<semaphore_mem>>, %arg11: memref<!tpu.dma_semaphore, #tpu.memory_space<semaphore_mem>>, %arg12: memref<!tpu.dma_semaphore, #tpu.memory_space<semaphore_mem>>, %arg13: memref<!tpu.dma_semaphore, #tpu.memory_space<semaphore_mem>>) attributes {dimension_semantics = [#tpu.dimension_semantics<core_parallel>, #tpu.dimension_semantics<subcore_parallel>], iteration_bounds = array<i64: 2, 16>, scalar_prefetch = 0 : i64, scratch_operands = 8 : i64, tpu.core_type = #tpu.core_type<sc_vector_subcore>, window_params = [{transform_indices = #map}, {transform_indices = #map1}, {transform_indices = #map1}, {transform_indices = #map1}]} {
    %mul3A = arith.constant 2 : i32
    %mul3A_0 = arith.muli %arg1, %mul3A : i32
    %add3A = arith.addi %mul3A_0, %arg0 : i32
    %mul3A_1 = arith.constant 632 : i32
    %mul3A_2 = arith.muli %arg1, %mul3A_1 : i32
    %scan3A = arith.constant 0 : i32
    %scan3A_3 = arith.constant 0 : i32
    %scan3A_4 = arith.constant 0 : i32
    %scan3A_5 = arith.constant 128 : i32
    %scan3A_6 = arith.addi %scan3A_4, %scan3A_5 : i32
    %scan3A_7 = arith.constant 1 : i32
    %scan3A_8 = scf.for %scan3A_28 = %scan3A_4 to %scan3A_6 step %scan3A_7 iter_args(%scan3A_29 = %scan3A_3) -> (i32)  : i32 {
      %broadcast_in_dim3A = arith.constant 0.000000e+00 : f32
      %broadcast_in_dim3A_30 = vector.broadcast %broadcast_in_dim3A : f32 to vector<16xf32>
      %swap3A = arith.constant 0 : i32
      %swap3A_31 = arith.constant 0 : i32
      %swap3A_32 = tpu.memref_slice %arg9[%scan3A, %swap3A, %swap3A_31] : memref<2x128x128xf32, #tpu.memory_space<vmem>> -> memref<1x128x128xf32, #tpu.memory_space<vmem>>
      %swap3A_33 = tpu.memref_squeeze %swap3A_32 : memref<1x128x128xf32, #tpu.memory_space<vmem>> -> memref<128x128xf32, #tpu.memory_space<vmem>>
      %swap3A_34 = arith.index_cast %scan3A_28 : i32 to index
      %swap3A_35 = arith.constant 0 : index
      %swap3A_36 = tpu.vector_load %swap3A_33[%swap3A_34, %swap3A_35] {strides = array<i32>} : memref<128x128xf32, #tpu.memory_space<vmem>>, vector<1x16xf32>,
      %swap3A_37 = vector.shape_cast %swap3A_36 : vector<1x16xf32> to vector<16xf32>
      %swap3A_38 = vector.shape_cast %broadcast_in_dim3A_30 : vector<16xf32> to vector<1x16xf32>
      tpu.vector_store %swap3A_33[%swap3A_34, %swap3A_35], %swap3A_38 {strides = array<i32>} : memref<128x128xf32, #tpu.memory_space<vmem>>, vector<1x16xf32>,
      %swap3A_39 = arith.constant 0 : i32
      %swap3A_40 = arith.constant 0 : i32
      %swap3A_41 = tpu.memref_slice %arg9[%scan3A, %swap3A_39, %swap3A_40] : memref<2x128x128xf32, #tpu.memory_space<vmem>> -> memref<1x128x128xf32, #tpu.memory_space<vmem>>
      %swap3A_42 = tpu.memref_squeeze %swap3A_41 : memref<1x128x128xf32, #tpu.memory_space<vmem>> -> memref<128x128xf32, #tpu.memory_space<vmem>>
      %swap3A_43 = arith.index_cast %scan3A_28 : i32 to index
      %swap3A_44 = arith.constant 16 : index
      %swap3A_45 = tpu.vector_load %swap3A_42[%swap3A_43, %swap3A_44] {strides = array<i32>} : memref<128x128xf32, #tpu.memory_space<vmem>>, vector<1x16xf32>,
      %swap3A_46 = vector.shape_cast %swap3A_45 : vector<1x16xf32> to vector<16xf32>
      %swap3A_47 = vector.shape_cast %broadcast_in_dim3A_30 : vector<16xf32> to vector<1x16xf32>
      tpu.vector_store %swap3A_42[%swap3A_43, %swap3A_44], %swap3A_47 {strides = array<i32>} : memref<128x128xf32, #tpu.memory_space<vmem>>, vector<1x16xf32>,
      %swap3A_48 = arith.constant 0 : i32
      %swap3A_49 = arith.constant 0 : i32
      %swap3A_50 = tpu.memref_slice %arg9[%scan3A, %swap3A_48, %swap3A_49] : memref<2x128x128xf32, #tpu.memory_space<vmem>> -> memref<1x128x128xf32, #tpu.memory_space<vmem>>
      %swap3A_51 = tpu.memref_squeeze %swap3A_50 : memref<1x128x128xf32, #tpu.memory_space<vmem>> -> memref<128x128xf32, #tpu.memory_space<vmem>>
      %swap3A_52 = arith.index_cast %scan3A_28 : i32 to index
      %swap3A_53 = arith.constant 32 : index
      %swap3A_54 = tpu.vector_load %swap3A_51[%swap3A_52, %swap3A_53] {strides = array<i32>} : memref<128x128xf32, #tpu.memory_space<vmem>>, vector<1x16xf32>,
      %swap3A_55 = vector.shape_cast %swap3A_54 : vector<1x16xf32> to vector<16xf32>
      %swap3A_56 = vector.shape_cast %broadcast_in_dim3A_30 : vector<16xf32> to vector<1x16xf32>
      tpu.vector_store %swap3A_51[%swap3A_52, %swap3A_53], %swap3A_56 {strides = array<i32>} : memref<128x128xf32, #tpu.memory_space<vmem>>, vector<1x16xf32>,
      %swap3A_57 = arith.constant 0 : i32
      %swap3A_58 = arith.constant 0 : i32
      %swap3A_59 = tpu.memref_slice %arg9[%scan3A, %swap3A_57, %swap3A_58] : memref<2x128x128xf32, #tpu.memory_space<vmem>> -> memref<1x128x128xf32, #tpu.memory_space<vmem>>
      %swap3A_60 = tpu.memref_squeeze %swap3A_59 : memref<1x128x128xf32, #tpu.memory_space<vmem>> -> memref<128x128xf32, #tpu.memory_space<vmem>>
      %swap3A_61 = arith.index_cast %scan3A_28 : i32 to index
      %swap3A_62 = arith.constant 48 : index
      %swap3A_63 = tpu.vector_load %swap3A_60[%swap3A_61, %swap3A_62] {strides = array<i32>} : memref<128x128xf32, #tpu.memory_space<vmem>>, vector<1x16xf32>,
      %swap3A_64 = vector.shape_cast %swap3A_63 : vector<1x16xf32> to vector<16xf32>
      %swap3A_65 = vector.shape_cast %broadcast_in_dim3A_30 : vector<16xf32> to vector<1x16xf32>
      tpu.vector_store %swap3A_60[%swap3A_61, %swap3A_62], %swap3A_65 {strides = array<i32>} : memref<128x128xf32, #tpu.memory_space<vmem>>, vector<1x16xf32>,
      %swap3A_66 = arith.constant 0 : i32
      %swap3A_67 = arith.constant 0 : i32
      %swap3A_68 = tpu.memref_slice %arg9[%scan3A, %swap3A_66, %swap3A_67] : memref<2x128x128xf32, #tpu.memory_space<vmem>> -> memref<1x128x128xf32, #tpu.memory_space<vmem>>
      %swap3A_69 = tpu.memref_squeeze %swap3A_68 : memref<1x128x128xf32, #tpu.memory_space<vmem>> -> memref<128x128xf32, #tpu.memory_space<vmem>>
      %swap3A_70 = arith.index_cast %scan3A_28 : i32 to index
      %swap3A_71 = arith.constant 64 : index
      %swap3A_72 = tpu.vector_load %swap3A_69[%swap3A_70, %swap3A_71] {strides = array<i32>} : memref<128x128xf32, #tpu.memory_space<vmem>>, vector<1x16xf32>,
      %swap3A_73 = vector.shape_cast %swap3A_72 : vector<1x16xf32> to vector<16xf32>
      %swap3A_74 = vector.shape_cast %broadcast_in_dim3A_30 : vector<16xf32> to vector<1x16xf32>
      tpu.vector_store %swap3A_69[%swap3A_70, %swap3A_71], %swap3A_74 {strides = array<i32>} : memref<128x128xf32, #tpu.memory_space<vmem>>, vector<1x16xf32>,
      %swap3A_75 = arith.constant 0 : i32
      %swap3A_76 = arith.constant 0 : i32
      %swap3A_77 = tpu.memref_slice %arg9[%scan3A, %swap3A_75, %swap3A_76] : memref<2x128x128xf32, #tpu.memory_space<vmem>> -> memref<1x128x128xf32, #tpu.memory_space<vmem>>
      %swap3A_78 = tpu.memref_squeeze %swap3A_77 : memref<1x128x128xf32, #tpu.memory_space<vmem>> -> memref<128x128xf32, #tpu.memory_space<vmem>>
      %swap3A_79 = arith.index_cast %scan3A_28 : i32 to index
      %swap3A_80 = arith.constant 80 : index
      %swap3A_81 = tpu.vector_load %swap3A_78[%swap3A_79, %swap3A_80] {strides = array<i32>} : memref<128x128xf32, #tpu.memory_space<vmem>>, vector<1x16xf32>,
      %swap3A_82 = vector.shape_cast %swap3A_81 : vector<1x16xf32> to vector<16xf32>
      %swap3A_83 = vector.shape_cast %broadcast_in_dim3A_30 : vector<16xf32> to vector<1x16xf32>
      tpu.vector_store %swap3A_78[%swap3A_79, %swap3A_80], %swap3A_83 {strides = array<i32>} : memref<128x128xf32, #tpu.memory_space<vmem>>, vector<1x16xf32>,
      %swap3A_84 = arith.constant 0 : i32
      %swap3A_85 = arith.constant 0 : i32
      %swap3A_86 = tpu.memref_slice %arg9[%scan3A, %swap3A_84, %swap3A_85] : memref<2x128x128xf32, #tpu.memory_space<vmem>> -> memref<1x128x128xf32, #tpu.memory_space<vmem>>
      %swap3A_87 = tpu.memref_squeeze %swap3A_86 : memref<1x128x128xf32, #tpu.memory_space<vmem>> -> memref<128x128xf32, #tpu.memory_space<vmem>>
      %swap3A_88 = arith.index_cast %scan3A_28 : i32 to index
      %swap3A_89 = arith.constant 96 : index
      %swap3A_90 = tpu.vector_load %swap3A_87[%swap3A_88, %swap3A_89] {strides = array<i32>} : memref<128x128xf32, #tpu.memory_space<vmem>>, vector<1x16xf32>,
      %swap3A_91 = vector.shape_cast %swap3A_90 : vector<1x16xf32> to vector<16xf32>
      %swap3A_92 = vector.shape_cast %broadcast_in_dim3A_30 : vector<16xf32> to vector<1x16xf32>
      tpu.vector_store %swap3A_87[%swap3A_88, %swap3A_89], %swap3A_92 {strides = array<i32>} : memref<128x128xf32, #tpu.memory_space<vmem>>, vector<1x16xf32>,
      %swap3A_93 = arith.constant 0 : i32
      %swap3A_94 = arith.constant 0 : i32
      %swap3A_95 = tpu.memref_slice %arg9[%scan3A, %swap3A_93, %swap3A_94] : memref<2x128x128xf32, #tpu.memory_space<vmem>> -> memref<1x128x128xf32, #tpu.memory_space<vmem>>
      %swap3A_96 = tpu.memref_squeeze %swap3A_95 : memref<1x128x128xf32, #tpu.memory_space<vmem>> -> memref<128x128xf32, #tpu.memory_space<vmem>>
      %swap3A_97 = arith.index_cast %scan3A_28 : i32 to index
      %swap3A_98 = arith.constant 112 : index
      %swap3A_99 = tpu.vector_load %swap3A_96[%swap3A_97, %swap3A_98] {strides = array<i32>} : memref<128x128xf32, #tpu.memory_space<vmem>>, vector<1x16xf32>,
      %swap3A_100 = vector.shape_cast %swap3A_99 : vector<1x16xf32> to vector<16xf32>
      %swap3A_101 = vector.shape_cast %broadcast_in_dim3A_30 : vector<16xf32> to vector<1x16xf32>
      tpu.vector_store %swap3A_96[%swap3A_97, %swap3A_98], %swap3A_101 {strides = array<i32>} : memref<128x128xf32, #tpu.memory_space<vmem>>, vector<1x16xf32>,
      %scan3A_102 = arith.constant 0 : i32
      scf.yield %scan3A_102 : i32
    }
    %scan3A_9 = arith.constant 128 : i32
    %scan3A_10 = arith.constant 0 : i32
    %scan3A_11 = arith.constant 0 : i32
    %scan3A_12 = arith.constant 0 : i32
    %scan3A_13 = arith.constant 4 : i32
    %scan3A_14 = arith.addi %scan3A_12, %scan3A_13 : i32
    %scan3A_15 = arith.constant 1 : i32
    %scan3A_16 = scf.for %scan3A_28 = %scan3A_12 to %scan3A_14 step %scan3A_15 iter_args(%scan3A_29 = %scan3A_11) -> (i32)  : i32 {
      %mul3A_30 = arith.constant 128 : i32
      %mul3A_31 = arith.muli %scan3A_28, %mul3A_30 : i32
      %add3A_32 = arith.addi %mul3A_2, %mul3A_31 : i32
      "tpu.region"() ({
        %run_scoped3A_34 = tpu.sem_alloc : memref<!tpu.dma_semaphore, #tpu.memory_space<semaphore_mem>>
        %dma_start3A = arith.constant 0 : i32
        %dma_start3A_35 = arith.constant 0 : i32
        %dma_start3A_36 = tpu.memref_slice %arg9[%scan3A_10, %dma_start3A, %dma_start3A_35] : memref<2x128x128xf32, #tpu.memory_space<vmem>> -> memref<1x128x128xf32, #tpu.memory_space<vmem>>
        %dma_start3A_37 = tpu.memref_squeeze %dma_start3A_36 : memref<1x128x128xf32, #tpu.memory_space<vmem>> -> memref<128x128xf32, #tpu.memory_space<vmem>>
        %dma_start3A_38 = arith.constant 0 : i32
        %dma_start3A_39 = tpu.memref_slice %arg6[%add3A_32, %dma_start3A_38] : memref<10112x128xf32, #tpu.memory_space<vmem_shared>> -> memref<128x128xf32, #tpu.memory_space<vmem_shared>>
        %dma_start3A_40 = arith.constant 0 : i32
        %dma_start3A_41 = tpu.memref_slice %arg6[%add3A_32, %dma_start3A_40] : memref<10112x128xf32, #tpu.memory_space<vmem_shared>> -> memref<128x128xf32, #tpu.memory_space<vmem_shared>>
        %dma_start3A_42 = arith.constant 0 : i32
        %dma_start3A_43 = arith.constant 0 : i32
        %dma_start3A_44 = tpu.memref_slice %arg9[%scan3A_10, %dma_start3A_42, %dma_start3A_43] : memref<2x128x128xf32, #tpu.memory_space<vmem>> -> memref<1x128x128xf32, #tpu.memory_space<vmem>>
        %dma_start3A_45 = tpu.memref_squeeze %dma_start3A_44 : memref<1x128x128xf32, #tpu.memory_space<vmem>> -> memref<128x128xf32, #tpu.memory_space<vmem>>
        tpu.enqueue_dma source(%dma_start3A_45 : memref<128x128xf32, #tpu.memory_space<vmem>>) target(%dma_start3A_41 : memref<128x128xf32, #tpu.memory_space<vmem_shared>>) target_semaphore(%run_scoped3A_34 : memref<!tpu.dma_semaphore, #tpu.memory_space<semaphore_mem>>)
        %dma_wait3A = arith.constant 0 : i32
        %dma_wait3A_46 = arith.constant 0 : i32
        %dma_wait3A_47 = tpu.memref_slice %arg9[%scan3A_10, %dma_wait3A, %dma_wait3A_46] : memref<2x128x128xf32, #tpu.memory_space<vmem>> -> memref<1x128x128xf32, #tpu.memory_space<vmem>>
        %dma_wait3A_48 = tpu.memref_squeeze %dma_wait3A_47 : memref<1x128x128xf32, #tpu.memory_space<vmem>> -> memref<128x128xf32, #tpu.memory_space<vmem>>
        %dma_wait3A_49 = arith.constant 0 : i32
        %dma_wait3A_50 = tpu.memref_slice %arg6[%add3A_32, %dma_wait3A_49] : memref<10112x128xf32, #tpu.memory_space<vmem_shared>> -> memref<128x128xf32, #tpu.memory_space<vmem_shared>>
        %dma_wait3A_51 = arith.constant 0 : i32
        %dma_wait3A_52 = tpu.memref_slice %arg6[%add3A_32, %dma_wait3A_51] : memref<10112x128xf32, #tpu.memory_space<vmem_shared>> -> memref<128x128xf32, #tpu.memory_space<vmem_shared>>
        %dma_wait3A_53 = arith.constant 0 : i32
        %dma_wait3A_54 = arith.constant 0 : i32
        %dma_wait3A_55 = tpu.memref_slice %arg9[%scan3A_10, %dma_wait3A_53, %dma_wait3A_54] : memref<2x128x128xf32, #tpu.memory_space<vmem>> -> memref<1x128x128xf32, #tpu.memory_space<vmem>>
        %dma_wait3A_56 = tpu.memref_squeeze %dma_wait3A_55 : memref<1x128x128xf32, #tpu.memory_space<vmem>> -> memref<128x128xf32, #tpu.memory_space<vmem>>
        tpu.wait_dma2 semaphore(%run_scoped3A_34 : memref<!tpu.dma_semaphore, #tpu.memory_space<semaphore_mem>>) src(%dma_wait3A_56 : memref<128x128xf32, #tpu.memory_space<vmem>>) dst(%dma_wait3A_52 : memref<128x128xf32, #tpu.memory_space<vmem_shared>>)
        tpu.yield
      }) : () -> ()
      %scan3A_33 = arith.constant 0 : i32
      scf.yield %scan3A_33 : i32
    }
    %scan3A_17 = arith.constant 4 : i32
    %add3A_18 = arith.constant 512 : i32
    %add3A_19 = arith.addi %mul3A_2, %add3A_18 : i32
    %run_scoped3A = arith.constant 0 : i32
    "tpu.region"() ({
      %run_scoped3A_28 = tpu.sem_alloc : memref<!tpu.dma_semaphore, #tpu.memory_space<semaphore_mem>>
      %dma_start3A = arith.constant 0 : i32
      %dma_start3A_29 = arith.constant 0 : i32
      %dma_start3A_30 = tpu.memref_slice %arg9[%run_scoped3A, %dma_start3A, %dma_start3A_29] : memref<2x128x128xf32, #tpu.memory_space<vmem>> -> memref<1x128x128xf32, #tpu.memory_space<vmem>>
      %dma_start3A_31 = tpu.memref_squeeze %dma_start3A_30 : memref<1x128x128xf32, #tpu.memory_space<vmem>> -> memref<128x128xf32, #tpu.memory_space<vmem>>
      %dma_start3A_32 = arith.constant 0 : i32
      %dma_start3A_33 = arith.constant 0 : i32
      %dma_start3A_34 = tpu.memref_slice %dma_start3A_31[%dma_start3A_32, %dma_start3A_33] : memref<128x128xf32, #tpu.memory_space<vmem>> -> memref<120x128xf32, #tpu.memory_space<vmem>>
      %dma_start3A_35 = arith.constant 0 : i32
      %dma_start3A_36 = tpu.memref_slice %arg6[%add3A_19, %dma_start3A_35] : memref<10112x128xf32, #tpu.memory_space<vmem_shared>> -> memref<120x128xf32, #tpu.memory_space<vmem_shared>>
      %dma_start3A_37 = arith.constant 0 : i32
      %dma_start3A_38 = tpu.memref_slice %arg6[%add3A_19, %dma_start3A_37] : memref<10112x128xf32, #tpu.memory_space<vmem_shared>> -> memref<120x128xf32, #tpu.memory_space<vmem_shared>>
      %dma_start3A_39 = arith.constant 0 : i32
      %dma_start3A_40 = arith.constant 0 : i32
      %dma_start3A_41 = tpu.memref_slice %arg9[%run_scoped3A, %dma_start3A_39, %dma_start3A_40] : memref<2x128x128xf32, #tpu.memory_space<vmem>> -> memref<1x128x128xf32, #tpu.memory_space<vmem>>
      %dma_start3A_42 = tpu.memref_squeeze %dma_start3A_41 : memref<1x128x128xf32, #tpu.memory_space<vmem>> -> memref<128x128xf32, #tpu.memory_space<vmem>>
      %dma_start3A_43 = arith.constant 0 : i32
      %dma_start3A_44 = arith.constant 0 : i32
      %dma_start3A_45 = tpu.memref_slice %dma_start3A_42[%dma_start3A_43, %dma_start3A_44] : memref<128x128xf32, #tpu.memory_space<vmem>> -> memref<120x128xf32, #tpu.memory_space<vmem>>
      tpu.enqueue_dma source(%dma_start3A_45 : memref<120x128xf32, #tpu.memory_space<vmem>>) target(%dma_start3A_38 : memref<120x128xf32, #tpu.memory_space<vmem_shared>>) target_semaphore(%run_scoped3A_28 : memref<!tpu.dma_semaphore, #tpu.memory_space<semaphore_mem>>)
      %dma_wait3A = arith.constant 0 : i32
      %dma_wait3A_46 = arith.constant 0 : i32
      %dma_wait3A_47 = tpu.memref_slice %arg9[%run_scoped3A, %dma_wait3A, %dma_wait3A_46] : memref<2x128x128xf32, #tpu.memory_space<vmem>> -> memref<1x128x128xf32, #tpu.memory_space<vmem>>
      %dma_wait3A_48 = tpu.memref_squeeze %dma_wait3A_47 : memref<1x128x128xf32, #tpu.memory_space<vmem>> -> memref<128x128xf32, #tpu.memory_space<vmem>>
      %dma_wait3A_49 = arith.constant 0 : i32
      %dma_wait3A_50 = arith.constant 0 : i32
      %dma_wait3A_51 = tpu.memref_slice %dma_wait3A_48[%dma_wait3A_49, %dma_wait3A_50] : memref<128x128xf32, #tpu.memory_space<vmem>> -> memref<120x128xf32, #tpu.memory_space<vmem>>
      %dma_wait3A_52 = arith.constant 0 : i32
      %dma_wait3A_53 = tpu.memref_slice %arg6[%add3A_19, %dma_wait3A_52] : memref<10112x128xf32, #tpu.memory_space<vmem_shared>> -> memref<120x128xf32, #tpu.memory_space<vmem_shared>>
      %dma_wait3A_54 = arith.constant 0 : i32
      %dma_wait3A_55 = tpu.memref_slice %arg6[%add3A_19, %dma_wait3A_54] : memref<10112x128xf32, #tpu.memory_space<vmem_shared>> -> memref<120x128xf32, #tpu.memory_space<vmem_shared>>
      %dma_wait3A_56 = arith.constant 0 : i32
      %dma_wait3A_57 = arith.constant 0 : i32
      %dma_wait3A_58 = tpu.memref_slice %arg9[%run_scoped3A, %dma_wait3A_56, %dma_wait3A_57] : memref<2x128x128xf32, #tpu.memory_space<vmem>> -> memref<1x128x128xf32, #tpu.memory_space<vmem>>
      %dma_wait3A_59 = tpu.memref_squeeze %dma_wait3A_58 : memref<1x128x128xf32, #tpu.memory_space<vmem>> -> memref<128x128xf32, #tpu.memory_space<vmem>>
      %dma_wait3A_60 = arith.constant 0 : i32
      %dma_wait3A_61 = arith.constant 0 : i32
      %dma_wait3A_62 = tpu.memref_slice %dma_wait3A_59[%dma_wait3A_60, %dma_wait3A_61] : memref<128x128xf32, #tpu.memory_space<vmem>> -> memref<120x128xf32, #tpu.memory_space<vmem>>
      tpu.wait_dma2 semaphore(%run_scoped3A_28 : memref<!tpu.dma_semaphore, #tpu.memory_space<semaphore_mem>>) src(%dma_wait3A_62 : memref<120x128xf32, #tpu.memory_space<vmem>>) dst(%dma_wait3A_55 : memref<120x128xf32, #tpu.memory_space<vmem_shared>>)
      tpu.yield
    }) : () -> ()
    %barrier3A = arith.constant 0 : index
    tpu.barrier barrier_id(%barrier3A)
    %scan3A_20 = arith.constant 0 : i32
    %scan3A_21 = arith.constant 0 : i32
    %scan3A_22 = arith.constant 10 : i32
    %scan3A_23 = arith.addi %scan3A_21, %scan3A_22 : i32
    %scan3A_24 = arith.constant 1 : i32
    %scan3A_25 = scf.for %scan3A_28 = %scan3A_21 to %scan3A_23 step %scan3A_24 iter_args(%scan3A_29 = %scan3A_20) -> (i32)  : i32 {
      %mul3A_30 = arith.constant 8 : i32
      %mul3A_31 = arith.muli %scan3A_28, %mul3A_30 : i32
      "tpu.region"() ({
        %run_scoped3A_417 = tpu.sem_alloc : memref<!tpu.dma_semaphore, #tpu.memory_space<semaphore_mem>>
        %dma_start3A_418 = arith.constant 0 : i32
        %dma_start3A_419 = arith.constant 0 : i32
        %dma_start3A_420 = tpu.memref_slice %arg3[%add3A, %dma_start3A_418, %dma_start3A_419] : memref<32x80x128xi32, #tpu.memory_space<hbm>> -> memref<1x80x128xi32, #tpu.memory_space<hbm>>
        %dma_start3A_421 = tpu.memref_squeeze %dma_start3A_420 : memref<1x80x128xi32, #tpu.memory_space<hbm>> -> memref<80x128xi32, #tpu.memory_space<hbm>>
        %dma_start3A_422 = arith.constant 0 : i32
        %dma_start3A_423 = tpu.memref_slice %dma_start3A_421[%mul3A_31, %dma_start3A_422] : memref<80x128xi32, #tpu.memory_space<hbm>> -> memref<8x128xi32, #tpu.memory_space<hbm>>
        %dma_start3A_424 = arith.constant 0 : i32
        %dma_start3A_425 = arith.constant 0 : i32
        %dma_start3A_426 = tpu.memref_slice %arg3[%add3A, %dma_start3A_424, %dma_start3A_425] : memref<32x80x128xi32, #tpu.memory_space<hbm>> -> memref<1x80x128xi32, #tpu.memory_space<hbm>>
        %dma_start3A_427 = tpu.memref_squeeze %dma_start3A_426 : memref<1x80x128xi32, #tpu.memory_space<hbm>> -> memref<80x128xi32, #tpu.memory_space<hbm>>
        %dma_start3A_428 = arith.constant 0 : i32
        %dma_start3A_429 = tpu.memref_slice %dma_start3A_427[%mul3A_31, %dma_start3A_428] : memref<80x128xi32, #tpu.memory_space<hbm>> -> memref<8x128xi32, #tpu.memory_space<hbm>>
        tpu.enqueue_dma source(%dma_start3A_429 : memref<8x128xi32, #tpu.memory_space<hbm>>) target(%arg7 : memref<8x128xi32, #tpu.memory_space<vmem>>) target_semaphore(%run_scoped3A_417 : memref<!tpu.dma_semaphore, #tpu.memory_space<semaphore_mem>>)
        %dma_wait3A_430 = arith.constant 0 : i32
        %dma_wait3A_431 = arith.constant 0 : i32
        %dma_wait3A_432 = tpu.memref_slice %arg3[%add3A, %dma_wait3A_430, %dma_wait3A_431] : memref<32x80x128xi32, #tpu.memory_space<hbm>> -> memref<1x80x128xi32, #tpu.memory_space<hbm>>
        %dma_wait3A_433 = tpu.memref_squeeze %dma_wait3A_432 : memref<1x80x128xi32, #tpu.memory_space<hbm>> -> memref<80x128xi32, #tpu.memory_space<hbm>>
        %dma_wait3A_434 = arith.constant 0 : i32
        %dma_wait3A_435 = tpu.memref_slice %dma_wait3A_433[%mul3A_31, %dma_wait3A_434] : memref<80x128xi32, #tpu.memory_space<hbm>> -> memref<8x128xi32, #tpu.memory_space<hbm>>
        %dma_wait3A_436 = arith.constant 0 : i32
        %dma_wait3A_437 = arith.constant 0 : i32
        %dma_wait3A_438 = tpu.memref_slice %arg3[%add3A, %dma_wait3A_436, %dma_wait3A_437] : memref<32x80x128xi32, #tpu.memory_space<hbm>> -> memref<1x80x128xi32, #tpu.memory_space<hbm>>
        %dma_wait3A_439 = tpu.memref_squeeze %dma_wait3A_438 : memref<1x80x128xi32, #tpu.memory_space<hbm>> -> memref<80x128xi32, #tpu.memory_space<hbm>>
        %dma_wait3A_440 = arith.constant 0 : i32
        %dma_wait3A_441 = tpu.memref_slice %dma_wait3A_439[%mul3A_31, %dma_wait3A_440] : memref<80x128xi32, #tpu.memory_space<hbm>> -> memref<8x128xi32, #tpu.memory_space<hbm>>
        tpu.wait_dma2 semaphore(%run_scoped3A_417 : memref<!tpu.dma_semaphore, #tpu.memory_space<semaphore_mem>>) src(%dma_wait3A_441 : memref<8x128xi32, #tpu.memory_space<hbm>>) dst(%arg7 : memref<8x128xi32, #tpu.memory_space<vmem>>)
        tpu.yield
      }) : () -> ()
      %mul3A_32 = arith.constant 8 : i32
      %mul3A_33 = arith.muli %scan3A_28, %mul3A_32 : i32
      "tpu.region"() ({
        %run_scoped3A_417 = tpu.sem_alloc : memref<!tpu.dma_semaphore, #tpu.memory_space<semaphore_mem>>
        %dma_start3A_418 = arith.constant 0 : i32
        %dma_start3A_419 = arith.constant 0 : i32
        %dma_start3A_420 = tpu.memref_slice %arg4[%add3A, %dma_start3A_418, %dma_start3A_419] : memref<32x80x128xi32, #tpu.memory_space<hbm>> -> memref<1x80x128xi32, #tpu.memory_space<hbm>>
        %dma_start3A_421 = tpu.memref_squeeze %dma_start3A_420 : memref<1x80x128xi32, #tpu.memory_space<hbm>> -> memref<80x128xi32, #tpu.memory_space<hbm>>
        %dma_start3A_422 = arith.constant 0 : i32
        %dma_start3A_423 = tpu.memref_slice %dma_start3A_421[%mul3A_33, %dma_start3A_422] : memref<80x128xi32, #tpu.memory_space<hbm>> -> memref<8x128xi32, #tpu.memory_space<hbm>>
        %dma_start3A_424 = arith.constant 0 : i32
        %dma_start3A_425 = arith.constant 0 : i32
        %dma_start3A_426 = tpu.memref_slice %arg4[%add3A, %dma_start3A_424, %dma_start3A_425] : memref<32x80x128xi32, #tpu.memory_space<hbm>> -> memref<1x80x128xi32, #tpu.memory_space<hbm>>
        %dma_start3A_427 = tpu.memref_squeeze %dma_start3A_426 : memref<1x80x128xi32, #tpu.memory_space<hbm>> -> memref<80x128xi32, #tpu.memory_space<hbm>>
        %dma_start3A_428 = arith.constant 0 : i32
        %dma_start3A_429 = tpu.memref_slice %dma_start3A_427[%mul3A_33, %dma_start3A_428] : memref<80x128xi32, #tpu.memory_space<hbm>> -> memref<8x128xi32, #tpu.memory_space<hbm>>
        tpu.enqueue_dma source(%dma_start3A_429 : memref<8x128xi32, #tpu.memory_space<hbm>>) target(%arg8 : memref<8x128xi32, #tpu.memory_space<vmem>>) target_semaphore(%run_scoped3A_417 : memref<!tpu.dma_semaphore, #tpu.memory_space<semaphore_mem>>)
        %dma_wait3A_430 = arith.constant 0 : i32
        %dma_wait3A_431 = arith.constant 0 : i32
        %dma_wait3A_432 = tpu.memref_slice %arg4[%add3A, %dma_wait3A_430, %dma_wait3A_431] : memref<32x80x128xi32, #tpu.memory_space<hbm>> -> memref<1x80x128xi32, #tpu.memory_space<hbm>>
        %dma_wait3A_433 = tpu.memref_squeeze %dma_wait3A_432 : memref<1x80x128xi32, #tpu.memory_space<hbm>> -> memref<80x128xi32, #tpu.memory_space<hbm>>
        %dma_wait3A_434 = arith.constant 0 : i32
        %dma_wait3A_435 = tpu.memref_slice %dma_wait3A_433[%mul3A_33, %dma_wait3A_434] : memref<80x128xi32, #tpu.memory_space<hbm>> -> memref<8x128xi32, #tpu.memory_space<hbm>>
        %dma_wait3A_436 = arith.constant 0 : i32
        %dma_wait3A_437 = arith.constant 0 : i32
        %dma_wait3A_438 = tpu.memref_slice %arg4[%add3A, %dma_wait3A_436, %dma_wait3A_437] : memref<32x80x128xi32, #tpu.memory_space<hbm>> -> memref<1x80x128xi32, #tpu.memory_space<hbm>>
        %dma_wait3A_439 = tpu.memref_squeeze %dma_wait3A_438 : memref<1x80x128xi32, #tpu.memory_space<hbm>> -> memref<80x128xi32, #tpu.memory_space<hbm>>
        %dma_wait3A_440 = arith.constant 0 : i32
        %dma_wait3A_441 = tpu.memref_slice %dma_wait3A_439[%mul3A_33, %dma_wait3A_440] : memref<80x128xi32, #tpu.memory_space<hbm>> -> memref<8x128xi32, #tpu.memory_space<hbm>>
        tpu.wait_dma2 semaphore(%run_scoped3A_417 : memref<!tpu.dma_semaphore, #tpu.memory_space<semaphore_mem>>) src(%dma_wait3A_441 : memref<8x128xi32, #tpu.memory_space<hbm>>) dst(%arg8 : memref<8x128xi32, #tpu.memory_space<vmem>>)
        tpu.yield
      }) : () -> ()
      %dma_start3A = arith.constant 0 : i32
      %dma_start3A_34 = arith.constant 0 : i32
      %dma_start3A_35 = arith.constant 0 : i32
      %dma_start3A_36 = arith.constant 0 : i32
      %dma_start3A_37 = tpu.memref_slice %arg9[%dma_start3A_34, %dma_start3A_35, %dma_start3A_36] : memref<2x128x128xf32, #tpu.memory_space<vmem>> -> memref<1x128x128xf32, #tpu.memory_space<vmem>>
      %dma_start3A_38 = tpu.memref_squeeze %dma_start3A_37 : memref<1x128x128xf32, #tpu.memory_space<vmem>> -> memref<128x128xf32, #tpu.memory_space<vmem>>
      %dma_start3A_39 = arith.constant 0 : i32
      %dma_start3A_40 = tpu.memref_slice %arg7[%dma_start3A, %dma_start3A_39] : memref<8x128xi32, #tpu.memory_space<vmem>> -> memref<1x128xi32, #tpu.memory_space<vmem>>
      %dma_start3A_41 = tpu.memref_squeeze %dma_start3A_40 : memref<1x128xi32, #tpu.memory_space<vmem>> -> memref<128xi32, #tpu.memory_space<vmem>>
      %dma_start3A_42 = arith.constant 0 : i32
      %dma_start3A_43 = arith.constant 0 : i32
      %dma_start3A_44 = tpu.memref_slice %arg2[%dma_start3A_42, %dma_start3A_43] : memref<10000x128xf32, #tpu.memory_space<hbm>> -> memref<10000x128xf32, #tpu.memory_space<hbm>>
      tpu.enqueue_indirect_dma source(%dma_start3A_44 : memref<10000x128xf32, #tpu.memory_space<hbm>>) target(%dma_start3A_38 : memref<128x128xf32, #tpu.memory_space<vmem>>) offsets(%dma_start3A_41 : memref<128xi32, #tpu.memory_space<vmem>>) semaphore(%arg10 : memref<!tpu.dma_semaphore, #tpu.memory_space<semaphore_mem>>)
      %dma_start3A_45 = arith.constant 1 : i32
      %dma_start3A_46 = arith.constant 1 : i32
      %dma_start3A_47 = arith.constant 0 : i32
      %dma_start3A_48 = arith.constant 0 : i32
      %dma_start3A_49 = tpu.memref_slice %arg9[%dma_start3A_46, %dma_start3A_47, %dma_start3A_48] : memref<2x128x128xf32, #tpu.memory_space<vmem>> -> memref<1x128x128xf32, #tpu.memory_space<vmem>>
      %dma_start3A_50 = tpu.memref_squeeze %dma_start3A_49 : memref<1x128x128xf32, #tpu.memory_space<vmem>> -> memref<128x128xf32, #tpu.memory_space<vmem>>
      %dma_start3A_51 = arith.constant 0 : i32
      %dma_start3A_52 = tpu.memref_slice %arg7[%dma_start3A_45, %dma_start3A_51] : memref<8x128xi32, #tpu.memory_space<vmem>> -> memref<1x128xi32, #tpu.memory_space<vmem>>
      %dma_start3A_53 = tpu.memref_squeeze %dma_start3A_52 : memref<1x128xi32, #tpu.memory_space<vmem>> -> memref<128xi32, #tpu.memory_space<vmem>>
      %dma_start3A_54 = arith.constant 0 : i32
      %dma_start3A_55 = arith.constant 0 : i32
      %dma_start3A_56 = tpu.memref_slice %arg2[%dma_start3A_54, %dma_start3A_55] : memref<10000x128xf32, #tpu.memory_space<hbm>> -> memref<10000x128xf32, #tpu.memory_space<hbm>>
      tpu.enqueue_indirect_dma source(%dma_start3A_56 : memref<10000x128xf32, #tpu.memory_space<hbm>>) target(%dma_start3A_50 : memref<128x128xf32, #tpu.memory_space<vmem>>) offsets(%dma_start3A_53 : memref<128xi32, #tpu.memory_space<vmem>>) semaphore(%arg11 : memref<!tpu.dma_semaphore, #tpu.memory_space<semaphore_mem>>)
      %dma_wait3A = arith.constant 0 : i32
      %dma_wait3A_57 = arith.constant 0 : i32
      %dma_wait3A_58 = arith.constant 0 : i32
      %dma_wait3A_59 = arith.constant 0 : i32
      %dma_wait3A_60 = tpu.memref_slice %arg9[%dma_wait3A_57, %dma_wait3A_58, %dma_wait3A_59] : memref<2x128x128xf32, #tpu.memory_space<vmem>> -> memref<1x128x128xf32, #tpu.memory_space<vmem>>
      %dma_wait3A_61 = tpu.memref_squeeze %dma_wait3A_60 : memref<1x128x128xf32, #tpu.memory_space<vmem>> -> memref<128x128xf32, #tpu.memory_space<vmem>>
      %dma_wait3A_62 = arith.constant 0 : i32
      %dma_wait3A_63 = tpu.memref_slice %arg7[%dma_wait3A, %dma_wait3A_62] : memref<8x128xi32, #tpu.memory_space<vmem>> -> memref<1x128xi32, #tpu.memory_space<vmem>>
      %dma_wait3A_64 = tpu.memref_squeeze %dma_wait3A_63 : memref<1x128xi32, #tpu.memory_space<vmem>> -> memref<128xi32, #tpu.memory_space<vmem>>
      %dma_wait3A_65 = arith.constant 0 : i32
      %dma_wait3A_66 = arith.constant 0 : i32
      %dma_wait3A_67 = tpu.memref_slice %arg2[%dma_wait3A_65, %dma_wait3A_66] : memref<10000x128xf32, #tpu.memory_space<hbm>> -> memref<10000x128xf32, #tpu.memory_space<hbm>>
      tpu.wait_indirect_dma semaphore(%arg10 : memref<!tpu.dma_semaphore, #tpu.memory_space<semaphore_mem>>) src(%dma_wait3A_67 : memref<10000x128xf32, #tpu.memory_space<hbm>>) dst(%dma_wait3A_61 : memref<128x128xf32, #tpu.memory_space<vmem>>)
      %dma_start3A_68 = arith.constant 0 : i32
      %dma_start3A_69 = arith.constant 0 : i32
      %dma_start3A_70 = arith.constant 0 : i32
      %dma_start3A_71 = arith.constant 0 : i32
      %dma_start3A_72 = tpu.memref_slice %arg9[%dma_start3A_68, %dma_start3A_70, %dma_start3A_71] : memref<2x128x128xf32, #tpu.memory_space<vmem>> -> memref<1x128x128xf32, #tpu.memory_space<vmem>>
      %dma_start3A_73 = tpu.memref_squeeze %dma_start3A_72 : memref<1x128x128xf32, #tpu.memory_space<vmem>> -> memref<128x128xf32, #tpu.memory_space<vmem>>
      %dma_start3A_74 = arith.constant 0 : i32
      %dma_start3A_75 = tpu.memref_slice %arg8[%dma_start3A_69, %dma_start3A_74] : memref<8x128xi32, #tpu.memory_space<vmem>> -> memref<1x128xi32, #tpu.memory_space<vmem>>
      %dma_start3A_76 = tpu.memref_squeeze %dma_start3A_75 : memref<1x128xi32, #tpu.memory_space<vmem>> -> memref<128xi32, #tpu.memory_space<vmem>>
      %dma_start3A_77 = arith.constant 0 : i32
      %dma_start3A_78 = arith.constant 0 : i32
      %dma_start3A_79 = tpu.memref_slice %arg6[%dma_start3A_77, %dma_start3A_78] : memref<10112x128xf32, #tpu.memory_space<vmem_shared>> -> memref<10112x128xf32, #tpu.memory_space<vmem_shared>>
      tpu.enqueue_indirect_dma source(%dma_start3A_73 : memref<128x128xf32, #tpu.memory_space<vmem>>) target(%dma_start3A_79 : memref<10112x128xf32, #tpu.memory_space<vmem_shared>>) offsets(%dma_start3A_76 : memref<128xi32, #tpu.memory_space<vmem>>) semaphore(%arg12 : memref<!tpu.dma_semaphore, #tpu.memory_space<semaphore_mem>>) {add = true}
      %dma_wait3A_80 = arith.constant 0 : i32
      %dma_wait3A_81 = arith.constant 0 : i32
      %dma_wait3A_82 = arith.constant 0 : i32
      %dma_wait3A_83 = arith.constant 0 : i32
      %dma_wait3A_84 = tpu.memref_slice %arg9[%dma_wait3A_80, %dma_wait3A_82, %dma_wait3A_83] : memref<2x128x128xf32, #tpu.memory_space<vmem>> -> memref<1x128x128xf32, #tpu.memory_space<vmem>>
      %dma_wait3A_85 = tpu.memref_squeeze %dma_wait3A_84 : memref<1x128x128xf32, #tpu.memory_space<vmem>> -> memref<128x128xf32, #tpu.memory_space<vmem>>
      %dma_wait3A_86 = arith.constant 0 : i32
      %dma_wait3A_87 = tpu.memref_slice %arg8[%dma_wait3A_81, %dma_wait3A_86] : memref<8x128xi32, #tpu.memory_space<vmem>> -> memref<1x128xi32, #tpu.memory_space<vmem>>
      %dma_wait3A_88 = tpu.memref_squeeze %dma_wait3A_87 : memref<1x128xi32, #tpu.memory_space<vmem>> -> memref<128xi32, #tpu.memory_space<vmem>>
      %dma_wait3A_89 = arith.constant 0 : i32
      %dma_wait3A_90 = arith.constant 0 : i32
      %dma_wait3A_91 = tpu.memref_slice %arg6[%dma_wait3A_89, %dma_wait3A_90] : memref<10112x128xf32, #tpu.memory_space<vmem_shared>> -> memref<10112x128xf32, #tpu.memory_space<vmem_shared>>
      tpu.wait_indirect_dma semaphore(%arg12 : memref<!tpu.dma_semaphore, #tpu.memory_space<semaphore_mem>>) src(%dma_wait3A_85 : memref<128x128xf32, #tpu.memory_space<vmem>>) dst(%dma_wait3A_91 : memref<10112x128xf32, #tpu.memory_space<vmem_shared>>)
      %dma_start3A_92 = arith.constant 2 : i32
      %dma_start3A_93 = arith.constant 0 : i32
      %dma_start3A_94 = arith.constant 0 : i32
      %dma_start3A_95 = arith.constant 0 : i32
      %dma_start3A_96 = tpu.memref_slice %arg9[%dma_start3A_93, %dma_start3A_94, %dma_start3A_95] : memref<2x128x128xf32, #tpu.memory_space<vmem>> -> memref<1x128x128xf32, #tpu.memory_space<vmem>>
      %dma_start3A_97 = tpu.memref_squeeze %dma_start3A_96 : memref<1x128x128xf32, #tpu.memory_space<vmem>> -> memref<128x128xf32, #tpu.memory_space<vmem>>
      %dma_start3A_98 = arith.constant 0 : i32
      %dma_start3A_99 = tpu.memref_slice %arg7[%dma_start3A_92, %dma_start3A_98] : memref<8x128xi32, #tpu.memory_space<vmem>> -> memref<1x128xi32, #tpu.memory_space<vmem>>
      %dma_start3A_100 = tpu.memref_squeeze %dma_start3A_99 : memref<1x128xi32, #tpu.memory_space<vmem>> -> memref<128xi32, #tpu.memory_space<vmem>>
      %dma_start3A_101 = arith.constant 0 : i32
      %dma_start3A_102 = arith.constant 0 : i32
      %dma_start3A_103 = tpu.memref_slice %arg2[%dma_start3A_101, %dma_start3A_102] : memref<10000x128xf32, #tpu.memory_space<hbm>> -> memref<10000x128xf32, #tpu.memory_space<hbm>>
      tpu.enqueue_indirect_dma source(%dma_start3A_103 : memref<10000x128xf32, #tpu.memory_space<hbm>>) target(%dma_start3A_97 : memref<128x128xf32, #tpu.memory_space<vmem>>) offsets(%dma_start3A_100 : memref<128xi32, #tpu.memory_space<vmem>>) semaphore(%arg10 : memref<!tpu.dma_semaphore, #tpu.memory_space<semaphore_mem>>)
      %dma_wait3A_104 = arith.constant 1 : i32
      %dma_wait3A_105 = arith.constant 1 : i32
      %dma_wait3A_106 = arith.constant 0 : i32
      %dma_wait3A_107 = arith.constant 0 : i32
      %dma_wait3A_108 = tpu.memref_slice %arg9[%dma_wait3A_105, %dma_wait3A_106, %dma_wait3A_107] : memref<2x128x128xf32, #tpu.memory_space<vmem>> -> memref<1x128x128xf32, #tpu.memory_space<vmem>>
      %dma_wait3A_109 = tpu.memref_squeeze %dma_wait3A_108 : memref<1x128x128xf32, #tpu.memory_space<vmem>> -> memref<128x128xf32, #tpu.memory_space<vmem>>
      %dma_wait3A_110 = arith.constant 0 : i32
      %dma_wait3A_111 = tpu.memref_slice %arg7[%dma_wait3A_104, %dma_wait3A_110] : memref<8x128xi32, #tpu.memory_space<vmem>> -> memref<1x128xi32, #tpu.memory_space<vmem>>
      %dma_wait3A_112 = tpu.memref_squeeze %dma_wait3A_111 : memref<1x128xi32, #tpu.memory_space<vmem>> -> memref<128xi32, #tpu.memory_space<vmem>>
      %dma_wait3A_113 = arith.constant 0 : i32
      %dma_wait3A_114 = arith.constant 0 : i32
      %dma_wait3A_115 = tpu.memref_slice %arg2[%dma_wait3A_113, %dma_wait3A_114] : memref<10000x128xf32, #tpu.memory_space<hbm>> -> memref<10000x128xf32, #tpu.memory_space<hbm>>
      tpu.wait_indirect_dma semaphore(%arg11 : memref<!tpu.dma_semaphore, #tpu.memory_space<semaphore_mem>>) src(%dma_wait3A_115 : memref<10000x128xf32, #tpu.memory_space<hbm>>) dst(%dma_wait3A_109 : memref<128x128xf32, #tpu.memory_space<vmem>>)
      %dma_start3A_116 = arith.constant 1 : i32
      %dma_start3A_117 = arith.constant 1 : i32
      %dma_start3A_118 = arith.constant 0 : i32
      %dma_start3A_119 = arith.constant 0 : i32
      %dma_start3A_120 = tpu.memref_slice %arg9[%dma_start3A_116, %dma_start3A_118, %dma_start3A_119] : memref<2x128x128xf32, #tpu.memory_space<vmem>> -> memref<1x128x128xf32, #tpu.memory_space<vmem>>
      %dma_start3A_121 = tpu.memref_squeeze %dma_start3A_120 : memref<1x128x128xf32, #tpu.memory_space<vmem>> -> memref<128x128xf32, #tpu.memory_space<vmem>>
      %dma_start3A_122 = arith.constant 0 : i32
      %dma_start3A_123 = tpu.memref_slice %arg8[%dma_start3A_117, %dma_start3A_122] : memref<8x128xi32, #tpu.memory_space<vmem>> -> memref<1x128xi32, #tpu.memory_space<vmem>>
      %dma_start3A_124 = tpu.memref_squeeze %dma_start3A_123 : memref<1x128xi32, #tpu.memory_space<vmem>> -> memref<128xi32, #tpu.memory_space<vmem>>
      %dma_start3A_125 = arith.constant 0 : i32
      %dma_start3A_126 = arith.constant 0 : i32
      %dma_start3A_127 = tpu.memref_slice %arg6[%dma_start3A_125, %dma_start3A_126] : memref<10112x128xf32, #tpu.memory_space<vmem_shared>> -> memref<10112x128xf32, #tpu.memory_space<vmem_shared>>
      tpu.enqueue_indirect_dma source(%dma_start3A_121 : memref<128x128xf32, #tpu.memory_space<vmem>>) target(%dma_start3A_127 : memref<10112x128xf32, #tpu.memory_space<vmem_shared>>) offsets(%dma_start3A_124 : memref<128xi32, #tpu.memory_space<vmem>>) semaphore(%arg13 : memref<!tpu.dma_semaphore, #tpu.memory_space<semaphore_mem>>) {add = true}
      %dma_wait3A_128 = arith.constant 1 : i32
      %dma_wait3A_129 = arith.constant 1 : i32
      %dma_wait3A_130 = arith.constant 0 : i32
      %dma_wait3A_131 = arith.constant 0 : i32
      %dma_wait3A_132 = tpu.memref_slice %arg9[%dma_wait3A_128, %dma_wait3A_130, %dma_wait3A_131] : memref<2x128x128xf32, #tpu.memory_space<vmem>> -> memref<1x128x128xf32, #tpu.memory_space<vmem>>
      %dma_wait3A_133 = tpu.memref_squeeze %dma_wait3A_132 : memref<1x128x128xf32, #tpu.memory_space<vmem>> -> memref<128x128xf32, #tpu.memory_space<vmem>>
      %dma_wait3A_134 = arith.constant 0 : i32
      %dma_wait3A_135 = tpu.memref_slice %arg8[%dma_wait3A_129, %dma_wait3A_134] : memref<8x128xi32, #tpu.memory_space<vmem>> -> memref<1x128xi32, #tpu.memory_space<vmem>>
      %dma_wait3A_136 = tpu.memref_squeeze %dma_wait3A_135 : memref<1x128xi32, #tpu.memory_space<vmem>> -> memref<128xi32, #tpu.memory_space<vmem>>
      %dma_wait3A_137 = arith.constant 0 : i32
      %dma_wait3A_138 = arith.constant 0 : i32
      %dma_wait3A_139 = tpu.memref_slice %arg6[%dma_wait3A_137, %dma_wait3A_138] : memref<10112x128xf32, #tpu.memory_space<vmem_shared>> -> memref<10112x128xf32, #tpu.memory_space<vmem_shared>>
      tpu.wait_indirect_dma semaphore(%arg13 : memref<!tpu.dma_semaphore, #tpu.memory_space<semaphore_mem>>) src(%dma_wait3A_133 : memref<128x128xf32, #tpu.memory_space<vmem>>) dst(%dma_wait3A_139 : memref<10112x128xf32, #tpu.memory_space<vmem_shared>>)
      %dma_start3A_140 = arith.constant 3 : i32
      %dma_start3A_141 = arith.constant 1 : i32
      %dma_start3A_142 = arith.constant 0 : i32
      %dma_start3A_143 = arith.constant 0 : i32
      %dma_start3A_144 = tpu.memref_slice %arg9[%dma_start3A_141, %dma_start3A_142, %dma_start3A_143] : memref<2x128x128xf32, #tpu.memory_space<vmem>> -> memref<1x128x128xf32, #tpu.memory_space<vmem>>
      %dma_start3A_145 = tpu.memref_squeeze %dma_start3A_144 : memref<1x128x128xf32, #tpu.memory_space<vmem>> -> memref<128x128xf32, #tpu.memory_space<vmem>>
      %dma_start3A_146 = arith.constant 0 : i32
      %dma_start3A_147 = tpu.memref_slice %arg7[%dma_start3A_140, %dma_start3A_146] : memref<8x128xi32, #tpu.memory_space<vmem>> -> memref<1x128xi32, #tpu.memory_space<vmem>>
      %dma_start3A_148 = tpu.memref_squeeze %dma_start3A_147 : memref<1x128xi32, #tpu.memory_space<vmem>> -> memref<128xi32, #tpu.memory_space<vmem>>
      %dma_start3A_149 = arith.constant 0 : i32
      %dma_start3A_150 = arith.constant 0 : i32
      %dma_start3A_151 = tpu.memref_slice %arg2[%dma_start3A_149, %dma_start3A_150] : memref<10000x128xf32, #tpu.memory_space<hbm>> -> memref<10000x128xf32, #tpu.memory_space<hbm>>
      tpu.enqueue_indirect_dma source(%dma_start3A_151 : memref<10000x128xf32, #tpu.memory_space<hbm>>) target(%dma_start3A_145 : memref<128x128xf32, #tpu.memory_space<vmem>>) offsets(%dma_start3A_148 : memref<128xi32, #tpu.memory_space<vmem>>) semaphore(%arg11 : memref<!tpu.dma_semaphore, #tpu.memory_space<semaphore_mem>>)
      %dma_wait3A_152 = arith.constant 2 : i32
      %dma_wait3A_153 = arith.constant 0 : i32
      %dma_wait3A_154 = arith.constant 0 : i32
      %dma_wait3A_155 = arith.constant 0 : i32
      %dma_wait3A_156 = tpu.memref_slice %arg9[%dma_wait3A_153, %dma_wait3A_154, %dma_wait3A_155] : memref<2x128x128xf32, #tpu.memory_space<vmem>> -> memref<1x128x128xf32, #tpu.memory_space<vmem>>
      %dma_wait3A_157 = tpu.memref_squeeze %dma_wait3A_156 : memref<1x128x128xf32, #tpu.memory_space<vmem>> -> memref<128x128xf32, #tpu.memory_space<vmem>>
      %dma_wait3A_158 = arith.constant 0 : i32
      %dma_wait3A_159 = tpu.memref_slice %arg7[%dma_wait3A_152, %dma_wait3A_158] : memref<8x128xi32, #tpu.memory_space<vmem>> -> memref<1x128xi32, #tpu.memory_space<vmem>>
      %dma_wait3A_160 = tpu.memref_squeeze %dma_wait3A_159 : memref<1x128xi32, #tpu.memory_space<vmem>> -> memref<128xi32, #tpu.memory_space<vmem>>
      %dma_wait3A_161 = arith.constant 0 : i32
      %dma_wait3A_162 = arith.constant 0 : i32
      %dma_wait3A_163 = tpu.memref_slice %arg2[%dma_wait3A_161, %dma_wait3A_162] : memref<10000x128xf32, #tpu.memory_space<hbm>> -> memref<10000x128xf32, #tpu.memory_space<hbm>>
      tpu.wait_indirect_dma semaphore(%arg10 : memref<!tpu.dma_semaphore, #tpu.memory_space<semaphore_mem>>) src(%dma_wait3A_163 : memref<10000x128xf32, #tpu.memory_space<hbm>>) dst(%dma_wait3A_157 : memref<128x128xf32, #tpu.memory_space<vmem>>)
      %dma_start3A_164 = arith.constant 0 : i32
      %dma_start3A_165 = arith.constant 2 : i32
      %dma_start3A_166 = arith.constant 0 : i32
      %dma_start3A_167 = arith.constant 0 : i32
      %dma_start3A_168 = tpu.memref_slice %arg9[%dma_start3A_164, %dma_start3A_166, %dma_start3A_167] : memref<2x128x128xf32, #tpu.memory_space<vmem>> -> memref<1x128x128xf32, #tpu.memory_space<vmem>>
      %dma_start3A_169 = tpu.memref_squeeze %dma_start3A_168 : memref<1x128x128xf32, #tpu.memory_space<vmem>> -> memref<128x128xf32, #tpu.memory_space<vmem>>
      %dma_start3A_170 = arith.constant 0 : i32
      %dma_start3A_171 = tpu.memref_slice %arg8[%dma_start3A_165, %dma_start3A_170] : memref<8x128xi32, #tpu.memory_space<vmem>> -> memref<1x128xi32, #tpu.memory_space<vmem>>
      %dma_start3A_172 = tpu.memref_squeeze %dma_start3A_171 : memref<1x128xi32, #tpu.memory_space<vmem>> -> memref<128xi32, #tpu.memory_space<vmem>>
      %dma_start3A_173 = arith.constant 0 : i32
      %dma_start3A_174 = arith.constant 0 : i32
      %dma_start3A_175 = tpu.memref_slice %arg6[%dma_start3A_173, %dma_start3A_174] : memref<10112x128xf32, #tpu.memory_space<vmem_shared>> -> memref<10112x128xf32, #tpu.memory_space<vmem_shared>>
      tpu.enqueue_indirect_dma source(%dma_start3A_169 : memref<128x128xf32, #tpu.memory_space<vmem>>) target(%dma_start3A_175 : memref<10112x128xf32, #tpu.memory_space<vmem_shared>>) offsets(%dma_start3A_172 : memref<128xi32, #tpu.memory_space<vmem>>) semaphore(%arg12 : memref<!tpu.dma_semaphore, #tpu.memory_space<semaphore_mem>>) {add = true}
      %dma_wait3A_176 = arith.constant 0 : i32
      %dma_wait3A_177 = arith.constant 2 : i32
      %dma_wait3A_178 = arith.constant 0 : i32
      %dma_wait3A_179 = arith.constant 0 : i32
      %dma_wait3A_180 = tpu.memref_slice %arg9[%dma_wait3A_176, %dma_wait3A_178, %dma_wait3A_179] : memref<2x128x128xf32, #tpu.memory_space<vmem>> -> memref<1x128x128xf32, #tpu.memory_space<vmem>>
      %dma_wait3A_181 = tpu.memref_squeeze %dma_wait3A_180 : memref<1x128x128xf32, #tpu.memory_space<vmem>> -> memref<128x128xf32, #tpu.memory_space<vmem>>
      %dma_wait3A_182 = arith.constant 0 : i32
      %dma_wait3A_183 = tpu.memref_slice %arg8[%dma_wait3A_177, %dma_wait3A_182] : memref<8x128xi32, #tpu.memory_space<vmem>> -> memref<1x128xi32, #tpu.memory_space<vmem>>
      %dma_wait3A_184 = tpu.memref_squeeze %dma_wait3A_183 : memref<1x128xi32, #tpu.memory_space<vmem>> -> memref<128xi32, #tpu.memory_space<vmem>>
      %dma_wait3A_185 = arith.constant 0 : i32
      %dma_wait3A_186 = arith.constant 0 : i32
      %dma_wait3A_187 = tpu.memref_slice %arg6[%dma_wait3A_185, %dma_wait3A_186] : memref<10112x128xf32, #tpu.memory_space<vmem_shared>> -> memref<10112x128xf32, #tpu.memory_space<vmem_shared>>
      tpu.wait_indirect_dma semaphore(%arg12 : memref<!tpu.dma_semaphore, #tpu.memory_space<semaphore_mem>>) src(%dma_wait3A_181 : memref<128x128xf32, #tpu.memory_space<vmem>>) dst(%dma_wait3A_187 : memref<10112x128xf32, #tpu.memory_space<vmem_shared>>)
      %dma_start3A_188 = arith.constant 4 : i32
      %dma_start3A_189 = arith.constant 0 : i32
      %dma_start3A_190 = arith.constant 0 : i32
      %dma_start3A_191 = arith.constant 0 : i32
      %dma_start3A_192 = tpu.memref_slice %arg9[%dma_start3A_189, %dma_start3A_190, %dma_start3A_191] : memref<2x128x128xf32, #tpu.memory_space<vmem>> -> memref<1x128x128xf32, #tpu.memory_space<vmem>>
      %dma_start3A_193 = tpu.memref_squeeze %dma_start3A_192 : memref<1x128x128xf32, #tpu.memory_space<vmem>> -> memref<128x128xf32, #tpu.memory_space<vmem>>
      %dma_start3A_194 = arith.constant 0 : i32
      %dma_start3A_195 = tpu.memref_slice %arg7[%dma_start3A_188, %dma_start3A_194] : memref<8x128xi32, #tpu.memory_space<vmem>> -> memref<1x128xi32, #tpu.memory_space<vmem>>
      %dma_start3A_196 = tpu.memref_squeeze %dma_start3A_195 : memref<1x128xi32, #tpu.memory_space<vmem>> -> memref<128xi32, #tpu.memory_space<vmem>>
      %dma_start3A_197 = arith.constant 0 : i32
      %dma_start3A_198 = arith.constant 0 : i32
      %dma_start3A_199 = tpu.memref_slice %arg2[%dma_start3A_197, %dma_start3A_198] : memref<10000x128xf32, #tpu.memory_space<hbm>> -> memref<10000x128xf32, #tpu.memory_space<hbm>>
      tpu.enqueue_indirect_dma source(%dma_start3A_199 : memref<10000x128xf32, #tpu.memory_space<hbm>>) target(%dma_start3A_193 : memref<128x128xf32, #tpu.memory_space<vmem>>) offsets(%dma_start3A_196 : memref<128xi32, #tpu.memory_space<vmem>>) semaphore(%arg10 : memref<!tpu.dma_semaphore, #tpu.memory_space<semaphore_mem>>)
      %dma_wait3A_200 = arith.constant 3 : i32
      %dma_wait3A_201 = arith.constant 1 : i32
      %dma_wait3A_202 = arith.constant 0 : i32
      %dma_wait3A_203 = arith.constant 0 : i32
      %dma_wait3A_204 = tpu.memref_slice %arg9[%dma_wait3A_201, %dma_wait3A_202, %dma_wait3A_203] : memref<2x128x128xf32, #tpu.memory_space<vmem>> -> memref<1x128x128xf32, #tpu.memory_space<vmem>>
      %dma_wait3A_205 = tpu.memref_squeeze %dma_wait3A_204 : memref<1x128x128xf32, #tpu.memory_space<vmem>> -> memref<128x128xf32, #tpu.memory_space<vmem>>
      %dma_wait3A_206 = arith.constant 0 : i32
      %dma_wait3A_207 = tpu.memref_slice %arg7[%dma_wait3A_200, %dma_wait3A_206] : memref<8x128xi32, #tpu.memory_space<vmem>> -> memref<1x128xi32, #tpu.memory_space<vmem>>
      %dma_wait3A_208 = tpu.memref_squeeze %dma_wait3A_207 : memref<1x128xi32, #tpu.memory_space<vmem>> -> memref<128xi32, #tpu.memory_space<vmem>>
      %dma_wait3A_209 = arith.constant 0 : i32
      %dma_wait3A_210 = arith.constant 0 : i32
      %dma_wait3A_211 = tpu.memref_slice %arg2[%dma_wait3A_209, %dma_wait3A_210] : memref<10000x128xf32, #tpu.memory_space<hbm>> -> memref<10000x128xf32, #tpu.memory_space<hbm>>
      tpu.wait_indirect_dma semaphore(%arg11 : memref<!tpu.dma_semaphore, #tpu.memory_space<semaphore_mem>>) src(%dma_wait3A_211 : memref<10000x128xf32, #tpu.memory_space<hbm>>) dst(%dma_wait3A_205 : memref<128x128xf32, #tpu.memory_space<vmem>>)
      %dma_start3A_212 = arith.constant 1 : i32
      %dma_start3A_213 = arith.constant 3 : i32
      %dma_start3A_214 = arith.constant 0 : i32
      %dma_start3A_215 = arith.constant 0 : i32
      %dma_start3A_216 = tpu.memref_slice %arg9[%dma_start3A_212, %dma_start3A_214, %dma_start3A_215] : memref<2x128x128xf32, #tpu.memory_space<vmem>> -> memref<1x128x128xf32, #tpu.memory_space<vmem>>
      %dma_start3A_217 = tpu.memref_squeeze %dma_start3A_216 : memref<1x128x128xf32, #tpu.memory_space<vmem>> -> memref<128x128xf32, #tpu.memory_space<vmem>>
      %dma_start3A_218 = arith.constant 0 : i32
      %dma_start3A_219 = tpu.memref_slice %arg8[%dma_start3A_213, %dma_start3A_218] : memref<8x128xi32, #tpu.memory_space<vmem>> -> memref<1x128xi32, #tpu.memory_space<vmem>>
      %dma_start3A_220 = tpu.memref_squeeze %dma_start3A_219 : memref<1x128xi32, #tpu.memory_space<vmem>> -> memref<128xi32, #tpu.memory_space<vmem>>
      %dma_start3A_221 = arith.constant 0 : i32
      %dma_start3A_222 = arith.constant 0 : i32
      %dma_start3A_223 = tpu.memref_slice %arg6[%dma_start3A_221, %dma_start3A_222] : memref<10112x128xf32, #tpu.memory_space<vmem_shared>> -> memref<10112x128xf32, #tpu.memory_space<vmem_shared>>
      tpu.enqueue_indirect_dma source(%dma_start3A_217 : memref<128x128xf32, #tpu.memory_space<vmem>>) target(%dma_start3A_223 : memref<10112x128xf32, #tpu.memory_space<vmem_shared>>) offsets(%dma_start3A_220 : memref<128xi32, #tpu.memory_space<vmem>>) semaphore(%arg13 : memref<!tpu.dma_semaphore, #tpu.memory_space<semaphore_mem>>) {add = true}
      %dma_wait3A_224 = arith.constant 1 : i32
      %dma_wait3A_225 = arith.constant 3 : i32
      %dma_wait3A_226 = arith.constant 0 : i32
      %dma_wait3A_227 = arith.constant 0 : i32
      %dma_wait3A_228 = tpu.memref_slice %arg9[%dma_wait3A_224, %dma_wait3A_226, %dma_wait3A_227] : memref<2x128x128xf32, #tpu.memory_space<vmem>> -> memref<1x128x128xf32, #tpu.memory_space<vmem>>
      %dma_wait3A_229 = tpu.memref_squeeze %dma_wait3A_228 : memref<1x128x128xf32, #tpu.memory_space<vmem>> -> memref<128x128xf32, #tpu.memory_space<vmem>>
      %dma_wait3A_230 = arith.constant 0 : i32
      %dma_wait3A_231 = tpu.memref_slice %arg8[%dma_wait3A_225, %dma_wait3A_230] : memref<8x128xi32, #tpu.memory_space<vmem>> -> memref<1x128xi32, #tpu.memory_space<vmem>>
      %dma_wait3A_232 = tpu.memref_squeeze %dma_wait3A_231 : memref<1x128xi32, #tpu.memory_space<vmem>> -> memref<128xi32, #tpu.memory_space<vmem>>
      %dma_wait3A_233 = arith.constant 0 : i32
      %dma_wait3A_234 = arith.constant 0 : i32
      %dma_wait3A_235 = tpu.memref_slice %arg6[%dma_wait3A_233, %dma_wait3A_234] : memref<10112x128xf32, #tpu.memory_space<vmem_shared>> -> memref<10112x128xf32, #tpu.memory_space<vmem_shared>>
      tpu.wait_indirect_dma semaphore(%arg13 : memref<!tpu.dma_semaphore, #tpu.memory_space<semaphore_mem>>) src(%dma_wait3A_229 : memref<128x128xf32, #tpu.memory_space<vmem>>) dst(%dma_wait3A_235 : memref<10112x128xf32, #tpu.memory_space<vmem_shared>>)
      %dma_start3A_236 = arith.constant 5 : i32
      %dma_start3A_237 = arith.constant 1 : i32
      %dma_start3A_238 = arith.constant 0 : i32
      %dma_start3A_239 = arith.constant 0 : i32
      %dma_start3A_240 = tpu.memref_slice %arg9[%dma_start3A_237, %dma_start3A_238, %dma_start3A_239] : memref<2x128x128xf32, #tpu.memory_space<vmem>> -> memref<1x128x128xf32, #tpu.memory_space<vmem>>
      %dma_start3A_241 = tpu.memref_squeeze %dma_start3A_240 : memref<1x128x128xf32, #tpu.memory_space<vmem>> -> memref<128x128xf32, #tpu.memory_space<vmem>>
      %dma_start3A_242 = arith.constant 0 : i32
      %dma_start3A_243 = tpu.memref_slice %arg7[%dma_start3A_236, %dma_start3A_242] : memref<8x128xi32, #tpu.memory_space<vmem>> -> memref<1x128xi32, #tpu.memory_space<vmem>>
      %dma_start3A_244 = tpu.memref_squeeze %dma_start3A_243 : memref<1x128xi32, #tpu.memory_space<vmem>> -> memref<128xi32, #tpu.memory_space<vmem>>
      %dma_start3A_245 = arith.constant 0 : i32
      %dma_start3A_246 = arith.constant 0 : i32
      %dma_start3A_247 = tpu.memref_slice %arg2[%dma_start3A_245, %dma_start3A_246] : memref<10000x128xf32, #tpu.memory_space<hbm>> -> memref<10000x128xf32, #tpu.memory_space<hbm>>
      tpu.enqueue_indirect_dma source(%dma_start3A_247 : memref<10000x128xf32, #tpu.memory_space<hbm>>) target(%dma_start3A_241 : memref<128x128xf32, #tpu.memory_space<vmem>>) offsets(%dma_start3A_244 : memref<128xi32, #tpu.memory_space<vmem>>) semaphore(%arg11 : memref<!tpu.dma_semaphore, #tpu.memory_space<semaphore_mem>>)
      %dma_wait3A_248 = arith.constant 4 : i32
      %dma_wait3A_249 = arith.constant 0 : i32
      %dma_wait3A_250 = arith.constant 0 : i32
      %dma_wait3A_251 = arith.constant 0 : i32
      %dma_wait3A_252 = tpu.memref_slice %arg9[%dma_wait3A_249, %dma_wait3A_250, %dma_wait3A_251] : memref<2x128x128xf32, #tpu.memory_space<vmem>> -> memref<1x128x128xf32, #tpu.memory_space<vmem>>
      %dma_wait3A_253 = tpu.memref_squeeze %dma_wait3A_252 : memref<1x128x128xf32, #tpu.memory_space<vmem>> -> memref<128x128xf32, #tpu.memory_space<vmem>>
      %dma_wait3A_254 = arith.constant 0 : i32
      %dma_wait3A_255 = tpu.memref_slice %arg7[%dma_wait3A_248, %dma_wait3A_254] : memref<8x128xi32, #tpu.memory_space<vmem>> -> memref<1x128xi32, #tpu.memory_space<vmem>>
      %dma_wait3A_256 = tpu.memref_squeeze %dma_wait3A_255 : memref<1x128xi32, #tpu.memory_space<vmem>> -> memref<128xi32, #tpu.memory_space<vmem>>
      %dma_wait3A_257 = arith.constant 0 : i32
      %dma_wait3A_258 = arith.constant 0 : i32
      %dma_wait3A_259 = tpu.memref_slice %arg2[%dma_wait3A_257, %dma_wait3A_258] : memref<10000x128xf32, #tpu.memory_space<hbm>> -> memref<10000x128xf32, #tpu.memory_space<hbm>>
      tpu.wait_indirect_dma semaphore(%arg10 : memref<!tpu.dma_semaphore, #tpu.memory_space<semaphore_mem>>) src(%dma_wait3A_259 : memref<10000x128xf32, #tpu.memory_space<hbm>>) dst(%dma_wait3A_253 : memref<128x128xf32, #tpu.memory_space<vmem>>)
      %dma_start3A_260 = arith.constant 0 : i32
      %dma_start3A_261 = arith.constant 4 : i32
      %dma_start3A_262 = arith.constant 0 : i32
      %dma_start3A_263 = arith.constant 0 : i32
      %dma_start3A_264 = tpu.memref_slice %arg9[%dma_start3A_260, %dma_start3A_262, %dma_start3A_263] : memref<2x128x128xf32, #tpu.memory_space<vmem>> -> memref<1x128x128xf32, #tpu.memory_space<vmem>>
      %dma_start3A_265 = tpu.memref_squeeze %dma_start3A_264 : memref<1x128x128xf32, #tpu.memory_space<vmem>> -> memref<128x128xf32, #tpu.memory_space<vmem>>
      %dma_start3A_266 = arith.constant 0 : i32
      %dma_start3A_267 = tpu.memref_slice %arg8[%dma_start3A_261, %dma_start3A_266] : memref<8x128xi32, #tpu.memory_space<vmem>> -> memref<1x128xi32, #tpu.memory_space<vmem>>
      %dma_start3A_268 = tpu.memref_squeeze %dma_start3A_267 : memref<1x128xi32, #tpu.memory_space<vmem>> -> memref<128xi32, #tpu.memory_space<vmem>>
      %dma_start3A_269 = arith.constant 0 : i32
      %dma_start3A_270 = arith.constant 0 : i32
      %dma_start3A_271 = tpu.memref_slice %arg6[%dma_start3A_269, %dma_start3A_270] : memref<10112x128xf32, #tpu.memory_space<vmem_shared>> -> memref<10112x128xf32, #tpu.memory_space<vmem_shared>>
      tpu.enqueue_indirect_dma source(%dma_start3A_265 : memref<128x128xf32, #tpu.memory_space<vmem>>) target(%dma_start3A_271 : memref<10112x128xf32, #tpu.memory_space<vmem_shared>>) offsets(%dma_start3A_268 : memref<128xi32, #tpu.memory_space<vmem>>) semaphore(%arg12 : memref<!tpu.dma_semaphore, #tpu.memory_space<semaphore_mem>>) {add = true}
      %dma_wait3A_272 = arith.constant 0 : i32
      %dma_wait3A_273 = arith.constant 4 : i32
      %dma_wait3A_274 = arith.constant 0 : i32
      %dma_wait3A_275 = arith.constant 0 : i32
      %dma_wait3A_276 = tpu.memref_slice %arg9[%dma_wait3A_272, %dma_wait3A_274, %dma_wait3A_275] : memref<2x128x128xf32, #tpu.memory_space<vmem>> -> memref<1x128x128xf32, #tpu.memory_space<vmem>>
      %dma_wait3A_277 = tpu.memref_squeeze %dma_wait3A_276 : memref<1x128x128xf32, #tpu.memory_space<vmem>> -> memref<128x128xf32, #tpu.memory_space<vmem>>
      %dma_wait3A_278 = arith.constant 0 : i32
      %dma_wait3A_279 = tpu.memref_slice %arg8[%dma_wait3A_273, %dma_wait3A_278] : memref<8x128xi32, #tpu.memory_space<vmem>> -> memref<1x128xi32, #tpu.memory_space<vmem>>
      %dma_wait3A_280 = tpu.memref_squeeze %dma_wait3A_279 : memref<1x128xi32, #tpu.memory_space<vmem>> -> memref<128xi32, #tpu.memory_space<vmem>>
      %dma_wait3A_281 = arith.constant 0 : i32
      %dma_wait3A_282 = arith.constant 0 : i32
      %dma_wait3A_283 = tpu.memref_slice %arg6[%dma_wait3A_281, %dma_wait3A_282] : memref<10112x128xf32, #tpu.memory_space<vmem_shared>> -> memref<10112x128xf32, #tpu.memory_space<vmem_shared>>
      tpu.wait_indirect_dma semaphore(%arg12 : memref<!tpu.dma_semaphore, #tpu.memory_space<semaphore_mem>>) src(%dma_wait3A_277 : memref<128x128xf32, #tpu.memory_space<vmem>>) dst(%dma_wait3A_283 : memref<10112x128xf32, #tpu.memory_space<vmem_shared>>)
      %dma_start3A_284 = arith.constant 6 : i32
      %dma_start3A_285 = arith.constant 0 : i32
      %dma_start3A_286 = arith.constant 0 : i32
      %dma_start3A_287 = arith.constant 0 : i32
      %dma_start3A_288 = tpu.memref_slice %arg9[%dma_start3A_285, %dma_start3A_286, %dma_start3A_287] : memref<2x128x128xf32, #tpu.memory_space<vmem>> -> memref<1x128x128xf32, #tpu.memory_space<vmem>>
      %dma_start3A_289 = tpu.memref_squeeze %dma_start3A_288 : memref<1x128x128xf32, #tpu.memory_space<vmem>> -> memref<128x128xf32, #tpu.memory_space<vmem>>
      %dma_start3A_290 = arith.constant 0 : i32
      %dma_start3A_291 = tpu.memref_slice %arg7[%dma_start3A_284, %dma_start3A_290] : memref<8x128xi32, #tpu.memory_space<vmem>> -> memref<1x128xi32, #tpu.memory_space<vmem>>
      %dma_start3A_292 = tpu.memref_squeeze %dma_start3A_291 : memref<1x128xi32, #tpu.memory_space<vmem>> -> memref<128xi32, #tpu.memory_space<vmem>>
      %dma_start3A_293 = arith.constant 0 : i32
      %dma_start3A_294 = arith.constant 0 : i32
      %dma_start3A_295 = tpu.memref_slice %arg2[%dma_start3A_293, %dma_start3A_294] : memref<10000x128xf32, #tpu.memory_space<hbm>> -> memref<10000x128xf32, #tpu.memory_space<hbm>>
      tpu.enqueue_indirect_dma source(%dma_start3A_295 : memref<10000x128xf32, #tpu.memory_space<hbm>>) target(%dma_start3A_289 : memref<128x128xf32, #tpu.memory_space<vmem>>) offsets(%dma_start3A_292 : memref<128xi32, #tpu.memory_space<vmem>>) semaphore(%arg10 : memref<!tpu.dma_semaphore, #tpu.memory_space<semaphore_mem>>)
      %dma_wait3A_296 = arith.constant 5 : i32
      %dma_wait3A_297 = arith.constant 1 : i32
      %dma_wait3A_298 = arith.constant 0 : i32
      %dma_wait3A_299 = arith.constant 0 : i32
      %dma_wait3A_300 = tpu.memref_slice %arg9[%dma_wait3A_297, %dma_wait3A_298, %dma_wait3A_299] : memref<2x128x128xf32, #tpu.memory_space<vmem>> -> memref<1x128x128xf32, #tpu.memory_space<vmem>>
      %dma_wait3A_301 = tpu.memref_squeeze %dma_wait3A_300 : memref<1x128x128xf32, #tpu.memory_space<vmem>> -> memref<128x128xf32, #tpu.memory_space<vmem>>
      %dma_wait3A_302 = arith.constant 0 : i32
      %dma_wait3A_303 = tpu.memref_slice %arg7[%dma_wait3A_296, %dma_wait3A_302] : memref<8x128xi32, #tpu.memory_space<vmem>> -> memref<1x128xi32, #tpu.memory_space<vmem>>
      %dma_wait3A_304 = tpu.memref_squeeze %dma_wait3A_303 : memref<1x128xi32, #tpu.memory_space<vmem>> -> memref<128xi32, #tpu.memory_space<vmem>>
      %dma_wait3A_305 = arith.constant 0 : i32
      %dma_wait3A_306 = arith.constant 0 : i32
      %dma_wait3A_307 = tpu.memref_slice %arg2[%dma_wait3A_305, %dma_wait3A_306] : memref<10000x128xf32, #tpu.memory_space<hbm>> -> memref<10000x128xf32, #tpu.memory_space<hbm>>
      tpu.wait_indirect_dma semaphore(%arg11 : memref<!tpu.dma_semaphore, #tpu.memory_space<semaphore_mem>>) src(%dma_wait3A_307 : memref<10000x128xf32, #tpu.memory_space<hbm>>) dst(%dma_wait3A_301 : memref<128x128xf32, #tpu.memory_space<vmem>>)
      %dma_start3A_308 = arith.constant 1 : i32
      %dma_start3A_309 = arith.constant 5 : i32
      %dma_start3A_310 = arith.constant 0 : i32
      %dma_start3A_311 = arith.constant 0 : i32
      %dma_start3A_312 = tpu.memref_slice %arg9[%dma_start3A_308, %dma_start3A_310, %dma_start3A_311] : memref<2x128x128xf32, #tpu.memory_space<vmem>> -> memref<1x128x128xf32, #tpu.memory_space<vmem>>
      %dma_start3A_313 = tpu.memref_squeeze %dma_start3A_312 : memref<1x128x128xf32, #tpu.memory_space<vmem>> -> memref<128x128xf32, #tpu.memory_space<vmem>>
      %dma_start3A_314 = arith.constant 0 : i32
      %dma_start3A_315 = tpu.memref_slice %arg8[%dma_start3A_309, %dma_start3A_314] : memref<8x128xi32, #tpu.memory_space<vmem>> -> memref<1x128xi32, #tpu.memory_space<vmem>>
      %dma_start3A_316 = tpu.memref_squeeze %dma_start3A_315 : memref<1x128xi32, #tpu.memory_space<vmem>> -> memref<128xi32, #tpu.memory_space<vmem>>
      %dma_start3A_317 = arith.constant 0 : i32
      %dma_start3A_318 = arith.constant 0 : i32
      %dma_start3A_319 = tpu.memref_slice %arg6[%dma_start3A_317, %dma_start3A_318] : memref<10112x128xf32, #tpu.memory_space<vmem_shared>> -> memref<10112x128xf32, #tpu.memory_space<vmem_shared>>
      tpu.enqueue_indirect_dma source(%dma_start3A_313 : memref<128x128xf32, #tpu.memory_space<vmem>>) target(%dma_start3A_319 : memref<10112x128xf32, #tpu.memory_space<vmem_shared>>) offsets(%dma_start3A_316 : memref<128xi32, #tpu.memory_space<vmem>>) semaphore(%arg13 : memref<!tpu.dma_semaphore, #tpu.memory_space<semaphore_mem>>) {add = true}
      %dma_wait3A_320 = arith.constant 1 : i32
      %dma_wait3A_321 = arith.constant 5 : i32
      %dma_wait3A_322 = arith.constant 0 : i32
      %dma_wait3A_323 = arith.constant 0 : i32
      %dma_wait3A_324 = tpu.memref_slice %arg9[%dma_wait3A_320, %dma_wait3A_322, %dma_wait3A_323] : memref<2x128x128xf32, #tpu.memory_space<vmem>> -> memref<1x128x128xf32, #tpu.memory_space<vmem>>
      %dma_wait3A_325 = tpu.memref_squeeze %dma_wait3A_324 : memref<1x128x128xf32, #tpu.memory_space<vmem>> -> memref<128x128xf32, #tpu.memory_space<vmem>>
      %dma_wait3A_326 = arith.constant 0 : i32
      %dma_wait3A_327 = tpu.memref_slice %arg8[%dma_wait3A_321, %dma_wait3A_326] : memref<8x128xi32, #tpu.memory_space<vmem>> -> memref<1x128xi32, #tpu.memory_space<vmem>>
      %dma_wait3A_328 = tpu.memref_squeeze %dma_wait3A_327 : memref<1x128xi32, #tpu.memory_space<vmem>> -> memref<128xi32, #tpu.memory_space<vmem>>
      %dma_wait3A_329 = arith.constant 0 : i32
      %dma_wait3A_330 = arith.constant 0 : i32
      %dma_wait3A_331 = tpu.memref_slice %arg6[%dma_wait3A_329, %dma_wait3A_330] : memref<10112x128xf32, #tpu.memory_space<vmem_shared>> -> memref<10112x128xf32, #tpu.memory_space<vmem_shared>>
      tpu.wait_indirect_dma semaphore(%arg13 : memref<!tpu.dma_semaphore, #tpu.memory_space<semaphore_mem>>) src(%dma_wait3A_325 : memref<128x128xf32, #tpu.memory_space<vmem>>) dst(%dma_wait3A_331 : memref<10112x128xf32, #tpu.memory_space<vmem_shared>>)
      %dma_start3A_332 = arith.constant 7 : i32
      %dma_start3A_333 = arith.constant 1 : i32
      %dma_start3A_334 = arith.constant 0 : i32
      %dma_start3A_335 = arith.constant 0 : i32
      %dma_start3A_336 = tpu.memref_slice %arg9[%dma_start3A_333, %dma_start3A_334, %dma_start3A_335] : memref<2x128x128xf32, #tpu.memory_space<vmem>> -> memref<1x128x128xf32, #tpu.memory_space<vmem>>
      %dma_start3A_337 = tpu.memref_squeeze %dma_start3A_336 : memref<1x128x128xf32, #tpu.memory_space<vmem>> -> memref<128x128xf32, #tpu.memory_space<vmem>>
      %dma_start3A_338 = arith.constant 0 : i32
      %dma_start3A_339 = tpu.memref_slice %arg7[%dma_start3A_332, %dma_start3A_338] : memref<8x128xi32, #tpu.memory_space<vmem>> -> memref<1x128xi32, #tpu.memory_space<vmem>>
      %dma_start3A_340 = tpu.memref_squeeze %dma_start3A_339 : memref<1x128xi32, #tpu.memory_space<vmem>> -> memref<128xi32, #tpu.memory_space<vmem>>
      %dma_start3A_341 = arith.constant 0 : i32
      %dma_start3A_342 = arith.constant 0 : i32
      %dma_start3A_343 = tpu.memref_slice %arg2[%dma_start3A_341, %dma_start3A_342] : memref<10000x128xf32, #tpu.memory_space<hbm>> -> memref<10000x128xf32, #tpu.memory_space<hbm>>
      tpu.enqueue_indirect_dma source(%dma_start3A_343 : memref<10000x128xf32, #tpu.memory_space<hbm>>) target(%dma_start3A_337 : memref<128x128xf32, #tpu.memory_space<vmem>>) offsets(%dma_start3A_340 : memref<128xi32, #tpu.memory_space<vmem>>) semaphore(%arg11 : memref<!tpu.dma_semaphore, #tpu.memory_space<semaphore_mem>>)
      %dma_wait3A_344 = arith.constant 6 : i32
      %dma_wait3A_345 = arith.constant 0 : i32
      %dma_wait3A_346 = arith.constant 0 : i32
      %dma_wait3A_347 = arith.constant 0 : i32
      %dma_wait3A_348 = tpu.memref_slice %arg9[%dma_wait3A_345, %dma_wait3A_346, %dma_wait3A_347] : memref<2x128x128xf32, #tpu.memory_space<vmem>> -> memref<1x128x128xf32, #tpu.memory_space<vmem>>
      %dma_wait3A_349 = tpu.memref_squeeze %dma_wait3A_348 : memref<1x128x128xf32, #tpu.memory_space<vmem>> -> memref<128x128xf32, #tpu.memory_space<vmem>>
      %dma_wait3A_350 = arith.constant 0 : i32
      %dma_wait3A_351 = tpu.memref_slice %arg7[%dma_wait3A_344, %dma_wait3A_350] : memref<8x128xi32, #tpu.memory_space<vmem>> -> memref<1x128xi32, #tpu.memory_space<vmem>>
      %dma_wait3A_352 = tpu.memref_squeeze %dma_wait3A_351 : memref<1x128xi32, #tpu.memory_space<vmem>> -> memref<128xi32, #tpu.memory_space<vmem>>
      %dma_wait3A_353 = arith.constant 0 : i32
      %dma_wait3A_354 = arith.constant 0 : i32
      %dma_wait3A_355 = tpu.memref_slice %arg2[%dma_wait3A_353, %dma_wait3A_354] : memref<10000x128xf32, #tpu.memory_space<hbm>> -> memref<10000x128xf32, #tpu.memory_space<hbm>>
      tpu.wait_indirect_dma semaphore(%arg10 : memref<!tpu.dma_semaphore, #tpu.memory_space<semaphore_mem>>) src(%dma_wait3A_355 : memref<10000x128xf32, #tpu.memory_space<hbm>>) dst(%dma_wait3A_349 : memref<128x128xf32, #tpu.memory_space<vmem>>)
      %dma_start3A_356 = arith.constant 0 : i32
      %dma_start3A_357 = arith.constant 6 : i32
      %dma_start3A_358 = arith.constant 0 : i32
      %dma_start3A_359 = arith.constant 0 : i32
      %dma_start3A_360 = tpu.memref_slice %arg9[%dma_start3A_356, %dma_start3A_358, %dma_start3A_359] : memref<2x128x128xf32, #tpu.memory_space<vmem>> -> memref<1x128x128xf32, #tpu.memory_space<vmem>>
      %dma_start3A_361 = tpu.memref_squeeze %dma_start3A_360 : memref<1x128x128xf32, #tpu.memory_space<vmem>> -> memref<128x128xf32, #tpu.memory_space<vmem>>
      %dma_start3A_362 = arith.constant 0 : i32
      %dma_start3A_363 = tpu.memref_slice %arg8[%dma_start3A_357, %dma_start3A_362] : memref<8x128xi32, #tpu.memory_space<vmem>> -> memref<1x128xi32, #tpu.memory_space<vmem>>
      %dma_start3A_364 = tpu.memref_squeeze %dma_start3A_363 : memref<1x128xi32, #tpu.memory_space<vmem>> -> memref<128xi32, #tpu.memory_space<vmem>>
      %dma_start3A_365 = arith.constant 0 : i32
      %dma_start3A_366 = arith.constant 0 : i32
      %dma_start3A_367 = tpu.memref_slice %arg6[%dma_start3A_365, %dma_start3A_366] : memref<10112x128xf32, #tpu.memory_space<vmem_shared>> -> memref<10112x128xf32, #tpu.memory_space<vmem_shared>>
      tpu.enqueue_indirect_dma source(%dma_start3A_361 : memref<128x128xf32, #tpu.memory_space<vmem>>) target(%dma_start3A_367 : memref<10112x128xf32, #tpu.memory_space<vmem_shared>>) offsets(%dma_start3A_364 : memref<128xi32, #tpu.memory_space<vmem>>) semaphore(%arg12 : memref<!tpu.dma_semaphore, #tpu.memory_space<semaphore_mem>>) {add = true}
      %dma_wait3A_368 = arith.constant 7 : i32
      %dma_wait3A_369 = arith.constant 1 : i32
      %dma_wait3A_370 = arith.constant 0 : i32
      %dma_wait3A_371 = arith.constant 0 : i32
      %dma_wait3A_372 = tpu.memref_slice %arg9[%dma_wait3A_369, %dma_wait3A_370, %dma_wait3A_371] : memref<2x128x128xf32, #tpu.memory_space<vmem>> -> memref<1x128x128xf32, #tpu.memory_space<vmem>>
      %dma_wait3A_373 = tpu.memref_squeeze %dma_wait3A_372 : memref<1x128x128xf32, #tpu.memory_space<vmem>> -> memref<128x128xf32, #tpu.memory_space<vmem>>
      %dma_wait3A_374 = arith.constant 0 : i32
      %dma_wait3A_375 = tpu.memref_slice %arg7[%dma_wait3A_368, %dma_wait3A_374] : memref<8x128xi32, #tpu.memory_space<vmem>> -> memref<1x128xi32, #tpu.memory_space<vmem>>
      %dma_wait3A_376 = tpu.memref_squeeze %dma_wait3A_375 : memref<1x128xi32, #tpu.memory_space<vmem>> -> memref<128xi32, #tpu.memory_space<vmem>>
      %dma_wait3A_377 = arith.constant 0 : i32
      %dma_wait3A_378 = arith.constant 0 : i32
      %dma_wait3A_379 = tpu.memref_slice %arg2[%dma_wait3A_377, %dma_wait3A_378] : memref<10000x128xf32, #tpu.memory_space<hbm>> -> memref<10000x128xf32, #tpu.memory_space<hbm>>
      tpu.wait_indirect_dma semaphore(%arg11 : memref<!tpu.dma_semaphore, #tpu.memory_space<semaphore_mem>>) src(%dma_wait3A_379 : memref<10000x128xf32, #tpu.memory_space<hbm>>) dst(%dma_wait3A_373 : memref<128x128xf32, #tpu.memory_space<vmem>>)
      %dma_start3A_380 = arith.constant 1 : i32
      %dma_start3A_381 = arith.constant 7 : i32
      %dma_start3A_382 = arith.constant 0 : i32
      %dma_start3A_383 = arith.constant 0 : i32
      %dma_start3A_384 = tpu.memref_slice %arg9[%dma_start3A_380, %dma_start3A_382, %dma_start3A_383] : memref<2x128x128xf32, #tpu.memory_space<vmem>> -> memref<1x128x128xf32, #tpu.memory_space<vmem>>
      %dma_start3A_385 = tpu.memref_squeeze %dma_start3A_384 : memref<1x128x128xf32, #tpu.memory_space<vmem>> -> memref<128x128xf32, #tpu.memory_space<vmem>>
      %dma_start3A_386 = arith.constant 0 : i32
      %dma_start3A_387 = tpu.memref_slice %arg8[%dma_start3A_381, %dma_start3A_386] : memref<8x128xi32, #tpu.memory_space<vmem>> -> memref<1x128xi32, #tpu.memory_space<vmem>>
      %dma_start3A_388 = tpu.memref_squeeze %dma_start3A_387 : memref<1x128xi32, #tpu.memory_space<vmem>> -> memref<128xi32, #tpu.memory_space<vmem>>
      %dma_start3A_389 = arith.constant 0 : i32
      %dma_start3A_390 = arith.constant 0 : i32
      %dma_start3A_391 = tpu.memref_slice %arg6[%dma_start3A_389, %dma_start3A_390] : memref<10112x128xf32, #tpu.memory_space<vmem_shared>> -> memref<10112x128xf32, #tpu.memory_space<vmem_shared>>
      tpu.enqueue_indirect_dma source(%dma_start3A_385 : memref<128x128xf32, #tpu.memory_space<vmem>>) target(%dma_start3A_391 : memref<10112x128xf32, #tpu.memory_space<vmem_shared>>) offsets(%dma_start3A_388 : memref<128xi32, #tpu.memory_space<vmem>>) semaphore(%arg13 : memref<!tpu.dma_semaphore, #tpu.memory_space<semaphore_mem>>) {add = true}
      %dma_wait3A_392 = arith.constant 0 : i32
      %dma_wait3A_393 = arith.constant 6 : i32
      %dma_wait3A_394 = arith.constant 0 : i32
      %dma_wait3A_395 = arith.constant 0 : i32
      %dma_wait3A_396 = tpu.memref_slice %arg9[%dma_wait3A_392, %dma_wait3A_394, %dma_wait3A_395] : memref<2x128x128xf32, #tpu.memory_space<vmem>> -> memref<1x128x128xf32, #tpu.memory_space<vmem>>
      %dma_wait3A_397 = tpu.memref_squeeze %dma_wait3A_396 : memref<1x128x128xf32, #tpu.memory_space<vmem>> -> memref<128x128xf32, #tpu.memory_space<vmem>>
      %dma_wait3A_398 = arith.constant 0 : i32
      %dma_wait3A_399 = tpu.memref_slice %arg8[%dma_wait3A_393, %dma_wait3A_398] : memref<8x128xi32, #tpu.memory_space<vmem>> -> memref<1x128xi32, #tpu.memory_space<vmem>>
      %dma_wait3A_400 = tpu.memref_squeeze %dma_wait3A_399 : memref<1x128xi32, #tpu.memory_space<vmem>> -> memref<128xi32, #tpu.memory_space<vmem>>
      %dma_wait3A_401 = arith.constant 0 : i32
      %dma_wait3A_402 = arith.constant 0 : i32
      %dma_wait3A_403 = tpu.memref_slice %arg6[%dma_wait3A_401, %dma_wait3A_402] : memref<10112x128xf32, #tpu.memory_space<vmem_shared>> -> memref<10112x128xf32, #tpu.memory_space<vmem_shared>>
      tpu.wait_indirect_dma semaphore(%arg12 : memref<!tpu.dma_semaphore, #tpu.memory_space<semaphore_mem>>) src(%dma_wait3A_397 : memref<128x128xf32, #tpu.memory_space<vmem>>) dst(%dma_wait3A_403 : memref<10112x128xf32, #tpu.memory_space<vmem_shared>>)
      %dma_wait3A_404 = arith.constant 1 : i32
      %dma_wait3A_405 = arith.constant 7 : i32
      %dma_wait3A_406 = arith.constant 0 : i32
      %dma_wait3A_407 = arith.constant 0 : i32
      %dma_wait3A_408 = tpu.memref_slice %arg9[%dma_wait3A_404, %dma_wait3A_406, %dma_wait3A_407] : memref<2x128x128xf32, #tpu.memory_space<vmem>> -> memref<1x128x128xf32, #tpu.memory_space<vmem>>
      %dma_wait3A_409 = tpu.memref_squeeze %dma_wait3A_408 : memref<1x128x128xf32, #tpu.memory_space<vmem>> -> memref<128x128xf32, #tpu.memory_space<vmem>>
      %dma_wait3A_410 = arith.constant 0 : i32
      %dma_wait3A_411 = tpu.memref_slice %arg8[%dma_wait3A_405, %dma_wait3A_410] : memref<8x128xi32, #tpu.memory_space<vmem>> -> memref<1x128xi32, #tpu.memory_space<vmem>>
      %dma_wait3A_412 = tpu.memref_squeeze %dma_wait3A_411 : memref<1x128xi32, #tpu.memory_space<vmem>> -> memref<128xi32, #tpu.memory_space<vmem>>
      %dma_wait3A_413 = arith.constant 0 : i32
      %dma_wait3A_414 = arith.constant 0 : i32
      %dma_wait3A_415 = tpu.memref_slice %arg6[%dma_wait3A_413, %dma_wait3A_414] : memref<10112x128xf32, #tpu.memory_space<vmem_shared>> -> memref<10112x128xf32, #tpu.memory_space<vmem_shared>>
      tpu.wait_indirect_dma semaphore(%arg13 : memref<!tpu.dma_semaphore, #tpu.memory_space<semaphore_mem>>) src(%dma_wait3A_409 : memref<128x128xf32, #tpu.memory_space<vmem>>) dst(%dma_wait3A_415 : memref<10112x128xf32, #tpu.memory_space<vmem_shared>>)
      %scan3A_416 = arith.constant 0 : i32
      scf.yield %scan3A_416 : i32
    }
    %scan3A_26 = arith.constant 10 : i32
    %barrier3A_27 = arith.constant 0 : index
    tpu.barrier barrier_id(%barrier3A_27)
    "tpu.region"() ({
      %run_scoped3A_28 = tpu.sem_alloc : memref<!tpu.dma_semaphore, #tpu.memory_space<semaphore_mem>>
      %dma_start3A = arith.constant 0 : i32
      %dma_start3A_29 = arith.constant 0 : i32
      %dma_start3A_30 = tpu.memref_slice %arg5[%arg0, %dma_start3A, %dma_start3A_29] : memref<2x10112x128xf32, #tpu.memory_space<hbm>> -> memref<1x10112x128xf32, #tpu.memory_space<hbm>>
      %dma_start3A_31 = tpu.memref_squeeze %dma_start3A_30 : memref<1x10112x128xf32, #tpu.memory_space<hbm>> -> memref<10112x128xf32, #tpu.memory_space<hbm>>
      %dma_start3A_32 = arith.constant 0 : i32
      %dma_start3A_33 = tpu.memref_slice %dma_start3A_31[%mul3A_2, %dma_start3A_32] : memref<10112x128xf32, #tpu.memory_space<hbm>> -> memref<632x128xf32, #tpu.memory_space<hbm>>
      %dma_start3A_34 = arith.constant 0 : i32
      %dma_start3A_35 = tpu.memref_slice %arg6[%mul3A_2, %dma_start3A_34] : memref<10112x128xf32, #tpu.memory_space<vmem_shared>> -> memref<632x128xf32, #tpu.memory_space<vmem_shared>>
      tpu.enqueue_dma source(%dma_start3A_35 : memref<632x128xf32, #tpu.memory_space<vmem_shared>>) target(%dma_start3A_33 : memref<632x128xf32, #tpu.memory_space<hbm>>) target_semaphore(%run_scoped3A_28 : memref<!tpu.dma_semaphore, #tpu.memory_space<semaphore_mem>>)
      %dma_wait3A = arith.constant 0 : i32
      %dma_wait3A_36 = arith.constant 0 : i32
      %dma_wait3A_37 = tpu.memref_slice %arg5[%arg0, %dma_wait3A, %dma_wait3A_36] : memref<2x10112x128xf32, #tpu.memory_space<hbm>> -> memref<1x10112x128xf32, #tpu.memory_space<hbm>>
      %dma_wait3A_38 = tpu.memref_squeeze %dma_wait3A_37 : memref<1x10112x128xf32, #tpu.memory_space<hbm>> -> memref<10112x128xf32, #tpu.memory_space<hbm>>
      %dma_wait3A_39 = arith.constant 0 : i32
      %dma_wait3A_40 = tpu.memref_slice %dma_wait3A_38[%mul3A_2, %dma_wait3A_39] : memref<10112x128xf32, #tpu.memory_space<hbm>> -> memref<632x128xf32, #tpu.memory_space<hbm>>
      %dma_wait3A_41 = arith.constant 0 : i32
      %dma_wait3A_42 = tpu.memref_slice %arg6[%mul3A_2, %dma_wait3A_41] : memref<10112x128xf32, #tpu.memory_space<vmem_shared>> -> memref<632x128xf32, #tpu.memory_space<vmem_shared>>
      tpu.wait_dma2 semaphore(%run_scoped3A_28 : memref<!tpu.dma_semaphore, #tpu.memory_space<semaphore_mem>>) src(%dma_wait3A_42 : memref<632x128xf32, #tpu.memory_space<vmem_shared>>) dst(%dma_wait3A_40 : memref<632x128xf32, #tpu.memory_space<hbm>>)
      tpu.yield
    }) : () -> ()
    return
  }
}

module attributes {stable_mosaic.version = 14 : i64} {
  func.func @_dense_body(%arg0: i32, %arg1: memref<2x400x128xf32, #tpu.memory_space<vmem>>, %arg2: memref<2x400x16xf32, #tpu.memory_space<vmem>>, %arg3: memref<400x128xf32, #tpu.memory_space<vmem>>, %arg4: memref<128x128xf32, #tpu.memory_space<vmem>>, %arg5: memref<1x128xf32, #tpu.memory_space<vmem>>, %arg6: memref<128x128xf32, #tpu.memory_space<vmem>>, %arg7: memref<400x128xf32, #tpu.memory_space<vmem>>) attributes {dimension_semantics = [#tpu.dimension_semantics<arbitrary>], iteration_bounds = array<i64: 25>, scalar_prefetch = 0 : i64, scratch_operands = 0 : i64, tpu.core_type = #tpu.core_type<tc>, window_params = [{transform_indices = @transform_0, window_bounds = array<i64: 2, 400, 128>}, {transform_indices = @transform_1, window_bounds = array<i64: 2, 400, 16>}, {transform_indices = @transform_2, window_bounds = array<i64: 400, 128>}, {pipeline_mode = #tpu.pipeline_mode<synchronous>, transform_indices = @transform_3, window_bounds = array<i64: 128, 128>}, {pipeline_mode = #tpu.pipeline_mode<synchronous>, transform_indices = @transform_4, window_bounds = array<i64: 1, 128>}, {pipeline_mode = #tpu.pipeline_mode<synchronous>, transform_indices = @transform_5, window_bounds = array<i64: 128, 128>}, {transform_indices = @transform_6, window_bounds = array<i64: 400, 128>}]} {
    %get3A = arith.constant 0 : index
    %get3A_0 = arith.constant 0 : index
    %get3A_1 = arith.constant 0 : index
    %get3A_2 = vector.load %arg1[%get3A, %get3A_0, %get3A_1] : memref<2x400x128xf32, #tpu.memory_space<vmem>>, vector<2x400x128xf32>
    %get3A_3 = arith.constant 0 : index
    %get3A_4 = arith.constant 0 : index
    %get3A_5 = arith.constant 0 : index
    %get3A_6 = vector.load %arg2[%get3A_3, %get3A_4, %get3A_5] : memref<2x400x16xf32, #tpu.memory_space<vmem>>, vector<2x400x16xf32>
    %slice3A = vector.extract_strided_slice %get3A_2 {offsets = [0, 0, 0], sizes = [1, 400, 128], strides = [1, 1, 1]} : vector<2x400x128xf32> to vector<1x400x128xf32>
    %squeeze3A = vector.shape_cast %slice3A : vector<1x400x128xf32> to vector<400x128xf32>
    %slice3A_7 = vector.extract_strided_slice %get3A_2 {offsets = [1, 0, 0], sizes = [1, 400, 128], strides = [1, 1, 1]} : vector<2x400x128xf32> to vector<1x400x128xf32>
    %squeeze3A_8 = vector.shape_cast %slice3A_7 : vector<1x400x128xf32> to vector<400x128xf32>
    %add3A = arith.addf %squeeze3A, %squeeze3A_8 : vector<400x128xf32>
    %slice3A_9 = vector.extract_strided_slice %get3A_6 {offsets = [0, 0, 0], sizes = [1, 400, 16], strides = [1, 1, 1]} : vector<2x400x16xf32> to vector<1x400x16xf32>
    %squeeze3A_10 = vector.shape_cast %slice3A_9 : vector<1x400x16xf32> to vector<400x16xf32>
    %slice3A_11 = vector.extract_strided_slice %get3A_6 {offsets = [1, 0, 0], sizes = [1, 400, 16], strides = [1, 1, 1]} : vector<2x400x16xf32> to vector<1x400x16xf32>
    %squeeze3A_12 = vector.shape_cast %slice3A_11 : vector<1x400x16xf32> to vector<400x16xf32>
    %add3A_13 = arith.addf %squeeze3A_10, %squeeze3A_12 : vector<400x16xf32>
    %slice3A_14 = vector.extract_strided_slice %add3A_13 {offsets = [0, 0], sizes = [400, 1], strides = [1, 1]} : vector<400x16xf32> to vector<400x1xf32>
    %max3A = arith.constant 1.000000e+00 : f32
    %max3A_15 = vector.broadcast %max3A : f32 to vector<400x1xf32>
    %max3A_16 = arith.maximumf %slice3A_14, %max3A_15 : vector<400x1xf32>
    %div3A = arith.constant 1.000000e+00 : f32
    %div3A_17 = vector.broadcast %div3A : f32 to vector<400x1xf32>
    %div3A_18 = arith.divf %div3A_17, %max3A_16 : vector<400x1xf32>
    %mul3A = vector.broadcast %div3A_18 : vector<400x1xf32> to vector<400x128xf32>
    %mul3A_19 = arith.mulf %add3A, %mul3A : vector<400x128xf32>
    %get3A_20 = arith.constant 0 : index
    %get3A_21 = arith.constant 0 : index
    %get3A_22 = vector.load %arg4[%get3A_20, %get3A_21] : memref<128x128xf32, #tpu.memory_space<vmem>>, vector<128x128xf32>
    %dot_general3A = arith.constant dense<0.000000e+00> : vector<400x128xf32>
    %dot_general3A_23 = tpu.matmul %mul3A_19, %get3A_22, %dot_general3A {dimension_numbers = #tpu.dot_dimension_numbers<[1], [0], [0], [1], [0, 0, 1, 1], [], []>, precision = #tpu.contract_precision<fp32>, transpose_lhs_hint = false} : vector<400x128xf32>, vector<128x128xf32>, vector<400x128xf32> -> vector<400x128xf32>
    %get3A_24 = arith.constant 0 : index
    %get3A_25 = arith.constant 0 : index
    %get3A_26 = vector.load %arg3[%get3A_24, %get3A_25] : memref<400x128xf32, #tpu.memory_space<vmem>>, vector<400x128xf32>
    %get3A_27 = arith.constant 0 : index
    %get3A_28 = arith.constant 0 : index
    %get3A_29 = vector.load %arg6[%get3A_27, %get3A_28] : memref<128x128xf32, #tpu.memory_space<vmem>>, vector<128x128xf32>
    %dot_general3A_30 = arith.constant dense<0.000000e+00> : vector<400x128xf32>
    %dot_general3A_31 = tpu.matmul %get3A_26, %get3A_29, %dot_general3A_30 {dimension_numbers = #tpu.dot_dimension_numbers<[1], [0], [0], [1], [0, 0, 1, 1], [], []>, precision = #tpu.contract_precision<fp32>, transpose_lhs_hint = false} : vector<400x128xf32>, vector<128x128xf32>, vector<400x128xf32> -> vector<400x128xf32>
    %add3A_32 = arith.addf %dot_general3A_23, %dot_general3A_31 : vector<400x128xf32>
    %get3A_33 = arith.constant 0 : index
    %get3A_34 = arith.constant 0 : index
    %get3A_35 = vector.load %arg5[%get3A_33, %get3A_34] : memref<1x128xf32, #tpu.memory_space<vmem>>, vector<1x128xf32>
    %add3A_36 = vector.broadcast %get3A_35 : vector<1x128xf32> to vector<400x128xf32>
    %add3A_37 = arith.addf %add3A_32, %add3A_36 : vector<400x128xf32>
    %tanh3A = math.tanh %add3A_37 : vector<400x128xf32>
    %swap3A = arith.constant 0 : index
    %swap3A_38 = arith.constant 0 : index
    %swap3A_39 = vector.load %arg7[%swap3A, %swap3A_38] : memref<400x128xf32, #tpu.memory_space<vmem>>, vector<400x128xf32>
    tpu.vector_store %arg7[%swap3A, %swap3A_38], %tanh3A {strides = array<i32>} : memref<400x128xf32, #tpu.memory_space<vmem>>, vector<400x128xf32>,
    return
  }
  func.func @transform_0(%arg0: i32) -> (i32, i32, i32) {
    %c0_i32 = arith.constant 0 : i32
    %c0_i32_0 = arith.constant 0 : i32
    %c0_i32_1 = arith.constant 0 : i32
    return %c0_i32, %arg0, %c0_i32_0 : i32, i32, i32
  }
  func.func @transform_1(%arg0: i32) -> (i32, i32, i32) {
    %c0_i32 = arith.constant 0 : i32
    %c0_i32_0 = arith.constant 0 : i32
    %c0_i32_1 = arith.constant 0 : i32
    return %c0_i32, %arg0, %c0_i32_0 : i32, i32, i32
  }
  func.func @transform_2(%arg0: i32) -> (i32, i32) {
    %c0_i32 = arith.constant 0 : i32
    %c0_i32_0 = arith.constant 0 : i32
    return %arg0, %c0_i32 : i32, i32
  }
  func.func @transform_3(%arg0: i32) -> (i32, i32) {
    %c0_i32 = arith.constant 0 : i32
    %c0_i32_0 = arith.constant 0 : i32
    %c0_i32_1 = arith.constant 0 : i32
    return %c0_i32, %c0_i32_0 : i32, i32
  }
  func.func @transform_4(%arg0: i32) -> (i32, i32) {
    %c0_i32 = arith.constant 0 : i32
    %c0_i32_0 = arith.constant 0 : i32
    %c0_i32_1 = arith.constant 0 : i32
    return %c0_i32, %c0_i32_0 : i32, i32
  }
  func.func @transform_5(%arg0: i32) -> (i32, i32) {
    %c0_i32 = arith.constant 0 : i32
    %c0_i32_0 = arith.constant 0 : i32
    %c0_i32_1 = arith.constant 0 : i32
    return %c0_i32, %c0_i32_0 : i32, i32
  }
  func.func @transform_6(%arg0: i32) -> (i32, i32) {
    %c0_i32 = arith.constant 0 : i32
    %c0_i32_0 = arith.constant 0 : i32
    return %arg0, %c0_i32 : i32, i32
  }
}

module attributes {stable_mosaic.version = 14 : i64} {
  func.func @_final_body(%arg0: i32, %arg1: memref<2x400x128xf32, #tpu.memory_space<vmem>>, %arg2: memref<2x400x16xf32, #tpu.memory_space<vmem>>, %arg3: memref<400x128xf32, #tpu.memory_space<vmem>>, %arg4: memref<128x128xf32, #tpu.memory_space<vmem>>, %arg5: memref<1x128xf32, #tpu.memory_space<vmem>>, %arg6: memref<128x128xf32, #tpu.memory_space<vmem>>, %arg7: memref<1x400x1xi32, #tpu.memory_space<vmem>>, %arg8: memref<128x128xf32, #tpu.memory_space<vmem>>, %arg9: memref<1x128xf32, #tpu.memory_space<vmem>>, %arg10: memref<128x3xf32, #tpu.memory_space<vmem>>, %arg11: memref<1x3xf32, #tpu.memory_space<vmem>>, %arg12: memref<16x3xf32, #tpu.memory_space<vmem>>, %arg13: memref<16x128xf32, #tpu.memory_space<vmem>>) attributes {dimension_semantics = [#tpu.dimension_semantics<arbitrary>], iteration_bounds = array<i64: 25>, scalar_prefetch = 0 : i64, scratch_operands = 1 : i64, tpu.core_type = #tpu.core_type<tc>, window_params = [{transform_indices = @transform_0, window_bounds = array<i64: 2, 400, 128>}, {transform_indices = @transform_1, window_bounds = array<i64: 2, 400, 16>}, {transform_indices = @transform_2, window_bounds = array<i64: 400, 128>}, {pipeline_mode = #tpu.pipeline_mode<synchronous>, transform_indices = @transform_3, window_bounds = array<i64: 128, 128>}, {pipeline_mode = #tpu.pipeline_mode<synchronous>, transform_indices = @transform_4, window_bounds = array<i64: 1, 128>}, {pipeline_mode = #tpu.pipeline_mode<synchronous>, transform_indices = @transform_5, window_bounds = array<i64: 128, 128>}, {transform_indices = @transform_6, window_bounds = array<i64: 1, 400, 1>}, {pipeline_mode = #tpu.pipeline_mode<synchronous>, transform_indices = @transform_7, window_bounds = array<i64: 128, 128>}, {pipeline_mode = #tpu.pipeline_mode<synchronous>, transform_indices = @transform_8, window_bounds = array<i64: 1, 128>}, {pipeline_mode = #tpu.pipeline_mode<synchronous>, transform_indices = @transform_9, window_bounds = array<i64: 128, 3>}, {pipeline_mode = #tpu.pipeline_mode<synchronous>, transform_indices = @transform_10, window_bounds = array<i64: 1, 3>}, {pipeline_mode = #tpu.pipeline_mode<synchronous>, transform_indices = @transform_11, window_bounds = array<i64: 16, 3>}]} {
    %eq3A = arith.constant 0 : i32
    %eq3A_0 = arith.cmpi eq, %arg0, %eq3A : i32
    %convert_element_type3A = arith.extui %eq3A_0 : i1 to i32
    %cond3A = arith.constant 0 : i32
    %cond3A_1 = arith.cmpi ne, %convert_element_type3A, %cond3A : i32
    scf.if %cond3A_1 {
      %broadcast_in_dim3A_228 = arith.constant 0xFF800000 : f32
      %broadcast_in_dim3A_229 = vector.broadcast %broadcast_in_dim3A_228 : f32 to vector<16x128xf32>
      %swap3A_230 = arith.constant 0 : index
      %swap3A_231 = arith.constant 0 : index
      %swap3A_232 = vector.load %arg13[%swap3A_230, %swap3A_231] : memref<16x128xf32, #tpu.memory_space<vmem>>, vector<16x128xf32>
      tpu.vector_store %arg13[%swap3A_230, %swap3A_231], %broadcast_in_dim3A_229 {strides = array<i32>} : memref<16x128xf32, #tpu.memory_space<vmem>>, vector<16x128xf32>,
    } else {
    }
    %get3A = arith.constant 0 : index
    %get3A_2 = arith.constant 0 : index
    %get3A_3 = arith.constant 0 : index
    %get3A_4 = vector.load %arg1[%get3A, %get3A_2, %get3A_3] : memref<2x400x128xf32, #tpu.memory_space<vmem>>, vector<2x400x128xf32>
    %get3A_5 = arith.constant 0 : index
    %get3A_6 = arith.constant 0 : index
    %get3A_7 = arith.constant 0 : index
    %get3A_8 = vector.load %arg2[%get3A_5, %get3A_6, %get3A_7] : memref<2x400x16xf32, #tpu.memory_space<vmem>>, vector<2x400x16xf32>
    %slice3A = vector.extract_strided_slice %get3A_4 {offsets = [0, 0, 0], sizes = [1, 400, 128], strides = [1, 1, 1]} : vector<2x400x128xf32> to vector<1x400x128xf32>
    %squeeze3A = vector.shape_cast %slice3A : vector<1x400x128xf32> to vector<400x128xf32>
    %slice3A_9 = vector.extract_strided_slice %get3A_4 {offsets = [1, 0, 0], sizes = [1, 400, 128], strides = [1, 1, 1]} : vector<2x400x128xf32> to vector<1x400x128xf32>
    %squeeze3A_10 = vector.shape_cast %slice3A_9 : vector<1x400x128xf32> to vector<400x128xf32>
    %add3A = arith.addf %squeeze3A, %squeeze3A_10 : vector<400x128xf32>
    %slice3A_11 = vector.extract_strided_slice %get3A_8 {offsets = [0, 0, 0], sizes = [1, 400, 16], strides = [1, 1, 1]} : vector<2x400x16xf32> to vector<1x400x16xf32>
    %squeeze3A_12 = vector.shape_cast %slice3A_11 : vector<1x400x16xf32> to vector<400x16xf32>
    %slice3A_13 = vector.extract_strided_slice %get3A_8 {offsets = [1, 0, 0], sizes = [1, 400, 16], strides = [1, 1, 1]} : vector<2x400x16xf32> to vector<1x400x16xf32>
    %squeeze3A_14 = vector.shape_cast %slice3A_13 : vector<1x400x16xf32> to vector<400x16xf32>
    %add3A_15 = arith.addf %squeeze3A_12, %squeeze3A_14 : vector<400x16xf32>
    %slice3A_16 = vector.extract_strided_slice %add3A_15 {offsets = [0, 0], sizes = [400, 1], strides = [1, 1]} : vector<400x16xf32> to vector<400x1xf32>
    %max3A = arith.constant 1.000000e+00 : f32
    %max3A_17 = vector.broadcast %max3A : f32 to vector<400x1xf32>
    %max3A_18 = arith.maximumf %slice3A_16, %max3A_17 : vector<400x1xf32>
    %div3A = arith.constant 1.000000e+00 : f32
    %div3A_19 = vector.broadcast %div3A : f32 to vector<400x1xf32>
    %div3A_20 = arith.divf %div3A_19, %max3A_18 : vector<400x1xf32>
    %mul3A = vector.broadcast %div3A_20 : vector<400x1xf32> to vector<400x128xf32>
    %mul3A_21 = arith.mulf %add3A, %mul3A : vector<400x128xf32>
    %get3A_22 = arith.constant 0 : index
    %get3A_23 = arith.constant 0 : index
    %get3A_24 = vector.load %arg4[%get3A_22, %get3A_23] : memref<128x128xf32, #tpu.memory_space<vmem>>, vector<128x128xf32>
    %dot_general3A = arith.constant dense<0.000000e+00> : vector<400x128xf32>
    %dot_general3A_25 = tpu.matmul %mul3A_21, %get3A_24, %dot_general3A {dimension_numbers = #tpu.dot_dimension_numbers<[1], [0], [0], [1], [0, 0, 1, 1], [], []>, precision = #tpu.contract_precision<fp32>, transpose_lhs_hint = false} : vector<400x128xf32>, vector<128x128xf32>, vector<400x128xf32> -> vector<400x128xf32>
    %get3A_26 = arith.constant 0 : index
    %get3A_27 = arith.constant 0 : index
    %get3A_28 = vector.load %arg3[%get3A_26, %get3A_27] : memref<400x128xf32, #tpu.memory_space<vmem>>, vector<400x128xf32>
    %get3A_29 = arith.constant 0 : index
    %get3A_30 = arith.constant 0 : index
    %get3A_31 = vector.load %arg6[%get3A_29, %get3A_30] : memref<128x128xf32, #tpu.memory_space<vmem>>, vector<128x128xf32>
    %dot_general3A_32 = arith.constant dense<0.000000e+00> : vector<400x128xf32>
    %dot_general3A_33 = tpu.matmul %get3A_28, %get3A_31, %dot_general3A_32 {dimension_numbers = #tpu.dot_dimension_numbers<[1], [0], [0], [1], [0, 0, 1, 1], [], []>, precision = #tpu.contract_precision<fp32>, transpose_lhs_hint = false} : vector<400x128xf32>, vector<128x128xf32>, vector<400x128xf32> -> vector<400x128xf32>
    %add3A_34 = arith.addf %dot_general3A_25, %dot_general3A_33 : vector<400x128xf32>
    %get3A_35 = arith.constant 0 : index
    %get3A_36 = arith.constant 0 : index
    %get3A_37 = vector.load %arg5[%get3A_35, %get3A_36] : memref<1x128xf32, #tpu.memory_space<vmem>>, vector<1x128xf32>
    %add3A_38 = vector.broadcast %get3A_37 : vector<1x128xf32> to vector<400x128xf32>
    %add3A_39 = arith.addf %add3A_34, %add3A_38 : vector<400x128xf32>
    %tanh3A = math.tanh %add3A_39 : vector<400x128xf32>
    %get3A_40 = arith.constant 0 : index
    %get3A_41 = arith.constant 0 : index
    %get3A_42 = arith.constant 0 : index
    %get3A_43 = vector.load %arg7[%get3A_40, %get3A_41, %get3A_42] : memref<1x400x1xi32, #tpu.memory_space<vmem>>, vector<1x400x1xi32>
    %get3A_44 = vector.shape_cast %get3A_43 : vector<1x400x1xi32> to vector<400x1xi32>
    %get3A_45 = arith.constant 0 : index
    %get3A_46 = arith.constant 0 : index
    %get3A_47 = vector.load %arg13[%get3A_45, %get3A_46] : memref<16x128xf32, #tpu.memory_space<vmem>>, vector<16x128xf32>
    %eq3A_48 = arith.constant 0 : i32
    %eq3A_49 = vector.broadcast %eq3A_48 : i32 to vector<400x1xi32>
    %eq3A_50 = arith.cmpi eq, %get3A_44, %eq3A_49 : vector<400x1xi32>
    %jit3A = arith.constant 0xFF800000 : f32
    %broadcast_in_dim3A = vector.shape_cast %eq3A_50 : vector<400x1xi1> to vector<400x1xi1>
    %broadcast_in_dim3A_51 = vector.broadcast %broadcast_in_dim3A : vector<400x1xi1> to vector<400x128xi1>
    %broadcast_in_dim3A_52 = vector.broadcast %jit3A : f32 to vector<400x128xf32>
    %select_n3A = arith.select %broadcast_in_dim3A_51, %tanh3A, %broadcast_in_dim3A_52 : vector<400x128xi1>, vector<400x128xf32>
    %reduce_max3A = arith.constant dense<0xFF800000> : vector<128xf32>
    %reduce_max3A_53 = vector.multi_reduction <maximumf>, %select_n3A, %reduce_max3A [0] : vector<400x128xf32> to vector<128xf32>
    %broadcast_in_dim3A_54 = vector.shape_cast %reduce_max3A_53 : vector<128xf32> to vector<1x128xf32>
    %eq3A_55 = arith.constant 1 : i32
    %eq3A_56 = vector.broadcast %eq3A_55 : i32 to vector<400x1xi32>
    %eq3A_57 = arith.cmpi eq, %get3A_44, %eq3A_56 : vector<400x1xi32>
    %jit3A_58 = arith.constant 0xFF800000 : f32
    %broadcast_in_dim3A_59 = vector.shape_cast %eq3A_57 : vector<400x1xi1> to vector<400x1xi1>
    %broadcast_in_dim3A_60 = vector.broadcast %broadcast_in_dim3A_59 : vector<400x1xi1> to vector<400x128xi1>
    %broadcast_in_dim3A_61 = vector.broadcast %jit3A_58 : f32 to vector<400x128xf32>
    %select_n3A_62 = arith.select %broadcast_in_dim3A_60, %tanh3A, %broadcast_in_dim3A_61 : vector<400x128xi1>, vector<400x128xf32>
    %reduce_max3A_63 = arith.constant dense<0xFF800000> : vector<128xf32>
    %reduce_max3A_64 = vector.multi_reduction <maximumf>, %select_n3A_62, %reduce_max3A_63 [0] : vector<400x128xf32> to vector<128xf32>
    %broadcast_in_dim3A_65 = vector.shape_cast %reduce_max3A_64 : vector<128xf32> to vector<1x128xf32>
    %eq3A_66 = arith.constant 2 : i32
    %eq3A_67 = vector.broadcast %eq3A_66 : i32 to vector<400x1xi32>
    %eq3A_68 = arith.cmpi eq, %get3A_44, %eq3A_67 : vector<400x1xi32>
    %jit3A_69 = arith.constant 0xFF800000 : f32
    %broadcast_in_dim3A_70 = vector.shape_cast %eq3A_68 : vector<400x1xi1> to vector<400x1xi1>
    %broadcast_in_dim3A_71 = vector.broadcast %broadcast_in_dim3A_70 : vector<400x1xi1> to vector<400x128xi1>
    %broadcast_in_dim3A_72 = vector.broadcast %jit3A_69 : f32 to vector<400x128xf32>
    %select_n3A_73 = arith.select %broadcast_in_dim3A_71, %tanh3A, %broadcast_in_dim3A_72 : vector<400x128xi1>, vector<400x128xf32>
    %reduce_max3A_74 = arith.constant dense<0xFF800000> : vector<128xf32>
    %reduce_max3A_75 = vector.multi_reduction <maximumf>, %select_n3A_73, %reduce_max3A_74 [0] : vector<400x128xf32> to vector<128xf32>
    %broadcast_in_dim3A_76 = vector.shape_cast %reduce_max3A_75 : vector<128xf32> to vector<1x128xf32>
    %eq3A_77 = arith.constant 3 : i32
    %eq3A_78 = vector.broadcast %eq3A_77 : i32 to vector<400x1xi32>
    %eq3A_79 = arith.cmpi eq, %get3A_44, %eq3A_78 : vector<400x1xi32>
    %jit3A_80 = arith.constant 0xFF800000 : f32
    %broadcast_in_dim3A_81 = vector.shape_cast %eq3A_79 : vector<400x1xi1> to vector<400x1xi1>
    %broadcast_in_dim3A_82 = vector.broadcast %broadcast_in_dim3A_81 : vector<400x1xi1> to vector<400x128xi1>
    %broadcast_in_dim3A_83 = vector.broadcast %jit3A_80 : f32 to vector<400x128xf32>
    %select_n3A_84 = arith.select %broadcast_in_dim3A_82, %tanh3A, %broadcast_in_dim3A_83 : vector<400x128xi1>, vector<400x128xf32>
    %reduce_max3A_85 = arith.constant dense<0xFF800000> : vector<128xf32>
    %reduce_max3A_86 = vector.multi_reduction <maximumf>, %select_n3A_84, %reduce_max3A_85 [0] : vector<400x128xf32> to vector<128xf32>
    %broadcast_in_dim3A_87 = vector.shape_cast %reduce_max3A_86 : vector<128xf32> to vector<1x128xf32>
    %eq3A_88 = arith.constant 4 : i32
    %eq3A_89 = vector.broadcast %eq3A_88 : i32 to vector<400x1xi32>
    %eq3A_90 = arith.cmpi eq, %get3A_44, %eq3A_89 : vector<400x1xi32>
    %jit3A_91 = arith.constant 0xFF800000 : f32
    %broadcast_in_dim3A_92 = vector.shape_cast %eq3A_90 : vector<400x1xi1> to vector<400x1xi1>
    %broadcast_in_dim3A_93 = vector.broadcast %broadcast_in_dim3A_92 : vector<400x1xi1> to vector<400x128xi1>
    %broadcast_in_dim3A_94 = vector.broadcast %jit3A_91 : f32 to vector<400x128xf32>
    %select_n3A_95 = arith.select %broadcast_in_dim3A_93, %tanh3A, %broadcast_in_dim3A_94 : vector<400x128xi1>, vector<400x128xf32>
    %reduce_max3A_96 = arith.constant dense<0xFF800000> : vector<128xf32>
    %reduce_max3A_97 = vector.multi_reduction <maximumf>, %select_n3A_95, %reduce_max3A_96 [0] : vector<400x128xf32> to vector<128xf32>
    %broadcast_in_dim3A_98 = vector.shape_cast %reduce_max3A_97 : vector<128xf32> to vector<1x128xf32>
    %eq3A_99 = arith.constant 5 : i32
    %eq3A_100 = vector.broadcast %eq3A_99 : i32 to vector<400x1xi32>
    %eq3A_101 = arith.cmpi eq, %get3A_44, %eq3A_100 : vector<400x1xi32>
    %jit3A_102 = arith.constant 0xFF800000 : f32
    %broadcast_in_dim3A_103 = vector.shape_cast %eq3A_101 : vector<400x1xi1> to vector<400x1xi1>
    %broadcast_in_dim3A_104 = vector.broadcast %broadcast_in_dim3A_103 : vector<400x1xi1> to vector<400x128xi1>
    %broadcast_in_dim3A_105 = vector.broadcast %jit3A_102 : f32 to vector<400x128xf32>
    %select_n3A_106 = arith.select %broadcast_in_dim3A_104, %tanh3A, %broadcast_in_dim3A_105 : vector<400x128xi1>, vector<400x128xf32>
    %reduce_max3A_107 = arith.constant dense<0xFF800000> : vector<128xf32>
    %reduce_max3A_108 = vector.multi_reduction <maximumf>, %select_n3A_106, %reduce_max3A_107 [0] : vector<400x128xf32> to vector<128xf32>
    %broadcast_in_dim3A_109 = vector.shape_cast %reduce_max3A_108 : vector<128xf32> to vector<1x128xf32>
    %eq3A_110 = arith.constant 6 : i32
    %eq3A_111 = vector.broadcast %eq3A_110 : i32 to vector<400x1xi32>
    %eq3A_112 = arith.cmpi eq, %get3A_44, %eq3A_111 : vector<400x1xi32>
    %jit3A_113 = arith.constant 0xFF800000 : f32
    %broadcast_in_dim3A_114 = vector.shape_cast %eq3A_112 : vector<400x1xi1> to vector<400x1xi1>
    %broadcast_in_dim3A_115 = vector.broadcast %broadcast_in_dim3A_114 : vector<400x1xi1> to vector<400x128xi1>
    %broadcast_in_dim3A_116 = vector.broadcast %jit3A_113 : f32 to vector<400x128xf32>
    %select_n3A_117 = arith.select %broadcast_in_dim3A_115, %tanh3A, %broadcast_in_dim3A_116 : vector<400x128xi1>, vector<400x128xf32>
    %reduce_max3A_118 = arith.constant dense<0xFF800000> : vector<128xf32>
    %reduce_max3A_119 = vector.multi_reduction <maximumf>, %select_n3A_117, %reduce_max3A_118 [0] : vector<400x128xf32> to vector<128xf32>
    %broadcast_in_dim3A_120 = vector.shape_cast %reduce_max3A_119 : vector<128xf32> to vector<1x128xf32>
    %eq3A_121 = arith.constant 7 : i32
    %eq3A_122 = vector.broadcast %eq3A_121 : i32 to vector<400x1xi32>
    %eq3A_123 = arith.cmpi eq, %get3A_44, %eq3A_122 : vector<400x1xi32>
    %jit3A_124 = arith.constant 0xFF800000 : f32
    %broadcast_in_dim3A_125 = vector.shape_cast %eq3A_123 : vector<400x1xi1> to vector<400x1xi1>
    %broadcast_in_dim3A_126 = vector.broadcast %broadcast_in_dim3A_125 : vector<400x1xi1> to vector<400x128xi1>
    %broadcast_in_dim3A_127 = vector.broadcast %jit3A_124 : f32 to vector<400x128xf32>
    %select_n3A_128 = arith.select %broadcast_in_dim3A_126, %tanh3A, %broadcast_in_dim3A_127 : vector<400x128xi1>, vector<400x128xf32>
    %reduce_max3A_129 = arith.constant dense<0xFF800000> : vector<128xf32>
    %reduce_max3A_130 = vector.multi_reduction <maximumf>, %select_n3A_128, %reduce_max3A_129 [0] : vector<400x128xf32> to vector<128xf32>
    %broadcast_in_dim3A_131 = vector.shape_cast %reduce_max3A_130 : vector<128xf32> to vector<1x128xf32>
    %eq3A_132 = arith.constant 8 : i32
    %eq3A_133 = vector.broadcast %eq3A_132 : i32 to vector<400x1xi32>
    %eq3A_134 = arith.cmpi eq, %get3A_44, %eq3A_133 : vector<400x1xi32>
    %jit3A_135 = arith.constant 0xFF800000 : f32
    %broadcast_in_dim3A_136 = vector.shape_cast %eq3A_134 : vector<400x1xi1> to vector<400x1xi1>
    %broadcast_in_dim3A_137 = vector.broadcast %broadcast_in_dim3A_136 : vector<400x1xi1> to vector<400x128xi1>
    %broadcast_in_dim3A_138 = vector.broadcast %jit3A_135 : f32 to vector<400x128xf32>
    %select_n3A_139 = arith.select %broadcast_in_dim3A_137, %tanh3A, %broadcast_in_dim3A_138 : vector<400x128xi1>, vector<400x128xf32>
    %reduce_max3A_140 = arith.constant dense<0xFF800000> : vector<128xf32>
    %reduce_max3A_141 = vector.multi_reduction <maximumf>, %select_n3A_139, %reduce_max3A_140 [0] : vector<400x128xf32> to vector<128xf32>
    %broadcast_in_dim3A_142 = vector.shape_cast %reduce_max3A_141 : vector<128xf32> to vector<1x128xf32>
    %eq3A_143 = arith.constant 9 : i32
    %eq3A_144 = vector.broadcast %eq3A_143 : i32 to vector<400x1xi32>
    %eq3A_145 = arith.cmpi eq, %get3A_44, %eq3A_144 : vector<400x1xi32>
    %jit3A_146 = arith.constant 0xFF800000 : f32
    %broadcast_in_dim3A_147 = vector.shape_cast %eq3A_145 : vector<400x1xi1> to vector<400x1xi1>
    %broadcast_in_dim3A_148 = vector.broadcast %broadcast_in_dim3A_147 : vector<400x1xi1> to vector<400x128xi1>
    %broadcast_in_dim3A_149 = vector.broadcast %jit3A_146 : f32 to vector<400x128xf32>
    %select_n3A_150 = arith.select %broadcast_in_dim3A_148, %tanh3A, %broadcast_in_dim3A_149 : vector<400x128xi1>, vector<400x128xf32>
    %reduce_max3A_151 = arith.constant dense<0xFF800000> : vector<128xf32>
    %reduce_max3A_152 = vector.multi_reduction <maximumf>, %select_n3A_150, %reduce_max3A_151 [0] : vector<400x128xf32> to vector<128xf32>
    %broadcast_in_dim3A_153 = vector.shape_cast %reduce_max3A_152 : vector<128xf32> to vector<1x128xf32>
    %eq3A_154 = arith.constant 10 : i32
    %eq3A_155 = vector.broadcast %eq3A_154 : i32 to vector<400x1xi32>
    %eq3A_156 = arith.cmpi eq, %get3A_44, %eq3A_155 : vector<400x1xi32>
    %jit3A_157 = arith.constant 0xFF800000 : f32
    %broadcast_in_dim3A_158 = vector.shape_cast %eq3A_156 : vector<400x1xi1> to vector<400x1xi1>
    %broadcast_in_dim3A_159 = vector.broadcast %broadcast_in_dim3A_158 : vector<400x1xi1> to vector<400x128xi1>
    %broadcast_in_dim3A_160 = vector.broadcast %jit3A_157 : f32 to vector<400x128xf32>
    %select_n3A_161 = arith.select %broadcast_in_dim3A_159, %tanh3A, %broadcast_in_dim3A_160 : vector<400x128xi1>, vector<400x128xf32>
    %reduce_max3A_162 = arith.constant dense<0xFF800000> : vector<128xf32>
    %reduce_max3A_163 = vector.multi_reduction <maximumf>, %select_n3A_161, %reduce_max3A_162 [0] : vector<400x128xf32> to vector<128xf32>
    %broadcast_in_dim3A_164 = vector.shape_cast %reduce_max3A_163 : vector<128xf32> to vector<1x128xf32>
    %eq3A_165 = arith.constant 11 : i32
    %eq3A_166 = vector.broadcast %eq3A_165 : i32 to vector<400x1xi32>
    %eq3A_167 = arith.cmpi eq, %get3A_44, %eq3A_166 : vector<400x1xi32>
    %jit3A_168 = arith.constant 0xFF800000 : f32
    %broadcast_in_dim3A_169 = vector.shape_cast %eq3A_167 : vector<400x1xi1> to vector<400x1xi1>
    %broadcast_in_dim3A_170 = vector.broadcast %broadcast_in_dim3A_169 : vector<400x1xi1> to vector<400x128xi1>
    %broadcast_in_dim3A_171 = vector.broadcast %jit3A_168 : f32 to vector<400x128xf32>
    %select_n3A_172 = arith.select %broadcast_in_dim3A_170, %tanh3A, %broadcast_in_dim3A_171 : vector<400x128xi1>, vector<400x128xf32>
    %reduce_max3A_173 = arith.constant dense<0xFF800000> : vector<128xf32>
    %reduce_max3A_174 = vector.multi_reduction <maximumf>, %select_n3A_172, %reduce_max3A_173 [0] : vector<400x128xf32> to vector<128xf32>
    %broadcast_in_dim3A_175 = vector.shape_cast %reduce_max3A_174 : vector<128xf32> to vector<1x128xf32>
    %eq3A_176 = arith.constant 12 : i32
    %eq3A_177 = vector.broadcast %eq3A_176 : i32 to vector<400x1xi32>
    %eq3A_178 = arith.cmpi eq, %get3A_44, %eq3A_177 : vector<400x1xi32>
    %jit3A_179 = arith.constant 0xFF800000 : f32
    %broadcast_in_dim3A_180 = vector.shape_cast %eq3A_178 : vector<400x1xi1> to vector<400x1xi1>
    %broadcast_in_dim3A_181 = vector.broadcast %broadcast_in_dim3A_180 : vector<400x1xi1> to vector<400x128xi1>
    %broadcast_in_dim3A_182 = vector.broadcast %jit3A_179 : f32 to vector<400x128xf32>
    %select_n3A_183 = arith.select %broadcast_in_dim3A_181, %tanh3A, %broadcast_in_dim3A_182 : vector<400x128xi1>, vector<400x128xf32>
    %reduce_max3A_184 = arith.constant dense<0xFF800000> : vector<128xf32>
    %reduce_max3A_185 = vector.multi_reduction <maximumf>, %select_n3A_183, %reduce_max3A_184 [0] : vector<400x128xf32> to vector<128xf32>
    %broadcast_in_dim3A_186 = vector.shape_cast %reduce_max3A_185 : vector<128xf32> to vector<1x128xf32>
    %eq3A_187 = arith.constant 13 : i32
    %eq3A_188 = vector.broadcast %eq3A_187 : i32 to vector<400x1xi32>
    %eq3A_189 = arith.cmpi eq, %get3A_44, %eq3A_188 : vector<400x1xi32>
    %jit3A_190 = arith.constant 0xFF800000 : f32
    %broadcast_in_dim3A_191 = vector.shape_cast %eq3A_189 : vector<400x1xi1> to vector<400x1xi1>
    %broadcast_in_dim3A_192 = vector.broadcast %broadcast_in_dim3A_191 : vector<400x1xi1> to vector<400x128xi1>
    %broadcast_in_dim3A_193 = vector.broadcast %jit3A_190 : f32 to vector<400x128xf32>
    %select_n3A_194 = arith.select %broadcast_in_dim3A_192, %tanh3A, %broadcast_in_dim3A_193 : vector<400x128xi1>, vector<400x128xf32>
    %reduce_max3A_195 = arith.constant dense<0xFF800000> : vector<128xf32>
    %reduce_max3A_196 = vector.multi_reduction <maximumf>, %select_n3A_194, %reduce_max3A_195 [0] : vector<400x128xf32> to vector<128xf32>
    %broadcast_in_dim3A_197 = vector.shape_cast %reduce_max3A_196 : vector<128xf32> to vector<1x128xf32>
    %eq3A_198 = arith.constant 14 : i32
    %eq3A_199 = vector.broadcast %eq3A_198 : i32 to vector<400x1xi32>
    %eq3A_200 = arith.cmpi eq, %get3A_44, %eq3A_199 : vector<400x1xi32>
    %jit3A_201 = arith.constant 0xFF800000 : f32
    %broadcast_in_dim3A_202 = vector.shape_cast %eq3A_200 : vector<400x1xi1> to vector<400x1xi1>
    %broadcast_in_dim3A_203 = vector.broadcast %broadcast_in_dim3A_202 : vector<400x1xi1> to vector<400x128xi1>
    %broadcast_in_dim3A_204 = vector.broadcast %jit3A_201 : f32 to vector<400x128xf32>
    %select_n3A_205 = arith.select %broadcast_in_dim3A_203, %tanh3A, %broadcast_in_dim3A_204 : vector<400x128xi1>, vector<400x128xf32>
    %reduce_max3A_206 = arith.constant dense<0xFF800000> : vector<128xf32>
    %reduce_max3A_207 = vector.multi_reduction <maximumf>, %select_n3A_205, %reduce_max3A_206 [0] : vector<400x128xf32> to vector<128xf32>
    %broadcast_in_dim3A_208 = vector.shape_cast %reduce_max3A_207 : vector<128xf32> to vector<1x128xf32>
    %eq3A_209 = arith.constant 15 : i32
    %eq3A_210 = vector.broadcast %eq3A_209 : i32 to vector<400x1xi32>
    %eq3A_211 = arith.cmpi eq, %get3A_44, %eq3A_210 : vector<400x1xi32>
    %jit3A_212 = arith.constant 0xFF800000 : f32
    %broadcast_in_dim3A_213 = vector.shape_cast %eq3A_211 : vector<400x1xi1> to vector<400x1xi1>
    %broadcast_in_dim3A_214 = vector.broadcast %broadcast_in_dim3A_213 : vector<400x1xi1> to vector<400x128xi1>
    %broadcast_in_dim3A_215 = vector.broadcast %jit3A_212 : f32 to vector<400x128xf32>
    %select_n3A_216 = arith.select %broadcast_in_dim3A_214, %tanh3A, %broadcast_in_dim3A_215 : vector<400x128xi1>, vector<400x128xf32>
    %reduce_max3A_217 = arith.constant dense<0xFF800000> : vector<128xf32>
    %reduce_max3A_218 = vector.multi_reduction <maximumf>, %select_n3A_216, %reduce_max3A_217 [0] : vector<400x128xf32> to vector<128xf32>
    %broadcast_in_dim3A_219 = vector.shape_cast %reduce_max3A_218 : vector<128xf32> to vector<1x128xf32>
    %concatenate3A = tpu.concatenate %broadcast_in_dim3A_54, %broadcast_in_dim3A_65, %broadcast_in_dim3A_76, %broadcast_in_dim3A_87, %broadcast_in_dim3A_98, %broadcast_in_dim3A_109, %broadcast_in_dim3A_120, %broadcast_in_dim3A_131, %broadcast_in_dim3A_142, %broadcast_in_dim3A_153, %broadcast_in_dim3A_164, %broadcast_in_dim3A_175, %broadcast_in_dim3A_186, %broadcast_in_dim3A_197, %broadcast_in_dim3A_208, %broadcast_in_dim3A_219 in 0 : vector<1x128xf32>, vector<1x128xf32>, vector<1x128xf32>, vector<1x128xf32>, vector<1x128xf32>, vector<1x128xf32>, vector<1x128xf32>, vector<1x128xf32>, vector<1x128xf32>, vector<1x128xf32>, vector<1x128xf32>, vector<1x128xf32>, vector<1x128xf32>, vector<1x128xf32>, vector<1x128xf32>, vector<1x128xf32> -> vector<16x128xf32>
    %max3A_220 = arith.maximumf %get3A_47, %concatenate3A : vector<16x128xf32>
    %swap3A = arith.constant 0 : index
    %swap3A_221 = arith.constant 0 : index
    %swap3A_222 = vector.load %arg13[%swap3A, %swap3A_221] : memref<16x128xf32, #tpu.memory_space<vmem>>, vector<16x128xf32>
    tpu.vector_store %arg13[%swap3A, %swap3A_221], %max3A_220 {strides = array<i32>} : memref<16x128xf32, #tpu.memory_space<vmem>>, vector<16x128xf32>,
    %eq3A_223 = arith.constant 24 : i32
    %eq3A_224 = arith.cmpi eq, %arg0, %eq3A_223 : i32
    %convert_element_type3A_225 = arith.extui %eq3A_224 : i1 to i32
    %cond3A_226 = arith.constant 0 : i32
    %cond3A_227 = arith.cmpi ne, %convert_element_type3A_225, %cond3A_226 : i32
    scf.if %cond3A_227 {
      %get3A_228 = arith.constant 0 : index
      %get3A_229 = arith.constant 0 : index
      %get3A_230 = vector.load %arg13[%get3A_228, %get3A_229] : memref<16x128xf32, #tpu.memory_space<vmem>>, vector<16x128xf32>
      %gt3A = arith.constant -3.000000e+38 : f32
      %gt3A_231 = vector.broadcast %gt3A : f32 to vector<16x128xf32>
      %gt3A_232 = arith.cmpf ogt, %get3A_230, %gt3A_231 : vector<16x128xf32>
      %jit3A_233 = arith.constant 0.000000e+00 : f32
      %broadcast_in_dim3A_234 = vector.broadcast %jit3A_233 : f32 to vector<16x128xf32>
      %select_n3A_235 = arith.select %gt3A_232, %get3A_230, %broadcast_in_dim3A_234 : vector<16x128xi1>, vector<16x128xf32>
      %get3A_236 = arith.constant 0 : index
      %get3A_237 = arith.constant 0 : index
      %get3A_238 = vector.load %arg8[%get3A_236, %get3A_237] : memref<128x128xf32, #tpu.memory_space<vmem>>, vector<128x128xf32>
      %dot_general3A_239 = arith.constant dense<0.000000e+00> : vector<16x128xf32>
      %dot_general3A_240 = tpu.matmul %select_n3A_235, %get3A_238, %dot_general3A_239 {dimension_numbers = #tpu.dot_dimension_numbers<[1], [0], [0], [1], [0, 0, 1, 1], [], []>, precision = #tpu.contract_precision<fp32>, transpose_lhs_hint = false} : vector<16x128xf32>, vector<128x128xf32>, vector<16x128xf32> -> vector<16x128xf32>
      %get3A_241 = arith.constant 0 : index
      %get3A_242 = arith.constant 0 : index
      %get3A_243 = vector.load %arg9[%get3A_241, %get3A_242] : memref<1x128xf32, #tpu.memory_space<vmem>>, vector<1x128xf32>
      %add3A_244 = vector.broadcast %get3A_243 : vector<1x128xf32> to vector<16x128xf32>
      %add3A_245 = arith.addf %dot_general3A_240, %add3A_244 : vector<16x128xf32>
      %tanh3A_246 = math.tanh %add3A_245 : vector<16x128xf32>
      %get3A_247 = arith.constant 0 : index
      %get3A_248 = arith.constant 0 : index
      %get3A_249 = vector.load %arg8[%get3A_247, %get3A_248] : memref<128x128xf32, #tpu.memory_space<vmem>>, vector<128x128xf32>
      %dot_general3A_250 = arith.constant dense<0.000000e+00> : vector<16x128xf32>
      %dot_general3A_251 = tpu.matmul %tanh3A_246, %get3A_249, %dot_general3A_250 {dimension_numbers = #tpu.dot_dimension_numbers<[1], [0], [0], [1], [0, 0, 1, 1], [], []>, precision = #tpu.contract_precision<fp32>, transpose_lhs_hint = false} : vector<16x128xf32>, vector<128x128xf32>, vector<16x128xf32> -> vector<16x128xf32>
      %get3A_252 = arith.constant 0 : index
      %get3A_253 = arith.constant 0 : index
      %get3A_254 = vector.load %arg9[%get3A_252, %get3A_253] : memref<1x128xf32, #tpu.memory_space<vmem>>, vector<1x128xf32>
      %add3A_255 = vector.broadcast %get3A_254 : vector<1x128xf32> to vector<16x128xf32>
      %add3A_256 = arith.addf %dot_general3A_251, %add3A_255 : vector<16x128xf32>
      %tanh3A_257 = math.tanh %add3A_256 : vector<16x128xf32>
      %get3A_258 = arith.constant 0 : index
      %get3A_259 = arith.constant 0 : index
      %get3A_260 = vector.load %arg8[%get3A_258, %get3A_259] : memref<128x128xf32, #tpu.memory_space<vmem>>, vector<128x128xf32>
      %dot_general3A_261 = arith.constant dense<0.000000e+00> : vector<16x128xf32>
      %dot_general3A_262 = tpu.matmul %tanh3A_257, %get3A_260, %dot_general3A_261 {dimension_numbers = #tpu.dot_dimension_numbers<[1], [0], [0], [1], [0, 0, 1, 1], [], []>, precision = #tpu.contract_precision<fp32>, transpose_lhs_hint = false} : vector<16x128xf32>, vector<128x128xf32>, vector<16x128xf32> -> vector<16x128xf32>
      %get3A_263 = arith.constant 0 : index
      %get3A_264 = arith.constant 0 : index
      %get3A_265 = vector.load %arg9[%get3A_263, %get3A_264] : memref<1x128xf32, #tpu.memory_space<vmem>>, vector<1x128xf32>
      %add3A_266 = vector.broadcast %get3A_265 : vector<1x128xf32> to vector<16x128xf32>
      %add3A_267 = arith.addf %dot_general3A_262, %add3A_266 : vector<16x128xf32>
      %tanh3A_268 = math.tanh %add3A_267 : vector<16x128xf32>
      %get3A_269 = arith.constant 0 : index
      %get3A_270 = arith.constant 0 : index
      %get3A_271 = vector.load %arg10[%get3A_269, %get3A_270] : memref<128x3xf32, #tpu.memory_space<vmem>>, vector<128x3xf32>
      %dot_general3A_272 = arith.constant dense<0.000000e+00> : vector<16x3xf32>
      %dot_general3A_273 = tpu.matmul %tanh3A_268, %get3A_271, %dot_general3A_272 {dimension_numbers = #tpu.dot_dimension_numbers<[1], [0], [0], [1], [0, 0, 1, 1], [], []>, precision = #tpu.contract_precision<fp32>, transpose_lhs_hint = false} : vector<16x128xf32>, vector<128x3xf32>, vector<16x3xf32> -> vector<16x3xf32>
      %get3A_274 = arith.constant 0 : index
      %get3A_275 = arith.constant 0 : index
      %get3A_276 = vector.load %arg11[%get3A_274, %get3A_275] : memref<1x3xf32, #tpu.memory_space<vmem>>, vector<1x3xf32>
      %add3A_277 = vector.broadcast %get3A_276 : vector<1x3xf32> to vector<16x3xf32>
      %add3A_278 = arith.addf %dot_general3A_273, %add3A_277 : vector<16x3xf32>
      %swap3A_279 = arith.constant 0 : index
      %swap3A_280 = arith.constant 0 : index
      %swap3A_281 = vector.load %arg12[%swap3A_279, %swap3A_280] : memref<16x3xf32, #tpu.memory_space<vmem>>, vector<16x3xf32>
      tpu.vector_store %arg12[%swap3A_279, %swap3A_280], %add3A_278 {strides = array<i32>} : memref<16x3xf32, #tpu.memory_space<vmem>>, vector<16x3xf32>,
    } else {
    }
    return
  }
  func.func @transform_0(%arg0: i32) -> (i32, i32, i32) {
    %c0_i32 = arith.constant 0 : i32
    %c0_i32_0 = arith.constant 0 : i32
    %c0_i32_1 = arith.constant 0 : i32
    return %c0_i32, %arg0, %c0_i32_0 : i32, i32, i32
  }
  func.func @transform_1(%arg0: i32) -> (i32, i32, i32) {
    %c0_i32 = arith.constant 0 : i32
    %c0_i32_0 = arith.constant 0 : i32
    %c0_i32_1 = arith.constant 0 : i32
    return %c0_i32, %arg0, %c0_i32_0 : i32, i32, i32
  }
  func.func @transform_2(%arg0: i32) -> (i32, i32) {
    %c0_i32 = arith.constant 0 : i32
    %c0_i32_0 = arith.constant 0 : i32
    return %arg0, %c0_i32 : i32, i32
  }
  func.func @transform_3(%arg0: i32) -> (i32, i32) {
    %c0_i32 = arith.constant 0 : i32
    %c0_i32_0 = arith.constant 0 : i32
    %c0_i32_1 = arith.constant 0 : i32
    return %c0_i32, %c0_i32_0 : i32, i32
  }
  func.func @transform_4(%arg0: i32) -> (i32, i32) {
    %c0_i32 = arith.constant 0 : i32
    %c0_i32_0 = arith.constant 0 : i32
    %c0_i32_1 = arith.constant 0 : i32
    return %c0_i32, %c0_i32_0 : i32, i32
  }
  func.func @transform_5(%arg0: i32) -> (i32, i32) {
    %c0_i32 = arith.constant 0 : i32
    %c0_i32_0 = arith.constant 0 : i32
    %c0_i32_1 = arith.constant 0 : i32
    return %c0_i32, %c0_i32_0 : i32, i32
  }
  func.func @transform_6(%arg0: i32) -> (i32, i32, i32) {
    %c0_i32 = arith.constant 0 : i32
    %c0_i32_0 = arith.constant 0 : i32
    %c0_i32_1 = arith.constant 0 : i32
    return %arg0, %c0_i32, %c0_i32_0 : i32, i32, i32
  }
  func.func @transform_7(%arg0: i32) -> (i32, i32) {
    %c0_i32 = arith.constant 0 : i32
    %c0_i32_0 = arith.constant 0 : i32
    %c0_i32_1 = arith.constant 0 : i32
    return %c0_i32, %c0_i32_0 : i32, i32
  }
  func.func @transform_8(%arg0: i32) -> (i32, i32) {
    %c0_i32 = arith.constant 0 : i32
    %c0_i32_0 = arith.constant 0 : i32
    %c0_i32_1 = arith.constant 0 : i32
    return %c0_i32, %c0_i32_0 : i32, i32
  }
  func.func @transform_9(%arg0: i32) -> (i32, i32) {
    %c0_i32 = arith.constant 0 : i32
    %c0_i32_0 = arith.constant 0 : i32
    %c0_i32_1 = arith.constant 0 : i32
    return %c0_i32, %c0_i32_0 : i32, i32
  }
  func.func @transform_10(%arg0: i32) -> (i32, i32) {
    %c0_i32 = arith.constant 0 : i32
    %c0_i32_0 = arith.constant 0 : i32
    %c0_i32_1 = arith.constant 0 : i32
    return %c0_i32, %c0_i32_0 : i32, i32
  }
  func.func @transform_11(%arg0: i32) -> (i32, i32) {
    %c0_i32 = arith.constant 0 : i32
    %c0_i32_0 = arith.constant 0 : i32
    %c0_i32_1 = arith.constant 0 : i32
    return %c0_i32, %c0_i32_0 : i32, i32
  }
}

</mosaic_0001>

<sc_bundles>
// kernel: kernel.11.cloned.1.call-start
scs
__scs_entry_jumppad:
0x0: {  	(pc) =	sbr.rel $0x88, $3  }
0x1: {  	(tag) =	ssettag $0x0;
	lr =	simm.s32 $0x1  }
0x2: {  	[smem:$0x3F94] =	sst lr;
	_ =	strace $0xD0000000  }
0x3: {  	_ = 	snop  }
0x4: {  	_ = 	snop  }
0x5: {  	_ = 	snop  }
0x6: {  	_ = 	snop  }
0x7: {  	_ = 	snop  }
__scs_overlays_trampoline_lowered:
0x8: {  	[smem:$0x3FA3] =	sst s0  }
0x9: {  	[smem:$0x3FA4] =	sst s1  }
0xa: {  	[smem:$0x3FA5] =	sst s2  }
0xb: {  	[smem:$0x3FA6] =	sst s3  }
0xc: {  	[smem:$0x3FA7] =	sst s4  }
0xd: {  	[smem:$0x3FA8] =	sst s5  }
0xe: {  	[smem:$0x3FA9] =	sst s6  }
0xf: {  	[smem:$0x3FAA] =	sst s7  }
0x10: {  	[smem:$0x3FAB] =	sst s8  }
0x11: {  	[smem:$0x3FAC] =	sst s9;
	s0 =	simm.s32 @!p0 $0x0  }
0x12: {  	s1 =	sld [smem:$0x3F92];
	s0 =	simm.s32 @p0 $0x1  }
0x13: {  	[smem:$0x3FAD] =	sst s0;
	s0 =	simm.s32 @!p1 $0x0  }
0x14: {  	s2 =	sld [smem:$0x3F91];
	s0 =	simm.s32 @p1 $0x1  }
0x15: {  	[smem:$0x3FAE] =	sst s0;
	s0 =	simm.s32 @!p2 $0x0  }
0x16: {  	s3 =	sld [smem:$0x3FDB];
	s0 =	simm.s32 @p2 $0x1  }
0x17: {  	s4 =	simm.s32 $0x1BF5;
	[smem:$0x3FB0] =	sst s0  }
0x18: {  	s0 =	sld [smem:$0x3F93];
	_ =	swait.ge [sflag:s4], $0x0  }
0x19: {  	s7 =	sld [smem:$0x3F94]  }
0x1a: {  	s8 =	sadd.s32 $0xFFFFE003, lr  }
0x1b: {  	s9 =	sadd.s32 $0xFFFFFEF7, lr;
	s5 =	simm.s32 $0xFFFFFFFF;
	p2 =	slt.u32 s8, $0xFFFFF086  }
0x1c: {  	p1 =	slt.u32 s9, $0xF7A;
	s5 =	simm.s32 @!p2 $0x0  }
0x1d: {  	s5 =	simm.s32 @p1 $0x1;
	p0 =	seq.s32 s7, s2  }
0x1e: {  	s7 =	smul.u32 @!p0 $0xF7A, s2;
	p2 =	seq.s32 @!p0 s5, $0x0  }
0x1f: {  	s9 =	smul.u32 $0xF7A, s1;
	s8 =	simm.s32 @!p0 $0x1BF5;
	p2 =	por !p2, p0  }
0x20: {  	[sflag:s8] =	ssyncset.s32 @!p0 $0xFFFFF086;
	s6 =	sadd.s32 @!p0 s3, s7;
	s7 =	simm.s32 @!p0 $0x108  }
0x21: {  	s3 =	sadd.s32 s3, s9;
	s6 =	sadd.s32 @!p0 $0x88, s6;
	s7 =	simm.s32 @p2 $0x1082  }
0x22: {  	[simem:s7], [sflag:s8] =	dma.local @!p0 [hbm:s6], $0xF7A  }
0x23: {  	s9 =	sor.u32 $0xD0000000, s2;
	s6 =	simm.s32 $0x108;
	_ =	swait.ge @!p0 [sflag:s8], $0x0  }
0x24: {  	s3 =	sadd.s32 $0x88, s3;
	s6 =	simm.s32 @!p1 $0x1082;
	[sflag:s4] =	ssyncset.s32 $0xFFFFF086  }
0x25: {  	[simem:s6], [sflag:s4] =	dma.local [hbm:s3], $0xF7A  }
0x26: {  	[smem:$0x3F94] =	sst s1;
	(tag) =	ssettag s2;
	_ =	strace s9  }
0x27: {  	s1 =	sld [smem:$0x3FA4]  }
0x28: {  	s2 =	sld [smem:$0x3FA5]  }
0x29: {  	s4 =	sld [smem:$0x3FA7]  }
0x2a: {  	p0 =	seq.s32 s5, $0x0;
	s5 =	sld [smem:$0x3FA8]  }
0x2b: {  	s6 =	sld [smem:$0x3FA9]  }
0x2c: {  	s7 =	sld [smem:$0x3FAA]  }
0x2d: {  	s3 =	simm.s32 $0x108;
	s8 =	sld [smem:$0x3FAB]  }
0x2e: {  	s3 =	simm.s32 @!p0 $0x1082;
	s9 =	sld [smem:$0x3FAC]  }
0x2f: {  	lr =	sadd.s32 s0, s3;
	s0 =	sld [smem:$0x3FA3]  }
0x30: {  	s3 =	sld [smem:$0x3FA6]  }
0x31: {  	[smem:$0x3FAF] =	sst s10  }
0x32: {  	s10 =	sld [smem:$0x3FAD];
	_ =	sdelay $0x3  }
0x33: {  	p0 =	seq.s32 s10, $0x1;
	s10 =	sld [smem:$0x3FAF];
	_ =	sdelay $0x3  }
0x34: {  	[smem:$0x3FAF] =	sst s10  }
0x35: {  	s10 =	sld [smem:$0x3FAE];
	_ =	sdelay $0x3  }
0x36: {  	p1 =	seq.s32 s10, $0x1;
	s10 =	sld [smem:$0x3FAF];
	_ =	sdelay $0x3  }
0x37: {  	[smem:$0x3FAF] =	sst s10  }
0x38: {  	s10 =	sld [smem:$0x3FB0]  }
0x39: {  	_ = 	snop;
	(pc) =	sbr.ind lr, $3  }
0x3a: {  	_ = 	snop  }
0x3b: {  	_ = 	snop  }
0x3c: {  	p2 =	seq.s32 s10, $0x1;
	s10 =	sld [smem:$0x3FAF]  }
0x3d: {  	_ =	shalt  }
0x3e: {  	_ =	shalt  }
0x3f: {  	_ =	shalt  }
0x40: {  	_ =	shalt  }
0x41: {  	_ =	shalt  }
0x42: {  	_ =	shalt  }
0x43: {  	_ =	shalt  }
0x44: {  	_ =	shalt  }
0x45: {  	_ =	shalt  }
0x46: {  	_ =	shalt  }
0x47: {  	_ =	shalt  }
0x48: {  	_ =	shalt  }
0x49: {  	_ =	shalt  }
0x4a: {  	_ =	shalt  }
0x4b: {  	_ =	shalt  }
0x4c: {  	_ =	shalt  }
0x4d: {  	_ =	shalt  }
0x4e: {  	_ =	shalt  }
0x4f: {  	_ =	shalt  }
0x50: {  	_ =	shalt  }
0x51: {  	_ =	shalt  }
0x52: {  	_ =	shalt  }
0x53: {  	_ =	shalt  }
0x54: {  	_ =	shalt  }
0x55: {  	_ =	shalt  }
0x56: {  	_ =	shalt  }
0x57: {  	_ =	shalt  }
0x58: {  	_ =	shalt  }
0x59: {  	_ =	shalt  }
0x5a: {  	_ =	shalt  }
0x5b: {  	_ =	shalt  }
0x5c: {  	_ =	shalt  }
0x5d: {  	_ =	shalt  }
0x5e: {  	_ =	shalt  }
0x5f: {  	_ =	shalt  }
0x60: {  	_ =	shalt  }
0x61: {  	_ =	shalt  }
0x62: {  	_ =	shalt  }
0x63: {  	_ =	shalt  }
0x64: {  	_ =	shalt  }
0x65: {  	_ =	shalt  }
0x66: {  	_ =	shalt  }
0x67: {  	_ =	shalt  }
0x68: {  	_ =	shalt  }
0x69: {  	_ =	shalt  }
0x6a: {  	_ =	shalt  }
0x6b: {  	_ =	shalt  }
0x6c: {  	_ =	shalt  }
0x6d: {  	_ =	shalt  }
0x6e: {  	_ =	shalt  }
0x6f: {  	_ =	shalt  }
0x70: {  	_ =	shalt  }
0x71: {  	_ =	shalt  }
0x72: {  	_ =	shalt  }
0x73: {  	_ =	shalt  }
0x74: {  	_ =	shalt  }
0x75: {  	_ =	shalt  }
0x76: {  	_ =	shalt  }
0x77: {  	_ =	shalt  }
0x78: {  	_ =	shalt  }
0x79: {  	_ =	shalt  }
0x7a: {  	_ =	shalt  }
0x7b: {  	_ =	shalt  }
0x7c: {  	_ =	shalt  }
0x7d: {  	_ =	shalt  }
0x7e: {  	_ =	shalt  }
0x7f: {  	_ =	shalt  }
0x80: {  	_ =	shalt  }
0x81: {  	_ =	shalt  }
0x82: {  	_ =	shalt  }
0x83: {  	_ =	shalt  }
0x84: {  	_ =	shalt  }
0x85: {  	_ =	shalt  }
0x86: {  	_ =	shalt  }
0x87: {  	_ =	shalt  }
.Lfunc_end0:
.L_simem_size_0:
called_computation_lowered:
.L_overlay_start_0:
0x88: {  	s2 =	sld [smem:$0x3FD9]  }
0x89: {  	s3 =	sld [smem:$0x3FFE];
	_ =	sdelay $0x1  }
0x8a: {  	s1 =	srdreg.scid  }
0x8b: {  	s0 =	sand.u32 $0x1, s1  }
0x8c: {  	s17 =	sshll.u32 s0, $0xA;
	s2 =	sadd.s32 s3, s2  }
0x8d: {  	s2 =	sadd.s32 s2, s17  }
0x8e: {  	[smem:$0x3FBB] =	sst s2  }
0x8f: {  	_ = 	snop  }
0x90: {  	(tm) =	ssettm $0x1  }
0x91: {  	s18 =	sld [smem:$0x3FFB];
	_ =	sdelay $0x3  }
0x92: {  	_ =	strace s18  }
0x93: {  	s2 =	sld [smem:$0x3FFC];
	_ =	sdelay $0x3  }
0x94: {  	_ =	strace s2  }
0x95: {  	s2 =	sld [smem:$0x3FFD];
	_ =	sdelay $0x3  }
0x96: {  	_ =	strace s2  }
0x97: {  	_ =	strace $0x8FFFFFFF  }
0x98: {  	s19 =	sld [smem:$0x3FDB];
	_ =	sdelay $0x1  }
0x99: {  	s20 =	simm.s32 $_scs_section_size  }
0x9a: {  	s4 =	simm.s32 $_size__tile_overlayer_lowered;
	s5 =	simm.s32 $_tile_overlayer_lowered  }
0x9b: {  	s6 =	simm.s32 $0x1BFF;
	s21 =	sshll.u32 s5, $0x1;
	s3 =	sadd.s32 s20, s19  }
0x9c: {  	s22 =	simm.s32 $0x0;
	s4 =	sshll.u32 s4, $0x1;
	s5 =	sadd.s32 s21, s3  }
0x9d: {  	[timem:s22], [sflag:s6] =	dma.local [hbm:s5], s4  }
0x9e: {  	_ =	swait.ge [sflag:s6], s4  }
0x9f: {  	s4 =	ssub.s32 $0x0, s4;
	[sflag:s6] =	ssyncset.done $0x0  }
0xa0: {  	[sflag:s6] =	ssyncadd.s32 s4;
	_ =	sdelay $0x1  }
0xa1: {  	s23 =	simm.s32 $0x1B8B  }
0xa2: {  	_ =	swait.ge [sflag:s23], $0x1  }
0xa3: {  	[sflag:s23] =	ssyncset.done $0x0  }
0xa4: {  	[sflag:s23] =	ssyncadd.s32 $0xFFFFFFFF  }
0xa5: {  	s4 =	sld [smem:$0x0]  }
0xa6: {  	s5 =	sand.u32 $0xFFFFFFFE, s1  }
0xa7: {  	p0 =	sne.s32 s1, s5  }
0xa8: {  	s5 =	sshll.u32 @p0 s5, $0xE  }
0xa9: {  	s5 =	sadd.s32 @p0 $0x11B8D, s5;
	s6 =	sshll.u32 @p0 s4, $0x11  }
0xaa: {  	s5 =	sor.u32 @p0 s6, s5  }
0xab: {  	[sflag:s5] =	ssyncadd.remote.s32 @p0 $0x1;
	_ =	sdelay $0x1  }
0xac: {  	s5 =	simm.s32 @p0 $0x1B8D  }
0xad: {  	_ =	swait.eq @p0 [sflag:s5], $0x1  }
0xae: {  	[sflag:s5] =	ssyncadd.s32 @p0 $0xFFFFFFFF  }
0xaf: {  	s6 =	sshll.u32 @!p0 s1, $0xE  }
0xb0: {  	s6 =	sor.u32 @!p0 $0x4000, s6;
	s5 =	simm.s32 @!p0 $0x1B8D  }
0xb1: {  	s4 =	sshll.u32 @!p0 s4, $0x11;
	s6 =	sadd.s32 @!p0 $0x11B8D, s6;
	_ =	swait.eq @!p0 [sflag:s5], $0x1  }
0xb2: {  	s4 =	sor.u32 @!p0 s4, s6;
	[sflag:s5] =	ssyncadd.s32 @!p0 $0xFFFFFFFF  }
0xb3: {  	s25 =	simm.s32 $0x1B8E;
	s24 =	sld [smem:$0x3FFE];
	[sflag:s4] =	ssyncadd.remote.s32 @!p0 $0x1  }
0xb4: {  	s26 =	simm.s32 $execute0_lowered;
	[smem:$0x3FD2] =	sst s25  }
0xb5: {  	s5 =	sshll.u32 s26, $0x1;
	_ =	strace $0x80000049;
	[dreg:$0x1] =	wrdreg $0xFFFFFFFF  }
0xb6: {  	s28 =	simm.s32 $_size_execute0_lowered;
	s3 =	sadd.s32 s3, s5;
	[dreg:$0x0] =	wrdreg $0x0  }
0xb7: {  	s5 =	sshll.u32 s28, $0x1;
	[dreg:$0x2] =	wrdreg s3  }
0xb8: {  	[dreg:$0x3] =	wrdreg s5  }
0xb9: {  	[dreg:$0x4] =	wrdreg $0xC0  }
0xba: {  	_ =	task [dreg:s22], $0x5FFFF  }
0xbb: {  	[dreg:$0x1] =	wrdreg $0xFFFFFFFF  }
0xbc: {  	[dreg:$0x0] =	wrdreg $0x60  }
0xbd: {  	[dreg:$0x2] =	wrdreg s24  }
0xbe: {  	[dreg:$0x3] =	wrdreg $0x0  }
0xbf: {  	[dreg:$0x4] =	wrdreg $0x9  }
0xc0: {  	_ =	task.clear_ibuf [dreg:s22], $0x5FFFF;
	_ =	strace $0x90000049  }
0xc1: {  	s29 =	simm.s32 $0x9;
	_ =	strace $0x8000004B  }
0xc2: {  	_ =	swait.ge [sflag:s29], $0x1  }
0xc3: {  	[sflag:s29] =	ssyncadd.s32 $0xFFFFFFFF  }
0xc4: {  	_ =	strace $0x9000004B  }
0xc5: {  	_ =	sfence  }
0xc6: {  	s30 =	sld [smem:$0x0];
	_ =	sdelay $0x2  }
0xc7: {  	s31 =	sshll.u32 s1, $0xD;
	s1 =	sshrl.u32 s1, $0x2  }
0xc8: {  	s4 =	sand.u32 $0x4000, s31;
	s1 =	sadd.s32 s1, s30  }
0xc9: {  	s0 =	sor.u32 s4, s0;
	s1 =	sshll.u32 s1, $0x11  }
0xca: {  	s0 =	sor.u32 s1, s0  }
0xcb: {  	s0 =	sadd.s32 $0x8F2B, s0  }
0xcc: {  	[sflag:s0] =	ssyncadd.remote.s32 $0x1  }
0xcd: {  	_ =	sfence.sel $0xFFFF  }
0xce: {  	[dreg:$0x0] =	wrdreg $0xFFFFFFFF;
	(pc) =	sbr.abs _section_cstart, $3  }
0xcf: {  	[dreg:$0x1] =	wrdreg $0xFFFFFFFF  }
0xd0: {  	_ =	task.clear_ibuf [dreg:s22], $0x2FFFF;
	_ =	strace $0x9FFFFFFF  }
0xd1: {  	(tm) =	ssettm $0x7FFFFFFF  }
tec
execute0_lowered:
.L_overlay_start_1:
0x0: {  	(tag) =	ssettag $0x1  }
0x1: {  	s1 =	srdreg.scid  }
0x2: {  	s0 =	stileid.u32;
	s4 =	rddreg [dreg:$0x0]  }
0x3: {  	s2 =	rddreg [dreg:$0x1];
	s3 =	simm.s32 $0x0;
	s11 =	simm.s32 $0x14000  }
0x4: {  	s12 =	simm.s32 $0x1;
	s13 =	simm.s32 $0x13C00;
	s14 =	simm.s32 $0x80  }
0x5: {  	s15 =	simm.s32 $0x13C80;
	s16 =	simm.s32 $0x13D00;
	s17 =	simm.s32 $0x13D80  }
0x6: {  	s18 =	simm.s32 $0x13E00;
	s19 =	simm.s32 $0x13E80;
	s20 =	simm.s32 $0x13F00  }
0x7: {  	s21 =	simm.s32 $0x13F80;
	s5 =	sand.u32 $0x1, s1;
	s7 =	smul.u32 $0x4F000, s0  }
0x8: {  	s31 =	sshll.u32 s0, $0x1;
	s1 =	rddreg [dreg:$0x2];
	s23 =	smul.u32 $0x2780, s0  }
0x9: {  	[smem:$0x7FF] =	sst s3;
	s6 =	sor.u32 s5, s31;
	s8 =	smul.u32 $0x27800, s5  }
0xa: {  	_ =	strace $0x8000004A;
	s5 =	ssub.s32 $0x2, s5;
	s6 =	smul.u32 $0x500, s6  }
0xb: {  	s9 =	sshrl.u32 s5, $0x1;
	s7 =	sshrl.u32 s7, $0x2;
	s8 =	sadd.s32 s8, s4  }
0xc: {  	s9 =	ssub.s32 s5, s9;
	s6 =	sadd.s32 s6, s4;
	s4 =	sadd.s32 s7, s2  }
0xd: {  	s22 =	sadd.s32 $0x66E00, s8;
	s7 =	smax.u32 s9, $0x1;
	s5 =	sadd.s32 $0x10000, s4  }
0xe: {  	s6 =	sadd.s32 $0x3E00, s6;
	s8 =	sadd.s32 $0x4000, s4;
	s9 =	sadd.s32 $0x8000, s4  }
0xf: {  	v0 =	vimm.f32 $0.0e+00;
	v1 =	vimm.f32 $1.000000000e+00;
	s10 =	sadd.s32 $0xC000, s4;
	s22 =	sadd.s32 s23, s22;
	s23 =	simm.s32 $0x0  }
.LBB2_1:
0x10: {  	s24 =	simm.s32 $0x0;
	s25 =	simm.s32 $0x200  }
.LBB2_2:
0x11: {  	p0 =	sne.s32 s25, $0xFE00;
	[tilespmem:s24+$0x14070] =	vst v0  }
0x12: {  	[tilespmem:s24+$0x14000] =	vst v0  }
0x13: {  	[tilespmem:s24+$0x14010] =	vst v0  }
.Ltmp0:
0x14: {  	[tilespmem:s24+$0x14020] =	vst v0;
	(pc) =	sbr.rel @p0 .LBB2_2-.Ltmp0, $4  }
0x15: {  	[tilespmem:s24+$0x14030] =	vst v0  }
0x16: {  	[tilespmem:s24+$0x14040] =	vst v0  }
0x17: {  	[tilespmem:s24+$0x14050] =	vst v0  }
0x18: {  	[tilespmem:s24+$0x14060] =	vst v0;
	s24 =	sshra.s32 s25, $0x2;
	s25 =	sadd.s32 $0x200, s25  }
0x19: {  	[tilespmem:s24+$0x14070] =	vst v0  }
0x1a: {  	[tilespmem:s24+$0x14000] =	vst v0  }
0x1b: {  	[tilespmem:s24+$0x14010] =	vst v0  }
0x1c: {  	[tilespmem:s24+$0x14020] =	vst v0  }
0x1d: {  	[tilespmem:s24+$0x14030] =	vst v0  }
0x1e: {  	[tilespmem:s24+$0x14040] =	vst v0  }
0x1f: {  	[tilespmem:s24+$0x14050] =	vst v0  }
0x20: {  	[tilespmem:s24+$0x14060] =	vst v0  }
0x21: {  	[spmem:s4] =	stream.linear.scatter [tilespmem:s11], [sflag:$0x1], $0x4000, $0x38;
	[tilespmem:$0x18000] =	vst v63  }
0x22: {  	_ =	swait.ge [sflag:s12], $0x4000  }
0x23: {  	[sflag:s12] =	ssyncset.done $0x0  }
0x24: {  	[sflag:s12] =	ssyncadd.s32 $0xFFFFC000  }
0x25: {  	[spmem:s8] =	stream.linear.scatter [tilespmem:s11], [sflag:$0x1], $0x4000, $0x38;
	[tilespmem:$0x18000] =	vst v63  }
0x26: {  	_ =	swait.ge [sflag:s12], $0x4000  }
0x27: {  	[sflag:s12] =	ssyncset.done $0x0  }
0x28: {  	[sflag:s12] =	ssyncadd.s32 $0xFFFFC000  }
0x29: {  	[spmem:s9] =	stream.linear.scatter [tilespmem:s11], [sflag:$0x1], $0x4000, $0x38;
	[tilespmem:$0x18000] =	vst v63  }
0x2a: {  	_ =	swait.ge [sflag:s12], $0x4000  }
0x2b: {  	[sflag:s12] =	ssyncset.done $0x0  }
0x2c: {  	[sflag:s12] =	ssyncadd.s32 $0xFFFFC000  }
0x2d: {  	[spmem:s10] =	stream.linear.scatter [tilespmem:s11], [sflag:$0x1], $0x4000, $0x38;
	[tilespmem:$0x18000] =	vst v63  }
0x2e: {  	_ =	swait.ge [sflag:s12], $0x4000  }
0x2f: {  	[sflag:s12] =	ssyncset.done $0x0  }
0x30: {  	[sflag:s12] =	ssyncadd.s32 $0xFFFFC000  }
0x31: {  	[spmem:s5] =	stream.linear.scatter [tilespmem:s11], [sflag:$0x1], $0x3C00, $0x38;
	[tilespmem:$0x18000] =	vst v63  }
0x32: {  	_ =	swait.ge [sflag:s12], $0x3C00  }
0x33: {  	[sflag:s12] =	ssyncset.done $0x0  }
0x34: {  	s24 =	simm.s32 $0x200;
	s25 =	simm.s32 $0x0;
	[sflag:s12] =	ssyncadd.s32 $0xFFFFC400  }
.LBB2_4:
0x35: {  	p0 =	sne.s32 s24, $0xFE00;
	[tilespmem:s25+$0x14000] =	vst v1;
	s25 =	smov.u32 s24;
	s24 =	sadd.s32 $0x200, s24  }
.Ltmp1:
0x36: {  	(pc) =	sbr.rel @p0 .LBB2_4-.Ltmp1, $2  }
0x37: {  	_ =	sdelay $0x2  }
0x38: {  	s25 =	sshra.s32 s25, $0x2  }
0x39: {  	[tilespmem:s25+$0x14000] =	vst v1  }
0x3a: {  	s24 =	sadd.s32 $0x0, s6;
	[bflag:$0x0] =	sbarrier.arrive $0xFFFF  }
0x3b: {  	[tilespmem:s13], [sflag:$0x1] =	stream.linear.gather [hbm4b:s24+s3], $0x400, $0x38;
	[tilespmem:$0x18000] =	vst v63  }
0x3c: {  	_ =	swait.ge [sflag:s12], $0x400  }
0x3d: {  	[sflag:s12] =	ssyncset.done $0x0  }
0x3e: {  	[sflag:s12] =	ssyncadd.s32 $0xFFFFFC00  }
0x3f: {  	[spmem:s2] =	stream.indirect.scatter.add.f32 [tilespmem:s11], [sflag:$0x1], $0x80, s13, s14, $0xb8;
	[tilespmem:$0x18000] =	vst v63  }
0x40: {  	_ =	swait.ge [sflag:s12], $0x4000  }
0x41: {  	[sflag:s12] =	ssyncset.done $0x0  }
0x42: {  	[sflag:s12] =	ssyncadd.s32 $0xFFFFC000  }
0x43: {  	[spmem:s2] =	stream.indirect.scatter.add.f32 [tilespmem:s11], [sflag:$0x1], $0x80, s15, s14, $0xb8;
	[tilespmem:$0x18000] =	vst v63  }
0x44: {  	_ =	swait.ge [sflag:s12], $0x4000  }
0x45: {  	[sflag:s12] =	ssyncset.done $0x0  }
0x46: {  	[sflag:s12] =	ssyncadd.s32 $0xFFFFC000  }
0x47: {  	[spmem:s2] =	stream.indirect.scatter.add.f32 [tilespmem:s11], [sflag:$0x1], $0x80, s16, s14, $0xb8;
	[tilespmem:$0x18000] =	vst v63  }
0x48: {  	_ =	swait.ge [sflag:s12], $0x4000  }
0x49: {  	[sflag:s12] =	ssyncset.done $0x0  }
0x4a: {  	[sflag:s12] =	ssyncadd.s32 $0xFFFFC000  }
0x4b: {  	[spmem:s2] =	stream.indirect.scatter.add.f32 [tilespmem:s11], [sflag:$0x1], $0x80, s17, s14, $0xb8;
	[tilespmem:$0x18000] =	vst v63  }
0x4c: {  	_ =	swait.ge [sflag:s12], $0x4000  }
0x4d: {  	[sflag:s12] =	ssyncset.done $0x0  }
0x4e: {  	[sflag:s12] =	ssyncadd.s32 $0xFFFFC000  }
0x4f: {  	[spmem:s2] =	stream.indirect.scatter.add.f32 [tilespmem:s11], [sflag:$0x1], $0x80, s18, s14, $0xb8;
	[tilespmem:$0x18000] =	vst v63  }
0x50: {  	_ =	swait.ge [sflag:s12], $0x4000  }
0x51: {  	[sflag:s12] =	ssyncset.done $0x0  }
0x52: {  	[sflag:s12] =	ssyncadd.s32 $0xFFFFC000  }
0x53: {  	[spmem:s2] =	stream.indirect.scatter.add.f32 [tilespmem:s11], [sflag:$0x1], $0x80, s19, s14, $0xb8;
	[tilespmem:$0x18000] =	vst v63  }
0x54: {  	_ =	swait.ge [sflag:s12], $0x4000  }
0x55: {  	[sflag:s12] =	ssyncset.done $0x0  }
0x56: {  	[sflag:s12] =	ssyncadd.s32 $0xFFFFC000  }
0x57: {  	[spmem:s2] =	stream.indirect.scatter.add.f32 [tilespmem:s11], [sflag:$0x1], $0x80, s20, s14, $0xb8;
	[tilespmem:$0x18000] =	vst v63  }
0x58: {  	_ =	swait.ge [sflag:s12], $0x4000  }
0x59: {  	[sflag:s12] =	ssyncset.done $0x0  }
0x5a: {  	[sflag:s12] =	ssyncadd.s32 $0xFFFFC000  }
0x5b: {  	[spmem:s2] =	stream.indirect.scatter.add.f32 [tilespmem:s11], [sflag:$0x1], $0x80, s21, s14, $0xb8;
	[tilespmem:$0x18000] =	vst v63  }
0x5c: {  	_ =	swait.ge [sflag:s12], $0x4000  }
0x5d: {  	s26 =	simm.s32 $0x100;
	s24 =	simm.s32 $0x80;
	[sflag:s12] =	ssyncset.done $0x0  }
.LBB2_6:
0x5e: {  	s28 =	sadd.s32 s24, s6  }
0x5f: {  	[sflag:s12] =	ssyncadd.s32 $0xFFFFC000;
	s24 =	smov.u32 s26;
	s25 =	sadd.s32 $0x80, s26  }
0x60: {  	[tilespmem:s13], [sflag:$0x1] =	stream.linear.gather [hbm4b:s28+s3], $0x400, $0x38;
	[tilespmem:$0x18000] =	vst v63  }
0x61: {  	p0 =	sne.s32 s26, $0x480;
	_ =	swait.ge [sflag:s12], $0x400  }
0x62: {  	[sflag:s12] =	ssyncset.done $0x0  }
0x63: {  	[sflag:s12] =	ssyncadd.s32 $0xFFFFFC00  }
0x64: {  	[spmem:s2] =	stream.indirect.scatter.add.f32 [tilespmem:s11], [sflag:$0x1], $0x80, s13, s14, $0xb8;
	[tilespmem:$0x18000] =	vst v63  }
0x65: {  	_ =	swait.ge [sflag:s12], $0x4000  }
0x66: {  	[sflag:s12] =	ssyncset.done $0x0  }
0x67: {  	[sflag:s12] =	ssyncadd.s32 $0xFFFFC000  }
0x68: {  	[spmem:s2] =	stream.indirect.scatter.add.f32 [tilespmem:s11], [sflag:$0x1], $0x80, s15, s14, $0xb8;
	[tilespmem:$0x18000] =	vst v63  }
0x69: {  	_ =	swait.ge [sflag:s12], $0x4000  }
0x6a: {  	[sflag:s12] =	ssyncset.done $0x0  }
0x6b: {  	[sflag:s12] =	ssyncadd.s32 $0xFFFFC000  }
0x6c: {  	[spmem:s2] =	stream.indirect.scatter.add.f32 [tilespmem:s11], [sflag:$0x1], $0x80, s16, s14, $0xb8;
	[tilespmem:$0x18000] =	vst v63  }
0x6d: {  	_ =	swait.ge [sflag:s12], $0x4000  }
0x6e: {  	[sflag:s12] =	ssyncset.done $0x0  }
0x6f: {  	[sflag:s12] =	ssyncadd.s32 $0xFFFFC000  }
0x70: {  	[spmem:s2] =	stream.indirect.scatter.add.f32 [tilespmem:s11], [sflag:$0x1], $0x80, s17, s14, $0xb8;
	[tilespmem:$0x18000] =	vst v63  }
0x71: {  	_ =	swait.ge [sflag:s12], $0x4000  }
0x72: {  	[sflag:s12] =	ssyncset.done $0x0  }
0x73: {  	[sflag:s12] =	ssyncadd.s32 $0xFFFFC000  }
0x74: {  	[spmem:s2] =	stream.indirect.scatter.add.f32 [tilespmem:s11], [sflag:$0x1], $0x80, s18, s14, $0xb8;
	[tilespmem:$0x18000] =	vst v63  }
0x75: {  	_ =	swait.ge [sflag:s12], $0x4000  }
0x76: {  	[sflag:s12] =	ssyncset.done $0x0  }
0x77: {  	[sflag:s12] =	ssyncadd.s32 $0xFFFFC000  }
0x78: {  	[spmem:s2] =	stream.indirect.scatter.add.f32 [tilespmem:s11], [sflag:$0x1], $0x80, s19, s14, $0xb8;
	[tilespmem:$0x18000] =	vst v63  }
0x79: {  	_ =	swait.ge [sflag:s12], $0x4000  }
0x7a: {  	[sflag:s12] =	ssyncset.done $0x0  }
0x7b: {  	[sflag:s12] =	ssyncadd.s32 $0xFFFFC000  }
0x7c: {  	[spmem:s2] =	stream.indirect.scatter.add.f32 [tilespmem:s11], [sflag:$0x1], $0x80, s20, s14, $0xb8;
	[tilespmem:$0x18000] =	vst v63  }
0x7d: {  	_ =	swait.ge [sflag:s12], $0x4000  }
.Ltmp2:
0x7e: {  	[sflag:s12] =	ssyncset.done $0x0;
	(pc) =	sbr.rel @p0 .LBB2_6-.Ltmp2, $4  }
0x7f: {  	[sflag:s12] =	ssyncadd.s32 $0xFFFFC000  }
0x80: {  	[spmem:s2] =	stream.indirect.scatter.add.f32 [tilespmem:s11], [sflag:$0x1], $0x80, s21, s14, $0xb8;
	[tilespmem:$0x18000] =	vst v63  }
0x81: {  	_ =	swait.ge [sflag:s12], $0x4000  }
0x82: {  	s26 =	smov.u32 s25;
	[sflag:s12] =	ssyncset.done $0x0  }
0x83: {  	s24 =	sadd.s32 s24, s6;
	[sflag:s12] =	ssyncadd.s32 $0xFFFFC000  }
0x84: {  	[tilespmem:s13], [sflag:$0x1] =	stream.linear.gather [hbm4b:s24+s3], $0x400, $0x38;
	[tilespmem:$0x18000] =	vst v63  }
0x85: {  	_ =	swait.ge [sflag:s12], $0x400  }
0x86: {  	[sflag:s12] =	ssyncset.done $0x0  }
0x87: {  	[sflag:s12] =	ssyncadd.s32 $0xFFFFFC00  }
0x88: {  	[spmem:s2] =	stream.indirect.scatter.add.f32 [tilespmem:s11], [sflag:$0x1], $0x80, s13, s14, $0xb8;
	[tilespmem:$0x18000] =	vst v63  }
0x89: {  	_ =	swait.ge [sflag:s12], $0x4000  }
0x8a: {  	[sflag:s12] =	ssyncset.done $0x0  }
0x8b: {  	[sflag:s12] =	ssyncadd.s32 $0xFFFFC000  }
0x8c: {  	[spmem:s2] =	stream.indirect.scatter.add.f32 [tilespmem:s11], [sflag:$0x1], $0x80, s15, s14, $0xb8;
	[tilespmem:$0x18000] =	vst v63  }
0x8d: {  	_ =	swait.ge [sflag:s12], $0x4000  }
0x8e: {  	[sflag:s12] =	ssyncset.done $0x0  }
0x8f: {  	[sflag:s12] =	ssyncadd.s32 $0xFFFFC000  }
0x90: {  	[spmem:s2] =	stream.indirect.scatter.add.f32 [tilespmem:s11], [sflag:$0x1], $0x80, s16, s14, $0xb8;
	[tilespmem:$0x18000] =	vst v63  }
0x91: {  	_ =	swait.ge [sflag:s12], $0x4000  }
0x92: {  	[sflag:s12] =	ssyncset.done $0x0  }
0x93: {  	[sflag:s12] =	ssyncadd.s32 $0xFFFFC000  }
0x94: {  	[spmem:s2] =	stream.indirect.scatter.add.f32 [tilespmem:s11], [sflag:$0x1], $0x80, s17, s14, $0xb8;
	[tilespmem:$0x18000] =	vst v63  }
0x95: {  	_ =	swait.ge [sflag:s12], $0x4000  }
0x96: {  	[sflag:s12] =	ssyncset.done $0x0  }
0x97: {  	[sflag:s12] =	ssyncadd.s32 $0xFFFFC000  }
0x98: {  	[spmem:s2] =	stream.indirect.scatter.add.f32 [tilespmem:s11], [sflag:$0x1], $0x80, s18, s14, $0xb8;
	[tilespmem:$0x18000] =	vst v63  }
0x99: {  	_ =	swait.ge [sflag:s12], $0x4000  }
0x9a: {  	[sflag:s12] =	ssyncset.done $0x0  }
0x9b: {  	[sflag:s12] =	ssyncadd.s32 $0xFFFFC000  }
0x9c: {  	[spmem:s2] =	stream.indirect.scatter.add.f32 [tilespmem:s11], [sflag:$0x1], $0x80, s19, s14, $0xb8;
	[tilespmem:$0x18000] =	vst v63  }
0x9d: {  	_ =	swait.ge [sflag:s12], $0x4000  }
0x9e: {  	[sflag:s12] =	ssyncset.done $0x0  }
0x9f: {  	[sflag:s12] =	ssyncadd.s32 $0xFFFFC000  }
0xa0: {  	[spmem:s2] =	stream.indirect.scatter.add.f32 [tilespmem:s11], [sflag:$0x1], $0x80, s20, s14, $0xb8;
	[tilespmem:$0x18000] =	vst v63  }
0xa1: {  	_ =	swait.ge [sflag:s12], $0x4000  }
0xa2: {  	[sflag:s12] =	ssyncset.done $0x0  }
0xa3: {  	[sflag:s12] =	ssyncadd.s32 $0xFFFFC000  }
0xa4: {  	[spmem:s2] =	stream.indirect.scatter.add.f32 [tilespmem:s11], [sflag:$0x1], $0x80, s21, s14, $0xb8;
	[tilespmem:$0x18000] =	vst v63  }
0xa5: {  	_ =	swait.ge [sflag:s12], $0x4000  }
0xa6: {  	s31 =	sshll.u32 s0, $0x6;
	s23 =	sadd.s32 $0x1, s23;
	[sflag:s12] =	ssyncset.done $0x0  }
0xa7: {  	s25 =	sshrl.u32 s4, $0x3;
	p0 =	sne.s32 s23, s7;
	[sflag:s12] =	ssyncadd.s32 $0xFFFFC000  }
.Ltmp3:
0xa8: {  	s24 =	sor.u32 $0x1C01, s31;
	[bflag:$0x0] =	sbarrier.arrive $0xFFFF;
	(pc) =	sbr.rel @p0 .LBB2_1-.Ltmp3, $4  }
0xa9: {  	[hbm:s22], [sflag:s24] =	dma.local [spmem:s25], $0x2780  }
0xaa: {  	_ =	swait.ge [sflag:s12], $0x2780  }
0xab: {  	[sflag:s12] =	ssyncset.done $0x0  }
0xac: {  	[sflag:s12] =	ssyncadd.s32 $0xFFFFD880  }
0xad: {  	_ =	sfence.sel $0x180000  }
0xae: {  	[bflag:$0x0] =	sbarrier.arrive $0xFFFF  }
0xaf: {  	p0 =	sne.s32 s0, $0x0;
	_ =	strace $0x9000004A  }
0xb0: {  	s0 =	sadd.s32 @!p0 $0x100000, s1;
	[bflag:$0x2] =	sbarrier.arrive $0xFFFF  }
0xb1: {  	[sflag:s0] =	ssyncadd.tile.s32 @!p0 $0x1;
	_ =	shalt  }
.Lfunc_end2:
_tile_overlayer_lowered:
.L_overlay_start_2:
0xb2: {  	(tag) =	ssettag $0x2  }
0xb3: {  	s0 =	rddreg [dreg:$0x0];
	s2 =	stileid.u32  }
0xb4: {  	s1 =	rddreg [dreg:$0x1];
	p0 =	sne.s32 s2, $0x0  }
0xb5: {  	s3 =	rddreg [dreg:$0x2];
	[bflag:$0x3] =	sbarrier.arrive $0xFFFF;
	s2 =	simm.s32 @!p0 $0x1C01  }
0xb6: {  	[timem:s3], [sflag:s2] =	dma.local @!p0 [hbm:s0], s1  }
0xb7: {  	s0 =	simm.s32 @!p0 $0x1  }
0xb8: {  	_ =	swait.ge @!p0 [sflag:s0], s1  }
0xb9: {  	s1 =	ssub.s32 @!p0 $0x0, s1;
	[sflag:s0] =	ssyncset.done @!p0 $0x0  }
0xba: {  	[sflag:s0] =	ssyncadd.s32 @!p0 s1  }
0xbb: {  	[bflag:$0x3] =	sbarrier.arrive $0xFFFF  }
0xbc: {  	_ =	shalt  }

// kernel: kernel.14.cloned.1.call-start
scs
__scs_entry_jumppad:
0x0: {  	(pc) =	sbr.rel $0x88, $3  }
0x1: {  	(tag) =	ssettag $0x0;
	lr =	simm.s32 $0x1  }
0x2: {  	[smem:$0x3F94] =	sst lr;
	_ =	strace $0xD0000000  }
0x3: {  	_ = 	snop  }
0x4: {  	_ = 	snop  }
0x5: {  	_ = 	snop  }
0x6: {  	_ = 	snop  }
0x7: {  	_ = 	snop  }
__scs_overlays_trampoline_lowered:
0x8: {  	[smem:$0x3FA3] =	sst s0  }
0x9: {  	[smem:$0x3FA4] =	sst s1  }
0xa: {  	[smem:$0x3FA5] =	sst s2  }
0xb: {  	[smem:$0x3FA6] =	sst s3  }
0xc: {  	[smem:$0x3FA7] =	sst s4  }
0xd: {  	[smem:$0x3FA8] =	sst s5  }
0xe: {  	[smem:$0x3FA9] =	sst s6  }
0xf: {  	[smem:$0x3FAA] =	sst s7  }
0x10: {  	[smem:$0x3FAB] =	sst s8  }
0x11: {  	[smem:$0x3FAC] =	sst s9;
	s0 =	simm.s32 @!p0 $0x0  }
0x12: {  	s1 =	sld [smem:$0x3F92];
	s0 =	simm.s32 @p0 $0x1  }
0x13: {  	[smem:$0x3FAD] =	sst s0;
	s0 =	simm.s32 @!p1 $0x0  }
0x14: {  	s2 =	sld [smem:$0x3F91];
	s0 =	simm.s32 @p1 $0x1  }
0x15: {  	[smem:$0x3FAE] =	sst s0;
	s0 =	simm.s32 @!p2 $0x0  }
0x16: {  	s3 =	sld [smem:$0x3FDB];
	s0 =	simm.s32 @p2 $0x1  }
0x17: {  	s4 =	simm.s32 $0x1BF5;
	[smem:$0x3FB0] =	sst s0  }
0x18: {  	s0 =	sld [smem:$0x3F93];
	_ =	swait.ge [sflag:s4], $0x0  }
0x19: {  	s7 =	sld [smem:$0x3F94]  }
0x1a: {  	s8 =	sadd.s32 $0xFFFFE003, lr  }
0x1b: {  	s9 =	sadd.s32 $0xFFFFFEF7, lr;
	s5 =	simm.s32 $0xFFFFFFFF;
	p2 =	slt.u32 s8, $0xFFFFF086  }
0x1c: {  	p1 =	slt.u32 s9, $0xF7A;
	s5 =	simm.s32 @!p2 $0x0  }
0x1d: {  	s5 =	simm.s32 @p1 $0x1;
	p0 =	seq.s32 s7, s2  }
0x1e: {  	s7 =	smul.u32 @!p0 $0xF7A, s2;
	p2 =	seq.s32 @!p0 s5, $0x0  }
0x1f: {  	s9 =	smul.u32 $0xF7A, s1;
	s8 =	simm.s32 @!p0 $0x1BF5;
	p2 =	por !p2, p0  }
0x20: {  	[sflag:s8] =	ssyncset.s32 @!p0 $0xFFFFF086;
	s6 =	sadd.s32 @!p0 s3, s7;
	s7 =	simm.s32 @!p0 $0x108  }
0x21: {  	s3 =	sadd.s32 s3, s9;
	s6 =	sadd.s32 @!p0 $0x88, s6;
	s7 =	simm.s32 @p2 $0x1082  }
0x22: {  	[simem:s7], [sflag:s8] =	dma.local @!p0 [hbm:s6], $0xF7A  }
0x23: {  	s9 =	sor.u32 $0xD0000000, s2;
	s6 =	simm.s32 $0x108;
	_ =	swait.ge @!p0 [sflag:s8], $0x0  }
0x24: {  	s3 =	sadd.s32 $0x88, s3;
	s6 =	simm.s32 @!p1 $0x1082;
	[sflag:s4] =	ssyncset.s32 $0xFFFFF086  }
0x25: {  	[simem:s6], [sflag:s4] =	dma.local [hbm:s3], $0xF7A  }
0x26: {  	[smem:$0x3F94] =	sst s1;
	(tag) =	ssettag s2;
	_ =	strace s9  }
0x27: {  	s1 =	sld [smem:$0x3FA4]  }
0x28: {  	s2 =	sld [smem:$0x3FA5]  }
0x29: {  	s4 =	sld [smem:$0x3FA7]  }
0x2a: {  	p0 =	seq.s32 s5, $0x0;
	s5 =	sld [smem:$0x3FA8]  }
0x2b: {  	s6 =	sld [smem:$0x3FA9]  }
0x2c: {  	s7 =	sld [smem:$0x3FAA]  }
0x2d: {  	s3 =	simm.s32 $0x108;
	s8 =	sld [smem:$0x3FAB]  }
0x2e: {  	s3 =	simm.s32 @!p0 $0x1082;
	s9 =	sld [smem:$0x3FAC]  }
0x2f: {  	lr =	sadd.s32 s0, s3;
	s0 =	sld [smem:$0x3FA3]  }
0x30: {  	s3 =	sld [smem:$0x3FA6]  }
0x31: {  	[smem:$0x3FAF] =	sst s10  }
0x32: {  	s10 =	sld [smem:$0x3FAD];
	_ =	sdelay $0x3  }
0x33: {  	p0 =	seq.s32 s10, $0x1;
	s10 =	sld [smem:$0x3FAF];
	_ =	sdelay $0x3  }
0x34: {  	[smem:$0x3FAF] =	sst s10  }
0x35: {  	s10 =	sld [smem:$0x3FAE];
	_ =	sdelay $0x3  }
0x36: {  	p1 =	seq.s32 s10, $0x1;
	s10 =	sld [smem:$0x3FAF];
	_ =	sdelay $0x3  }
0x37: {  	[smem:$0x3FAF] =	sst s10  }
0x38: {  	s10 =	sld [smem:$0x3FB0]  }
0x39: {  	_ = 	snop;
	(pc) =	sbr.ind lr, $3  }
0x3a: {  	_ = 	snop  }
0x3b: {  	_ = 	snop  }
0x3c: {  	p2 =	seq.s32 s10, $0x1;
	s10 =	sld [smem:$0x3FAF]  }
0x3d: {  	_ =	shalt  }
0x3e: {  	_ =	shalt  }
0x3f: {  	_ =	shalt  }
0x40: {  	_ =	shalt  }
0x41: {  	_ =	shalt  }
0x42: {  	_ =	shalt  }
0x43: {  	_ =	shalt  }
0x44: {  	_ =	shalt  }
0x45: {  	_ =	shalt  }
0x46: {  	_ =	shalt  }
0x47: {  	_ =	shalt  }
0x48: {  	_ =	shalt  }
0x49: {  	_ =	shalt  }
0x4a: {  	_ =	shalt  }
0x4b: {  	_ =	shalt  }
0x4c: {  	_ =	shalt  }
0x4d: {  	_ =	shalt  }
0x4e: {  	_ =	shalt  }
0x4f: {  	_ =	shalt  }
0x50: {  	_ =	shalt  }
0x51: {  	_ =	shalt  }
0x52: {  	_ =	shalt  }
0x53: {  	_ =	shalt  }
0x54: {  	_ =	shalt  }
0x55: {  	_ =	shalt  }
0x56: {  	_ =	shalt  }
0x57: {  	_ =	shalt  }
0x58: {  	_ =	shalt  }
0x59: {  	_ =	shalt  }
0x5a: {  	_ =	shalt  }
0x5b: {  	_ =	shalt  }
0x5c: {  	_ =	shalt  }
0x5d: {  	_ =	shalt  }
0x5e: {  	_ =	shalt  }
0x5f: {  	_ =	shalt  }
0x60: {  	_ =	shalt  }
0x61: {  	_ =	shalt  }
0x62: {  	_ =	shalt  }
0x63: {  	_ =	shalt  }
0x64: {  	_ =	shalt  }
0x65: {  	_ =	shalt  }
0x66: {  	_ =	shalt  }
0x67: {  	_ =	shalt  }
0x68: {  	_ =	shalt  }
0x69: {  	_ =	shalt  }
0x6a: {  	_ =	shalt  }
0x6b: {  	_ =	shalt  }
0x6c: {  	_ =	shalt  }
0x6d: {  	_ =	shalt  }
0x6e: {  	_ =	shalt  }
0x6f: {  	_ =	shalt  }
0x70: {  	_ =	shalt  }
0x71: {  	_ =	shalt  }
0x72: {  	_ =	shalt  }
0x73: {  	_ =	shalt  }
0x74: {  	_ =	shalt  }
0x75: {  	_ =	shalt  }
0x76: {  	_ =	shalt  }
0x77: {  	_ =	shalt  }
0x78: {  	_ =	shalt  }
0x79: {  	_ =	shalt  }
0x7a: {  	_ =	shalt  }
0x7b: {  	_ =	shalt  }
0x7c: {  	_ =	shalt  }
0x7d: {  	_ =	shalt  }
0x7e: {  	_ =	shalt  }
0x7f: {  	_ =	shalt  }
0x80: {  	_ =	shalt  }
0x81: {  	_ =	shalt  }
0x82: {  	_ =	shalt  }
0x83: {  	_ =	shalt  }
0x84: {  	_ =	shalt  }
0x85: {  	_ =	shalt  }
0x86: {  	_ =	shalt  }
0x87: {  	_ =	shalt  }
.Lfunc_end0:
.L_simem_size_0:
called_computation.1_lowered:
.L_overlay_start_0:
0x88: {  	s2 =	sld [smem:$0x3FD9]  }
0x89: {  	s3 =	sld [smem:$0x3FFE];
	_ =	sdelay $0x1  }
0x8a: {  	s1 =	srdreg.scid  }
0x8b: {  	s0 =	sand.u32 $0x1, s1  }
0x8c: {  	s17 =	sshll.u32 s0, $0xA;
	s2 =	sadd.s32 s3, s2  }
0x8d: {  	s2 =	sadd.s32 s2, s17  }
0x8e: {  	[smem:$0x3FBB] =	sst s2  }
0x8f: {  	_ = 	snop  }
0x90: {  	s2 =	sld [smem:$0x3FC9];
	(tm) =	ssettm $0x1  }
0x91: {  	s18 =	sld [smem:$0x3FFB];
	_ =	sdelay $0x3  }
0x92: {  	_ =	strace s18  }
0x93: {  	s3 =	sld [smem:$0x3FFC];
	_ =	sdelay $0x3  }
0x94: {  	_ =	strace s3  }
0x95: {  	s3 =	sld [smem:$0x3FFD];
	_ =	sdelay $0x3  }
0x96: {  	_ =	strace s3  }
0x97: {  	_ =	strace $0x8FFFFFFF  }
0x98: {  	s19 =	sld [smem:$0x3FDB];
	_ =	sdelay $0x1  }
0x99: {  	s4 =	simm.s32 $_scs_section_size  }
0x9a: {  	s5 =	simm.s32 $_size__tile_overlayer_lowered;
	s6 =	simm.s32 $_tile_overlayer_lowered  }
0x9b: {  	s22 =	simm.s32 $0x1BFF;
	s21 =	sshll.u32 s6, $0x1;
	s3 =	sadd.s32 s4, s19  }
0x9c: {  	s7 =	simm.s32 $0x0;
	s20 =	sshll.u32 s5, $0x1;
	s5 =	sadd.s32 s21, s3  }
0x9d: {  	[timem:s7], [sflag:s22] =	dma.local [hbm:s5], s20  }
0x9e: {  	_ =	swait.ge [sflag:s22], s20  }
0x9f: {  	s4 =	ssub.s32 $0x0, s20;
	[sflag:s22] =	ssyncset.done $0x0  }
0xa0: {  	[sflag:s22] =	ssyncadd.s32 s4;
	_ =	sdelay $0x1  }
0xa1: {  	s23 =	simm.s32 $0x1B8B  }
0xa2: {  	_ =	swait.ge [sflag:s23], $0x1  }
0xa3: {  	[sflag:s23] =	ssyncset.done $0x0  }
0xa4: {  	s25 =	simm.s32 $0x1B8E;
	s24 =	sld [smem:$0x3FFE];
	[sflag:s23] =	ssyncadd.s32 $0xFFFFFFFF  }
0xa5: {  	s26 =	simm.s32 $execute0_lowered;
	[smem:$0x3FD2] =	sst s25  }
0xa6: {  	s5 =	sshll.u32 s26, $0x1;
	_ =	strace $0x80000046;
	[dreg:$0x1] =	wrdreg $0xFFFFFFFF  }
0xa7: {  	s28 =	simm.s32 $_size_execute0_lowered;
	s3 =	sadd.s32 s3, s5;
	[dreg:$0x0] =	wrdreg $0x0  }
0xa8: {  	s5 =	sshll.u32 s28, $0x1;
	[dreg:$0x2] =	wrdreg s3  }
0xa9: {  	[dreg:$0x3] =	wrdreg s5  }
0xaa: {  	[dreg:$0x4] =	wrdreg $0xC0  }
0xab: {  	_ =	task [dreg:s7], $0x5FFFF  }
0xac: {  	[dreg:$0x1] =	wrdreg $0xFFFFFFFF  }
0xad: {  	[dreg:$0x0] =	wrdreg $0x60  }
0xae: {  	[dreg:$0x2] =	wrdreg s2  }
0xaf: {  	[dreg:$0x3] =	wrdreg s24  }
0xb0: {  	[dreg:$0x4] =	wrdreg $0x0  }
0xb1: {  	[dreg:$0x5] =	wrdreg $0xA  }
0xb2: {  	_ =	task.clear_ibuf [dreg:s7], $0x6FFFF;
	_ =	strace $0x90000046  }
0xb3: {  	s29 =	simm.s32 $0xA;
	_ =	strace $0x80000048  }
0xb4: {  	_ =	swait.ge [sflag:s29], $0x1  }
0xb5: {  	[sflag:s29] =	ssyncadd.s32 $0xFFFFFFFF  }
0xb6: {  	_ =	strace $0x90000048  }
0xb7: {  	_ =	sfence  }
0xb8: {  	s30 =	sld [smem:$0x0];
	_ =	sdelay $0x2  }
0xb9: {  	s31 =	sshll.u32 s1, $0xD;
	s1 =	sshrl.u32 s1, $0x2  }
0xba: {  	s3 =	sand.u32 $0x4000, s31;
	s1 =	sadd.s32 s1, s30  }
0xbb: {  	s0 =	sor.u32 s3, s0;
	s1 =	sshll.u32 s1, $0x11  }
0xbc: {  	s0 =	sor.u32 s1, s0  }
0xbd: {  	s0 =	sadd.s32 $0x8F2B, s0  }
0xbe: {  	[sflag:s0] =	ssyncadd.remote.s32 $0x1  }
0xbf: {  	_ =	sfence.sel $0xFFFF  }
0xc0: {  	[dreg:$0x0] =	wrdreg $0xFFFFFFFF;
	(pc) =	sbr.abs _section_cstart, $3  }
0xc1: {  	[dreg:$0x1] =	wrdreg $0xFFFFFFFF  }
0xc2: {  	_ =	task.clear_ibuf [dreg:s7], $0x2FFFF;
	_ =	strace $0x9FFFFFFF  }
0xc3: {  	(tm) =	ssettm $0x7FFFFFFF  }
tec
execute0_lowered:
.L_overlay_start_1:
0x0: {  	(tag) =	ssettag $0x1  }
0x1: {  	s1 =	rddreg [dreg:$0x0]  }
0x2: {  	s0 =	srdreg.scid;
	s5 =	rddreg [dreg:$0x1]  }
0x3: {  	s8 =	stileid.u32;
	s3 =	rddreg [dreg:$0x2]  }
0x4: {  	s4 =	simm.s32 $0x0;
	s11 =	simm.s32 $0x14400;
	s12 =	simm.s32 $0x5  }
0x5: {  	s13 =	simm.s32 $0x13C00;
	s14 =	simm.s32 $0x14000;
	s15 =	simm.s32 $0x80  }
0x6: {  	s16 =	simm.s32 $0x13C80;
	s17 =	simm.s32 $0x18400;
	s18 =	simm.s32 $0x1  }
0x7: {  	s19 =	simm.s32 $0x3;
	s20 =	simm.s32 $0x13D00;
	s21 =	simm.s32 $0x2  }
0x8: {  	s22 =	simm.s32 $0x14080;
	s28 =	simm.s32 $0x13E00;
	s29 =	simm.s32 $0x14180  }
0x9: {  	s30 =	simm.s32 $0x13E80;
	s31 =	simm.s32 $0x14200;
	s0 =	sand.u32 $0x1, s0  }
0xa: {  	s2 =	sshll.u32 s8, $0x1;
	[smem:$0x7FF] =	sst s4;
	s7 =	smul.u32 $0x4F000, s8  }
0xb: {  	s10 =	smul.u32 $0x2780, s8;
	s8 =	simm.s32 $0x14380;
	s2 =	sor.u32 s0, s2  }
0xc: {  	s6 =	smul.u32 $0x27800, s0;
	_ =	strace $0x80000047;
	s0 =	ssub.s32 $0x2, s0  }
0xd: {  	s2 =	smul.u32 $0x500, s2;
	s24 =	sshrl.u32 s0, $0x1;
	s7 =	sshrl.u32 s7, $0x2  }
0xe: {  	s6 =	sadd.s32 s6, s5;
	s0 =	ssub.s32 s0, s24;
	s25 =	sadd.s32 s7, s3  }
0xf: {  	s7 =	simm.s32 $0x14300;
	s9 =	sadd.s32 $0x10000, s25;
	[dreg:$0x6] =	wrdreg s25  }
0x10: {  	s2 =	sadd.s32 s2, s5;
	s0 =	smax.u32 s0, $0x1;
	[dreg:$0x7] =	wrdreg s9  }
0x11: {  	s23 =	sadd.s32 $0x4000, s25;
	s24 =	sadd.s32 $0x8000, s25;
	[dreg:$0x8] =	wrdreg s0  }
0x12: {  	s25 =	sadd.s32 $0xC000, s25;
	s26 =	sadd.s32 $0xDE00, s2;
	[dreg:$0x9] =	wrdreg s23  }
0x13: {  	s2 =	sadd.s32 $0x3E00, s2;
	s9 =	sadd.s32 $0x17E00, s6;
	[dreg:$0xa] =	wrdreg s24  }
0x14: {  	[dreg:$0xb] =	wrdreg s25;
	s23 =	simm.s32 $0x4;
	s25 =	simm.s32 $0x13D80  }
0x15: {  	s0 =	simm.s32 $0x14280;
	s6 =	simm.s32 $0x13F80;
	[dreg:$0x4] =	wrdreg s26  }
0x16: {  	[dreg:$0x5] =	wrdreg s2;
	s26 =	sadd.s32 s10, s9;
	s2 =	simm.s32 $0x13F00  }
0x17: {  	v0 =	vimm.f32 $0.0e+00;
	s9 =	simm.s32 $0x0;
	[dreg:$0xc] =	wrdreg s26;
	s26 =	simm.s32 $0x14100  }
.LBB2_1:
0x18: {  	s10 =	simm.s32 $0x0;
	s24 =	simm.s32 $0x200  }
.LBB2_2:
0x19: {  	p0 =	sne.s32 s24, $0xFE00;
	[tilespmem:s10+$0x14470] =	vst v0  }
0x1a: {  	[tilespmem:s10+$0x14400] =	vst v0  }
0x1b: {  	[tilespmem:s10+$0x14410] =	vst v0  }
.Ltmp0:
0x1c: {  	[tilespmem:s10+$0x14420] =	vst v0;
	(pc) =	sbr.rel @p0 .LBB2_2-.Ltmp0, $4  }
0x1d: {  	[tilespmem:s10+$0x14430] =	vst v0  }
0x1e: {  	[tilespmem:s10+$0x14440] =	vst v0  }
0x1f: {  	[tilespmem:s10+$0x14450] =	vst v0  }
0x20: {  	[tilespmem:s10+$0x14460] =	vst v0;
	s10 =	sshra.s32 s24, $0x2;
	s24 =	sadd.s32 $0x200, s24  }
0x21: {  	[tilespmem:s10+$0x14470] =	vst v0  }
0x22: {  	[tilespmem:s10+$0x14400] =	vst v0  }
0x23: {  	[tilespmem:s10+$0x14410] =	vst v0  }
0x24: {  	[tilespmem:s10+$0x14420] =	vst v0  }
0x25: {  	[tilespmem:s10+$0x14430] =	vst v0  }
0x26: {  	[tilespmem:s10+$0x14440] =	vst v0  }
0x27: {  	[tilespmem:s10+$0x14450] =	vst v0  }
0x28: {  	[tilespmem:s10+$0x14460] =	vst v0;
	s5 =	rddreg [dreg:$0x6]  }
0x29: {  	[spmem:s5] =	stream.linear.scatter [tilespmem:s11], [sflag:$0x5], $0x4000, $0x38;
	[tilespmem:$0x1C400] =	vst v63  }
0x2a: {  	_ =	swait.ge [sflag:s12], $0x4000  }
0x2b: {  	[sflag:s12] =	ssyncset.done $0x0  }
0x2c: {  	s10 =	rddreg [dreg:$0x9];
	[sflag:s12] =	ssyncadd.s32 $0xFFFFC000  }
0x2d: {  	[spmem:s10] =	stream.linear.scatter [tilespmem:s11], [sflag:$0x5], $0x4000, $0x38;
	[tilespmem:$0x1C400] =	vst v63  }
0x2e: {  	_ =	swait.ge [sflag:s12], $0x4000  }
0x2f: {  	[sflag:s12] =	ssyncset.done $0x0  }
0x30: {  	s24 =	rddreg [dreg:$0xa];
	[sflag:s12] =	ssyncadd.s32 $0xFFFFC000  }
0x31: {  	[spmem:s24] =	stream.linear.scatter [tilespmem:s11], [sflag:$0x5], $0x4000, $0x38;
	[tilespmem:$0x1C400] =	vst v63  }
0x32: {  	_ =	swait.ge [sflag:s12], $0x4000  }
0x33: {  	[sflag:s12] =	ssyncset.done $0x0  }
0x34: {  	s10 =	rddreg [dreg:$0xb];
	[sflag:s12] =	ssyncadd.s32 $0xFFFFC000  }
0x35: {  	[spmem:s10] =	stream.linear.scatter [tilespmem:s11], [sflag:$0x5], $0x4000, $0x38;
	[tilespmem:$0x1C400] =	vst v63  }
0x36: {  	_ =	swait.ge [sflag:s12], $0x4000  }
0x37: {  	[sflag:s12] =	ssyncset.done $0x0  }
0x38: {  	s24 =	rddreg [dreg:$0x7];
	[sflag:s12] =	ssyncadd.s32 $0xFFFFC000  }
0x39: {  	[spmem:s24] =	stream.linear.scatter [tilespmem:s11], [sflag:$0x5], $0x3C00, $0x38;
	[tilespmem:$0x1C400] =	vst v63  }
0x3a: {  	_ =	swait.ge [sflag:s12], $0x3C00  }
0x3b: {  	[sflag:s12] =	ssyncset.done $0x0  }
0x3c: {  	[sflag:s12] =	ssyncadd.s32 $0xFFFFC400  }
0x3d: {  	[bflag:$0x0] =	sbarrier.arrive $0xFFFF  }
0x3e: {  	s5 =	rddreg [dreg:$0x4]  }
0x3f: {  	s10 =	sadd.s32 $0x0, s5  }
0x40: {  	[tilespmem:s13], [sflag:$0x5] =	stream.linear.gather [hbm4b:s10+s4], $0x400, $0x38;
	[tilespmem:$0x1C400] =	vst v63  }
0x41: {  	_ =	swait.ge [sflag:s12], $0x400  }
0x42: {  	s24 =	rddreg [dreg:$0x5];
	[sflag:s12] =	ssyncset.done $0x0  }
0x43: {  	[sflag:s12] =	ssyncadd.s32 $0xFFFFFC00;
	s10 =	sadd.s32 $0x0, s24  }
0x44: {  	[tilespmem:s14], [sflag:$0x5] =	stream.linear.gather [hbm4b:s10+s4], $0x400, $0x38;
	[tilespmem:$0x1C400] =	vst v63  }
0x45: {  	_ =	swait.ge [sflag:s12], $0x400  }
0x46: {  	[sflag:s12] =	ssyncset.done $0x0  }
0x47: {  	[sflag:s12] =	ssyncadd.s32 $0xFFFFFC00  }
0x48: {  	[tilespmem:s11], [sflag:$0x1] =	stream.indirect.gather [hbm4b:s1+s15], $0x80, s13, s15, $0xb8;
	[tilespmem:$0x1C400] =	vst v63  }
0x49: {  	_ = 	snop  }
0x4a: {  	[tilespmem:s17], [sflag:$0x2] =	stream.indirect.gather [hbm4b:s1+s15], $0x80, s16, s15, $0xb8;
	[tilespmem:$0x1C400] =	vst v63  }
0x4b: {  	_ =	swait.ge [sflag:s18], $0x4000  }
0x4c: {  	[sflag:s18] =	ssyncset.done $0x0  }
0x4d: {  	[sflag:s18] =	ssyncadd.s32 $0xFFFFC000  }
0x4e: {  	[spmem:s3] =	stream.indirect.scatter.add.f32 [tilespmem:s11], [sflag:$0x3], $0x80, s14, s15, $0xb8;
	[tilespmem:$0x1C400] =	vst v63  }
0x4f: {  	_ =	swait.ge [sflag:s19], $0x4000  }
0x50: {  	[sflag:s19] =	ssyncset.done $0x0  }
0x51: {  	[sflag:s19] =	ssyncadd.s32 $0xFFFFC000  }
0x52: {  	[tilespmem:s11], [sflag:$0x1] =	stream.indirect.gather [hbm4b:s1+s15], $0x80, s20, s15, $0xb8;
	[tilespmem:$0x1C400] =	vst v63  }
0x53: {  	_ =	swait.ge [sflag:s21], $0x4000  }
0x54: {  	[sflag:s21] =	ssyncset.done $0x0  }
0x55: {  	[sflag:s21] =	ssyncadd.s32 $0xFFFFC000  }
0x56: {  	[spmem:s3] =	stream.indirect.scatter.add.f32 [tilespmem:s17], [sflag:$0x4], $0x80, s22, s15, $0xb8;
	[tilespmem:$0x1C400] =	vst v63  }
0x57: {  	_ =	swait.ge [sflag:s23], $0x4000  }
0x58: {  	[sflag:s23] =	ssyncset.done $0x0  }
0x59: {  	[sflag:s23] =	ssyncadd.s32 $0xFFFFC000  }
0x5a: {  	[tilespmem:s17], [sflag:$0x2] =	stream.indirect.gather [hbm4b:s1+s15], $0x80, s25, s15, $0xb8;
	[tilespmem:$0x1C400] =	vst v63  }
0x5b: {  	_ =	swait.ge [sflag:s18], $0x4000  }
0x5c: {  	[sflag:s18] =	ssyncset.done $0x0  }
0x5d: {  	[sflag:s18] =	ssyncadd.s32 $0xFFFFC000  }
0x5e: {  	[spmem:s3] =	stream.indirect.scatter.add.f32 [tilespmem:s11], [sflag:$0x3], $0x80, s26, s15, $0xb8;
	[tilespmem:$0x1C400] =	vst v63  }
0x5f: {  	_ =	swait.ge [sflag:s19], $0x4000  }
0x60: {  	[sflag:s19] =	ssyncset.done $0x0  }
0x61: {  	[sflag:s19] =	ssyncadd.s32 $0xFFFFC000  }
0x62: {  	[tilespmem:s11], [sflag:$0x1] =	stream.indirect.gather [hbm4b:s1+s15], $0x80, s28, s15, $0xb8;
	[tilespmem:$0x1C400] =	vst v63  }
0x63: {  	_ =	swait.ge [sflag:s21], $0x4000  }
0x64: {  	[sflag:s21] =	ssyncset.done $0x0  }
0x65: {  	[sflag:s21] =	ssyncadd.s32 $0xFFFFC000  }
0x66: {  	[spmem:s3] =	stream.indirect.scatter.add.f32 [tilespmem:s17], [sflag:$0x4], $0x80, s29, s15, $0xb8;
	[tilespmem:$0x1C400] =	vst v63  }
0x67: {  	_ =	swait.ge [sflag:s23], $0x4000  }
0x68: {  	[sflag:s23] =	ssyncset.done $0x0  }
0x69: {  	[sflag:s23] =	ssyncadd.s32 $0xFFFFC000  }
0x6a: {  	[tilespmem:s17], [sflag:$0x2] =	stream.indirect.gather [hbm4b:s1+s15], $0x80, s30, s15, $0xb8;
	[tilespmem:$0x1C400] =	vst v63  }
0x6b: {  	_ =	swait.ge [sflag:s18], $0x4000  }
0x6c: {  	[sflag:s18] =	ssyncset.done $0x0  }
0x6d: {  	[sflag:s18] =	ssyncadd.s32 $0xFFFFC000  }
0x6e: {  	[spmem:s3] =	stream.indirect.scatter.add.f32 [tilespmem:s11], [sflag:$0x3], $0x80, s31, s15, $0xb8;
	[tilespmem:$0x1C400] =	vst v63  }
0x6f: {  	_ =	swait.ge [sflag:s19], $0x4000  }
0x70: {  	[sflag:s19] =	ssyncset.done $0x0  }
0x71: {  	[sflag:s19] =	ssyncadd.s32 $0xFFFFC000  }
0x72: {  	[tilespmem:s11], [sflag:$0x1] =	stream.indirect.gather [hbm4b:s1+s15], $0x80, s2, s15, $0xb8;
	[tilespmem:$0x1C400] =	vst v63  }
0x73: {  	_ =	swait.ge [sflag:s21], $0x4000  }
0x74: {  	[sflag:s21] =	ssyncset.done $0x0  }
0x75: {  	[sflag:s21] =	ssyncadd.s32 $0xFFFFC000  }
0x76: {  	[spmem:s3] =	stream.indirect.scatter.add.f32 [tilespmem:s17], [sflag:$0x4], $0x80, s0, s15, $0xb8;
	[tilespmem:$0x1C400] =	vst v63  }
0x77: {  	_ =	swait.ge [sflag:s23], $0x4000  }
0x78: {  	[sflag:s23] =	ssyncset.done $0x0  }
0x79: {  	[sflag:s23] =	ssyncadd.s32 $0xFFFFC000  }
0x7a: {  	[tilespmem:s17], [sflag:$0x2] =	stream.indirect.gather [hbm4b:s1+s15], $0x80, s6, s15, $0xb8;
	[tilespmem:$0x1C400] =	vst v63  }
0x7b: {  	_ =	swait.ge [sflag:s18], $0x4000  }
0x7c: {  	[sflag:s18] =	ssyncset.done $0x0  }
0x7d: {  	[sflag:s18] =	ssyncadd.s32 $0xFFFFC000  }
0x7e: {  	[spmem:s3] =	stream.indirect.scatter.add.f32 [tilespmem:s11], [sflag:$0x3], $0x80, s7, s15, $0xb8;
	[tilespmem:$0x1C400] =	vst v63  }
0x7f: {  	_ =	swait.ge [sflag:s21], $0x4000  }
0x80: {  	[sflag:s21] =	ssyncset.done $0x0  }
0x81: {  	[sflag:s21] =	ssyncadd.s32 $0xFFFFC000  }
0x82: {  	[spmem:s3] =	stream.indirect.scatter.add.f32 [tilespmem:s17], [sflag:$0x4], $0x80, s8, s15, $0xb8;
	[tilespmem:$0x1C400] =	vst v63  }
0x83: {  	_ =	swait.ge [sflag:s19], $0x4000  }
0x84: {  	[sflag:s19] =	ssyncset.done $0x0  }
0x85: {  	[sflag:s19] =	ssyncadd.s32 $0xFFFFC000  }
0x86: {  	_ =	swait.ge [sflag:s23], $0x4000  }
0x87: {  	s10 =	simm.s32 $0x80;
	[sflag:s23] =	ssyncset.done $0x0  }
.LBB2_4:
0x88: {  	s24 =	rddreg [dreg:$0x4];
	s5 =	smov.u32 s10  }
0x89: {  	[sflag:s23] =	ssyncadd.s32 $0xFFFFC000;
	s24 =	sadd.s32 s5, s24  }
0x8a: {  	[tilespmem:s13], [sflag:$0x5] =	stream.linear.gather [hbm4b:s24+s4], $0x400, $0x38;
	[tilespmem:$0x1C400] =	vst v63  }
0x8b: {  	_ =	swait.ge [sflag:s12], $0x400  }
0x8c: {  	s24 =	rddreg [dreg:$0x5];
	[sflag:s12] =	ssyncset.done $0x0  }
0x8d: {  	[sflag:s12] =	ssyncadd.s32 $0xFFFFFC00;
	s5 =	sadd.s32 s5, s24  }
0x8e: {  	[tilespmem:s14], [sflag:$0x5] =	stream.linear.gather [hbm4b:s5+s4], $0x400, $0x38;
	[tilespmem:$0x1C400] =	vst v63  }
0x8f: {  	_ =	swait.ge [sflag:s12], $0x400  }
0x90: {  	[sflag:s12] =	ssyncset.done $0x0  }
0x91: {  	[sflag:s12] =	ssyncadd.s32 $0xFFFFFC00  }
0x92: {  	[tilespmem:s11], [sflag:$0x1] =	stream.indirect.gather [hbm4b:s1+s15], $0x80, s13, s15, $0xb8;
	[tilespmem:$0x1C400] =	vst v63  }
0x93: {  	_ = 	snop  }
0x94: {  	[tilespmem:s17], [sflag:$0x2] =	stream.indirect.gather [hbm4b:s1+s15], $0x80, s16, s15, $0xb8;
	[tilespmem:$0x1C400] =	vst v63  }
0x95: {  	_ =	swait.ge [sflag:s18], $0x4000  }
0x96: {  	[sflag:s18] =	ssyncset.done $0x0  }
0x97: {  	[sflag:s18] =	ssyncadd.s32 $0xFFFFC000  }
0x98: {  	[spmem:s3] =	stream.indirect.scatter.add.f32 [tilespmem:s11], [sflag:$0x3], $0x80, s14, s15, $0xb8;
	[tilespmem:$0x1C400] =	vst v63  }
0x99: {  	_ =	swait.ge [sflag:s19], $0x4000  }
0x9a: {  	[sflag:s19] =	ssyncset.done $0x0  }
0x9b: {  	[sflag:s19] =	ssyncadd.s32 $0xFFFFC000  }
0x9c: {  	[tilespmem:s11], [sflag:$0x1] =	stream.indirect.gather [hbm4b:s1+s15], $0x80, s20, s15, $0xb8;
	[tilespmem:$0x1C400] =	vst v63  }
0x9d: {  	_ =	swait.ge [sflag:s21], $0x4000  }
0x9e: {  	[sflag:s21] =	ssyncset.done $0x0  }
0x9f: {  	[sflag:s21] =	ssyncadd.s32 $0xFFFFC000  }
0xa0: {  	[spmem:s3] =	stream.indirect.scatter.add.f32 [tilespmem:s17], [sflag:$0x4], $0x80, s22, s15, $0xb8;
	[tilespmem:$0x1C400] =	vst v63  }
0xa1: {  	_ =	swait.ge [sflag:s23], $0x4000  }
0xa2: {  	[sflag:s23] =	ssyncset.done $0x0  }
0xa3: {  	[sflag:s23] =	ssyncadd.s32 $0xFFFFC000  }
0xa4: {  	[tilespmem:s17], [sflag:$0x2] =	stream.indirect.gather [hbm4b:s1+s15], $0x80, s25, s15, $0xb8;
	[tilespmem:$0x1C400] =	vst v63  }
0xa5: {  	_ =	swait.ge [sflag:s18], $0x4000  }
0xa6: {  	[sflag:s18] =	ssyncset.done $0x0  }
0xa7: {  	[sflag:s18] =	ssyncadd.s32 $0xFFFFC000  }
0xa8: {  	[spmem:s3] =	stream.indirect.scatter.add.f32 [tilespmem:s11], [sflag:$0x3], $0x80, s26, s15, $0xb8;
	[tilespmem:$0x1C400] =	vst v63  }
0xa9: {  	_ =	swait.ge [sflag:s19], $0x4000  }
0xaa: {  	[sflag:s19] =	ssyncset.done $0x0  }
0xab: {  	[sflag:s19] =	ssyncadd.s32 $0xFFFFC000  }
0xac: {  	[tilespmem:s11], [sflag:$0x1] =	stream.indirect.gather [hbm4b:s1+s15], $0x80, s28, s15, $0xb8;
	[tilespmem:$0x1C400] =	vst v63  }
0xad: {  	_ =	swait.ge [sflag:s21], $0x4000  }
0xae: {  	[sflag:s21] =	ssyncset.done $0x0  }
0xaf: {  	[sflag:s21] =	ssyncadd.s32 $0xFFFFC000  }
0xb0: {  	[spmem:s3] =	stream.indirect.scatter.add.f32 [tilespmem:s17], [sflag:$0x4], $0x80, s29, s15, $0xb8;
	[tilespmem:$0x1C400] =	vst v63  }
0xb1: {  	_ =	swait.ge [sflag:s23], $0x4000  }
0xb2: {  	[sflag:s23] =	ssyncset.done $0x0  }
0xb3: {  	[sflag:s23] =	ssyncadd.s32 $0xFFFFC000  }
0xb4: {  	[tilespmem:s17], [sflag:$0x2] =	stream.indirect.gather [hbm4b:s1+s15], $0x80, s30, s15, $0xb8;
	[tilespmem:$0x1C400] =	vst v63  }
0xb5: {  	_ =	swait.ge [sflag:s18], $0x4000  }
0xb6: {  	[sflag:s18] =	ssyncset.done $0x0  }
0xb7: {  	[sflag:s18] =	ssyncadd.s32 $0xFFFFC000  }
0xb8: {  	[spmem:s3] =	stream.indirect.scatter.add.f32 [tilespmem:s11], [sflag:$0x3], $0x80, s31, s15, $0xb8;
	[tilespmem:$0x1C400] =	vst v63  }
0xb9: {  	_ =	swait.ge [sflag:s19], $0x4000  }
0xba: {  	[sflag:s19] =	ssyncset.done $0x0  }
0xbb: {  	[sflag:s19] =	ssyncadd.s32 $0xFFFFC000  }
0xbc: {  	[tilespmem:s11], [sflag:$0x1] =	stream.indirect.gather [hbm4b:s1+s15], $0x80, s2, s15, $0xb8;
	[tilespmem:$0x1C400] =	vst v63  }
0xbd: {  	_ =	swait.ge [sflag:s21], $0x4000  }
0xbe: {  	[sflag:s21] =	ssyncset.done $0x0  }
0xbf: {  	[sflag:s21] =	ssyncadd.s32 $0xFFFFC000  }
0xc0: {  	[spmem:s3] =	stream.indirect.scatter.add.f32 [tilespmem:s17], [sflag:$0x4], $0x80, s0, s15, $0xb8;
	[tilespmem:$0x1C400] =	vst v63  }
0xc1: {  	_ =	swait.ge [sflag:s23], $0x4000  }
0xc2: {  	[sflag:s23] =	ssyncset.done $0x0  }
0xc3: {  	[sflag:s23] =	ssyncadd.s32 $0xFFFFC000  }
0xc4: {  	[tilespmem:s17], [sflag:$0x2] =	stream.indirect.gather [hbm4b:s1+s15], $0x80, s6, s15, $0xb8;
	[tilespmem:$0x1C400] =	vst v63  }
0xc5: {  	_ =	swait.ge [sflag:s18], $0x4000  }
0xc6: {  	[sflag:s18] =	ssyncset.done $0x0  }
0xc7: {  	[sflag:s18] =	ssyncadd.s32 $0xFFFFC000  }
0xc8: {  	[spmem:s3] =	stream.indirect.scatter.add.f32 [tilespmem:s11], [sflag:$0x3], $0x80, s7, s15, $0xb8;
	[tilespmem:$0x1C400] =	vst v63  }
0xc9: {  	_ =	swait.ge [sflag:s21], $0x4000  }
0xca: {  	[sflag:s21] =	ssyncset.done $0x0  }
0xcb: {  	p0 =	sne.s32 s10, $0x480;
	[sflag:s21] =	ssyncadd.s32 $0xFFFFC000  }
0xcc: {  	[spmem:s3] =	stream.indirect.scatter.add.f32 [tilespmem:s17], [sflag:$0x4], $0x80, s8, s15, $0xb8;
	[tilespmem:$0x1C400] =	vst v63  }
.Ltmp1:
0xcd: {  	_ =	swait.ge [sflag:s19], $0x4000;
	(pc) =	sbr.rel @p0 .LBB2_4-.Ltmp1, $4  }
0xce: {  	[sflag:s19] =	ssyncset.done $0x0  }
0xcf: {  	[sflag:s19] =	ssyncadd.s32 $0xFFFFC000  }
0xd0: {  	_ =	swait.ge [sflag:s23], $0x4000  }
0xd1: {  	s10 =	sadd.s32 $0x80, s10;
	[sflag:s23] =	ssyncset.done $0x0  }
0xd2: {  	[sflag:s23] =	ssyncadd.s32 $0xFFFFC000  }
0xd3: {  	s5 =	stileid.u32;
	[bflag:$0x0] =	sbarrier.arrive $0xFFFF  }
0xd4: {  	s5 =	sshll.u32 s5, $0x6;
	s10 =	rddreg [dreg:$0x6]  }
0xd5: {  	s5 =	sor.u32 $0x1C05, s5;
	s24 =	rddreg [dreg:$0xc];
	s10 =	sshrl.u32 s10, $0x3  }
0xd6: {  	[hbm:s24], [sflag:s5] =	dma.local [spmem:s10], $0x2780  }
0xd7: {  	_ =	swait.ge [sflag:s12], $0x2780  }
0xd8: {  	s9 =	sadd.s32 $0x1, s9;
	s24 =	rddreg [dreg:$0x8]  }
0xd9: {  	p0 =	sne.s32 s9, s24  }
.Ltmp2:
0xda: {  	_ = 	snop;
	(pc) =	sbr.rel @p0 .LBB2_1-.Ltmp2, $3  }
0xdb: {  	_ =	sdelay $0x1  }
0xdc: {  	[sflag:s12] =	ssyncset.done $0x0  }
0xdd: {  	[sflag:s12] =	ssyncadd.s32 $0xFFFFD880  }
0xde: {  	_ =	sfence.sel $0x180000  }
0xdf: {  	[bflag:$0x0] =	sbarrier.arrive $0xFFFF  }
0xe0: {  	_ =	strace $0x90000047  }
0xe1: {  	s0 =	stileid.u32;
	[bflag:$0x2] =	sbarrier.arrive $0xFFFF  }
0xe2: {  	p0 =	sne.s32 s0, $0x0;
	s0 =	rddreg [dreg:$0x3]  }
0xe3: {  	s0 =	sadd.s32 @!p0 $0x100000, s0  }
0xe4: {  	[sflag:s0] =	ssyncadd.tile.s32 @!p0 $0x1;
	_ =	shalt  }
.Lfunc_end2:
_tile_overlayer_lowered:
.L_overlay_start_2:
0xe5: {  	(tag) =	ssettag $0x2  }
0xe6: {  	s0 =	rddreg [dreg:$0x0];
	s2 =	stileid.u32  }
0xe7: {  	s1 =	rddreg [dreg:$0x1];
	p0 =	sne.s32 s2, $0x0  }
0xe8: {  	s3 =	rddreg [dreg:$0x2];
	[bflag:$0x3] =	sbarrier.arrive $0xFFFF;
	s2 =	simm.s32 @!p0 $0x1C05  }
0xe9: {  	[timem:s3], [sflag:s2] =	dma.local @!p0 [hbm:s0], s1  }
0xea: {  	s0 =	simm.s32 @!p0 $0x5  }
0xeb: {  	_ =	swait.ge @!p0 [sflag:s0], s1  }
0xec: {  	s1 =	ssub.s32 @!p0 $0x0, s1;
	[sflag:s0] =	ssyncset.done @!p0 $0x0  }
0xed: {  	[sflag:s0] =	ssyncadd.s32 @!p0 s1  }
0xee: {  	[bflag:$0x3] =	sbarrier.arrive $0xFFFF  }
0xef: {  	_ =	shalt  }

// kernel: kernel.17.cloned.1.call-start
scs
__scs_entry_jumppad:
0x0: {  	(pc) =	sbr.rel $0x88, $3  }
0x1: {  	(tag) =	ssettag $0x0;
	lr =	simm.s32 $0x1  }
0x2: {  	[smem:$0x3F94] =	sst lr;
	_ =	strace $0xD0000000  }
0x3: {  	_ = 	snop  }
0x4: {  	_ = 	snop  }
0x5: {  	_ = 	snop  }
0x6: {  	_ = 	snop  }
0x7: {  	_ = 	snop  }
__scs_overlays_trampoline_lowered:
0x8: {  	[smem:$0x3FA3] =	sst s0  }
0x9: {  	[smem:$0x3FA4] =	sst s1  }
0xa: {  	[smem:$0x3FA5] =	sst s2  }
0xb: {  	[smem:$0x3FA6] =	sst s3  }
0xc: {  	[smem:$0x3FA7] =	sst s4  }
0xd: {  	[smem:$0x3FA8] =	sst s5  }
0xe: {  	[smem:$0x3FA9] =	sst s6  }
0xf: {  	[smem:$0x3FAA] =	sst s7  }
0x10: {  	[smem:$0x3FAB] =	sst s8  }
0x11: {  	[smem:$0x3FAC] =	sst s9;
	s0 =	simm.s32 @!p0 $0x0  }
0x12: {  	s1 =	sld [smem:$0x3F92];
	s0 =	simm.s32 @p0 $0x1  }
0x13: {  	[smem:$0x3FAD] =	sst s0;
	s0 =	simm.s32 @!p1 $0x0  }
0x14: {  	s2 =	sld [smem:$0x3F91];
	s0 =	simm.s32 @p1 $0x1  }
0x15: {  	[smem:$0x3FAE] =	sst s0;
	s0 =	simm.s32 @!p2 $0x0  }
0x16: {  	s3 =	sld [smem:$0x3FDB];
	s0 =	simm.s32 @p2 $0x1  }
0x17: {  	s4 =	simm.s32 $0x1BF5;
	[smem:$0x3FB0] =	sst s0  }
0x18: {  	s0 =	sld [smem:$0x3F93];
	_ =	swait.ge [sflag:s4], $0x0  }
0x19: {  	s7 =	sld [smem:$0x3F94]  }
0x1a: {  	s8 =	sadd.s32 $0xFFFFE003, lr  }
0x1b: {  	s9 =	sadd.s32 $0xFFFFFEF7, lr;
	s5 =	simm.s32 $0xFFFFFFFF;
	p2 =	slt.u32 s8, $0xFFFFF086  }
0x1c: {  	p1 =	slt.u32 s9, $0xF7A;
	s5 =	simm.s32 @!p2 $0x0  }
0x1d: {  	s5 =	simm.s32 @p1 $0x1;
	p0 =	seq.s32 s7, s2  }
0x1e: {  	s7 =	smul.u32 @!p0 $0xF7A, s2;
	p2 =	seq.s32 @!p0 s5, $0x0  }
0x1f: {  	s9 =	smul.u32 $0xF7A, s1;
	s8 =	simm.s32 @!p0 $0x1BF5;
	p2 =	por !p2, p0  }
0x20: {  	[sflag:s8] =	ssyncset.s32 @!p0 $0xFFFFF086;
	s6 =	sadd.s32 @!p0 s3, s7;
	s7 =	simm.s32 @!p0 $0x108  }
0x21: {  	s3 =	sadd.s32 s3, s9;
	s6 =	sadd.s32 @!p0 $0x88, s6;
	s7 =	simm.s32 @p2 $0x1082  }
0x22: {  	[simem:s7], [sflag:s8] =	dma.local @!p0 [hbm:s6], $0xF7A  }
0x23: {  	s9 =	sor.u32 $0xD0000000, s2;
	s6 =	simm.s32 $0x108;
	_ =	swait.ge @!p0 [sflag:s8], $0x0  }
0x24: {  	s3 =	sadd.s32 $0x88, s3;
	s6 =	simm.s32 @!p1 $0x1082;
	[sflag:s4] =	ssyncset.s32 $0xFFFFF086  }
0x25: {  	[simem:s6], [sflag:s4] =	dma.local [hbm:s3], $0xF7A  }
0x26: {  	[smem:$0x3F94] =	sst s1;
	(tag) =	ssettag s2;
	_ =	strace s9  }
0x27: {  	s1 =	sld [smem:$0x3FA4]  }
0x28: {  	s2 =	sld [smem:$0x3FA5]  }
0x29: {  	s4 =	sld [smem:$0x3FA7]  }
0x2a: {  	p0 =	seq.s32 s5, $0x0;
	s5 =	sld [smem:$0x3FA8]  }
0x2b: {  	s6 =	sld [smem:$0x3FA9]  }
0x2c: {  	s7 =	sld [smem:$0x3FAA]  }
0x2d: {  	s3 =	simm.s32 $0x108;
	s8 =	sld [smem:$0x3FAB]  }
0x2e: {  	s3 =	simm.s32 @!p0 $0x1082;
	s9 =	sld [smem:$0x3FAC]  }
0x2f: {  	lr =	sadd.s32 s0, s3;
	s0 =	sld [smem:$0x3FA3]  }
0x30: {  	s3 =	sld [smem:$0x3FA6]  }
0x31: {  	[smem:$0x3FAF] =	sst s10  }
0x32: {  	s10 =	sld [smem:$0x3FAD];
	_ =	sdelay $0x3  }
0x33: {  	p0 =	seq.s32 s10, $0x1;
	s10 =	sld [smem:$0x3FAF];
	_ =	sdelay $0x3  }
0x34: {  	[smem:$0x3FAF] =	sst s10  }
0x35: {  	s10 =	sld [smem:$0x3FAE];
	_ =	sdelay $0x3  }
0x36: {  	p1 =	seq.s32 s10, $0x1;
	s10 =	sld [smem:$0x3FAF];
	_ =	sdelay $0x3  }
0x37: {  	[smem:$0x3FAF] =	sst s10  }
0x38: {  	s10 =	sld [smem:$0x3FB0]  }
0x39: {  	_ = 	snop;
	(pc) =	sbr.ind lr, $3  }
0x3a: {  	_ = 	snop  }
0x3b: {  	_ = 	snop  }
0x3c: {  	p2 =	seq.s32 s10, $0x1;
	s10 =	sld [smem:$0x3FAF]  }
0x3d: {  	_ =	shalt  }
0x3e: {  	_ =	shalt  }
0x3f: {  	_ =	shalt  }
0x40: {  	_ =	shalt  }
0x41: {  	_ =	shalt  }
0x42: {  	_ =	shalt  }
0x43: {  	_ =	shalt  }
0x44: {  	_ =	shalt  }
0x45: {  	_ =	shalt  }
0x46: {  	_ =	shalt  }
0x47: {  	_ =	shalt  }
0x48: {  	_ =	shalt  }
0x49: {  	_ =	shalt  }
0x4a: {  	_ =	shalt  }
0x4b: {  	_ =	shalt  }
0x4c: {  	_ =	shalt  }
0x4d: {  	_ =	shalt  }
0x4e: {  	_ =	shalt  }
0x4f: {  	_ =	shalt  }
0x50: {  	_ =	shalt  }
0x51: {  	_ =	shalt  }
0x52: {  	_ =	shalt  }
0x53: {  	_ =	shalt  }
0x54: {  	_ =	shalt  }
0x55: {  	_ =	shalt  }
0x56: {  	_ =	shalt  }
0x57: {  	_ =	shalt  }
0x58: {  	_ =	shalt  }
0x59: {  	_ =	shalt  }
0x5a: {  	_ =	shalt  }
0x5b: {  	_ =	shalt  }
0x5c: {  	_ =	shalt  }
0x5d: {  	_ =	shalt  }
0x5e: {  	_ =	shalt  }
0x5f: {  	_ =	shalt  }
0x60: {  	_ =	shalt  }
0x61: {  	_ =	shalt  }
0x62: {  	_ =	shalt  }
0x63: {  	_ =	shalt  }
0x64: {  	_ =	shalt  }
0x65: {  	_ =	shalt  }
0x66: {  	_ =	shalt  }
0x67: {  	_ =	shalt  }
0x68: {  	_ =	shalt  }
0x69: {  	_ =	shalt  }
0x6a: {  	_ =	shalt  }
0x6b: {  	_ =	shalt  }
0x6c: {  	_ =	shalt  }
0x6d: {  	_ =	shalt  }
0x6e: {  	_ =	shalt  }
0x6f: {  	_ =	shalt  }
0x70: {  	_ =	shalt  }
0x71: {  	_ =	shalt  }
0x72: {  	_ =	shalt  }
0x73: {  	_ =	shalt  }
0x74: {  	_ =	shalt  }
0x75: {  	_ =	shalt  }
0x76: {  	_ =	shalt  }
0x77: {  	_ =	shalt  }
0x78: {  	_ =	shalt  }
0x79: {  	_ =	shalt  }
0x7a: {  	_ =	shalt  }
0x7b: {  	_ =	shalt  }
0x7c: {  	_ =	shalt  }
0x7d: {  	_ =	shalt  }
0x7e: {  	_ =	shalt  }
0x7f: {  	_ =	shalt  }
0x80: {  	_ =	shalt  }
0x81: {  	_ =	shalt  }
0x82: {  	_ =	shalt  }
0x83: {  	_ =	shalt  }
0x84: {  	_ =	shalt  }
0x85: {  	_ =	shalt  }
0x86: {  	_ =	shalt  }
0x87: {  	_ =	shalt  }
.Lfunc_end0:
.L_simem_size_0:
called_computation.2_lowered:
.L_overlay_start_0:
0x88: {  	s2 =	sld [smem:$0x3FD9]  }
0x89: {  	s3 =	sld [smem:$0x3FFE];
	_ =	sdelay $0x1  }
0x8a: {  	s1 =	srdreg.scid  }
0x8b: {  	s0 =	sand.u32 $0x1, s1  }
0x8c: {  	s16 =	sshll.u32 s0, $0xA;
	s2 =	sadd.s32 s3, s2  }
0x8d: {  	s2 =	sadd.s32 s2, s16  }
0x8e: {  	[smem:$0x3FBB] =	sst s2  }
0x8f: {  	_ = 	snop  }
0x90: {  	(tm) =	ssettm $0x1  }
0x91: {  	s17 =	sld [smem:$0x3FFB];
	_ =	sdelay $0x3  }
0x92: {  	_ =	strace s17  }
0x93: {  	s2 =	sld [smem:$0x3FFC];
	_ =	sdelay $0x3  }
0x94: {  	_ =	strace s2  }
0x95: {  	s2 =	sld [smem:$0x3FFD];
	_ =	sdelay $0x3  }
0x96: {  	_ =	strace s2  }
0x97: {  	_ =	strace $0x8FFFFFFF  }
0x98: {  	s18 =	sld [smem:$0x3FDB];
	_ =	sdelay $0x1  }
0x99: {  	s19 =	simm.s32 $_scs_section_size  }
0x9a: {  	s4 =	simm.s32 $_size__tile_overlayer_lowered;
	s5 =	simm.s32 $_tile_overlayer_lowered  }
0x9b: {  	s22 =	simm.s32 $0x1BFF;
	s21 =	sshll.u32 s5, $0x1;
	s2 =	sadd.s32 s19, s18  }
0x9c: {  	s6 =	simm.s32 $0x0;
	s20 =	sshll.u32 s4, $0x1;
	s4 =	sadd.s32 s21, s2  }
0x9d: {  	[timem:s6], [sflag:s22] =	dma.local [hbm:s4], s20  }
0x9e: {  	_ =	swait.ge [sflag:s22], s20  }
0x9f: {  	s3 =	ssub.s32 $0x0, s20;
	[sflag:s22] =	ssyncset.done $0x0  }
0xa0: {  	[sflag:s22] =	ssyncadd.s32 s3;
	_ =	sdelay $0x1  }
0xa1: {  	s23 =	simm.s32 $0x1B8B  }
0xa2: {  	_ =	swait.ge [sflag:s23], $0x1  }
0xa3: {  	[sflag:s23] =	ssyncset.done $0x0  }
0xa4: {  	s25 =	simm.s32 $0x1B8E;
	s24 =	sld [smem:$0x3FFE];
	[sflag:s23] =	ssyncadd.s32 $0xFFFFFFFF  }
0xa5: {  	s26 =	simm.s32 $execute0_lowered;
	[smem:$0x3FD2] =	sst s25  }
0xa6: {  	s4 =	sshll.u32 s26, $0x1;
	_ =	strace $0x8000004C;
	[dreg:$0x1] =	wrdreg $0xFFFFFFFF  }
0xa7: {  	s28 =	simm.s32 $_size_execute0_lowered;
	s2 =	sadd.s32 s2, s4;
	[dreg:$0x0] =	wrdreg $0x0  }
0xa8: {  	s4 =	sshll.u32 s28, $0x1;
	[dreg:$0x2] =	wrdreg s2  }
0xa9: {  	[dreg:$0x3] =	wrdreg s4  }
0xaa: {  	[dreg:$0x4] =	wrdreg $0xC0  }
0xab: {  	_ =	task [dreg:s6], $0x5FFFF  }
0xac: {  	[dreg:$0x1] =	wrdreg $0xFFFFFFFF  }
0xad: {  	[dreg:$0x0] =	wrdreg $0x60  }
0xae: {  	[dreg:$0x2] =	wrdreg s24  }
0xaf: {  	[dreg:$0x3] =	wrdreg $0x0  }
0xb0: {  	[dreg:$0x4] =	wrdreg $0x9  }
0xb1: {  	_ =	task.clear_ibuf [dreg:s6], $0x5FFFF;
	_ =	strace $0x9000004C  }
0xb2: {  	s29 =	simm.s32 $0x9;
	_ =	strace $0x8000004E  }
0xb3: {  	_ =	swait.ge [sflag:s29], $0x1  }
0xb4: {  	[sflag:s29] =	ssyncadd.s32 $0xFFFFFFFF  }
0xb5: {  	_ =	strace $0x9000004E  }
0xb6: {  	_ =	sfence  }
0xb7: {  	s30 =	sld [smem:$0x0];
	_ =	sdelay $0x2  }
0xb8: {  	s31 =	sshll.u32 s1, $0xD;
	s1 =	sshrl.u32 s1, $0x2  }
0xb9: {  	s3 =	sand.u32 $0x4000, s31;
	s1 =	sadd.s32 s1, s30  }
0xba: {  	s0 =	sor.u32 s3, s0;
	s1 =	sshll.u32 s1, $0x11  }
0xbb: {  	s0 =	sor.u32 s1, s0  }
0xbc: {  	s0 =	sadd.s32 $0x8F2B, s0  }
0xbd: {  	[sflag:s0] =	ssyncadd.remote.s32 $0x1  }
0xbe: {  	_ =	sfence.sel $0xFFFF  }
0xbf: {  	[dreg:$0x0] =	wrdreg $0xFFFFFFFF;
	(pc) =	sbr.abs _section_cstart, $3  }
0xc0: {  	[dreg:$0x1] =	wrdreg $0xFFFFFFFF  }
0xc1: {  	_ =	task.clear_ibuf [dreg:s6], $0x2FFFF;
	_ =	strace $0x9FFFFFFF  }
0xc2: {  	(tm) =	ssettm $0x7FFFFFFF  }
0xc3: {  	_ =	shalt  }
tec
execute0_lowered:
.L_overlay_start_1:
0x0: {  	(tag) =	ssettag $0x1  }
0x1: {  	s0 =	srdreg.scid;
	s1 =	rddreg [dreg:$0x0]  }
0x2: {  	s9 =	stileid.u32;
	s2 =	rddreg [dreg:$0x1];
	s11 =	simm.s32 $0x14400  }
0x3: {  	s12 =	simm.s32 $0x5;
	s13 =	simm.s32 $0x13C00;
	s14 =	simm.s32 $0x14000  }
0x4: {  	s15 =	simm.s32 $0x80;
	s16 =	simm.s32 $0x13C80;
	s17 =	simm.s32 $0x18400  }
0x5: {  	s18 =	simm.s32 $0x1;
	s19 =	simm.s32 $0x3;
	s28 =	simm.s32 $0x13E00  }
0x6: {  	s29 =	simm.s32 $0x14180;
	s30 =	simm.s32 $0x13E80;
	s31 =	simm.s32 $0x14200  }
0x7: {  	s0 =	sand.u32 $0x1, s0;
	s3 =	sshll.u32 s9, $0x1;
	s7 =	smul.u32 $0x4F000, s9  }
0x8: {  	s10 =	smul.u32 $0x2780, s9;
	s9 =	simm.s32 $0x0;
	s4 =	sor.u32 s0, s3  }
0x9: {  	s3 =	simm.s32 $0x0;
	s6 =	smul.u32 $0x27800, s0;
	s0 =	ssub.s32 $0x2, s0  }
0xa: {  	s5 =	smul.u32 $0x500, s4;
	[smem:$0x7FF] =	sst s3;
	s4 =	sadd.s32 $0x17E00, s1  }
0xb: {  	s20 =	sshrl.u32 s0, $0x1;
	s21 =	sshrl.u32 s7, $0x2;
	s7 =	simm.s32 $0x14300  }
0xc: {  	_ =	strace $0x8000004D;
	s0 =	ssub.s32 s0, s20;
	s22 =	sadd.s32 s21, s2  }
0xd: {  	s20 =	simm.s32 $0x13D00;
	s26 =	sadd.s32 $0x10000, s22;
	[dreg:$0x5] =	wrdreg s22  }
0xe: {  	s21 =	simm.s32 $0x2;
	s0 =	smax.u32 s0, $0x1;
	[dreg:$0x6] =	wrdreg s26  }
0xf: {  	s8 =	sadd.s32 s5, s1;
	s23 =	sadd.s32 $0x4000, s22;
	[dreg:$0x7] =	wrdreg s0  }
0x10: {  	s1 =	sadd.s32 s6, s1;
	s24 =	sadd.s32 $0x8000, s22;
	[dreg:$0x8] =	wrdreg s23  }
0x11: {  	s6 =	simm.s32 $0x13F80;
	s25 =	sadd.s32 $0xDE00, s8;
	[dreg:$0x9] =	wrdreg s24  }
0x12: {  	s8 =	sadd.s32 $0x3E00, s8;
	s1 =	sadd.s32 $0xB5E00, s1;
	[dreg:$0x3] =	wrdreg s25  }
0x13: {  	s23 =	simm.s32 $0x4;
	s0 =	simm.s32 $0x14280;
	[dreg:$0x4] =	wrdreg s8  }
0x14: {  	s25 =	sadd.s32 $0xC000, s22;
	s22 =	simm.s32 $0x14080;
	s26 =	sadd.s32 s10, s1  }
0x15: {  	s1 =	simm.s32 $0x13F00;
	s8 =	simm.s32 $0x14380;
	[dreg:$0xa] =	wrdreg s25  }
0x16: {  	v0 =	vimm.f32 $0.0e+00;
	[dreg:$0xb] =	wrdreg s26;
	s25 =	simm.s32 $0x13D80;
	s26 =	simm.s32 $0x14100  }
.LBB2_1:
0x17: {  	s10 =	simm.s32 $0x0;
	s24 =	simm.s32 $0x200  }
.LBB2_2:
0x18: {  	p0 =	sne.s32 s24, $0xFE00;
	[tilespmem:s10+$0x14470] =	vst v0  }
0x19: {  	[tilespmem:s10+$0x14400] =	vst v0  }
0x1a: {  	[tilespmem:s10+$0x14410] =	vst v0  }
.Ltmp0:
0x1b: {  	[tilespmem:s10+$0x14420] =	vst v0;
	(pc) =	sbr.rel @p0 .LBB2_2-.Ltmp0, $4  }
0x1c: {  	[tilespmem:s10+$0x14430] =	vst v0  }
0x1d: {  	[tilespmem:s10+$0x14440] =	vst v0  }
0x1e: {  	[tilespmem:s10+$0x14450] =	vst v0  }
0x1f: {  	[tilespmem:s10+$0x14460] =	vst v0;
	s10 =	sshra.s32 s24, $0x2;
	s24 =	sadd.s32 $0x200, s24  }
0x20: {  	[tilespmem:s10+$0x14470] =	vst v0  }
0x21: {  	[tilespmem:s10+$0x14400] =	vst v0  }
0x22: {  	[tilespmem:s10+$0x14410] =	vst v0  }
0x23: {  	[tilespmem:s10+$0x14420] =	vst v0  }
0x24: {  	[tilespmem:s10+$0x14430] =	vst v0  }
0x25: {  	[tilespmem:s10+$0x14440] =	vst v0  }
0x26: {  	[tilespmem:s10+$0x14450] =	vst v0  }
0x27: {  	[tilespmem:s10+$0x14460] =	vst v0;
	s5 =	rddreg [dreg:$0x5]  }
0x28: {  	[spmem:s5] =	stream.linear.scatter [tilespmem:s11], [sflag:$0x5], $0x4000, $0x38;
	[tilespmem:$0x1C400] =	vst v63  }
0x29: {  	_ =	swait.ge [sflag:s12], $0x4000  }
0x2a: {  	[sflag:s12] =	ssyncset.done $0x0  }
0x2b: {  	s10 =	rddreg [dreg:$0x8];
	[sflag:s12] =	ssyncadd.s32 $0xFFFFC000  }
0x2c: {  	[spmem:s10] =	stream.linear.scatter [tilespmem:s11], [sflag:$0x5], $0x4000, $0x38;
	[tilespmem:$0x1C400] =	vst v63  }
0x2d: {  	_ =	swait.ge [sflag:s12], $0x4000  }
0x2e: {  	[sflag:s12] =	ssyncset.done $0x0  }
0x2f: {  	s24 =	rddreg [dreg:$0x9];
	[sflag:s12] =	ssyncadd.s32 $0xFFFFC000  }
0x30: {  	[spmem:s24] =	stream.linear.scatter [tilespmem:s11], [sflag:$0x5], $0x4000, $0x38;
	[tilespmem:$0x1C400] =	vst v63  }
0x31: {  	_ =	swait.ge [sflag:s12], $0x4000  }
0x32: {  	[sflag:s12] =	ssyncset.done $0x0  }
0x33: {  	s10 =	rddreg [dreg:$0xa];
	[sflag:s12] =	ssyncadd.s32 $0xFFFFC000  }
0x34: {  	[spmem:s10] =	stream.linear.scatter [tilespmem:s11], [sflag:$0x5], $0x4000, $0x38;
	[tilespmem:$0x1C400] =	vst v63  }
0x35: {  	_ =	swait.ge [sflag:s12], $0x4000  }
0x36: {  	[sflag:s12] =	ssyncset.done $0x0  }
0x37: {  	s24 =	rddreg [dreg:$0x6];
	[sflag:s12] =	ssyncadd.s32 $0xFFFFC000  }
0x38: {  	[spmem:s24] =	stream.linear.scatter [tilespmem:s11], [sflag:$0x5], $0x3C00, $0x38;
	[tilespmem:$0x1C400] =	vst v63  }
0x39: {  	_ =	swait.ge [sflag:s12], $0x3C00  }
0x3a: {  	[sflag:s12] =	ssyncset.done $0x0  }
0x3b: {  	[sflag:s12] =	ssyncadd.s32 $0xFFFFC400  }
0x3c: {  	[bflag:$0x0] =	sbarrier.arrive $0xFFFF  }
0x3d: {  	s5 =	rddreg [dreg:$0x3]  }
0x3e: {  	s10 =	sadd.s32 $0x0, s5  }
0x3f: {  	[tilespmem:s13], [sflag:$0x5] =	stream.linear.gather [hbm4b:s10+s3], $0x400, $0x38;
	[tilespmem:$0x1C400] =	vst v63  }
0x40: {  	_ =	swait.ge [sflag:s12], $0x400  }
0x41: {  	s24 =	rddreg [dreg:$0x4];
	[sflag:s12] =	ssyncset.done $0x0  }
0x42: {  	[sflag:s12] =	ssyncadd.s32 $0xFFFFFC00;
	s10 =	sadd.s32 $0x0, s24  }
0x43: {  	[tilespmem:s14], [sflag:$0x5] =	stream.linear.gather [hbm4b:s10+s3], $0x400, $0x38;
	[tilespmem:$0x1C400] =	vst v63  }
0x44: {  	_ =	swait.ge [sflag:s12], $0x400  }
0x45: {  	[sflag:s12] =	ssyncset.done $0x0  }
0x46: {  	[sflag:s12] =	ssyncadd.s32 $0xFFFFFC00  }
0x47: {  	[tilespmem:s11], [sflag:$0x1] =	stream.indirect.gather [hbm4b:s4+s15], $0x80, s13, s15, $0xb8;
	[tilespmem:$0x1C400] =	vst v63  }
0x48: {  	_ = 	snop  }
0x49: {  	[tilespmem:s17], [sflag:$0x2] =	stream.indirect.gather [hbm4b:s4+s15], $0x80, s16, s15, $0xb8;
	[tilespmem:$0x1C400] =	vst v63  }
0x4a: {  	_ =	swait.ge [sflag:s18], $0x4000  }
0x4b: {  	[sflag:s18] =	ssyncset.done $0x0  }
0x4c: {  	[sflag:s18] =	ssyncadd.s32 $0xFFFFC000  }
0x4d: {  	[spmem:s2] =	stream.indirect.scatter.add.f32 [tilespmem:s11], [sflag:$0x3], $0x80, s14, s15, $0xb8;
	[tilespmem:$0x1C400] =	vst v63  }
0x4e: {  	_ =	swait.ge [sflag:s19], $0x4000  }
0x4f: {  	[sflag:s19] =	ssyncset.done $0x0  }
0x50: {  	[sflag:s19] =	ssyncadd.s32 $0xFFFFC000  }
0x51: {  	[tilespmem:s11], [sflag:$0x1] =	stream.indirect.gather [hbm4b:s4+s15], $0x80, s20, s15, $0xb8;
	[tilespmem:$0x1C400] =	vst v63  }
0x52: {  	_ =	swait.ge [sflag:s21], $0x4000  }
0x53: {  	[sflag:s21] =	ssyncset.done $0x0  }
0x54: {  	[sflag:s21] =	ssyncadd.s32 $0xFFFFC000  }
0x55: {  	[spmem:s2] =	stream.indirect.scatter.add.f32 [tilespmem:s17], [sflag:$0x4], $0x80, s22, s15, $0xb8;
	[tilespmem:$0x1C400] =	vst v63  }
0x56: {  	_ =	swait.ge [sflag:s23], $0x4000  }
0x57: {  	[sflag:s23] =	ssyncset.done $0x0  }
0x58: {  	[sflag:s23] =	ssyncadd.s32 $0xFFFFC000  }
0x59: {  	[tilespmem:s17], [sflag:$0x2] =	stream.indirect.gather [hbm4b:s4+s15], $0x80, s25, s15, $0xb8;
	[tilespmem:$0x1C400] =	vst v63  }
0x5a: {  	_ =	swait.ge [sflag:s18], $0x4000  }
0x5b: {  	[sflag:s18] =	ssyncset.done $0x0  }
0x5c: {  	[sflag:s18] =	ssyncadd.s32 $0xFFFFC000  }
0x5d: {  	[spmem:s2] =	stream.indirect.scatter.add.f32 [tilespmem:s11], [sflag:$0x3], $0x80, s26, s15, $0xb8;
	[tilespmem:$0x1C400] =	vst v63  }
0x5e: {  	_ =	swait.ge [sflag:s19], $0x4000  }
0x5f: {  	[sflag:s19] =	ssyncset.done $0x0  }
0x60: {  	[sflag:s19] =	ssyncadd.s32 $0xFFFFC000  }
0x61: {  	[tilespmem:s11], [sflag:$0x1] =	stream.indirect.gather [hbm4b:s4+s15], $0x80, s28, s15, $0xb8;
	[tilespmem:$0x1C400] =	vst v63  }
0x62: {  	_ =	swait.ge [sflag:s21], $0x4000  }
0x63: {  	[sflag:s21] =	ssyncset.done $0x0  }
0x64: {  	[sflag:s21] =	ssyncadd.s32 $0xFFFFC000  }
0x65: {  	[spmem:s2] =	stream.indirect.scatter.add.f32 [tilespmem:s17], [sflag:$0x4], $0x80, s29, s15, $0xb8;
	[tilespmem:$0x1C400] =	vst v63  }
0x66: {  	_ =	swait.ge [sflag:s23], $0x4000  }
0x67: {  	[sflag:s23] =	ssyncset.done $0x0  }
0x68: {  	[sflag:s23] =	ssyncadd.s32 $0xFFFFC000  }
0x69: {  	[tilespmem:s17], [sflag:$0x2] =	stream.indirect.gather [hbm4b:s4+s15], $0x80, s30, s15, $0xb8;
	[tilespmem:$0x1C400] =	vst v63  }
0x6a: {  	_ =	swait.ge [sflag:s18], $0x4000  }
0x6b: {  	[sflag:s18] =	ssyncset.done $0x0  }
0x6c: {  	[sflag:s18] =	ssyncadd.s32 $0xFFFFC000  }
0x6d: {  	[spmem:s2] =	stream.indirect.scatter.add.f32 [tilespmem:s11], [sflag:$0x3], $0x80, s31, s15, $0xb8;
	[tilespmem:$0x1C400] =	vst v63  }
0x6e: {  	_ =	swait.ge [sflag:s19], $0x4000  }
0x6f: {  	[sflag:s19] =	ssyncset.done $0x0  }
0x70: {  	[sflag:s19] =	ssyncadd.s32 $0xFFFFC000  }
0x71: {  	[tilespmem:s11], [sflag:$0x1] =	stream.indirect.gather [hbm4b:s4+s15], $0x80, s1, s15, $0xb8;
	[tilespmem:$0x1C400] =	vst v63  }
0x72: {  	_ =	swait.ge [sflag:s21], $0x4000  }
0x73: {  	[sflag:s21] =	ssyncset.done $0x0  }
0x74: {  	[sflag:s21] =	ssyncadd.s32 $0xFFFFC000  }
0x75: {  	[spmem:s2] =	stream.indirect.scatter.add.f32 [tilespmem:s17], [sflag:$0x4], $0x80, s0, s15, $0xb8;
	[tilespmem:$0x1C400] =	vst v63  }
0x76: {  	_ =	swait.ge [sflag:s23], $0x4000  }
0x77: {  	[sflag:s23] =	ssyncset.done $0x0  }
0x78: {  	[sflag:s23] =	ssyncadd.s32 $0xFFFFC000  }
0x79: {  	[tilespmem:s17], [sflag:$0x2] =	stream.indirect.gather [hbm4b:s4+s15], $0x80, s6, s15, $0xb8;
	[tilespmem:$0x1C400] =	vst v63  }
0x7a: {  	_ =	swait.ge [sflag:s18], $0x4000  }
0x7b: {  	[sflag:s18] =	ssyncset.done $0x0  }
0x7c: {  	[sflag:s18] =	ssyncadd.s32 $0xFFFFC000  }
0x7d: {  	[spmem:s2] =	stream.indirect.scatter.add.f32 [tilespmem:s11], [sflag:$0x3], $0x80, s7, s15, $0xb8;
	[tilespmem:$0x1C400] =	vst v63  }
0x7e: {  	_ =	swait.ge [sflag:s21], $0x4000  }
0x7f: {  	[sflag:s21] =	ssyncset.done $0x0  }
0x80: {  	[sflag:s21] =	ssyncadd.s32 $0xFFFFC000  }
0x81: {  	[spmem:s2] =	stream.indirect.scatter.add.f32 [tilespmem:s17], [sflag:$0x4], $0x80, s8, s15, $0xb8;
	[tilespmem:$0x1C400] =	vst v63  }
0x82: {  	_ =	swait.ge [sflag:s19], $0x4000  }
0x83: {  	[sflag:s19] =	ssyncset.done $0x0  }
0x84: {  	[sflag:s19] =	ssyncadd.s32 $0xFFFFC000  }
0x85: {  	_ =	swait.ge [sflag:s23], $0x4000  }
0x86: {  	s10 =	simm.s32 $0x80;
	[sflag:s23] =	ssyncset.done $0x0  }
.LBB2_4:
0x87: {  	s24 =	rddreg [dreg:$0x3];
	s5 =	smov.u32 s10  }
0x88: {  	[sflag:s23] =	ssyncadd.s32 $0xFFFFC000;
	s24 =	sadd.s32 s5, s24  }
0x89: {  	[tilespmem:s13], [sflag:$0x5] =	stream.linear.gather [hbm4b:s24+s3], $0x400, $0x38;
	[tilespmem:$0x1C400] =	vst v63  }
0x8a: {  	_ =	swait.ge [sflag:s12], $0x400  }
0x8b: {  	s24 =	rddreg [dreg:$0x4];
	[sflag:s12] =	ssyncset.done $0x0  }
0x8c: {  	[sflag:s12] =	ssyncadd.s32 $0xFFFFFC00;
	s5 =	sadd.s32 s5, s24  }
0x8d: {  	[tilespmem:s14], [sflag:$0x5] =	stream.linear.gather [hbm4b:s5+s3], $0x400, $0x38;
	[tilespmem:$0x1C400] =	vst v63  }
0x8e: {  	_ =	swait.ge [sflag:s12], $0x400  }
0x8f: {  	[sflag:s12] =	ssyncset.done $0x0  }
0x90: {  	[sflag:s12] =	ssyncadd.s32 $0xFFFFFC00  }
0x91: {  	[tilespmem:s11], [sflag:$0x1] =	stream.indirect.gather [hbm4b:s4+s15], $0x80, s13, s15, $0xb8;
	[tilespmem:$0x1C400] =	vst v63  }
0x92: {  	_ = 	snop  }
0x93: {  	[tilespmem:s17], [sflag:$0x2] =	stream.indirect.gather [hbm4b:s4+s15], $0x80, s16, s15, $0xb8;
	[tilespmem:$0x1C400] =	vst v63  }
0x94: {  	_ =	swait.ge [sflag:s18], $0x4000  }
0x95: {  	[sflag:s18] =	ssyncset.done $0x0  }
0x96: {  	[sflag:s18] =	ssyncadd.s32 $0xFFFFC000  }
0x97: {  	[spmem:s2] =	stream.indirect.scatter.add.f32 [tilespmem:s11], [sflag:$0x3], $0x80, s14, s15, $0xb8;
	[tilespmem:$0x1C400] =	vst v63  }
0x98: {  	_ =	swait.ge [sflag:s19], $0x4000  }
0x99: {  	[sflag:s19] =	ssyncset.done $0x0  }
0x9a: {  	[sflag:s19] =	ssyncadd.s32 $0xFFFFC000  }
0x9b: {  	[tilespmem:s11], [sflag:$0x1] =	stream.indirect.gather [hbm4b:s4+s15], $0x80, s20, s15, $0xb8;
	[tilespmem:$0x1C400] =	vst v63  }
0x9c: {  	_ =	swait.ge [sflag:s21], $0x4000  }
0x9d: {  	[sflag:s21] =	ssyncset.done $0x0  }
0x9e: {  	[sflag:s21] =	ssyncadd.s32 $0xFFFFC000  }
0x9f: {  	[spmem:s2] =	stream.indirect.scatter.add.f32 [tilespmem:s17], [sflag:$0x4], $0x80, s22, s15, $0xb8;
	[tilespmem:$0x1C400] =	vst v63  }
0xa0: {  	_ =	swait.ge [sflag:s23], $0x4000  }
0xa1: {  	[sflag:s23] =	ssyncset.done $0x0  }
0xa2: {  	[sflag:s23] =	ssyncadd.s32 $0xFFFFC000  }
0xa3: {  	[tilespmem:s17], [sflag:$0x2] =	stream.indirect.gather [hbm4b:s4+s15], $0x80, s25, s15, $0xb8;
	[tilespmem:$0x1C400] =	vst v63  }
0xa4: {  	_ =	swait.ge [sflag:s18], $0x4000  }
0xa5: {  	[sflag:s18] =	ssyncset.done $0x0  }
0xa6: {  	[sflag:s18] =	ssyncadd.s32 $0xFFFFC000  }
0xa7: {  	[spmem:s2] =	stream.indirect.scatter.add.f32 [tilespmem:s11], [sflag:$0x3], $0x80, s26, s15, $0xb8;
	[tilespmem:$0x1C400] =	vst v63  }
0xa8: {  	_ =	swait.ge [sflag:s19], $0x4000  }
0xa9: {  	[sflag:s19] =	ssyncset.done $0x0  }
0xaa: {  	[sflag:s19] =	ssyncadd.s32 $0xFFFFC000  }
0xab: {  	[tilespmem:s11], [sflag:$0x1] =	stream.indirect.gather [hbm4b:s4+s15], $0x80, s28, s15, $0xb8;
	[tilespmem:$0x1C400] =	vst v63  }
0xac: {  	_ =	swait.ge [sflag:s21], $0x4000  }
0xad: {  	[sflag:s21] =	ssyncset.done $0x0  }
0xae: {  	[sflag:s21] =	ssyncadd.s32 $0xFFFFC000  }
0xaf: {  	[spmem:s2] =	stream.indirect.scatter.add.f32 [tilespmem:s17], [sflag:$0x4], $0x80, s29, s15, $0xb8;
	[tilespmem:$0x1C400] =	vst v63  }
0xb0: {  	_ =	swait.ge [sflag:s23], $0x4000  }
0xb1: {  	[sflag:s23] =	ssyncset.done $0x0  }
0xb2: {  	[sflag:s23] =	ssyncadd.s32 $0xFFFFC000  }
0xb3: {  	[tilespmem:s17], [sflag:$0x2] =	stream.indirect.gather [hbm4b:s4+s15], $0x80, s30, s15, $0xb8;
	[tilespmem:$0x1C400] =	vst v63  }
0xb4: {  	_ =	swait.ge [sflag:s18], $0x4000  }
0xb5: {  	[sflag:s18] =	ssyncset.done $0x0  }
0xb6: {  	[sflag:s18] =	ssyncadd.s32 $0xFFFFC000  }
0xb7: {  	[spmem:s2] =	stream.indirect.scatter.add.f32 [tilespmem:s11], [sflag:$0x3], $0x80, s31, s15, $0xb8;
	[tilespmem:$0x1C400] =	vst v63  }
0xb8: {  	_ =	swait.ge [sflag:s19], $0x4000  }
0xb9: {  	[sflag:s19] =	ssyncset.done $0x0  }
0xba: {  	[sflag:s19] =	ssyncadd.s32 $0xFFFFC000  }
0xbb: {  	[tilespmem:s11], [sflag:$0x1] =	stream.indirect.gather [hbm4b:s4+s15], $0x80, s1, s15, $0xb8;
	[tilespmem:$0x1C400] =	vst v63  }
0xbc: {  	_ =	swait.ge [sflag:s21], $0x4000  }
0xbd: {  	[sflag:s21] =	ssyncset.done $0x0  }
0xbe: {  	[sflag:s21] =	ssyncadd.s32 $0xFFFFC000  }
0xbf: {  	[spmem:s2] =	stream.indirect.scatter.add.f32 [tilespmem:s17], [sflag:$0x4], $0x80, s0, s15, $0xb8;
	[tilespmem:$0x1C400] =	vst v63  }
0xc0: {  	_ =	swait.ge [sflag:s23], $0x4000  }
0xc1: {  	[sflag:s23] =	ssyncset.done $0x0  }
0xc2: {  	[sflag:s23] =	ssyncadd.s32 $0xFFFFC000  }
0xc3: {  	[tilespmem:s17], [sflag:$0x2] =	stream.indirect.gather [hbm4b:s4+s15], $0x80, s6, s15, $0xb8;
	[tilespmem:$0x1C400] =	vst v63  }
0xc4: {  	_ =	swait.ge [sflag:s18], $0x4000  }
0xc5: {  	[sflag:s18] =	ssyncset.done $0x0  }
0xc6: {  	[sflag:s18] =	ssyncadd.s32 $0xFFFFC000  }
0xc7: {  	[spmem:s2] =	stream.indirect.scatter.add.f32 [tilespmem:s11], [sflag:$0x3], $0x80, s7, s15, $0xb8;
	[tilespmem:$0x1C400] =	vst v63  }
0xc8: {  	_ =	swait.ge [sflag:s21], $0x4000  }
0xc9: {  	[sflag:s21] =	ssyncset.done $0x0  }
0xca: {  	p0 =	sne.s32 s10, $0x480;
	[sflag:s21] =	ssyncadd.s32 $0xFFFFC000  }
0xcb: {  	[spmem:s2] =	stream.indirect.scatter.add.f32 [tilespmem:s17], [sflag:$0x4], $0x80, s8, s15, $0xb8;
	[tilespmem:$0x1C400] =	vst v63  }
.Ltmp1:
0xcc: {  	_ =	swait.ge [sflag:s19], $0x4000;
	(pc) =	sbr.rel @p0 .LBB2_4-.Ltmp1, $4  }
0xcd: {  	[sflag:s19] =	ssyncset.done $0x0  }
0xce: {  	[sflag:s19] =	ssyncadd.s32 $0xFFFFC000  }
0xcf: {  	_ =	swait.ge [sflag:s23], $0x4000  }
0xd0: {  	s10 =	sadd.s32 $0x80, s10;
	[sflag:s23] =	ssyncset.done $0x0  }
0xd1: {  	[sflag:s23] =	ssyncadd.s32 $0xFFFFC000  }
0xd2: {  	s5 =	stileid.u32;
	[bflag:$0x0] =	sbarrier.arrive $0xFFFF  }
0xd3: {  	s5 =	sshll.u32 s5, $0x6;
	s10 =	rddreg [dreg:$0x5]  }
0xd4: {  	s5 =	sor.u32 $0x1C05, s5;
	s24 =	rddreg [dreg:$0xb];
	s10 =	sshrl.u32 s10, $0x3  }
0xd5: {  	[hbm:s24], [sflag:s5] =	dma.local [spmem:s10], $0x2780  }
0xd6: {  	_ =	swait.ge [sflag:s12], $0x2780  }
0xd7: {  	s9 =	sadd.s32 $0x1, s9;
	s24 =	rddreg [dreg:$0x7]  }
0xd8: {  	p0 =	sne.s32 s9, s24  }
.Ltmp2:
0xd9: {  	_ = 	snop;
	(pc) =	sbr.rel @p0 .LBB2_1-.Ltmp2, $3  }
0xda: {  	_ =	sdelay $0x1  }
0xdb: {  	[sflag:s12] =	ssyncset.done $0x0  }
0xdc: {  	[sflag:s12] =	ssyncadd.s32 $0xFFFFD880  }
0xdd: {  	_ =	sfence.sel $0x180000  }
0xde: {  	[bflag:$0x0] =	sbarrier.arrive $0xFFFF  }
0xdf: {  	_ =	strace $0x9000004D  }
0xe0: {  	s0 =	stileid.u32;
	[bflag:$0x2] =	sbarrier.arrive $0xFFFF  }
0xe1: {  	p0 =	sne.s32 s0, $0x0;
	s0 =	rddreg [dreg:$0x2]  }
0xe2: {  	s0 =	sadd.s32 @!p0 $0x100000, s0  }
0xe3: {  	[sflag:s0] =	ssyncadd.tile.s32 @!p0 $0x1;
	_ =	shalt  }
.Lfunc_end2:
_tile_overlayer_lowered:
.L_overlay_start_2:
0xe4: {  	(tag) =	ssettag $0x2  }
0xe5: {  	s0 =	rddreg [dreg:$0x0];
	s2 =	stileid.u32  }
0xe6: {  	s1 =	rddreg [dreg:$0x1];
	p0 =	sne.s32 s2, $0x0  }
0xe7: {  	s3 =	rddreg [dreg:$0x2];
	[bflag:$0x3] =	sbarrier.arrive $0xFFFF;
	s2 =	simm.s32 @!p0 $0x1C05  }
0xe8: {  	[timem:s3], [sflag:s2] =	dma.local @!p0 [hbm:s0], s1  }
0xe9: {  	s0 =	simm.s32 @!p0 $0x5  }
0xea: {  	_ =	swait.ge @!p0 [sflag:s0], s1  }
0xeb: {  	s1 =	ssub.s32 @!p0 $0x0, s1;
	[sflag:s0] =	ssyncset.done @!p0 $0x0  }
0xec: {  	[sflag:s0] =	ssyncadd.s32 @!p0 s1  }
0xed: {  	[bflag:$0x3] =	sbarrier.arrive $0xFFFF  }
0xee: {  	_ =	shalt  }

// kernel: kernel.20.cloned.1.call-start
scs
__scs_entry_jumppad:
0x0: {  	(pc) =	sbr.rel $0x88, $3  }
0x1: {  	(tag) =	ssettag $0x0;
	lr =	simm.s32 $0x1  }
0x2: {  	[smem:$0x3F94] =	sst lr;
	_ =	strace $0xD0000000  }
0x3: {  	_ = 	snop  }
0x4: {  	_ = 	snop  }
0x5: {  	_ = 	snop  }
0x6: {  	_ = 	snop  }
0x7: {  	_ = 	snop  }
__scs_overlays_trampoline_lowered:
0x8: {  	[smem:$0x3FA3] =	sst s0  }
0x9: {  	[smem:$0x3FA4] =	sst s1  }
0xa: {  	[smem:$0x3FA5] =	sst s2  }
0xb: {  	[smem:$0x3FA6] =	sst s3  }
0xc: {  	[smem:$0x3FA7] =	sst s4  }
0xd: {  	[smem:$0x3FA8] =	sst s5  }
0xe: {  	[smem:$0x3FA9] =	sst s6  }
0xf: {  	[smem:$0x3FAA] =	sst s7  }
0x10: {  	[smem:$0x3FAB] =	sst s8  }
0x11: {  	[smem:$0x3FAC] =	sst s9;
	s0 =	simm.s32 @!p0 $0x0  }
0x12: {  	s1 =	sld [smem:$0x3F92];
	s0 =	simm.s32 @p0 $0x1  }
0x13: {  	[smem:$0x3FAD] =	sst s0;
	s0 =	simm.s32 @!p1 $0x0  }
0x14: {  	s2 =	sld [smem:$0x3F91];
	s0 =	simm.s32 @p1 $0x1  }
0x15: {  	[smem:$0x3FAE] =	sst s0;
	s0 =	simm.s32 @!p2 $0x0  }
0x16: {  	s3 =	sld [smem:$0x3FDB];
	s0 =	simm.s32 @p2 $0x1  }
0x17: {  	s4 =	simm.s32 $0x1BF5;
	[smem:$0x3FB0] =	sst s0  }
0x18: {  	s0 =	sld [smem:$0x3F93];
	_ =	swait.ge [sflag:s4], $0x0  }
0x19: {  	s7 =	sld [smem:$0x3F94]  }
0x1a: {  	s8 =	sadd.s32 $0xFFFFE003, lr  }
0x1b: {  	s9 =	sadd.s32 $0xFFFFFEF7, lr;
	s5 =	simm.s32 $0xFFFFFFFF;
	p2 =	slt.u32 s8, $0xFFFFF086  }
0x1c: {  	p1 =	slt.u32 s9, $0xF7A;
	s5 =	simm.s32 @!p2 $0x0  }
0x1d: {  	s5 =	simm.s32 @p1 $0x1;
	p0 =	seq.s32 s7, s2  }
0x1e: {  	s7 =	smul.u32 @!p0 $0xF7A, s2;
	p2 =	seq.s32 @!p0 s5, $0x0  }
0x1f: {  	s9 =	smul.u32 $0xF7A, s1;
	s8 =	simm.s32 @!p0 $0x1BF5;
	p2 =	por !p2, p0  }
0x20: {  	[sflag:s8] =	ssyncset.s32 @!p0 $0xFFFFF086;
	s6 =	sadd.s32 @!p0 s3, s7;
	s7 =	simm.s32 @!p0 $0x108  }
0x21: {  	s3 =	sadd.s32 s3, s9;
	s6 =	sadd.s32 @!p0 $0x88, s6;
	s7 =	simm.s32 @p2 $0x1082  }
0x22: {  	[simem:s7], [sflag:s8] =	dma.local @!p0 [hbm:s6], $0xF7A  }
0x23: {  	s9 =	sor.u32 $0xD0000000, s2;
	s6 =	simm.s32 $0x108;
	_ =	swait.ge @!p0 [sflag:s8], $0x0  }
0x24: {  	s3 =	sadd.s32 $0x88, s3;
	s6 =	simm.s32 @!p1 $0x1082;
	[sflag:s4] =	ssyncset.s32 $0xFFFFF086  }
0x25: {  	[simem:s6], [sflag:s4] =	dma.local [hbm:s3], $0xF7A  }
0x26: {  	[smem:$0x3F94] =	sst s1;
	(tag) =	ssettag s2;
	_ =	strace s9  }
0x27: {  	s1 =	sld [smem:$0x3FA4]  }
0x28: {  	s2 =	sld [smem:$0x3FA5]  }
0x29: {  	s4 =	sld [smem:$0x3FA7]  }
0x2a: {  	p0 =	seq.s32 s5, $0x0;
	s5 =	sld [smem:$0x3FA8]  }
0x2b: {  	s6 =	sld [smem:$0x3FA9]  }
0x2c: {  	s7 =	sld [smem:$0x3FAA]  }
0x2d: {  	s3 =	simm.s32 $0x108;
	s8 =	sld [smem:$0x3FAB]  }
0x2e: {  	s3 =	simm.s32 @!p0 $0x1082;
	s9 =	sld [smem:$0x3FAC]  }
0x2f: {  	lr =	sadd.s32 s0, s3;
	s0 =	sld [smem:$0x3FA3]  }
0x30: {  	s3 =	sld [smem:$0x3FA6]  }
0x31: {  	[smem:$0x3FAF] =	sst s10  }
0x32: {  	s10 =	sld [smem:$0x3FAD];
	_ =	sdelay $0x3  }
0x33: {  	p0 =	seq.s32 s10, $0x1;
	s10 =	sld [smem:$0x3FAF];
	_ =	sdelay $0x3  }
0x34: {  	[smem:$0x3FAF] =	sst s10  }
0x35: {  	s10 =	sld [smem:$0x3FAE];
	_ =	sdelay $0x3  }
0x36: {  	p1 =	seq.s32 s10, $0x1;
	s10 =	sld [smem:$0x3FAF];
	_ =	sdelay $0x3  }
0x37: {  	[smem:$0x3FAF] =	sst s10  }
0x38: {  	s10 =	sld [smem:$0x3FB0]  }
0x39: {  	_ = 	snop;
	(pc) =	sbr.ind lr, $3  }
0x3a: {  	_ = 	snop  }
0x3b: {  	_ = 	snop  }
0x3c: {  	p2 =	seq.s32 s10, $0x1;
	s10 =	sld [smem:$0x3FAF]  }
0x3d: {  	_ =	shalt  }
0x3e: {  	_ =	shalt  }
0x3f: {  	_ =	shalt  }
0x40: {  	_ =	shalt  }
0x41: {  	_ =	shalt  }
0x42: {  	_ =	shalt  }
0x43: {  	_ =	shalt  }
0x44: {  	_ =	shalt  }
0x45: {  	_ =	shalt  }
0x46: {  	_ =	shalt  }
0x47: {  	_ =	shalt  }
0x48: {  	_ =	shalt  }
0x49: {  	_ =	shalt  }
0x4a: {  	_ =	shalt  }
0x4b: {  	_ =	shalt  }
0x4c: {  	_ =	shalt  }
0x4d: {  	_ =	shalt  }
0x4e: {  	_ =	shalt  }
0x4f: {  	_ =	shalt  }
0x50: {  	_ =	shalt  }
0x51: {  	_ =	shalt  }
0x52: {  	_ =	shalt  }
0x53: {  	_ =	shalt  }
0x54: {  	_ =	shalt  }
0x55: {  	_ =	shalt  }
0x56: {  	_ =	shalt  }
0x57: {  	_ =	shalt  }
0x58: {  	_ =	shalt  }
0x59: {  	_ =	shalt  }
0x5a: {  	_ =	shalt  }
0x5b: {  	_ =	shalt  }
0x5c: {  	_ =	shalt  }
0x5d: {  	_ =	shalt  }
0x5e: {  	_ =	shalt  }
0x5f: {  	_ =	shalt  }
0x60: {  	_ =	shalt  }
0x61: {  	_ =	shalt  }
0x62: {  	_ =	shalt  }
0x63: {  	_ =	shalt  }
0x64: {  	_ =	shalt  }
0x65: {  	_ =	shalt  }
0x66: {  	_ =	shalt  }
0x67: {  	_ =	shalt  }
0x68: {  	_ =	shalt  }
0x69: {  	_ =	shalt  }
0x6a: {  	_ =	shalt  }
0x6b: {  	_ =	shalt  }
0x6c: {  	_ =	shalt  }
0x6d: {  	_ =	shalt  }
0x6e: {  	_ =	shalt  }
0x6f: {  	_ =	shalt  }
0x70: {  	_ =	shalt  }
0x71: {  	_ =	shalt  }
0x72: {  	_ =	shalt  }
0x73: {  	_ =	shalt  }
0x74: {  	_ =	shalt  }
0x75: {  	_ =	shalt  }
0x76: {  	_ =	shalt  }
0x77: {  	_ =	shalt  }
0x78: {  	_ =	shalt  }
0x79: {  	_ =	shalt  }
0x7a: {  	_ =	shalt  }
0x7b: {  	_ =	shalt  }
0x7c: {  	_ =	shalt  }
0x7d: {  	_ =	shalt  }
0x7e: {  	_ =	shalt  }
0x7f: {  	_ =	shalt  }
0x80: {  	_ =	shalt  }
0x81: {  	_ =	shalt  }
0x82: {  	_ =	shalt  }
0x83: {  	_ =	shalt  }
0x84: {  	_ =	shalt  }
0x85: {  	_ =	shalt  }
0x86: {  	_ =	shalt  }
0x87: {  	_ =	shalt  }
.Lfunc_end0:
.L_simem_size_0:
called_computation.3_lowered:
.L_overlay_start_0:
0x88: {  	s2 =	sld [smem:$0x3FD9]  }
0x89: {  	s3 =	sld [smem:$0x3FFE];
	_ =	sdelay $0x1  }
0x8a: {  	s1 =	srdreg.scid  }
0x8b: {  	s0 =	sand.u32 $0x1, s1  }
0x8c: {  	s16 =	sshll.u32 s0, $0xA;
	s2 =	sadd.s32 s3, s2  }
0x8d: {  	s2 =	sadd.s32 s2, s16  }
0x8e: {  	[smem:$0x3FBB] =	sst s2  }
0x8f: {  	_ = 	snop  }
0x90: {  	(tm) =	ssettm $0x1  }
0x91: {  	s17 =	sld [smem:$0x3FFB];
	_ =	sdelay $0x3  }
0x92: {  	_ =	strace s17  }
0x93: {  	s2 =	sld [smem:$0x3FFC];
	_ =	sdelay $0x3  }
0x94: {  	_ =	strace s2  }
0x95: {  	s2 =	sld [smem:$0x3FFD];
	_ =	sdelay $0x3  }
0x96: {  	_ =	strace s2  }
0x97: {  	_ =	strace $0x8FFFFFFF  }
0x98: {  	s18 =	sld [smem:$0x3FDB];
	_ =	sdelay $0x1  }
0x99: {  	s19 =	simm.s32 $_scs_section_size  }
0x9a: {  	s4 =	simm.s32 $_size__tile_overlayer_lowered;
	s5 =	simm.s32 $_tile_overlayer_lowered  }
0x9b: {  	s22 =	simm.s32 $0x1BFF;
	s21 =	sshll.u32 s5, $0x1;
	s2 =	sadd.s32 s19, s18  }
0x9c: {  	s6 =	simm.s32 $0x0;
	s20 =	sshll.u32 s4, $0x1;
	s4 =	sadd.s32 s21, s2  }
0x9d: {  	[timem:s6], [sflag:s22] =	dma.local [hbm:s4], s20  }
0x9e: {  	_ =	swait.ge [sflag:s22], s20  }
0x9f: {  	s3 =	ssub.s32 $0x0, s20;
	[sflag:s22] =	ssyncset.done $0x0  }
0xa0: {  	[sflag:s22] =	ssyncadd.s32 s3;
	_ =	sdelay $0x1  }
0xa1: {  	s23 =	simm.s32 $0x1B8B  }
0xa2: {  	_ =	swait.ge [sflag:s23], $0x1  }
0xa3: {  	[sflag:s23] =	ssyncset.done $0x0  }
0xa4: {  	s25 =	simm.s32 $0x1B8E;
	s24 =	sld [smem:$0x3FFE];
	[sflag:s23] =	ssyncadd.s32 $0xFFFFFFFF  }
0xa5: {  	s26 =	simm.s32 $execute0_lowered;
	[smem:$0x3FD2] =	sst s25  }
0xa6: {  	s4 =	sshll.u32 s26, $0x1;
	_ =	strace $0x8000004F;
	[dreg:$0x1] =	wrdreg $0xFFFFFFFF  }
0xa7: {  	s28 =	simm.s32 $_size_execute0_lowered;
	s2 =	sadd.s32 s2, s4;
	[dreg:$0x0] =	wrdreg $0x0  }
0xa8: {  	s4 =	sshll.u32 s28, $0x1;
	[dreg:$0x2] =	wrdreg s2  }
0xa9: {  	[dreg:$0x3] =	wrdreg s4  }
0xaa: {  	[dreg:$0x4] =	wrdreg $0xC0  }
0xab: {  	_ =	task [dreg:s6], $0x5FFFF  }
0xac: {  	[dreg:$0x1] =	wrdreg $0xFFFFFFFF  }
0xad: {  	[dreg:$0x0] =	wrdreg $0x60  }
0xae: {  	[dreg:$0x2] =	wrdreg s24  }
0xaf: {  	[dreg:$0x3] =	wrdreg $0x0  }
0xb0: {  	[dreg:$0x4] =	wrdreg $0x9  }
0xb1: {  	_ =	task.clear_ibuf [dreg:s6], $0x5FFFF;
	_ =	strace $0x9000004F  }
0xb2: {  	s29 =	simm.s32 $0x9;
	_ =	strace $0x80000051  }
0xb3: {  	_ =	swait.ge [sflag:s29], $0x1  }
0xb4: {  	[sflag:s29] =	ssyncadd.s32 $0xFFFFFFFF  }
0xb5: {  	_ =	strace $0x90000051  }
0xb6: {  	_ =	sfence  }
0xb7: {  	s30 =	sld [smem:$0x0];
	_ =	sdelay $0x2  }
0xb8: {  	s31 =	sshll.u32 s1, $0xD;
	s1 =	sshrl.u32 s1, $0x2  }
0xb9: {  	s3 =	sand.u32 $0x4000, s31;
	s1 =	sadd.s32 s1, s30  }
0xba: {  	s0 =	sor.u32 s3, s0;
	s1 =	sshll.u32 s1, $0x11  }
0xbb: {  	s0 =	sor.u32 s1, s0  }
0xbc: {  	s0 =	sadd.s32 $0x8F2B, s0  }
0xbd: {  	[sflag:s0] =	ssyncadd.remote.s32 $0x1  }
0xbe: {  	_ =	sfence.sel $0xFFFF  }
0xbf: {  	[dreg:$0x0] =	wrdreg $0xFFFFFFFF;
	(pc) =	sbr.abs _section_cstart, $3  }
0xc0: {  	[dreg:$0x1] =	wrdreg $0xFFFFFFFF  }
0xc1: {  	_ =	task.clear_ibuf [dreg:s6], $0x2FFFF;
	_ =	strace $0x9FFFFFFF  }
0xc2: {  	(tm) =	ssettm $0x7FFFFFFF  }
0xc3: {  	_ =	shalt  }
tec
execute0_lowered:
.L_overlay_start_1:
0x0: {  	(tag) =	ssettag $0x1  }
0x1: {  	s0 =	srdreg.scid;
	s1 =	rddreg [dreg:$0x0]  }
0x2: {  	s9 =	stileid.u32;
	s2 =	rddreg [dreg:$0x1];
	s11 =	simm.s32 $0x14400  }
0x3: {  	s12 =	simm.s32 $0x5;
	s13 =	simm.s32 $0x13C00;
	s14 =	simm.s32 $0x14000  }
0x4: {  	s15 =	simm.s32 $0x80;
	s16 =	simm.s32 $0x13C80;
	s17 =	simm.s32 $0x18400  }
0x5: {  	s18 =	simm.s32 $0x1;
	s19 =	simm.s32 $0x3;
	s28 =	simm.s32 $0x13E00  }
0x6: {  	s29 =	simm.s32 $0x14180;
	s30 =	simm.s32 $0x13E80;
	s31 =	simm.s32 $0x14200  }
0x7: {  	s0 =	sand.u32 $0x1, s0;
	s3 =	sshll.u32 s9, $0x1;
	s7 =	smul.u32 $0x4F000, s9  }
0x8: {  	s10 =	smul.u32 $0x2780, s9;
	s9 =	simm.s32 $0x0;
	s4 =	sor.u32 s0, s3  }
0x9: {  	s3 =	simm.s32 $0x0;
	s6 =	smul.u32 $0x27800, s0;
	s0 =	ssub.s32 $0x2, s0  }
0xa: {  	s5 =	smul.u32 $0x500, s4;
	[smem:$0x7FF] =	sst s3;
	s4 =	sadd.s32 $0x17E00, s1  }
0xb: {  	s20 =	sshrl.u32 s0, $0x1;
	s21 =	sshrl.u32 s7, $0x2;
	s7 =	simm.s32 $0x14300  }
0xc: {  	_ =	strace $0x80000050;
	s0 =	ssub.s32 s0, s20;
	s22 =	sadd.s32 s21, s2  }
0xd: {  	s20 =	simm.s32 $0x13D00;
	s26 =	sadd.s32 $0x10000, s22;
	[dreg:$0x5] =	wrdreg s22  }
0xe: {  	s21 =	simm.s32 $0x2;
	s0 =	smax.u32 s0, $0x1;
	[dreg:$0x6] =	wrdreg s26  }
0xf: {  	s8 =	sadd.s32 s5, s1;
	s23 =	sadd.s32 $0x4000, s22;
	[dreg:$0x7] =	wrdreg s0  }
0x10: {  	s1 =	sadd.s32 s6, s1;
	s24 =	sadd.s32 $0x8000, s22;
	[dreg:$0x8] =	wrdreg s23  }
0x11: {  	s6 =	simm.s32 $0x13F80;
	s25 =	sadd.s32 $0xDE00, s8;
	[dreg:$0x9] =	wrdreg s24  }
0x12: {  	s8 =	sadd.s32 $0x3E00, s8;
	s1 =	sadd.s32 $0xB5E00, s1;
	[dreg:$0x3] =	wrdreg s25  }
0x13: {  	s23 =	simm.s32 $0x4;
	s0 =	simm.s32 $0x14280;
	[dreg:$0x4] =	wrdreg s8  }
0x14: {  	s25 =	sadd.s32 $0xC000, s22;
	s22 =	simm.s32 $0x14080;
	s26 =	sadd.s32 s10, s1  }
0x15: {  	s1 =	simm.s32 $0x13F00;
	s8 =	simm.s32 $0x14380;
	[dreg:$0xa] =	wrdreg s25  }
0x16: {  	v0 =	vimm.f32 $0.0e+00;
	[dreg:$0xb] =	wrdreg s26;
	s25 =	simm.s32 $0x13D80;
	s26 =	simm.s32 $0x14100  }
.LBB2_1:
0x17: {  	s10 =	simm.s32 $0x0;
	s24 =	simm.s32 $0x200  }
.LBB2_2:
0x18: {  	p0 =	sne.s32 s24, $0xFE00;
	[tilespmem:s10+$0x14470] =	vst v0  }
0x19: {  	[tilespmem:s10+$0x14400] =	vst v0  }
0x1a: {  	[tilespmem:s10+$0x14410] =	vst v0  }
.Ltmp0:
0x1b: {  	[tilespmem:s10+$0x14420] =	vst v0;
	(pc) =	sbr.rel @p0 .LBB2_2-.Ltmp0, $4  }
0x1c: {  	[tilespmem:s10+$0x14430] =	vst v0  }
0x1d: {  	[tilespmem:s10+$0x14440] =	vst v0  }
0x1e: {  	[tilespmem:s10+$0x14450] =	vst v0  }
0x1f: {  	[tilespmem:s10+$0x14460] =	vst v0;
	s10 =	sshra.s32 s24, $0x2;
	s24 =	sadd.s32 $0x200, s24  }
0x20: {  	[tilespmem:s10+$0x14470] =	vst v0  }
0x21: {  	[tilespmem:s10+$0x14400] =	vst v0  }
0x22: {  	[tilespmem:s10+$0x14410] =	vst v0  }
0x23: {  	[tilespmem:s10+$0x14420] =	vst v0  }
0x24: {  	[tilespmem:s10+$0x14430] =	vst v0  }
0x25: {  	[tilespmem:s10+$0x14440] =	vst v0  }
0x26: {  	[tilespmem:s10+$0x14450] =	vst v0  }
0x27: {  	[tilespmem:s10+$0x14460] =	vst v0;
	s5 =	rddreg [dreg:$0x5]  }
0x28: {  	[spmem:s5] =	stream.linear.scatter [tilespmem:s11], [sflag:$0x5], $0x4000, $0x38;
	[tilespmem:$0x1C400] =	vst v63  }
0x29: {  	_ =	swait.ge [sflag:s12], $0x4000  }
0x2a: {  	[sflag:s12] =	ssyncset.done $0x0  }
0x2b: {  	s10 =	rddreg [dreg:$0x8];
	[sflag:s12] =	ssyncadd.s32 $0xFFFFC000  }
0x2c: {  	[spmem:s10] =	stream.linear.scatter [tilespmem:s11], [sflag:$0x5], $0x4000, $0x38;
	[tilespmem:$0x1C400] =	vst v63  }
0x2d: {  	_ =	swait.ge [sflag:s12], $0x4000  }
0x2e: {  	[sflag:s12] =	ssyncset.done $0x0  }
0x2f: {  	s24 =	rddreg [dreg:$0x9];
	[sflag:s12] =	ssyncadd.s32 $0xFFFFC000  }
0x30: {  	[spmem:s24] =	stream.linear.scatter [tilespmem:s11], [sflag:$0x5], $0x4000, $0x38;
	[tilespmem:$0x1C400] =	vst v63  }
0x31: {  	_ =	swait.ge [sflag:s12], $0x4000  }
0x32: {  	[sflag:s12] =	ssyncset.done $0x0  }
0x33: {  	s10 =	rddreg [dreg:$0xa];
	[sflag:s12] =	ssyncadd.s32 $0xFFFFC000  }
0x34: {  	[spmem:s10] =	stream.linear.scatter [tilespmem:s11], [sflag:$0x5], $0x4000, $0x38;
	[tilespmem:$0x1C400] =	vst v63  }
0x35: {  	_ =	swait.ge [sflag:s12], $0x4000  }
0x36: {  	[sflag:s12] =	ssyncset.done $0x0  }
0x37: {  	s24 =	rddreg [dreg:$0x6];
	[sflag:s12] =	ssyncadd.s32 $0xFFFFC000  }
0x38: {  	[spmem:s24] =	stream.linear.scatter [tilespmem:s11], [sflag:$0x5], $0x3C00, $0x38;
	[tilespmem:$0x1C400] =	vst v63  }
0x39: {  	_ =	swait.ge [sflag:s12], $0x3C00  }
0x3a: {  	[sflag:s12] =	ssyncset.done $0x0  }
0x3b: {  	[sflag:s12] =	ssyncadd.s32 $0xFFFFC400  }
0x3c: {  	[bflag:$0x0] =	sbarrier.arrive $0xFFFF  }
0x3d: {  	s5 =	rddreg [dreg:$0x3]  }
0x3e: {  	s10 =	sadd.s32 $0x0, s5  }
0x3f: {  	[tilespmem:s13], [sflag:$0x5] =	stream.linear.gather [hbm4b:s10+s3], $0x400, $0x38;
	[tilespmem:$0x1C400] =	vst v63  }
0x40: {  	_ =	swait.ge [sflag:s12], $0x400  }
0x41: {  	s24 =	rddreg [dreg:$0x4];
	[sflag:s12] =	ssyncset.done $0x0  }
0x42: {  	[sflag:s12] =	ssyncadd.s32 $0xFFFFFC00;
	s10 =	sadd.s32 $0x0, s24  }
0x43: {  	[tilespmem:s14], [sflag:$0x5] =	stream.linear.gather [hbm4b:s10+s3], $0x400, $0x38;
	[tilespmem:$0x1C400] =	vst v63  }
0x44: {  	_ =	swait.ge [sflag:s12], $0x400  }
0x45: {  	[sflag:s12] =	ssyncset.done $0x0  }
0x46: {  	[sflag:s12] =	ssyncadd.s32 $0xFFFFFC00  }
0x47: {  	[tilespmem:s11], [sflag:$0x1] =	stream.indirect.gather [hbm4b:s4+s15], $0x80, s13, s15, $0xb8;
	[tilespmem:$0x1C400] =	vst v63  }
0x48: {  	_ = 	snop  }
0x49: {  	[tilespmem:s17], [sflag:$0x2] =	stream.indirect.gather [hbm4b:s4+s15], $0x80, s16, s15, $0xb8;
	[tilespmem:$0x1C400] =	vst v63  }
0x4a: {  	_ =	swait.ge [sflag:s18], $0x4000  }
0x4b: {  	[sflag:s18] =	ssyncset.done $0x0  }
0x4c: {  	[sflag:s18] =	ssyncadd.s32 $0xFFFFC000  }
0x4d: {  	[spmem:s2] =	stream.indirect.scatter.add.f32 [tilespmem:s11], [sflag:$0x3], $0x80, s14, s15, $0xb8;
	[tilespmem:$0x1C400] =	vst v63  }
0x4e: {  	_ =	swait.ge [sflag:s19], $0x4000  }
0x4f: {  	[sflag:s19] =	ssyncset.done $0x0  }
0x50: {  	[sflag:s19] =	ssyncadd.s32 $0xFFFFC000  }
0x51: {  	[tilespmem:s11], [sflag:$0x1] =	stream.indirect.gather [hbm4b:s4+s15], $0x80, s20, s15, $0xb8;
	[tilespmem:$0x1C400] =	vst v63  }
0x52: {  	_ =	swait.ge [sflag:s21], $0x4000  }
0x53: {  	[sflag:s21] =	ssyncset.done $0x0  }
0x54: {  	[sflag:s21] =	ssyncadd.s32 $0xFFFFC000  }
0x55: {  	[spmem:s2] =	stream.indirect.scatter.add.f32 [tilespmem:s17], [sflag:$0x4], $0x80, s22, s15, $0xb8;
	[tilespmem:$0x1C400] =	vst v63  }
0x56: {  	_ =	swait.ge [sflag:s23], $0x4000  }
0x57: {  	[sflag:s23] =	ssyncset.done $0x0  }
0x58: {  	[sflag:s23] =	ssyncadd.s32 $0xFFFFC000  }
0x59: {  	[tilespmem:s17], [sflag:$0x2] =	stream.indirect.gather [hbm4b:s4+s15], $0x80, s25, s15, $0xb8;
	[tilespmem:$0x1C400] =	vst v63  }
0x5a: {  	_ =	swait.ge [sflag:s18], $0x4000  }
0x5b: {  	[sflag:s18] =	ssyncset.done $0x0  }
0x5c: {  	[sflag:s18] =	ssyncadd.s32 $0xFFFFC000  }
0x5d: {  	[spmem:s2] =	stream.indirect.scatter.add.f32 [tilespmem:s11], [sflag:$0x3], $0x80, s26, s15, $0xb8;
	[tilespmem:$0x1C400] =	vst v63  }
0x5e: {  	_ =	swait.ge [sflag:s19], $0x4000  }
0x5f: {  	[sflag:s19] =	ssyncset.done $0x0  }
0x60: {  	[sflag:s19] =	ssyncadd.s32 $0xFFFFC000  }
0x61: {  	[tilespmem:s11], [sflag:$0x1] =	stream.indirect.gather [hbm4b:s4+s15], $0x80, s28, s15, $0xb8;
	[tilespmem:$0x1C400] =	vst v63  }
0x62: {  	_ =	swait.ge [sflag:s21], $0x4000  }
0x63: {  	[sflag:s21] =	ssyncset.done $0x0  }
0x64: {  	[sflag:s21] =	ssyncadd.s32 $0xFFFFC000  }
0x65: {  	[spmem:s2] =	stream.indirect.scatter.add.f32 [tilespmem:s17], [sflag:$0x4], $0x80, s29, s15, $0xb8;
	[tilespmem:$0x1C400] =	vst v63  }
0x66: {  	_ =	swait.ge [sflag:s23], $0x4000  }
0x67: {  	[sflag:s23] =	ssyncset.done $0x0  }
0x68: {  	[sflag:s23] =	ssyncadd.s32 $0xFFFFC000  }
0x69: {  	[tilespmem:s17], [sflag:$0x2] =	stream.indirect.gather [hbm4b:s4+s15], $0x80, s30, s15, $0xb8;
	[tilespmem:$0x1C400] =	vst v63  }
0x6a: {  	_ =	swait.ge [sflag:s18], $0x4000  }
0x6b: {  	[sflag:s18] =	ssyncset.done $0x0  }
0x6c: {  	[sflag:s18] =	ssyncadd.s32 $0xFFFFC000  }
0x6d: {  	[spmem:s2] =	stream.indirect.scatter.add.f32 [tilespmem:s11], [sflag:$0x3], $0x80, s31, s15, $0xb8;
	[tilespmem:$0x1C400] =	vst v63  }
0x6e: {  	_ =	swait.ge [sflag:s19], $0x4000  }
0x6f: {  	[sflag:s19] =	ssyncset.done $0x0  }
0x70: {  	[sflag:s19] =	ssyncadd.s32 $0xFFFFC000  }
0x71: {  	[tilespmem:s11], [sflag:$0x1] =	stream.indirect.gather [hbm4b:s4+s15], $0x80, s1, s15, $0xb8;
	[tilespmem:$0x1C400] =	vst v63  }
0x72: {  	_ =	swait.ge [sflag:s21], $0x4000  }
0x73: {  	[sflag:s21] =	ssyncset.done $0x0  }
0x74: {  	[sflag:s21] =	ssyncadd.s32 $0xFFFFC000  }
0x75: {  	[spmem:s2] =	stream.indirect.scatter.add.f32 [tilespmem:s17], [sflag:$0x4], $0x80, s0, s15, $0xb8;
	[tilespmem:$0x1C400] =	vst v63  }
0x76: {  	_ =	swait.ge [sflag:s23], $0x4000  }
0x77: {  	[sflag:s23] =	ssyncset.done $0x0  }
0x78: {  	[sflag:s23] =	ssyncadd.s32 $0xFFFFC000  }
0x79: {  	[tilespmem:s17], [sflag:$0x2] =	stream.indirect.gather [hbm4b:s4+s15], $0x80, s6, s15, $0xb8;
	[tilespmem:$0x1C400] =	vst v63  }
0x7a: {  	_ =	swait.ge [sflag:s18], $0x4000  }
0x7b: {  	[sflag:s18] =	ssyncset.done $0x0  }
0x7c: {  	[sflag:s18] =	ssyncadd.s32 $0xFFFFC000  }
0x7d: {  	[spmem:s2] =	stream.indirect.scatter.add.f32 [tilespmem:s11], [sflag:$0x3], $0x80, s7, s15, $0xb8;
	[tilespmem:$0x1C400] =	vst v63  }
0x7e: {  	_ =	swait.ge [sflag:s21], $0x4000  }
0x7f: {  	[sflag:s21] =	ssyncset.done $0x0  }
0x80: {  	[sflag:s21] =	ssyncadd.s32 $0xFFFFC000  }
0x81: {  	[spmem:s2] =	stream.indirect.scatter.add.f32 [tilespmem:s17], [sflag:$0x4], $0x80, s8, s15, $0xb8;
	[tilespmem:$0x1C400] =	vst v63  }
0x82: {  	_ =	swait.ge [sflag:s19], $0x4000  }
0x83: {  	[sflag:s19] =	ssyncset.done $0x0  }
0x84: {  	[sflag:s19] =	ssyncadd.s32 $0xFFFFC000  }
0x85: {  	_ =	swait.ge [sflag:s23], $0x4000  }
0x86: {  	s10 =	simm.s32 $0x80;
	[sflag:s23] =	ssyncset.done $0x0  }
.LBB2_4:
0x87: {  	s24 =	rddreg [dreg:$0x3];
	s5 =	smov.u32 s10  }
0x88: {  	[sflag:s23] =	ssyncadd.s32 $0xFFFFC000;
	s24 =	sadd.s32 s5, s24  }
0x89: {  	[tilespmem:s13], [sflag:$0x5] =	stream.linear.gather [hbm4b:s24+s3], $0x400, $0x38;
	[tilespmem:$0x1C400] =	vst v63  }
0x8a: {  	_ =	swait.ge [sflag:s12], $0x400  }
0x8b: {  	s24 =	rddreg [dreg:$0x4];
	[sflag:s12] =	ssyncset.done $0x0  }
0x8c: {  	[sflag:s12] =	ssyncadd.s32 $0xFFFFFC00;
	s5 =	sadd.s32 s5, s24  }
0x8d: {  	[tilespmem:s14], [sflag:$0x5] =	stream.linear.gather [hbm4b:s5+s3], $0x400, $0x38;
	[tilespmem:$0x1C400] =	vst v63  }
0x8e: {  	_ =	swait.ge [sflag:s12], $0x400  }
0x8f: {  	[sflag:s12] =	ssyncset.done $0x0  }
0x90: {  	[sflag:s12] =	ssyncadd.s32 $0xFFFFFC00  }
0x91: {  	[tilespmem:s11], [sflag:$0x1] =	stream.indirect.gather [hbm4b:s4+s15], $0x80, s13, s15, $0xb8;
	[tilespmem:$0x1C400] =	vst v63  }
0x92: {  	_ = 	snop  }
0x93: {  	[tilespmem:s17], [sflag:$0x2] =	stream.indirect.gather [hbm4b:s4+s15], $0x80, s16, s15, $0xb8;
	[tilespmem:$0x1C400] =	vst v63  }
0x94: {  	_ =	swait.ge [sflag:s18], $0x4000  }
0x95: {  	[sflag:s18] =	ssyncset.done $0x0  }
0x96: {  	[sflag:s18] =	ssyncadd.s32 $0xFFFFC000  }
0x97: {  	[spmem:s2] =	stream.indirect.scatter.add.f32 [tilespmem:s11], [sflag:$0x3], $0x80, s14, s15, $0xb8;
	[tilespmem:$0x1C400] =	vst v63  }
0x98: {  	_ =	swait.ge [sflag:s19], $0x4000  }
0x99: {  	[sflag:s19] =	ssyncset.done $0x0  }
0x9a: {  	[sflag:s19] =	ssyncadd.s32 $0xFFFFC000  }
0x9b: {  	[tilespmem:s11], [sflag:$0x1] =	stream.indirect.gather [hbm4b:s4+s15], $0x80, s20, s15, $0xb8;
	[tilespmem:$0x1C400] =	vst v63  }
0x9c: {  	_ =	swait.ge [sflag:s21], $0x4000  }
0x9d: {  	[sflag:s21] =	ssyncset.done $0x0  }
0x9e: {  	[sflag:s21] =	ssyncadd.s32 $0xFFFFC000  }
0x9f: {  	[spmem:s2] =	stream.indirect.scatter.add.f32 [tilespmem:s17], [sflag:$0x4], $0x80, s22, s15, $0xb8;
	[tilespmem:$0x1C400] =	vst v63  }
0xa0: {  	_ =	swait.ge [sflag:s23], $0x4000  }
0xa1: {  	[sflag:s23] =	ssyncset.done $0x0  }
0xa2: {  	[sflag:s23] =	ssyncadd.s32 $0xFFFFC000  }
0xa3: {  	[tilespmem:s17], [sflag:$0x2] =	stream.indirect.gather [hbm4b:s4+s15], $0x80, s25, s15, $0xb8;
	[tilespmem:$0x1C400] =	vst v63  }
0xa4: {  	_ =	swait.ge [sflag:s18], $0x4000  }
0xa5: {  	[sflag:s18] =	ssyncset.done $0x0  }
0xa6: {  	[sflag:s18] =	ssyncadd.s32 $0xFFFFC000  }
0xa7: {  	[spmem:s2] =	stream.indirect.scatter.add.f32 [tilespmem:s11], [sflag:$0x3], $0x80, s26, s15, $0xb8;
	[tilespmem:$0x1C400] =	vst v63  }
0xa8: {  	_ =	swait.ge [sflag:s19], $0x4000  }
0xa9: {  	[sflag:s19] =	ssyncset.done $0x0  }
0xaa: {  	[sflag:s19] =	ssyncadd.s32 $0xFFFFC000  }
0xab: {  	[tilespmem:s11], [sflag:$0x1] =	stream.indirect.gather [hbm4b:s4+s15], $0x80, s28, s15, $0xb8;
	[tilespmem:$0x1C400] =	vst v63  }
0xac: {  	_ =	swait.ge [sflag:s21], $0x4000  }
0xad: {  	[sflag:s21] =	ssyncset.done $0x0  }
0xae: {  	[sflag:s21] =	ssyncadd.s32 $0xFFFFC000  }
0xaf: {  	[spmem:s2] =	stream.indirect.scatter.add.f32 [tilespmem:s17], [sflag:$0x4], $0x80, s29, s15, $0xb8;
	[tilespmem:$0x1C400] =	vst v63  }
0xb0: {  	_ =	swait.ge [sflag:s23], $0x4000  }
0xb1: {  	[sflag:s23] =	ssyncset.done $0x0  }
0xb2: {  	[sflag:s23] =	ssyncadd.s32 $0xFFFFC000  }
0xb3: {  	[tilespmem:s17], [sflag:$0x2] =	stream.indirect.gather [hbm4b:s4+s15], $0x80, s30, s15, $0xb8;
	[tilespmem:$0x1C400] =	vst v63  }
0xb4: {  	_ =	swait.ge [sflag:s18], $0x4000  }
0xb5: {  	[sflag:s18] =	ssyncset.done $0x0  }
0xb6: {  	[sflag:s18] =	ssyncadd.s32 $0xFFFFC000  }
0xb7: {  	[spmem:s2] =	stream.indirect.scatter.add.f32 [tilespmem:s11], [sflag:$0x3], $0x80, s31, s15, $0xb8;
	[tilespmem:$0x1C400] =	vst v63  }
0xb8: {  	_ =	swait.ge [sflag:s19], $0x4000  }
0xb9: {  	[sflag:s19] =	ssyncset.done $0x0  }
0xba: {  	[sflag:s19] =	ssyncadd.s32 $0xFFFFC000  }
0xbb: {  	[tilespmem:s11], [sflag:$0x1] =	stream.indirect.gather [hbm4b:s4+s15], $0x80, s1, s15, $0xb8;
	[tilespmem:$0x1C400] =	vst v63  }
0xbc: {  	_ =	swait.ge [sflag:s21], $0x4000  }
0xbd: {  	[sflag:s21] =	ssyncset.done $0x0  }
0xbe: {  	[sflag:s21] =	ssyncadd.s32 $0xFFFFC000  }
0xbf: {  	[spmem:s2] =	stream.indirect.scatter.add.f32 [tilespmem:s17], [sflag:$0x4], $0x80, s0, s15, $0xb8;
	[tilespmem:$0x1C400] =	vst v63  }
0xc0: {  	_ =	swait.ge [sflag:s23], $0x4000  }
0xc1: {  	[sflag:s23] =	ssyncset.done $0x0  }
0xc2: {  	[sflag:s23] =	ssyncadd.s32 $0xFFFFC000  }
0xc3: {  	[tilespmem:s17], [sflag:$0x2] =	stream.indirect.gather [hbm4b:s4+s15], $0x80, s6, s15, $0xb8;
	[tilespmem:$0x1C400] =	vst v63  }
0xc4: {  	_ =	swait.ge [sflag:s18], $0x4000  }
0xc5: {  	[sflag:s18] =	ssyncset.done $0x0  }
0xc6: {  	[sflag:s18] =	ssyncadd.s32 $0xFFFFC000  }
0xc7: {  	[spmem:s2] =	stream.indirect.scatter.add.f32 [tilespmem:s11], [sflag:$0x3], $0x80, s7, s15, $0xb8;
	[tilespmem:$0x1C400] =	vst v63  }
0xc8: {  	_ =	swait.ge [sflag:s21], $0x4000  }
0xc9: {  	[sflag:s21] =	ssyncset.done $0x0  }
0xca: {  	p0 =	sne.s32 s10, $0x480;
	[sflag:s21] =	ssyncadd.s32 $0xFFFFC000  }
0xcb: {  	[spmem:s2] =	stream.indirect.scatter.add.f32 [tilespmem:s17], [sflag:$0x4], $0x80, s8, s15, $0xb8;
	[tilespmem:$0x1C400] =	vst v63  }
.Ltmp1:
0xcc: {  	_ =	swait.ge [sflag:s19], $0x4000;
	(pc) =	sbr.rel @p0 .LBB2_4-.Ltmp1, $4  }
0xcd: {  	[sflag:s19] =	ssyncset.done $0x0  }
0xce: {  	[sflag:s19] =	ssyncadd.s32 $0xFFFFC000  }
0xcf: {  	_ =	swait.ge [sflag:s23], $0x4000  }
0xd0: {  	s10 =	sadd.s32 $0x80, s10;
	[sflag:s23] =	ssyncset.done $0x0  }
0xd1: {  	[sflag:s23] =	ssyncadd.s32 $0xFFFFC000  }
0xd2: {  	s5 =	stileid.u32;
	[bflag:$0x0] =	sbarrier.arrive $0xFFFF  }
0xd3: {  	s5 =	sshll.u32 s5, $0x6;
	s10 =	rddreg [dreg:$0x5]  }
0xd4: {  	s5 =	sor.u32 $0x1C05, s5;
	s24 =	rddreg [dreg:$0xb];
	s10 =	sshrl.u32 s10, $0x3  }
0xd5: {  	[hbm:s24], [sflag:s5] =	dma.local [spmem:s10], $0x2780  }
0xd6: {  	_ =	swait.ge [sflag:s12], $0x2780  }
0xd7: {  	s9 =	sadd.s32 $0x1, s9;
	s24 =	rddreg [dreg:$0x7]  }
0xd8: {  	p0 =	sne.s32 s9, s24  }
.Ltmp2:
0xd9: {  	_ = 	snop;
	(pc) =	sbr.rel @p0 .LBB2_1-.Ltmp2, $3  }
0xda: {  	_ =	sdelay $0x1  }
0xdb: {  	[sflag:s12] =	ssyncset.done $0x0  }
0xdc: {  	[sflag:s12] =	ssyncadd.s32 $0xFFFFD880  }
0xdd: {  	_ =	sfence.sel $0x180000  }
0xde: {  	[bflag:$0x0] =	sbarrier.arrive $0xFFFF  }
0xdf: {  	_ =	strace $0x90000050  }
0xe0: {  	s0 =	stileid.u32;
	[bflag:$0x2] =	sbarrier.arrive $0xFFFF  }
0xe1: {  	p0 =	sne.s32 s0, $0x0;
	s0 =	rddreg [dreg:$0x2]  }
0xe2: {  	s0 =	sadd.s32 @!p0 $0x100000, s0  }
0xe3: {  	[sflag:s0] =	ssyncadd.tile.s32 @!p0 $0x1;
	_ =	shalt  }
.Lfunc_end2:
_tile_overlayer_lowered:
.L_overlay_start_2:
0xe4: {  	(tag) =	ssettag $0x2  }
0xe5: {  	s0 =	rddreg [dreg:$0x0];
	s2 =	stileid.u32  }
0xe6: {  	s1 =	rddreg [dreg:$0x1];
	p0 =	sne.s32 s2, $0x0  }
0xe7: {  	s3 =	rddreg [dreg:$0x2];
	[bflag:$0x3] =	sbarrier.arrive $0xFFFF;
	s2 =	simm.s32 @!p0 $0x1C05  }
0xe8: {  	[timem:s3], [sflag:s2] =	dma.local @!p0 [hbm:s0], s1  }
0xe9: {  	s0 =	simm.s32 @!p0 $0x5  }
0xea: {  	_ =	swait.ge @!p0 [sflag:s0], s1  }
0xeb: {  	s1 =	ssub.s32 @!p0 $0x0, s1;
	[sflag:s0] =	ssyncset.done @!p0 $0x0  }
0xec: {  	[sflag:s0] =	ssyncadd.s32 @!p0 s1  }
0xed: {  	[bflag:$0x3] =	sbarrier.arrive $0xFFFF  }
0xee: {  	_ =	shalt  }

// kernel: kernel.23.cloned.1.call-start
scs
__scs_entry_jumppad:
0x0: {  	(pc) =	sbr.rel $0x88, $3  }
0x1: {  	(tag) =	ssettag $0x0;
	lr =	simm.s32 $0x1  }
0x2: {  	[smem:$0x3F94] =	sst lr;
	_ =	strace $0xD0000000  }
0x3: {  	_ = 	snop  }
0x4: {  	_ = 	snop  }
0x5: {  	_ = 	snop  }
0x6: {  	_ = 	snop  }
0x7: {  	_ = 	snop  }
__scs_overlays_trampoline_lowered:
0x8: {  	[smem:$0x3FA3] =	sst s0  }
0x9: {  	[smem:$0x3FA4] =	sst s1  }
0xa: {  	[smem:$0x3FA5] =	sst s2  }
0xb: {  	[smem:$0x3FA6] =	sst s3  }
0xc: {  	[smem:$0x3FA7] =	sst s4  }
0xd: {  	[smem:$0x3FA8] =	sst s5  }
0xe: {  	[smem:$0x3FA9] =	sst s6  }
0xf: {  	[smem:$0x3FAA] =	sst s7  }
0x10: {  	[smem:$0x3FAB] =	sst s8  }
0x11: {  	[smem:$0x3FAC] =	sst s9;
	s0 =	simm.s32 @!p0 $0x0  }
0x12: {  	s1 =	sld [smem:$0x3F92];
	s0 =	simm.s32 @p0 $0x1  }
0x13: {  	[smem:$0x3FAD] =	sst s0;
	s0 =	simm.s32 @!p1 $0x0  }
0x14: {  	s2 =	sld [smem:$0x3F91];
	s0 =	simm.s32 @p1 $0x1  }
0x15: {  	[smem:$0x3FAE] =	sst s0;
	s0 =	simm.s32 @!p2 $0x0  }
0x16: {  	s3 =	sld [smem:$0x3FDB];
	s0 =	simm.s32 @p2 $0x1  }
0x17: {  	s4 =	simm.s32 $0x1BF5;
	[smem:$0x3FB0] =	sst s0  }
0x18: {  	s0 =	sld [smem:$0x3F93];
	_ =	swait.ge [sflag:s4], $0x0  }
0x19: {  	s7 =	sld [smem:$0x3F94]  }
0x1a: {  	s8 =	sadd.s32 $0xFFFFE003, lr  }
0x1b: {  	s9 =	sadd.s32 $0xFFFFFEF7, lr;
	s5 =	simm.s32 $0xFFFFFFFF;
	p2 =	slt.u32 s8, $0xFFFFF086  }
0x1c: {  	p1 =	slt.u32 s9, $0xF7A;
	s5 =	simm.s32 @!p2 $0x0  }
0x1d: {  	s5 =	simm.s32 @p1 $0x1;
	p0 =	seq.s32 s7, s2  }
0x1e: {  	s7 =	smul.u32 @!p0 $0xF7A, s2;
	p2 =	seq.s32 @!p0 s5, $0x0  }
0x1f: {  	s9 =	smul.u32 $0xF7A, s1;
	s8 =	simm.s32 @!p0 $0x1BF5;
	p2 =	por !p2, p0  }
0x20: {  	[sflag:s8] =	ssyncset.s32 @!p0 $0xFFFFF086;
	s6 =	sadd.s32 @!p0 s3, s7;
	s7 =	simm.s32 @!p0 $0x108  }
0x21: {  	s3 =	sadd.s32 s3, s9;
	s6 =	sadd.s32 @!p0 $0x88, s6;
	s7 =	simm.s32 @p2 $0x1082  }
0x22: {  	[simem:s7], [sflag:s8] =	dma.local @!p0 [hbm:s6], $0xF7A  }
0x23: {  	s9 =	sor.u32 $0xD0000000, s2;
	s6 =	simm.s32 $0x108;
	_ =	swait.ge @!p0 [sflag:s8], $0x0  }
0x24: {  	s3 =	sadd.s32 $0x88, s3;
	s6 =	simm.s32 @!p1 $0x1082;
	[sflag:s4] =	ssyncset.s32 $0xFFFFF086  }
0x25: {  	[simem:s6], [sflag:s4] =	dma.local [hbm:s3], $0xF7A  }
0x26: {  	[smem:$0x3F94] =	sst s1;
	(tag) =	ssettag s2;
	_ =	strace s9  }
0x27: {  	s1 =	sld [smem:$0x3FA4]  }
0x28: {  	s2 =	sld [smem:$0x3FA5]  }
0x29: {  	s4 =	sld [smem:$0x3FA7]  }
0x2a: {  	p0 =	seq.s32 s5, $0x0;
	s5 =	sld [smem:$0x3FA8]  }
0x2b: {  	s6 =	sld [smem:$0x3FA9]  }
0x2c: {  	s7 =	sld [smem:$0x3FAA]  }
0x2d: {  	s3 =	simm.s32 $0x108;
	s8 =	sld [smem:$0x3FAB]  }
0x2e: {  	s3 =	simm.s32 @!p0 $0x1082;
	s9 =	sld [smem:$0x3FAC]  }
0x2f: {  	lr =	sadd.s32 s0, s3;
	s0 =	sld [smem:$0x3FA3]  }
0x30: {  	s3 =	sld [smem:$0x3FA6]  }
0x31: {  	[smem:$0x3FAF] =	sst s10  }
0x32: {  	s10 =	sld [smem:$0x3FAD];
	_ =	sdelay $0x3  }
0x33: {  	p0 =	seq.s32 s10, $0x1;
	s10 =	sld [smem:$0x3FAF];
	_ =	sdelay $0x3  }
0x34: {  	[smem:$0x3FAF] =	sst s10  }
0x35: {  	s10 =	sld [smem:$0x3FAE];
	_ =	sdelay $0x3  }
0x36: {  	p1 =	seq.s32 s10, $0x1;
	s10 =	sld [smem:$0x3FAF];
	_ =	sdelay $0x3  }
0x37: {  	[smem:$0x3FAF] =	sst s10  }
0x38: {  	s10 =	sld [smem:$0x3FB0]  }
0x39: {  	_ = 	snop;
	(pc) =	sbr.ind lr, $3  }
0x3a: {  	_ = 	snop  }
0x3b: {  	_ = 	snop  }
0x3c: {  	p2 =	seq.s32 s10, $0x1;
	s10 =	sld [smem:$0x3FAF]  }
0x3d: {  	_ =	shalt  }
0x3e: {  	_ =	shalt  }
0x3f: {  	_ =	shalt  }
0x40: {  	_ =	shalt  }
0x41: {  	_ =	shalt  }
0x42: {  	_ =	shalt  }
0x43: {  	_ =	shalt  }
0x44: {  	_ =	shalt  }
0x45: {  	_ =	shalt  }
0x46: {  	_ =	shalt  }
0x47: {  	_ =	shalt  }
0x48: {  	_ =	shalt  }
0x49: {  	_ =	shalt  }
0x4a: {  	_ =	shalt  }
0x4b: {  	_ =	shalt  }
0x4c: {  	_ =	shalt  }
0x4d: {  	_ =	shalt  }
0x4e: {  	_ =	shalt  }
0x4f: {  	_ =	shalt  }
0x50: {  	_ =	shalt  }
0x51: {  	_ =	shalt  }
0x52: {  	_ =	shalt  }
0x53: {  	_ =	shalt  }
0x54: {  	_ =	shalt  }
0x55: {  	_ =	shalt  }
0x56: {  	_ =	shalt  }
0x57: {  	_ =	shalt  }
0x58: {  	_ =	shalt  }
0x59: {  	_ =	shalt  }
0x5a: {  	_ =	shalt  }
0x5b: {  	_ =	shalt  }
0x5c: {  	_ =	shalt  }
0x5d: {  	_ =	shalt  }
0x5e: {  	_ =	shalt  }
0x5f: {  	_ =	shalt  }
0x60: {  	_ =	shalt  }
0x61: {  	_ =	shalt  }
0x62: {  	_ =	shalt  }
0x63: {  	_ =	shalt  }
0x64: {  	_ =	shalt  }
0x65: {  	_ =	shalt  }
0x66: {  	_ =	shalt  }
0x67: {  	_ =	shalt  }
0x68: {  	_ =	shalt  }
0x69: {  	_ =	shalt  }
0x6a: {  	_ =	shalt  }
0x6b: {  	_ =	shalt  }
0x6c: {  	_ =	shalt  }
0x6d: {  	_ =	shalt  }
0x6e: {  	_ =	shalt  }
0x6f: {  	_ =	shalt  }
0x70: {  	_ =	shalt  }
0x71: {  	_ =	shalt  }
0x72: {  	_ =	shalt  }
0x73: {  	_ =	shalt  }
0x74: {  	_ =	shalt  }
0x75: {  	_ =	shalt  }
0x76: {  	_ =	shalt  }
0x77: {  	_ =	shalt  }
0x78: {  	_ =	shalt  }
0x79: {  	_ =	shalt  }
0x7a: {  	_ =	shalt  }
0x7b: {  	_ =	shalt  }
0x7c: {  	_ =	shalt  }
0x7d: {  	_ =	shalt  }
0x7e: {  	_ =	shalt  }
0x7f: {  	_ =	shalt  }
0x80: {  	_ =	shalt  }
0x81: {  	_ =	shalt  }
0x82: {  	_ =	shalt  }
0x83: {  	_ =	shalt  }
0x84: {  	_ =	shalt  }
0x85: {  	_ =	shalt  }
0x86: {  	_ =	shalt  }
0x87: {  	_ =	shalt  }
.Lfunc_end0:
.L_simem_size_0:
called_computation.4_lowered:
.L_overlay_start_0:
0x88: {  	s2 =	sld [smem:$0x3FD9]  }
0x89: {  	s3 =	sld [smem:$0x3FFE];
	_ =	sdelay $0x1  }
0x8a: {  	s1 =	srdreg.scid  }
0x8b: {  	s0 =	sand.u32 $0x1, s1  }
0x8c: {  	s16 =	sshll.u32 s0, $0xA;
	s2 =	sadd.s32 s3, s2  }
0x8d: {  	s2 =	sadd.s32 s2, s16  }
0x8e: {  	[smem:$0x3FBB] =	sst s2  }
0x8f: {  	_ = 	snop  }
0x90: {  	(tm) =	ssettm $0x1  }
0x91: {  	s17 =	sld [smem:$0x3FFB];
	_ =	sdelay $0x3  }
0x92: {  	_ =	strace s17  }
0x93: {  	s2 =	sld [smem:$0x3FFC];
	_ =	sdelay $0x3  }
0x94: {  	_ =	strace s2  }
0x95: {  	s2 =	sld [smem:$0x3FFD];
	_ =	sdelay $0x3  }
0x96: {  	_ =	strace s2  }
0x97: {  	_ =	strace $0x8FFFFFFF  }
0x98: {  	s18 =	sld [smem:$0x3FDB];
	_ =	sdelay $0x1  }
0x99: {  	s19 =	simm.s32 $_scs_section_size  }
0x9a: {  	s4 =	simm.s32 $_size__tile_overlayer_lowered;
	s5 =	simm.s32 $_tile_overlayer_lowered  }
0x9b: {  	s22 =	simm.s32 $0x1BFF;
	s21 =	sshll.u32 s5, $0x1;
	s2 =	sadd.s32 s19, s18  }
0x9c: {  	s6 =	simm.s32 $0x0;
	s20 =	sshll.u32 s4, $0x1;
	s4 =	sadd.s32 s21, s2  }
0x9d: {  	[timem:s6], [sflag:s22] =	dma.local [hbm:s4], s20  }
0x9e: {  	_ =	swait.ge [sflag:s22], s20  }
0x9f: {  	s3 =	ssub.s32 $0x0, s20;
	[sflag:s22] =	ssyncset.done $0x0  }
0xa0: {  	[sflag:s22] =	ssyncadd.s32 s3;
	_ =	sdelay $0x1  }
0xa1: {  	s23 =	simm.s32 $0x1B8B  }
0xa2: {  	_ =	swait.ge [sflag:s23], $0x1  }
0xa3: {  	[sflag:s23] =	ssyncset.done $0x0  }
0xa4: {  	s25 =	simm.s32 $0x1B8E;
	s24 =	sld [smem:$0x3FFE];
	[sflag:s23] =	ssyncadd.s32 $0xFFFFFFFF  }
0xa5: {  	s26 =	simm.s32 $execute0_lowered;
	[smem:$0x3FD2] =	sst s25  }
0xa6: {  	s4 =	sshll.u32 s26, $0x1;
	_ =	strace $0x80000052;
	[dreg:$0x1] =	wrdreg $0xFFFFFFFF  }
0xa7: {  	s28 =	simm.s32 $_size_execute0_lowered;
	s2 =	sadd.s32 s2, s4;
	[dreg:$0x0] =	wrdreg $0x0  }
0xa8: {  	s4 =	sshll.u32 s28, $0x1;
	[dreg:$0x2] =	wrdreg s2  }
0xa9: {  	[dreg:$0x3] =	wrdreg s4  }
0xaa: {  	[dreg:$0x4] =	wrdreg $0xC0  }
0xab: {  	_ =	task [dreg:s6], $0x5FFFF  }
0xac: {  	[dreg:$0x1] =	wrdreg $0xFFFFFFFF  }
0xad: {  	[dreg:$0x0] =	wrdreg $0x60  }
0xae: {  	[dreg:$0x2] =	wrdreg s24  }
0xaf: {  	[dreg:$0x3] =	wrdreg $0x0  }
0xb0: {  	[dreg:$0x4] =	wrdreg $0x9  }
0xb1: {  	_ =	task.clear_ibuf [dreg:s6], $0x5FFFF;
	_ =	strace $0x90000052  }
0xb2: {  	s29 =	simm.s32 $0x9;
	_ =	strace $0x80000054  }
0xb3: {  	_ =	swait.ge [sflag:s29], $0x1  }
0xb4: {  	[sflag:s29] =	ssyncadd.s32 $0xFFFFFFFF  }
0xb5: {  	_ =	strace $0x90000054  }
0xb6: {  	_ =	sfence  }
0xb7: {  	s30 =	sld [smem:$0x0];
	_ =	sdelay $0x2  }
0xb8: {  	s31 =	sshll.u32 s1, $0xD;
	s1 =	sshrl.u32 s1, $0x2  }
0xb9: {  	s3 =	sand.u32 $0x4000, s31;
	s1 =	sadd.s32 s1, s30  }
0xba: {  	s0 =	sor.u32 s3, s0;
	s1 =	sshll.u32 s1, $0x11  }
0xbb: {  	s0 =	sor.u32 s1, s0  }
0xbc: {  	s0 =	sadd.s32 $0x8F2B, s0  }
0xbd: {  	[sflag:s0] =	ssyncadd.remote.s32 $0x1  }
0xbe: {  	_ =	sfence.sel $0xFFFF  }
0xbf: {  	[dreg:$0x0] =	wrdreg $0xFFFFFFFF;
	(pc) =	sbr.abs _section_cstart, $3  }
0xc0: {  	[dreg:$0x1] =	wrdreg $0xFFFFFFFF  }
0xc1: {  	_ =	task.clear_ibuf [dreg:s6], $0x2FFFF;
	_ =	strace $0x9FFFFFFF  }
0xc2: {  	(tm) =	ssettm $0x7FFFFFFF  }
0xc3: {  	_ =	shalt  }
tec
execute0_lowered:
.L_overlay_start_1:
0x0: {  	(tag) =	ssettag $0x1  }
0x1: {  	s0 =	srdreg.scid;
	s1 =	rddreg [dreg:$0x0]  }
0x2: {  	s9 =	stileid.u32;
	s2 =	rddreg [dreg:$0x1];
	s11 =	simm.s32 $0x14400  }
0x3: {  	s12 =	simm.s32 $0x5;
	s13 =	simm.s32 $0x13C00;
	s14 =	simm.s32 $0x14000  }
0x4: {  	s15 =	simm.s32 $0x80;
	s16 =	simm.s32 $0x13C80;
	s17 =	simm.s32 $0x18400  }
0x5: {  	s18 =	simm.s32 $0x1;
	s19 =	simm.s32 $0x3;
	s28 =	simm.s32 $0x13E00  }
0x6: {  	s29 =	simm.s32 $0x14180;
	s30 =	simm.s32 $0x13E80;
	s31 =	simm.s32 $0x14200  }
0x7: {  	s0 =	sand.u32 $0x1, s0;
	s3 =	sshll.u32 s9, $0x1;
	s7 =	smul.u32 $0x4F000, s9  }
0x8: {  	s10 =	smul.u32 $0x2780, s9;
	s9 =	simm.s32 $0x0;
	s4 =	sor.u32 s0, s3  }
0x9: {  	s3 =	simm.s32 $0x0;
	s6 =	smul.u32 $0x27800, s0;
	s0 =	ssub.s32 $0x2, s0  }
0xa: {  	s5 =	smul.u32 $0x500, s4;
	[smem:$0x7FF] =	sst s3;
	s4 =	sadd.s32 $0x17E00, s1  }
0xb: {  	s20 =	sshrl.u32 s0, $0x1;
	s21 =	sshrl.u32 s7, $0x2;
	s7 =	simm.s32 $0x14300  }
0xc: {  	_ =	strace $0x80000053;
	s0 =	ssub.s32 s0, s20;
	s22 =	sadd.s32 s21, s2  }
0xd: {  	s20 =	simm.s32 $0x13D00;
	s26 =	sadd.s32 $0x10000, s22;
	[dreg:$0x5] =	wrdreg s22  }
0xe: {  	s21 =	simm.s32 $0x2;
	s0 =	smax.u32 s0, $0x1;
	[dreg:$0x6] =	wrdreg s26  }
0xf: {  	s8 =	sadd.s32 s5, s1;
	s23 =	sadd.s32 $0x4000, s22;
	[dreg:$0x7] =	wrdreg s0  }
0x10: {  	s1 =	sadd.s32 s6, s1;
	s24 =	sadd.s32 $0x8000, s22;
	[dreg:$0x8] =	wrdreg s23  }
0x11: {  	s6 =	simm.s32 $0x13F80;
	s25 =	sadd.s32 $0xDE00, s8;
	[dreg:$0x9] =	wrdreg s24  }
0x12: {  	s8 =	sadd.s32 $0x3E00, s8;
	s1 =	sadd.s32 $0xB5E00, s1;
	[dreg:$0x3] =	wrdreg s25  }
0x13: {  	s23 =	simm.s32 $0x4;
	s0 =	simm.s32 $0x14280;
	[dreg:$0x4] =	wrdreg s8  }
0x14: {  	s25 =	sadd.s32 $0xC000, s22;
	s22 =	simm.s32 $0x14080;
	s26 =	sadd.s32 s10, s1  }
0x15: {  	s1 =	simm.s32 $0x13F00;
	s8 =	simm.s32 $0x14380;
	[dreg:$0xa] =	wrdreg s25  }
0x16: {  	v0 =	vimm.f32 $0.0e+00;
	[dreg:$0xb] =	wrdreg s26;
	s25 =	simm.s32 $0x13D80;
	s26 =	simm.s32 $0x14100  }
.LBB2_1:
0x17: {  	s10 =	simm.s32 $0x0;
	s24 =	simm.s32 $0x200  }
.LBB2_2:
0x18: {  	p0 =	sne.s32 s24, $0xFE00;
	[tilespmem:s10+$0x14470] =	vst v0  }
0x19: {  	[tilespmem:s10+$0x14400] =	vst v0  }
0x1a: {  	[tilespmem:s10+$0x14410] =	vst v0  }
.Ltmp0:
0x1b: {  	[tilespmem:s10+$0x14420] =	vst v0;
	(pc) =	sbr.rel @p0 .LBB2_2-.Ltmp0, $4  }
0x1c: {  	[tilespmem:s10+$0x14430] =	vst v0  }
0x1d: {  	[tilespmem:s10+$0x14440] =	vst v0  }
0x1e: {  	[tilespmem:s10+$0x14450] =	vst v0  }
0x1f: {  	[tilespmem:s10+$0x14460] =	vst v0;
	s10 =	sshra.s32 s24, $0x2;
	s24 =	sadd.s32 $0x200, s24  }
0x20: {  	[tilespmem:s10+$0x14470] =	vst v0  }
0x21: {  	[tilespmem:s10+$0x14400] =	vst v0  }
0x22: {  	[tilespmem:s10+$0x14410] =	vst v0  }
0x23: {  	[tilespmem:s10+$0x14420] =	vst v0  }
0x24: {  	[tilespmem:s10+$0x14430] =	vst v0  }
0x25: {  	[tilespmem:s10+$0x14440] =	vst v0  }
0x26: {  	[tilespmem:s10+$0x14450] =	vst v0  }
0x27: {  	[tilespmem:s10+$0x14460] =	vst v0;
	s5 =	rddreg [dreg:$0x5]  }
0x28: {  	[spmem:s5] =	stream.linear.scatter [tilespmem:s11], [sflag:$0x5], $0x4000, $0x38;
	[tilespmem:$0x1C400] =	vst v63  }
0x29: {  	_ =	swait.ge [sflag:s12], $0x4000  }
0x2a: {  	[sflag:s12] =	ssyncset.done $0x0  }
0x2b: {  	s10 =	rddreg [dreg:$0x8];
	[sflag:s12] =	ssyncadd.s32 $0xFFFFC000  }
0x2c: {  	[spmem:s10] =	stream.linear.scatter [tilespmem:s11], [sflag:$0x5], $0x4000, $0x38;
	[tilespmem:$0x1C400] =	vst v63  }
0x2d: {  	_ =	swait.ge [sflag:s12], $0x4000  }
0x2e: {  	[sflag:s12] =	ssyncset.done $0x0  }
0x2f: {  	s24 =	rddreg [dreg:$0x9];
	[sflag:s12] =	ssyncadd.s32 $0xFFFFC000  }
0x30: {  	[spmem:s24] =	stream.linear.scatter [tilespmem:s11], [sflag:$0x5], $0x4000, $0x38;
	[tilespmem:$0x1C400] =	vst v63  }
0x31: {  	_ =	swait.ge [sflag:s12], $0x4000  }
0x32: {  	[sflag:s12] =	ssyncset.done $0x0  }
0x33: {  	s10 =	rddreg [dreg:$0xa];
	[sflag:s12] =	ssyncadd.s32 $0xFFFFC000  }
0x34: {  	[spmem:s10] =	stream.linear.scatter [tilespmem:s11], [sflag:$0x5], $0x4000, $0x38;
	[tilespmem:$0x1C400] =	vst v63  }
0x35: {  	_ =	swait.ge [sflag:s12], $0x4000  }
0x36: {  	[sflag:s12] =	ssyncset.done $0x0  }
0x37: {  	s24 =	rddreg [dreg:$0x6];
	[sflag:s12] =	ssyncadd.s32 $0xFFFFC000  }
0x38: {  	[spmem:s24] =	stream.linear.scatter [tilespmem:s11], [sflag:$0x5], $0x3C00, $0x38;
	[tilespmem:$0x1C400] =	vst v63  }
0x39: {  	_ =	swait.ge [sflag:s12], $0x3C00  }
0x3a: {  	[sflag:s12] =	ssyncset.done $0x0  }
0x3b: {  	[sflag:s12] =	ssyncadd.s32 $0xFFFFC400  }
0x3c: {  	[bflag:$0x0] =	sbarrier.arrive $0xFFFF  }
0x3d: {  	s5 =	rddreg [dreg:$0x3]  }
0x3e: {  	s10 =	sadd.s32 $0x0, s5  }
0x3f: {  	[tilespmem:s13], [sflag:$0x5] =	stream.linear.gather [hbm4b:s10+s3], $0x400, $0x38;
	[tilespmem:$0x1C400] =	vst v63  }
0x40: {  	_ =	swait.ge [sflag:s12], $0x400  }
0x41: {  	s24 =	rddreg [dreg:$0x4];
	[sflag:s12] =	ssyncset.done $0x0  }
0x42: {  	[sflag:s12] =	ssyncadd.s32 $0xFFFFFC00;
	s10 =	sadd.s32 $0x0, s24  }
0x43: {  	[tilespmem:s14], [sflag:$0x5] =	stream.linear.gather [hbm4b:s10+s3], $0x400, $0x38;
	[tilespmem:$0x1C400] =	vst v63  }
0x44: {  	_ =	swait.ge [sflag:s12], $0x400  }
0x45: {  	[sflag:s12] =	ssyncset.done $0x0  }
0x46: {  	[sflag:s12] =	ssyncadd.s32 $0xFFFFFC00  }
0x47: {  	[tilespmem:s11], [sflag:$0x1] =	stream.indirect.gather [hbm4b:s4+s15], $0x80, s13, s15, $0xb8;
	[tilespmem:$0x1C400] =	vst v63  }
0x48: {  	_ = 	snop  }
0x49: {  	[tilespmem:s17], [sflag:$0x2] =	stream.indirect.gather [hbm4b:s4+s15], $0x80, s16, s15, $0xb8;
	[tilespmem:$0x1C400] =	vst v63  }
0x4a: {  	_ =	swait.ge [sflag:s18], $0x4000  }
0x4b: {  	[sflag:s18] =	ssyncset.done $0x0  }
0x4c: {  	[sflag:s18] =	ssyncadd.s32 $0xFFFFC000  }
0x4d: {  	[spmem:s2] =	stream.indirect.scatter.add.f32 [tilespmem:s11], [sflag:$0x3], $0x80, s14, s15, $0xb8;
	[tilespmem:$0x1C400] =	vst v63  }
0x4e: {  	_ =	swait.ge [sflag:s19], $0x4000  }
0x4f: {  	[sflag:s19] =	ssyncset.done $0x0  }
0x50: {  	[sflag:s19] =	ssyncadd.s32 $0xFFFFC000  }
0x51: {  	[tilespmem:s11], [sflag:$0x1] =	stream.indirect.gather [hbm4b:s4+s15], $0x80, s20, s15, $0xb8;
	[tilespmem:$0x1C400] =	vst v63  }
0x52: {  	_ =	swait.ge [sflag:s21], $0x4000  }
0x53: {  	[sflag:s21] =	ssyncset.done $0x0  }
0x54: {  	[sflag:s21] =	ssyncadd.s32 $0xFFFFC000  }
0x55: {  	[spmem:s2] =	stream.indirect.scatter.add.f32 [tilespmem:s17], [sflag:$0x4], $0x80, s22, s15, $0xb8;
	[tilespmem:$0x1C400] =	vst v63  }
0x56: {  	_ =	swait.ge [sflag:s23], $0x4000  }
0x57: {  	[sflag:s23] =	ssyncset.done $0x0  }
0x58: {  	[sflag:s23] =	ssyncadd.s32 $0xFFFFC000  }
0x59: {  	[tilespmem:s17], [sflag:$0x2] =	stream.indirect.gather [hbm4b:s4+s15], $0x80, s25, s15, $0xb8;
	[tilespmem:$0x1C400] =	vst v63  }
0x5a: {  	_ =	swait.ge [sflag:s18], $0x4000  }
0x5b: {  	[sflag:s18] =	ssyncset.done $0x0  }
0x5c: {  	[sflag:s18] =	ssyncadd.s32 $0xFFFFC000  }
0x5d: {  	[spmem:s2] =	stream.indirect.scatter.add.f32 [tilespmem:s11], [sflag:$0x3], $0x80, s26, s15, $0xb8;
	[tilespmem:$0x1C400] =	vst v63  }
0x5e: {  	_ =	swait.ge [sflag:s19], $0x4000  }
0x5f: {  	[sflag:s19] =	ssyncset.done $0x0  }
0x60: {  	[sflag:s19] =	ssyncadd.s32 $0xFFFFC000  }
0x61: {  	[tilespmem:s11], [sflag:$0x1] =	stream.indirect.gather [hbm4b:s4+s15], $0x80, s28, s15, $0xb8;
	[tilespmem:$0x1C400] =	vst v63  }
0x62: {  	_ =	swait.ge [sflag:s21], $0x4000  }
0x63: {  	[sflag:s21] =	ssyncset.done $0x0  }
0x64: {  	[sflag:s21] =	ssyncadd.s32 $0xFFFFC000  }
0x65: {  	[spmem:s2] =	stream.indirect.scatter.add.f32 [tilespmem:s17], [sflag:$0x4], $0x80, s29, s15, $0xb8;
	[tilespmem:$0x1C400] =	vst v63  }
0x66: {  	_ =	swait.ge [sflag:s23], $0x4000  }
0x67: {  	[sflag:s23] =	ssyncset.done $0x0  }
0x68: {  	[sflag:s23] =	ssyncadd.s32 $0xFFFFC000  }
0x69: {  	[tilespmem:s17], [sflag:$0x2] =	stream.indirect.gather [hbm4b:s4+s15], $0x80, s30, s15, $0xb8;
	[tilespmem:$0x1C400] =	vst v63  }
0x6a: {  	_ =	swait.ge [sflag:s18], $0x4000  }
0x6b: {  	[sflag:s18] =	ssyncset.done $0x0  }
0x6c: {  	[sflag:s18] =	ssyncadd.s32 $0xFFFFC000  }
0x6d: {  	[spmem:s2] =	stream.indirect.scatter.add.f32 [tilespmem:s11], [sflag:$0x3], $0x80, s31, s15, $0xb8;
	[tilespmem:$0x1C400] =	vst v63  }
0x6e: {  	_ =	swait.ge [sflag:s19], $0x4000  }
0x6f: {  	[sflag:s19] =	ssyncset.done $0x0  }
0x70: {  	[sflag:s19] =	ssyncadd.s32 $0xFFFFC000  }
0x71: {  	[tilespmem:s11], [sflag:$0x1] =	stream.indirect.gather [hbm4b:s4+s15], $0x80, s1, s15, $0xb8;
	[tilespmem:$0x1C400] =	vst v63  }
0x72: {  	_ =	swait.ge [sflag:s21], $0x4000  }
0x73: {  	[sflag:s21] =	ssyncset.done $0x0  }
0x74: {  	[sflag:s21] =	ssyncadd.s32 $0xFFFFC000  }
0x75: {  	[spmem:s2] =	stream.indirect.scatter.add.f32 [tilespmem:s17], [sflag:$0x4], $0x80, s0, s15, $0xb8;
	[tilespmem:$0x1C400] =	vst v63  }
0x76: {  	_ =	swait.ge [sflag:s23], $0x4000  }
0x77: {  	[sflag:s23] =	ssyncset.done $0x0  }
0x78: {  	[sflag:s23] =	ssyncadd.s32 $0xFFFFC000  }
0x79: {  	[tilespmem:s17], [sflag:$0x2] =	stream.indirect.gather [hbm4b:s4+s15], $0x80, s6, s15, $0xb8;
	[tilespmem:$0x1C400] =	vst v63  }
0x7a: {  	_ =	swait.ge [sflag:s18], $0x4000  }
0x7b: {  	[sflag:s18] =	ssyncset.done $0x0  }
0x7c: {  	[sflag:s18] =	ssyncadd.s32 $0xFFFFC000  }
0x7d: {  	[spmem:s2] =	stream.indirect.scatter.add.f32 [tilespmem:s11], [sflag:$0x3], $0x80, s7, s15, $0xb8;
	[tilespmem:$0x1C400] =	vst v63  }
0x7e: {  	_ =	swait.ge [sflag:s21], $0x4000  }
0x7f: {  	[sflag:s21] =	ssyncset.done $0x0  }
0x80: {  	[sflag:s21] =	ssyncadd.s32 $0xFFFFC000  }
0x81: {  	[spmem:s2] =	stream.indirect.scatter.add.f32 [tilespmem:s17], [sflag:$0x4], $0x80, s8, s15, $0xb8;
	[tilespmem:$0x1C400] =	vst v63  }
0x82: {  	_ =	swait.ge [sflag:s19], $0x4000  }
0x83: {  	[sflag:s19] =	ssyncset.done $0x0  }
0x84: {  	[sflag:s19] =	ssyncadd.s32 $0xFFFFC000  }
0x85: {  	_ =	swait.ge [sflag:s23], $0x4000  }
0x86: {  	s10 =	simm.s32 $0x80;
	[sflag:s23] =	ssyncset.done $0x0  }
.LBB2_4:
0x87: {  	s24 =	rddreg [dreg:$0x3];
	s5 =	smov.u32 s10  }
0x88: {  	[sflag:s23] =	ssyncadd.s32 $0xFFFFC000;
	s24 =	sadd.s32 s5, s24  }
0x89: {  	[tilespmem:s13], [sflag:$0x5] =	stream.linear.gather [hbm4b:s24+s3], $0x400, $0x38;
	[tilespmem:$0x1C400] =	vst v63  }
0x8a: {  	_ =	swait.ge [sflag:s12], $0x400  }
0x8b: {  	s24 =	rddreg [dreg:$0x4];
	[sflag:s12] =	ssyncset.done $0x0  }
0x8c: {  	[sflag:s12] =	ssyncadd.s32 $0xFFFFFC00;
	s5 =	sadd.s32 s5, s24  }
0x8d: {  	[tilespmem:s14], [sflag:$0x5] =	stream.linear.gather [hbm4b:s5+s3], $0x400, $0x38;
	[tilespmem:$0x1C400] =	vst v63  }
0x8e: {  	_ =	swait.ge [sflag:s12], $0x400  }
0x8f: {  	[sflag:s12] =	ssyncset.done $0x0  }
0x90: {  	[sflag:s12] =	ssyncadd.s32 $0xFFFFFC00  }
0x91: {  	[tilespmem:s11], [sflag:$0x1] =	stream.indirect.gather [hbm4b:s4+s15], $0x80, s13, s15, $0xb8;
	[tilespmem:$0x1C400] =	vst v63  }
0x92: {  	_ = 	snop  }
0x93: {  	[tilespmem:s17], [sflag:$0x2] =	stream.indirect.gather [hbm4b:s4+s15], $0x80, s16, s15, $0xb8;
	[tilespmem:$0x1C400] =	vst v63  }
0x94: {  	_ =	swait.ge [sflag:s18], $0x4000  }
0x95: {  	[sflag:s18] =	ssyncset.done $0x0  }
0x96: {  	[sflag:s18] =	ssyncadd.s32 $0xFFFFC000  }
0x97: {  	[spmem:s2] =	stream.indirect.scatter.add.f32 [tilespmem:s11], [sflag:$0x3], $0x80, s14, s15, $0xb8;
	[tilespmem:$0x1C400] =	vst v63  }
0x98: {  	_ =	swait.ge [sflag:s19], $0x4000  }
0x99: {  	[sflag:s19] =	ssyncset.done $0x0  }
0x9a: {  	[sflag:s19] =	ssyncadd.s32 $0xFFFFC000  }
0x9b: {  	[tilespmem:s11], [sflag:$0x1] =	stream.indirect.gather [hbm4b:s4+s15], $0x80, s20, s15, $0xb8;
	[tilespmem:$0x1C400] =	vst v63  }
0x9c: {  	_ =	swait.ge [sflag:s21], $0x4000  }
0x9d: {  	[sflag:s21] =	ssyncset.done $0x0  }
0x9e: {  	[sflag:s21] =	ssyncadd.s32 $0xFFFFC000  }
0x9f: {  	[spmem:s2] =	stream.indirect.scatter.add.f32 [tilespmem:s17], [sflag:$0x4], $0x80, s22, s15, $0xb8;
	[tilespmem:$0x1C400] =	vst v63  }
0xa0: {  	_ =	swait.ge [sflag:s23], $0x4000  }
0xa1: {  	[sflag:s23] =	ssyncset.done $0x0  }
0xa2: {  	[sflag:s23] =	ssyncadd.s32 $0xFFFFC000  }
0xa3: {  	[tilespmem:s17], [sflag:$0x2] =	stream.indirect.gather [hbm4b:s4+s15], $0x80, s25, s15, $0xb8;
	[tilespmem:$0x1C400] =	vst v63  }
0xa4: {  	_ =	swait.ge [sflag:s18], $0x4000  }
0xa5: {  	[sflag:s18] =	ssyncset.done $0x0  }
0xa6: {  	[sflag:s18] =	ssyncadd.s32 $0xFFFFC000  }
0xa7: {  	[spmem:s2] =	stream.indirect.scatter.add.f32 [tilespmem:s11], [sflag:$0x3], $0x80, s26, s15, $0xb8;
	[tilespmem:$0x1C400] =	vst v63  }
0xa8: {  	_ =	swait.ge [sflag:s19], $0x4000  }
0xa9: {  	[sflag:s19] =	ssyncset.done $0x0  }
0xaa: {  	[sflag:s19] =	ssyncadd.s32 $0xFFFFC000  }
0xab: {  	[tilespmem:s11], [sflag:$0x1] =	stream.indirect.gather [hbm4b:s4+s15], $0x80, s28, s15, $0xb8;
	[tilespmem:$0x1C400] =	vst v63  }
0xac: {  	_ =	swait.ge [sflag:s21], $0x4000  }
0xad: {  	[sflag:s21] =	ssyncset.done $0x0  }
0xae: {  	[sflag:s21] =	ssyncadd.s32 $0xFFFFC000  }
0xaf: {  	[spmem:s2] =	stream.indirect.scatter.add.f32 [tilespmem:s17], [sflag:$0x4], $0x80, s29, s15, $0xb8;
	[tilespmem:$0x1C400] =	vst v63  }
0xb0: {  	_ =	swait.ge [sflag:s23], $0x4000  }
0xb1: {  	[sflag:s23] =	ssyncset.done $0x0  }
0xb2: {  	[sflag:s23] =	ssyncadd.s32 $0xFFFFC000  }
0xb3: {  	[tilespmem:s17], [sflag:$0x2] =	stream.indirect.gather [hbm4b:s4+s15], $0x80, s30, s15, $0xb8;
	[tilespmem:$0x1C400] =	vst v63  }
0xb4: {  	_ =	swait.ge [sflag:s18], $0x4000  }
0xb5: {  	[sflag:s18] =	ssyncset.done $0x0  }
0xb6: {  	[sflag:s18] =	ssyncadd.s32 $0xFFFFC000  }
0xb7: {  	[spmem:s2] =	stream.indirect.scatter.add.f32 [tilespmem:s11], [sflag:$0x3], $0x80, s31, s15, $0xb8;
	[tilespmem:$0x1C400] =	vst v63  }
0xb8: {  	_ =	swait.ge [sflag:s19], $0x4000  }
0xb9: {  	[sflag:s19] =	ssyncset.done $0x0  }
0xba: {  	[sflag:s19] =	ssyncadd.s32 $0xFFFFC000  }
0xbb: {  	[tilespmem:s11], [sflag:$0x1] =	stream.indirect.gather [hbm4b:s4+s15], $0x80, s1, s15, $0xb8;
	[tilespmem:$0x1C400] =	vst v63  }
0xbc: {  	_ =	swait.ge [sflag:s21], $0x4000  }
0xbd: {  	[sflag:s21] =	ssyncset.done $0x0  }
0xbe: {  	[sflag:s21] =	ssyncadd.s32 $0xFFFFC000  }
0xbf: {  	[spmem:s2] =	stream.indirect.scatter.add.f32 [tilespmem:s17], [sflag:$0x4], $0x80, s0, s15, $0xb8;
	[tilespmem:$0x1C400] =	vst v63  }
0xc0: {  	_ =	swait.ge [sflag:s23], $0x4000  }
0xc1: {  	[sflag:s23] =	ssyncset.done $0x0  }
0xc2: {  	[sflag:s23] =	ssyncadd.s32 $0xFFFFC000  }
0xc3: {  	[tilespmem:s17], [sflag:$0x2] =	stream.indirect.gather [hbm4b:s4+s15], $0x80, s6, s15, $0xb8;
	[tilespmem:$0x1C400] =	vst v63  }
0xc4: {  	_ =	swait.ge [sflag:s18], $0x4000  }
0xc5: {  	[sflag:s18] =	ssyncset.done $0x0  }
0xc6: {  	[sflag:s18] =	ssyncadd.s32 $0xFFFFC000  }
0xc7: {  	[spmem:s2] =	stream.indirect.scatter.add.f32 [tilespmem:s11], [sflag:$0x3], $0x80, s7, s15, $0xb8;
	[tilespmem:$0x1C400] =	vst v63  }
0xc8: {  	_ =	swait.ge [sflag:s21], $0x4000  }
0xc9: {  	[sflag:s21] =	ssyncset.done $0x0  }
0xca: {  	p0 =	sne.s32 s10, $0x480;
	[sflag:s21] =	ssyncadd.s32 $0xFFFFC000  }
0xcb: {  	[spmem:s2] =	stream.indirect.scatter.add.f32 [tilespmem:s17], [sflag:$0x4], $0x80, s8, s15, $0xb8;
	[tilespmem:$0x1C400] =	vst v63  }
.Ltmp1:
0xcc: {  	_ =	swait.ge [sflag:s19], $0x4000;
	(pc) =	sbr.rel @p0 .LBB2_4-.Ltmp1, $4  }
0xcd: {  	[sflag:s19] =	ssyncset.done $0x0  }
0xce: {  	[sflag:s19] =	ssyncadd.s32 $0xFFFFC000  }
0xcf: {  	_ =	swait.ge [sflag:s23], $0x4000  }
0xd0: {  	s10 =	sadd.s32 $0x80, s10;
	[sflag:s23] =	ssyncset.done $0x0  }
0xd1: {  	[sflag:s23] =	ssyncadd.s32 $0xFFFFC000  }
0xd2: {  	s5 =	stileid.u32;
	[bflag:$0x0] =	sbarrier.arrive $0xFFFF  }
0xd3: {  	s5 =	sshll.u32 s5, $0x6;
	s10 =	rddreg [dreg:$0x5]  }
0xd4: {  	s5 =	sor.u32 $0x1C05, s5;
	s24 =	rddreg [dreg:$0xb];
	s10 =	sshrl.u32 s10, $0x3  }
0xd5: {  	[hbm:s24], [sflag:s5] =	dma.local [spmem:s10], $0x2780  }
0xd6: {  	_ =	swait.ge [sflag:s12], $0x2780  }
0xd7: {  	s9 =	sadd.s32 $0x1, s9;
	s24 =	rddreg [dreg:$0x7]  }
0xd8: {  	p0 =	sne.s32 s9, s24  }
.Ltmp2:
0xd9: {  	_ = 	snop;
	(pc) =	sbr.rel @p0 .LBB2_1-.Ltmp2, $3  }
0xda: {  	_ =	sdelay $0x1  }
0xdb: {  	[sflag:s12] =	ssyncset.done $0x0  }
0xdc: {  	[sflag:s12] =	ssyncadd.s32 $0xFFFFD880  }
0xdd: {  	_ =	sfence.sel $0x180000  }
0xde: {  	[bflag:$0x0] =	sbarrier.arrive $0xFFFF  }
0xdf: {  	_ =	strace $0x90000053  }
0xe0: {  	s0 =	stileid.u32;
	[bflag:$0x2] =	sbarrier.arrive $0xFFFF  }
0xe1: {  	p0 =	sne.s32 s0, $0x0;
	s0 =	rddreg [dreg:$0x2]  }
0xe2: {  	s0 =	sadd.s32 @!p0 $0x100000, s0  }
0xe3: {  	[sflag:s0] =	ssyncadd.tile.s32 @!p0 $0x1;
	_ =	shalt  }
.Lfunc_end2:
_tile_overlayer_lowered:
.L_overlay_start_2:
0xe4: {  	(tag) =	ssettag $0x2  }
0xe5: {  	s0 =	rddreg [dreg:$0x0];
	s2 =	stileid.u32  }
0xe6: {  	s1 =	rddreg [dreg:$0x1];
	p0 =	sne.s32 s2, $0x0  }
0xe7: {  	s3 =	rddreg [dreg:$0x2];
	[bflag:$0x3] =	sbarrier.arrive $0xFFFF;
	s2 =	simm.s32 @!p0 $0x1C05  }
0xe8: {  	[timem:s3], [sflag:s2] =	dma.local @!p0 [hbm:s0], s1  }
0xe9: {  	s0 =	simm.s32 @!p0 $0x5  }
0xea: {  	_ =	swait.ge @!p0 [sflag:s0], s1  }
0xeb: {  	s1 =	ssub.s32 @!p0 $0x0, s1;
	[sflag:s0] =	ssyncset.done @!p0 $0x0  }
0xec: {  	[sflag:s0] =	ssyncadd.s32 @!p0 s1  }
0xed: {  	[bflag:$0x3] =	sbarrier.arrive $0xFFFF  }
0xee: {  	_ =	shalt  }

</sc_bundles>
